<compile_context>
chip_gen: v7x
topology: tpu7x:2x2x1
jax: 0.10.2.dev20260603
libtpu: 0.0.44.dev20260713+nightly
codegen_flags: <defaults>
</compile_context>

<pallas_src>
import functools
import math

import jax
import jax.numpy as jnp
from jax import lax
from jax.experimental import pallas as pl
from jax.experimental.pallas import tpu as pltpu
from jax.experimental.pallas import tpu_sc as plsc

_DIM = 32
_EMB_SCALE = math.sqrt(float(_DIM))
_NC, _NS, _L = 2, 16, 16
_NW = _NC * _NS
_CH = 128
_NBUF = 8
_V = 1000000
_NT = _V // 128
_VTAIL = _V - _NT * 128
_GT = 1
_BW = 128 * _GT
_SKW = _BW + 1
_NG = _NT // _GT


def _transpose_kernel():
  mesh = plsc.VectorSubcoreMesh(core_axis_name="c", subcore_axis_name="s")

  @functools.partial(
      pl.kernel,
      out_type=jax.ShapeDtypeStruct((_V // 4, 128), jnp.float32),
      mesh=mesh,
      compiler_params=pltpu.CompilerParams(use_tc_tiling_on_sc=True,
                                           needs_layout_passes=False),
      scratch_types=[
          pltpu.VMEM((2, 4, 8, _SKW), jnp.float32),
          pltpu.VMEM((2, _BW // 4, 128), jnp.float32),
          [pltpu.SemaphoreType.DMA] * 2,
          [pltpu.SemaphoreType.DMA] * 2,
      ],
  )
  def body(tt_hbm, out_hbm, in_v, outs_v, isems, osems):
    wid = lax.axis_index("s") * _NC + lax.axis_index("c")
    nk = (_NG - wid + _NW - 1) // _NW

    iot = lax.iota(jnp.int32, _L)
    dtv = [lax.shift_right_logical(iot, 3),
           lax.shift_right_logical(iot + 16, 3)]
    dmv = [lax.bitwise_and(iot, 7), lax.bitwise_and(iot + 16, 7)]
    clv = [jnp.zeros((_L,), jnp.int32) + c for c in range(4)]

    def _load(g, bb):
      for dt in range(4):
        pltpu.async_copy(
            tt_hbm.at[pl.ds(dt * 8, 8), pl.ds(g * _BW, _BW)],
            in_v.at[bb, dt, :, pl.ds(0, _BW)], isems[bb])

    def _wait_load(g, bb):
      for dt in range(4):
        pltpu.make_async_copy(
            tt_hbm.at[pl.ds(dt * 8, 8), pl.ds(g * _BW, _BW)],
            in_v.at[bb, dt, :, pl.ds(0, _BW)], isems[bb]).wait()

    def _compute(bb):
      @plsc.parallel_loop(0, _BW // 4, unroll=4)
      def _lines(jj):
        jj4 = jnp.zeros((_L,), jnp.int32) + 4 * jj
        for lg in range(8):
          col = jj4 + clv[lg >> 1]
          v = plsc.load_gather(in_v.at[bb], [dtv[lg & 1], dmv[lg & 1], col])
          outs_v[bb, jj, pl.ds(lg * 16, _L)] = v * _EMB_SCALE

    @pl.when(nk > 0)
    def _prime():
      _load(wid, 0)

    @pl.loop(0, nk)
    def _blocks(k):
      g = wid + k * _NW
      for bb in range(2):
        @pl.when(lax.rem(k, 2) == bb)
        def _go():
          @pl.when(k + 1 < nk)
          def _next():
            _load(g + _NW, 1 - bb)
          _wait_load(g, bb)

          @pl.when(k >= 2)
          def _wout():
            pltpu.make_async_copy(
                outs_v.at[bb],
                out_hbm.at[pl.ds((g - 2 * _NW) * (_BW // 4), _BW // 4)],
                osems[bb]).wait()
          _compute(bb)
          pltpu.async_copy(
              outs_v.at[bb],
              out_hbm.at[pl.ds(g * (_BW // 4), _BW // 4)], osems[bb])

    for j in range(1, 3):
      @pl.when(nk >= j)
      def _drain():
        kl = nk - j
        gl = wid + kl * _NW
        for bb in range(2):
          @pl.when(lax.rem(kl, 2) == bb)
          def _dw():
            pltpu.make_async_copy(
                outs_v.at[bb],
                out_hbm.at[pl.ds(gl * (_BW // 4), _BW // 4)],
                osems[bb]).wait()

  return body


def _gather_kernel(nch):
  mesh = plsc.VectorSubcoreMesh(core_axis_name="c", subcore_axis_name="s")

  @functools.partial(
      pl.kernel,
      out_type=jax.ShapeDtypeStruct((_NW * nch * _CH, _DIM), jnp.float32),
      mesh=mesh,
      compiler_params=pltpu.CompilerParams(use_tc_tiling_on_sc=False),
      scratch_types=[
          pltpu.VMEM((nch, _CH), jnp.int32),
          pltpu.VMEM((_NBUF, _CH, _DIM), jnp.float32),
          [pltpu.SemaphoreType.DMA] * _NBUF,
          [pltpu.SemaphoreType.DMA] * _NBUF,
      ],
  )
  def body(x_hbm, table_hbm, out_hbm, idx_v, rows_v, gsems, osems):
    wid = lax.axis_index("s") * _NC + lax.axis_index("c")
    och = _CH
    obase = wid * (nch * och)
    pltpu.sync_copy(x_hbm.at[wid], idx_v)

    @pl.loop(0, nch, step=_NBUF)
    def _group(g):
      for b in range(_NBUF):
        @pl.when(g > 0)
        def _drain():
          pltpu.make_async_copy(
              rows_v.at[b],
              out_hbm.at[pl.ds(obase + (g - _NBUF + b) * och, och)],
              osems[b]).wait()
        pltpu.async_copy(
            table_hbm.at[idx_v.at[g + b]], rows_v.at[b], gsems[b])
      for b in range(_NBUF):
        c = g + b
        pltpu.make_async_copy(
            table_hbm.at[idx_v.at[c]], rows_v.at[b], gsems[b]).wait()
        pltpu.async_copy(
            rows_v.at[b], out_hbm.at[pl.ds(obase + c * och, och)], osems[b])

    for b in range(_NBUF):
      pltpu.make_async_copy(
          rows_v.at[b],
          out_hbm.at[pl.ds(obase + (nch - _NBUF + b) * och, och)],
          osems[b]).wait()

  return body


def _format_kernel():
  def body(in_ref, out_ref):
    x = in_ref[...].reshape(128, 50, 128).reshape(128, 6400)
    out_ref[...] = x.T.reshape(200, 32, 128)

  return pl.pallas_call(
      body,
      grid=(32,),
      in_specs=[pl.BlockSpec((6400, 128), lambda i: (i, 0))],
      out_specs=pl.BlockSpec((200, 32, 128), lambda i: (0, 0, i)),
      out_shape=jax.ShapeDtypeStruct((200, 32, 4096), jnp.float32),
  )


def kernel(x, table):
  bsz, seq = x.shape
  tot = bsz * seq
  nch = tot // (_NW * _CH)
  xr = x.astype(jnp.int32).reshape(_NW, nch, _CH)
  t128 = _transpose_kernel()(table.T)
  tail = (table[_NT * 128:] * _EMB_SCALE).reshape(_VTAIL * _DIM // 128, 128)
  t128 = jax.lax.dynamic_update_slice(t128, tail, (_NT * 32, 0))
  tlin = t128.reshape(_V, _DIM)
  out = _gather_kernel(nch)(xr, tlin)
  out_t = _format_kernel()(out.reshape(bsz * seq * _DIM // 128, 128))
  return jnp.transpose(out_t, (2, 0, 1))

# --- scband reference (transcript-rebuilt; emitter-appended) ---
"""Pipeline reference for scband-embedding-87677462380927 (READ-ONLY COPY).

The authoritative reference and input builder live on the scoring server;
editing this copy changes nothing except your own understanding.
"""

import jax, jax.numpy as jnp
import numpy as np
import math

VOCAB = 1000000
DIM = 32
SCALE = math.sqrt(DIM)

def setup_inputs(seed: int = 0) -> dict:
    key = jax.random.key(seed)
    k1, k2 = jax.random.split(key)
    x = jax.random.randint(k1, (4096, 200), 0, VOCAB, dtype=jnp.int64) if jax.config.jax_enable_x64 else jax.random.randint(k1, (4096, 200), 0, VOCAB, dtype=jnp.int32)
    table = jax.random.normal(k2, (VOCAB, DIM), dtype=jnp.float32)
    return {"x": x, "table": table}

def reference(x, table):
    # nn.Embedding lookup followed by scaling by sqrt(dim_embedding)
    emb = jnp.take(table, x, axis=0)
    return emb * SCALE

if __name__ == "__main__":
    import jax
    _d = setup_inputs()
    print(jax.jit(kernel)(*tuple(_d.values())))

</pallas_src>

<mosaic_0001>
#map = affine_map<(d0, d1) -> (0, 0)>
module attributes {stable_mosaic.version = 14 : i64} {
  func.func @body(%arg0: i32, %arg1: i32, %arg2: memref<32x1000000xf32, #tpu.memory_space<hbm>>, %arg3: memref<250000x128xf32, #tpu.memory_space<hbm>>, %arg4: memref<2x4x8x129xf32, #tpu.memory_space<vmem>>, %arg5: memref<2x32x128xf32, #tpu.memory_space<vmem>>, %arg6: memref<!tpu.dma_semaphore, #tpu.memory_space<semaphore_mem>>, %arg7: memref<!tpu.dma_semaphore, #tpu.memory_space<semaphore_mem>>, %arg8: memref<!tpu.dma_semaphore, #tpu.memory_space<semaphore_mem>>, %arg9: memref<!tpu.dma_semaphore, #tpu.memory_space<semaphore_mem>>) attributes {dimension_semantics = [#tpu.dimension_semantics<core_parallel>, #tpu.dimension_semantics<subcore_parallel>], iteration_bounds = array<i64: 2, 16>, scalar_prefetch = 0 : i64, scratch_operands = 6 : i64, tpu.core_type = #tpu.core_type<sc_vector_subcore>, window_params = [{transform_indices = #map}, {transform_indices = #map}]} {
    %mul3A = arith.constant 2 : i32
    %mul3A_0 = arith.muli %arg1, %mul3A : i32
    %add3A = arith.addi %mul3A_0, %arg0 : i32
    %sub3A = arith.constant 7812 : i32
    %sub3A_1 = arith.subi %sub3A, %add3A : i32
    %add3A_2 = arith.constant 32 : i32
    %add3A_3 = arith.addi %sub3A_1, %add3A_2 : i32
    %sub3A_4 = arith.constant 1 : i32
    %sub3A_5 = arith.subi %add3A_3, %sub3A_4 : i32
    %jit3A = arith.constant 32 : i32
    %div3A = arith.divsi %sub3A_5, %jit3A : i32
    %sign3A = arith.constant 0 : i32
    %sign3A_6 = arith.cmpi sgt, %sub3A_5, %sign3A : i32
    %sign3A_7 = arith.extui %sign3A_6 : i1 to i32
    %sign3A_8 = arith.constant 0 : i32
    %sign3A_9 = arith.cmpi slt, %sub3A_5, %sign3A_8 : i32
    %sign3A_10 = arith.extui %sign3A_9 : i1 to i32
    %sign3A_11 = arith.subi %sign3A_7, %sign3A_10 : i32
    %sign3A_12 = arith.constant 0 : i32
    %sign3A_13 = arith.cmpi sgt, %jit3A, %sign3A_12 : i32
    %sign3A_14 = arith.extui %sign3A_13 : i1 to i32
    %sign3A_15 = arith.constant 0 : i32
    %sign3A_16 = arith.cmpi slt, %jit3A, %sign3A_15 : i32
    %sign3A_17 = arith.extui %sign3A_16 : i1 to i32
    %sign3A_18 = arith.subi %sign3A_14, %sign3A_17 : i32
    %ne3A = arith.cmpi ne, %sign3A_11, %sign3A_18 : i32
    %rem3A = arith.remsi %sub3A_5, %jit3A : i32
    %ne3A_19 = arith.constant 0 : i32
    %ne3A_20 = arith.cmpi ne, %rem3A, %ne3A_19 : i32
    %and3A = arith.andi %ne3A, %ne3A_20 : i1
    %sub3A_21 = arith.constant 1 : i32
    %sub3A_22 = arith.subi %div3A, %sub3A_21 : i32
    %select_n3A = arith.select %and3A, %sub3A_22, %div3A : i32
    %iota3A = tpu.iota {dimensions = array<i32: 0>} : vector<16xi32>
    %shift_right_logical3A = arith.constant 3 : i32
    %shift_right_logical3A_23 = vector.broadcast %shift_right_logical3A : i32 to vector<16xi32>
    %shift_right_logical3A_24 = arith.shrui %iota3A, %shift_right_logical3A_23 : vector<16xi32>
    %add3A_25 = arith.constant 16 : i32
    %add3A_26 = vector.broadcast %add3A_25 : i32 to vector<16xi32>
    %add3A_27 = arith.addi %iota3A, %add3A_26 : vector<16xi32>
    %shift_right_logical3A_28 = arith.constant 3 : i32
    %shift_right_logical3A_29 = vector.broadcast %shift_right_logical3A_28 : i32 to vector<16xi32>
    %shift_right_logical3A_30 = arith.shrui %add3A_27, %shift_right_logical3A_29 : vector<16xi32>
    %and3A_31 = arith.constant 7 : i32
    %and3A_32 = vector.broadcast %and3A_31 : i32 to vector<16xi32>
    %and3A_33 = arith.andi %iota3A, %and3A_32 : vector<16xi32>
    %add3A_34 = arith.constant 16 : i32
    %add3A_35 = vector.broadcast %add3A_34 : i32 to vector<16xi32>
    %add3A_36 = arith.addi %iota3A, %add3A_35 : vector<16xi32>
    %and3A_37 = arith.constant 7 : i32
    %and3A_38 = vector.broadcast %and3A_37 : i32 to vector<16xi32>
    %and3A_39 = arith.andi %add3A_36, %and3A_38 : vector<16xi32>
    %broadcast_in_dim3A = arith.constant 0 : i32
    %broadcast_in_dim3A_40 = vector.broadcast %broadcast_in_dim3A : i32 to vector<16xi32>
    %add3A_41 = arith.constant 0 : i32
    %add3A_42 = vector.broadcast %add3A_41 : i32 to vector<16xi32>
    %add3A_43 = arith.addi %broadcast_in_dim3A_40, %add3A_42 : vector<16xi32>
    %broadcast_in_dim3A_44 = arith.constant 0 : i32
    %broadcast_in_dim3A_45 = vector.broadcast %broadcast_in_dim3A_44 : i32 to vector<16xi32>
    %add3A_46 = arith.constant 1 : i32
    %add3A_47 = vector.broadcast %add3A_46 : i32 to vector<16xi32>
    %add3A_48 = arith.addi %broadcast_in_dim3A_45, %add3A_47 : vector<16xi32>
    %broadcast_in_dim3A_49 = arith.constant 0 : i32
    %broadcast_in_dim3A_50 = vector.broadcast %broadcast_in_dim3A_49 : i32 to vector<16xi32>
    %add3A_51 = arith.constant 2 : i32
    %add3A_52 = vector.broadcast %add3A_51 : i32 to vector<16xi32>
    %add3A_53 = arith.addi %broadcast_in_dim3A_50, %add3A_52 : vector<16xi32>
    %broadcast_in_dim3A_54 = arith.constant 0 : i32
    %broadcast_in_dim3A_55 = vector.broadcast %broadcast_in_dim3A_54 : i32 to vector<16xi32>
    %add3A_56 = arith.constant 3 : i32
    %add3A_57 = vector.broadcast %add3A_56 : i32 to vector<16xi32>
    %add3A_58 = arith.addi %broadcast_in_dim3A_55, %add3A_57 : vector<16xi32>
    %gt3A = arith.constant 0 : i32
    %gt3A_59 = arith.cmpi sgt, %select_n3A, %gt3A : i32
    %convert_element_type3A = arith.extui %gt3A_59 : i1 to i32
    %cond3A = arith.constant 0 : i32
    %cond3A_60 = arith.cmpi ne, %convert_element_type3A, %cond3A : i32
    scf.if %cond3A_60 {
      %mul3A_88 = arith.constant 128 : i32
      %mul3A_89 = arith.muli %add3A, %mul3A_88 : i32
      %dma_start3A = arith.constant 0 : i32
      %dma_start3A_90 = arith.constant 0 : i32
      %dma_start3A_91 = arith.constant 0 : i32
      %dma_start3A_92 = arith.constant 0 : i32
      %dma_start3A_93 = tpu.memref_slice %arg4[%dma_start3A, %dma_start3A_90, %dma_start3A_91, %dma_start3A_92] : memref<2x4x8x129xf32, #tpu.memory_space<vmem>> -> memref<1x1x8x128xf32, #tpu.memory_space<vmem>>
      %dma_start3A_94 = tpu.memref_squeeze %dma_start3A_93 : memref<1x1x8x128xf32, #tpu.memory_space<vmem>> -> memref<8x128xf32, #tpu.memory_space<vmem>>
      %dma_start3A_95 = arith.constant 0 : i32
      %dma_start3A_96 = tpu.memref_slice %arg2[%dma_start3A_95, %mul3A_89] : memref<32x1000000xf32, #tpu.memory_space<hbm>> -> memref<8x128xf32, #tpu.memory_space<hbm>>
      %dma_start3A_97 = arith.constant 0 : i32
      %dma_start3A_98 = arith.constant 0 : i32
      %dma_start3A_99 = tpu.memref_slice %arg4[%dma_start3A, %dma_start3A_90, %dma_start3A_97, %dma_start3A_98] : memref<2x4x8x129xf32, #tpu.memory_space<vmem>> -> memref<1x1x8x128xf32, #tpu.memory_space<vmem>>
      %dma_start3A_100 = tpu.memref_squeeze %dma_start3A_99 : memref<1x1x8x128xf32, #tpu.memory_space<vmem>> -> memref<8x128xf32, #tpu.memory_space<vmem>>
      %dma_start3A_101 = arith.constant 0 : i32
      %dma_start3A_102 = tpu.memref_slice %arg2[%dma_start3A_101, %mul3A_89] : memref<32x1000000xf32, #tpu.memory_space<hbm>> -> memref<8x128xf32, #tpu.memory_space<hbm>>
      tpu.enqueue_dma source(%dma_start3A_102 : memref<8x128xf32, #tpu.memory_space<hbm>>) target(%dma_start3A_100 : memref<8x128xf32, #tpu.memory_space<vmem>>) target_semaphore(%arg6 : memref<!tpu.dma_semaphore, #tpu.memory_space<semaphore_mem>>)
      %mul3A_103 = arith.constant 128 : i32
      %mul3A_104 = arith.muli %add3A, %mul3A_103 : i32
      %dma_start3A_105 = arith.constant 0 : i32
      %dma_start3A_106 = arith.constant 1 : i32
      %dma_start3A_107 = arith.constant 0 : i32
      %dma_start3A_108 = arith.constant 0 : i32
      %dma_start3A_109 = tpu.memref_slice %arg4[%dma_start3A_105, %dma_start3A_106, %dma_start3A_107, %dma_start3A_108] : memref<2x4x8x129xf32, #tpu.memory_space<vmem>> -> memref<1x1x8x128xf32, #tpu.memory_space<vmem>>
      %dma_start3A_110 = tpu.memref_squeeze %dma_start3A_109 : memref<1x1x8x128xf32, #tpu.memory_space<vmem>> -> memref<8x128xf32, #tpu.memory_space<vmem>>
      %dma_start3A_111 = arith.constant 8 : i32
      %dma_start3A_112 = tpu.memref_slice %arg2[%dma_start3A_111, %mul3A_104] : memref<32x1000000xf32, #tpu.memory_space<hbm>> -> memref<8x128xf32, #tpu.memory_space<hbm>>
      %dma_start3A_113 = arith.constant 0 : i32
      %dma_start3A_114 = arith.constant 0 : i32
      %dma_start3A_115 = tpu.memref_slice %arg4[%dma_start3A_105, %dma_start3A_106, %dma_start3A_113, %dma_start3A_114] : memref<2x4x8x129xf32, #tpu.memory_space<vmem>> -> memref<1x1x8x128xf32, #tpu.memory_space<vmem>>
      %dma_start3A_116 = tpu.memref_squeeze %dma_start3A_115 : memref<1x1x8x128xf32, #tpu.memory_space<vmem>> -> memref<8x128xf32, #tpu.memory_space<vmem>>
      %dma_start3A_117 = arith.constant 8 : i32
      %dma_start3A_118 = tpu.memref_slice %arg2[%dma_start3A_117, %mul3A_104] : memref<32x1000000xf32, #tpu.memory_space<hbm>> -> memref<8x128xf32, #tpu.memory_space<hbm>>
      tpu.enqueue_dma source(%dma_start3A_118 : memref<8x128xf32, #tpu.memory_space<hbm>>) target(%dma_start3A_116 : memref<8x128xf32, #tpu.memory_space<vmem>>) target_semaphore(%arg6 : memref<!tpu.dma_semaphore, #tpu.memory_space<semaphore_mem>>)
      %mul3A_119 = arith.constant 128 : i32
      %mul3A_120 = arith.muli %add3A, %mul3A_119 : i32
      %dma_start3A_121 = arith.constant 0 : i32
      %dma_start3A_122 = arith.constant 2 : i32
      %dma_start3A_123 = arith.constant 0 : i32
      %dma_start3A_124 = arith.constant 0 : i32
      %dma_start3A_125 = tpu.memref_slice %arg4[%dma_start3A_121, %dma_start3A_122, %dma_start3A_123, %dma_start3A_124] : memref<2x4x8x129xf32, #tpu.memory_space<vmem>> -> memref<1x1x8x128xf32, #tpu.memory_space<vmem>>
      %dma_start3A_126 = tpu.memref_squeeze %dma_start3A_125 : memref<1x1x8x128xf32, #tpu.memory_space<vmem>> -> memref<8x128xf32, #tpu.memory_space<vmem>>
      %dma_start3A_127 = arith.constant 16 : i32
      %dma_start3A_128 = tpu.memref_slice %arg2[%dma_start3A_127, %mul3A_120] : memref<32x1000000xf32, #tpu.memory_space<hbm>> -> memref<8x128xf32, #tpu.memory_space<hbm>>
      %dma_start3A_129 = arith.constant 0 : i32
      %dma_start3A_130 = arith.constant 0 : i32
      %dma_start3A_131 = tpu.memref_slice %arg4[%dma_start3A_121, %dma_start3A_122, %dma_start3A_129, %dma_start3A_130] : memref<2x4x8x129xf32, #tpu.memory_space<vmem>> -> memref<1x1x8x128xf32, #tpu.memory_space<vmem>>
      %dma_start3A_132 = tpu.memref_squeeze %dma_start3A_131 : memref<1x1x8x128xf32, #tpu.memory_space<vmem>> -> memref<8x128xf32, #tpu.memory_space<vmem>>
      %dma_start3A_133 = arith.constant 16 : i32
      %dma_start3A_134 = tpu.memref_slice %arg2[%dma_start3A_133, %mul3A_120] : memref<32x1000000xf32, #tpu.memory_space<hbm>> -> memref<8x128xf32, #tpu.memory_space<hbm>>
      tpu.enqueue_dma source(%dma_start3A_134 : memref<8x128xf32, #tpu.memory_space<hbm>>) target(%dma_start3A_132 : memref<8x128xf32, #tpu.memory_space<vmem>>) target_semaphore(%arg6 : memref<!tpu.dma_semaphore, #tpu.memory_space<semaphore_mem>>)
      %mul3A_135 = arith.constant 128 : i32
      %mul3A_136 = arith.muli %add3A, %mul3A_135 : i32
      %dma_start3A_137 = arith.constant 0 : i32
      %dma_start3A_138 = arith.constant 3 : i32
      %dma_start3A_139 = arith.constant 0 : i32
      %dma_start3A_140 = arith.constant 0 : i32
      %dma_start3A_141 = tpu.memref_slice %arg4[%dma_start3A_137, %dma_start3A_138, %dma_start3A_139, %dma_start3A_140] : memref<2x4x8x129xf32, #tpu.memory_space<vmem>> -> memref<1x1x8x128xf32, #tpu.memory_space<vmem>>
      %dma_start3A_142 = tpu.memref_squeeze %dma_start3A_141 : memref<1x1x8x128xf32, #tpu.memory_space<vmem>> -> memref<8x128xf32, #tpu.memory_space<vmem>>
      %dma_start3A_143 = arith.constant 24 : i32
      %dma_start3A_144 = tpu.memref_slice %arg2[%dma_start3A_143, %mul3A_136] : memref<32x1000000xf32, #tpu.memory_space<hbm>> -> memref<8x128xf32, #tpu.memory_space<hbm>>
      %dma_start3A_145 = arith.constant 0 : i32
      %dma_start3A_146 = arith.constant 0 : i32
      %dma_start3A_147 = tpu.memref_slice %arg4[%dma_start3A_137, %dma_start3A_138, %dma_start3A_145, %dma_start3A_146] : memref<2x4x8x129xf32, #tpu.memory_space<vmem>> -> memref<1x1x8x128xf32, #tpu.memory_space<vmem>>
      %dma_start3A_148 = tpu.memref_squeeze %dma_start3A_147 : memref<1x1x8x128xf32, #tpu.memory_space<vmem>> -> memref<8x128xf32, #tpu.memory_space<vmem>>
      %dma_start3A_149 = arith.constant 24 : i32
      %dma_start3A_150 = tpu.memref_slice %arg2[%dma_start3A_149, %mul3A_136] : memref<32x1000000xf32, #tpu.memory_space<hbm>> -> memref<8x128xf32, #tpu.memory_space<hbm>>
      tpu.enqueue_dma source(%dma_start3A_150 : memref<8x128xf32, #tpu.memory_space<hbm>>) target(%dma_start3A_148 : memref<8x128xf32, #tpu.memory_space<vmem>>) target_semaphore(%arg6 : memref<!tpu.dma_semaphore, #tpu.memory_space<semaphore_mem>>)
    } else {
    }
    %sub3A_61 = arith.constant 0 : i32
    %sub3A_62 = arith.subi %select_n3A, %sub3A_61 : i32
    %sub3A_63 = arith.constant 1 : i32
    %sub3A_64 = arith.constant 1 : i32
    %sub3A_65 = arith.subi %sub3A_63, %sub3A_64 : i32
    %add3A_66 = arith.addi %sub3A_62, %sub3A_65 : i32
    %div3A_67 = arith.constant 1 : i32
    %div3A_68 = arith.divsi %add3A_66, %div3A_67 : i32
    %while3A = arith.constant 1 : i32
    %while3A_69 = arith.constant 0 : i32
    %while3A_70 = arith.constant 0 : i32
    %while3A_71 = arith.subi %div3A_68, %while3A_70 : i32
    %while3A_72 = arith.addi %while3A_70, %while3A_71 : i32
    %while3A_73 = arith.constant 1 : i32
    %while3A_74 = arith.divsi %while3A_71, %while3A_73 : i32
    %while3A_75 = arith.muli %while3A_74, %while3A_73 : i32
    %while3A_76 = arith.addi %while3A_70, %while3A_75 : i32
    %while3A_77 = arith.constant 1 : i32
    scf.for %while3A_88 = %while3A_70 to %while3A_76 step %while3A_77  : i32 {
      %mul3A_89 = arith.muli %while3A_88, %while3A : i32
      %add3A_90 = arith.addi %while3A_69, %mul3A_89 : i32
      %mul3A_91 = arith.constant 32 : i32
      %mul3A_92 = arith.muli %add3A_90, %mul3A_91 : i32
      %add3A_93 = arith.addi %add3A, %mul3A_92 : i32
      %rem3A_94 = arith.constant 2 : i32
      %rem3A_95 = arith.remsi %add3A_90, %rem3A_94 : i32
      %eq3A = arith.constant 0 : i32
      %eq3A_96 = arith.cmpi eq, %rem3A_95, %eq3A : i32
      %convert_element_type3A_97 = arith.extui %eq3A_96 : i1 to i32
      %cond3A_98 = arith.constant 0 : i32
      %cond3A_99 = arith.cmpi ne, %convert_element_type3A_97, %cond3A_98 : i32
      scf.if %cond3A_99 {
        %add3A_107 = arith.constant 1 : i32
        %add3A_108 = arith.addi %add3A_90, %add3A_107 : i32
        %lt3A = arith.cmpi slt, %add3A_108, %select_n3A : i32
        %convert_element_type3A_109 = arith.extui %lt3A : i1 to i32
        %cond3A_110 = arith.constant 0 : i32
        %cond3A_111 = arith.cmpi ne, %convert_element_type3A_109, %cond3A_110 : i32
        scf.if %cond3A_111 {
          %add3A_196 = arith.constant 32 : i32
          %add3A_197 = arith.addi %add3A_93, %add3A_196 : i32
          %mul3A_198 = arith.constant 128 : i32
          %mul3A_199 = arith.muli %add3A_197, %mul3A_198 : i32
          %dma_start3A_200 = arith.constant 1 : i32
          %dma_start3A_201 = arith.constant 0 : i32
          %dma_start3A_202 = arith.constant 0 : i32
          %dma_start3A_203 = arith.constant 0 : i32
          %dma_start3A_204 = tpu.memref_slice %arg4[%dma_start3A_200, %dma_start3A_201, %dma_start3A_202, %dma_start3A_203] : memref<2x4x8x129xf32, #tpu.memory_space<vmem>> -> memref<1x1x8x128xf32, #tpu.memory_space<vmem>>
          %dma_start3A_205 = tpu.memref_squeeze %dma_start3A_204 : memref<1x1x8x128xf32, #tpu.memory_space<vmem>> -> memref<8x128xf32, #tpu.memory_space<vmem>>
          %dma_start3A_206 = arith.constant 0 : i32
          %dma_start3A_207 = tpu.memref_slice %arg2[%dma_start3A_206, %mul3A_199] : memref<32x1000000xf32, #tpu.memory_space<hbm>> -> memref<8x128xf32, #tpu.memory_space<hbm>>
          %dma_start3A_208 = arith.constant 0 : i32
          %dma_start3A_209 = arith.constant 0 : i32
          %dma_start3A_210 = tpu.memref_slice %arg4[%dma_start3A_200, %dma_start3A_201, %dma_start3A_208, %dma_start3A_209] : memref<2x4x8x129xf32, #tpu.memory_space<vmem>> -> memref<1x1x8x128xf32, #tpu.memory_space<vmem>>
          %dma_start3A_211 = tpu.memref_squeeze %dma_start3A_210 : memref<1x1x8x128xf32, #tpu.memory_space<vmem>> -> memref<8x128xf32, #tpu.memory_space<vmem>>
          %dma_start3A_212 = arith.constant 0 : i32
          %dma_start3A_213 = tpu.memref_slice %arg2[%dma_start3A_212, %mul3A_199] : memref<32x1000000xf32, #tpu.memory_space<hbm>> -> memref<8x128xf32, #tpu.memory_space<hbm>>
          tpu.enqueue_dma source(%dma_start3A_213 : memref<8x128xf32, #tpu.memory_space<hbm>>) target(%dma_start3A_211 : memref<8x128xf32, #tpu.memory_space<vmem>>) target_semaphore(%arg7 : memref<!tpu.dma_semaphore, #tpu.memory_space<semaphore_mem>>)
          %mul3A_214 = arith.constant 128 : i32
          %mul3A_215 = arith.muli %add3A_197, %mul3A_214 : i32
          %dma_start3A_216 = arith.constant 1 : i32
          %dma_start3A_217 = arith.constant 1 : i32
          %dma_start3A_218 = arith.constant 0 : i32
          %dma_start3A_219 = arith.constant 0 : i32
          %dma_start3A_220 = tpu.memref_slice %arg4[%dma_start3A_216, %dma_start3A_217, %dma_start3A_218, %dma_start3A_219] : memref<2x4x8x129xf32, #tpu.memory_space<vmem>> -> memref<1x1x8x128xf32, #tpu.memory_space<vmem>>
          %dma_start3A_221 = tpu.memref_squeeze %dma_start3A_220 : memref<1x1x8x128xf32, #tpu.memory_space<vmem>> -> memref<8x128xf32, #tpu.memory_space<vmem>>
          %dma_start3A_222 = arith.constant 8 : i32
          %dma_start3A_223 = tpu.memref_slice %arg2[%dma_start3A_222, %mul3A_215] : memref<32x1000000xf32, #tpu.memory_space<hbm>> -> memref<8x128xf32, #tpu.memory_space<hbm>>
          %dma_start3A_224 = arith.constant 0 : i32
          %dma_start3A_225 = arith.constant 0 : i32
          %dma_start3A_226 = tpu.memref_slice %arg4[%dma_start3A_216, %dma_start3A_217, %dma_start3A_224, %dma_start3A_225] : memref<2x4x8x129xf32, #tpu.memory_space<vmem>> -> memref<1x1x8x128xf32, #tpu.memory_space<vmem>>
          %dma_start3A_227 = tpu.memref_squeeze %dma_start3A_226 : memref<1x1x8x128xf32, #tpu.memory_space<vmem>> -> memref<8x128xf32, #tpu.memory_space<vmem>>
          %dma_start3A_228 = arith.constant 8 : i32
          %dma_start3A_229 = tpu.memref_slice %arg2[%dma_start3A_228, %mul3A_215] : memref<32x1000000xf32, #tpu.memory_space<hbm>> -> memref<8x128xf32, #tpu.memory_space<hbm>>
          tpu.enqueue_dma source(%dma_start3A_229 : memref<8x128xf32, #tpu.memory_space<hbm>>) target(%dma_start3A_227 : memref<8x128xf32, #tpu.memory_space<vmem>>) target_semaphore(%arg7 : memref<!tpu.dma_semaphore, #tpu.memory_space<semaphore_mem>>)
          %mul3A_230 = arith.constant 128 : i32
          %mul3A_231 = arith.muli %add3A_197, %mul3A_230 : i32
          %dma_start3A_232 = arith.constant 1 : i32
          %dma_start3A_233 = arith.constant 2 : i32
          %dma_start3A_234 = arith.constant 0 : i32
          %dma_start3A_235 = arith.constant 0 : i32
          %dma_start3A_236 = tpu.memref_slice %arg4[%dma_start3A_232, %dma_start3A_233, %dma_start3A_234, %dma_start3A_235] : memref<2x4x8x129xf32, #tpu.memory_space<vmem>> -> memref<1x1x8x128xf32, #tpu.memory_space<vmem>>
          %dma_start3A_237 = tpu.memref_squeeze %dma_start3A_236 : memref<1x1x8x128xf32, #tpu.memory_space<vmem>> -> memref<8x128xf32, #tpu.memory_space<vmem>>
          %dma_start3A_238 = arith.constant 16 : i32
          %dma_start3A_239 = tpu.memref_slice %arg2[%dma_start3A_238, %mul3A_231] : memref<32x1000000xf32, #tpu.memory_space<hbm>> -> memref<8x128xf32, #tpu.memory_space<hbm>>
          %dma_start3A_240 = arith.constant 0 : i32
          %dma_start3A_241 = arith.constant 0 : i32
          %dma_start3A_242 = tpu.memref_slice %arg4[%dma_start3A_232, %dma_start3A_233, %dma_start3A_240, %dma_start3A_241] : memref<2x4x8x129xf32, #tpu.memory_space<vmem>> -> memref<1x1x8x128xf32, #tpu.memory_space<vmem>>
          %dma_start3A_243 = tpu.memref_squeeze %dma_start3A_242 : memref<1x1x8x128xf32, #tpu.memory_space<vmem>> -> memref<8x128xf32, #tpu.memory_space<vmem>>
          %dma_start3A_244 = arith.constant 16 : i32
          %dma_start3A_245 = tpu.memref_slice %arg2[%dma_start3A_244, %mul3A_231] : memref<32x1000000xf32, #tpu.memory_space<hbm>> -> memref<8x128xf32, #tpu.memory_space<hbm>>
          tpu.enqueue_dma source(%dma_start3A_245 : memref<8x128xf32, #tpu.memory_space<hbm>>) target(%dma_start3A_243 : memref<8x128xf32, #tpu.memory_space<vmem>>) target_semaphore(%arg7 : memref<!tpu.dma_semaphore, #tpu.memory_space<semaphore_mem>>)
          %mul3A_246 = arith.constant 128 : i32
          %mul3A_247 = arith.muli %add3A_197, %mul3A_246 : i32
          %dma_start3A_248 = arith.constant 1 : i32
          %dma_start3A_249 = arith.constant 3 : i32
          %dma_start3A_250 = arith.constant 0 : i32
          %dma_start3A_251 = arith.constant 0 : i32
          %dma_start3A_252 = tpu.memref_slice %arg4[%dma_start3A_248, %dma_start3A_249, %dma_start3A_250, %dma_start3A_251] : memref<2x4x8x129xf32, #tpu.memory_space<vmem>> -> memref<1x1x8x128xf32, #tpu.memory_space<vmem>>
          %dma_start3A_253 = tpu.memref_squeeze %dma_start3A_252 : memref<1x1x8x128xf32, #tpu.memory_space<vmem>> -> memref<8x128xf32, #tpu.memory_space<vmem>>
          %dma_start3A_254 = arith.constant 24 : i32
          %dma_start3A_255 = tpu.memref_slice %arg2[%dma_start3A_254, %mul3A_247] : memref<32x1000000xf32, #tpu.memory_space<hbm>> -> memref<8x128xf32, #tpu.memory_space<hbm>>
          %dma_start3A_256 = arith.constant 0 : i32
          %dma_start3A_257 = arith.constant 0 : i32
          %dma_start3A_258 = tpu.memref_slice %arg4[%dma_start3A_248, %dma_start3A_249, %dma_start3A_256, %dma_start3A_257] : memref<2x4x8x129xf32, #tpu.memory_space<vmem>> -> memref<1x1x8x128xf32, #tpu.memory_space<vmem>>
          %dma_start3A_259 = tpu.memref_squeeze %dma_start3A_258 : memref<1x1x8x128xf32, #tpu.memory_space<vmem>> -> memref<8x128xf32, #tpu.memory_space<vmem>>
          %dma_start3A_260 = arith.constant 24 : i32
          %dma_start3A_261 = tpu.memref_slice %arg2[%dma_start3A_260, %mul3A_247] : memref<32x1000000xf32, #tpu.memory_space<hbm>> -> memref<8x128xf32, #tpu.memory_space<hbm>>
          tpu.enqueue_dma source(%dma_start3A_261 : memref<8x128xf32, #tpu.memory_space<hbm>>) target(%dma_start3A_259 : memref<8x128xf32, #tpu.memory_space<vmem>>) target_semaphore(%arg7 : memref<!tpu.dma_semaphore, #tpu.memory_space<semaphore_mem>>)
        } else {
        }
        %mul3A_112 = arith.constant 128 : i32
        %mul3A_113 = arith.muli %add3A_93, %mul3A_112 : i32
        %dma_wait3A = arith.constant 0 : i32
        %dma_wait3A_114 = arith.constant 0 : i32
        %dma_wait3A_115 = arith.constant 0 : i32
        %dma_wait3A_116 = arith.constant 0 : i32
        %dma_wait3A_117 = tpu.memref_slice %arg4[%dma_wait3A, %dma_wait3A_114, %dma_wait3A_115, %dma_wait3A_116] : memref<2x4x8x129xf32, #tpu.memory_space<vmem>> -> memref<1x1x8x128xf32, #tpu.memory_space<vmem>>
        %dma_wait3A_118 = tpu.memref_squeeze %dma_wait3A_117 : memref<1x1x8x128xf32, #tpu.memory_space<vmem>> -> memref<8x128xf32, #tpu.memory_space<vmem>>
        %dma_wait3A_119 = arith.constant 0 : i32
        %dma_wait3A_120 = tpu.memref_slice %arg2[%dma_wait3A_119, %mul3A_113] : memref<32x1000000xf32, #tpu.memory_space<hbm>> -> memref<8x128xf32, #tpu.memory_space<hbm>>
        %dma_wait3A_121 = arith.constant 0 : i32
        %dma_wait3A_122 = arith.constant 0 : i32
        %dma_wait3A_123 = tpu.memref_slice %arg4[%dma_wait3A, %dma_wait3A_114, %dma_wait3A_121, %dma_wait3A_122] : memref<2x4x8x129xf32, #tpu.memory_space<vmem>> -> memref<1x1x8x128xf32, #tpu.memory_space<vmem>>
        %dma_wait3A_124 = tpu.memref_squeeze %dma_wait3A_123 : memref<1x1x8x128xf32, #tpu.memory_space<vmem>> -> memref<8x128xf32, #tpu.memory_space<vmem>>
        %dma_wait3A_125 = arith.constant 0 : i32
        %dma_wait3A_126 = tpu.memref_slice %arg2[%dma_wait3A_125, %mul3A_113] : memref<32x1000000xf32, #tpu.memory_space<hbm>> -> memref<8x128xf32, #tpu.memory_space<hbm>>
        tpu.wait_dma2 semaphore(%arg6 : memref<!tpu.dma_semaphore, #tpu.memory_space<semaphore_mem>>) src(%dma_wait3A_126 : memref<8x128xf32, #tpu.memory_space<hbm>>) dst(%dma_wait3A_124 : memref<8x128xf32, #tpu.memory_space<vmem>>)
        %mul3A_127 = arith.constant 128 : i32
        %mul3A_128 = arith.muli %add3A_93, %mul3A_127 : i32
        %dma_wait3A_129 = arith.constant 0 : i32
        %dma_wait3A_130 = arith.constant 1 : i32
        %dma_wait3A_131 = arith.constant 0 : i32
        %dma_wait3A_132 = arith.constant 0 : i32
        %dma_wait3A_133 = tpu.memref_slice %arg4[%dma_wait3A_129, %dma_wait3A_130, %dma_wait3A_131, %dma_wait3A_132] : memref<2x4x8x129xf32, #tpu.memory_space<vmem>> -> memref<1x1x8x128xf32, #tpu.memory_space<vmem>>
        %dma_wait3A_134 = tpu.memref_squeeze %dma_wait3A_133 : memref<1x1x8x128xf32, #tpu.memory_space<vmem>> -> memref<8x128xf32, #tpu.memory_space<vmem>>
        %dma_wait3A_135 = arith.constant 8 : i32
        %dma_wait3A_136 = tpu.memref_slice %arg2[%dma_wait3A_135, %mul3A_128] : memref<32x1000000xf32, #tpu.memory_space<hbm>> -> memref<8x128xf32, #tpu.memory_space<hbm>>
        %dma_wait3A_137 = arith.constant 0 : i32
        %dma_wait3A_138 = arith.constant 0 : i32
        %dma_wait3A_139 = tpu.memref_slice %arg4[%dma_wait3A_129, %dma_wait3A_130, %dma_wait3A_137, %dma_wait3A_138] : memref<2x4x8x129xf32, #tpu.memory_space<vmem>> -> memref<1x1x8x128xf32, #tpu.memory_space<vmem>>
        %dma_wait3A_140 = tpu.memref_squeeze %dma_wait3A_139 : memref<1x1x8x128xf32, #tpu.memory_space<vmem>> -> memref<8x128xf32, #tpu.memory_space<vmem>>
        %dma_wait3A_141 = arith.constant 8 : i32
        %dma_wait3A_142 = tpu.memref_slice %arg2[%dma_wait3A_141, %mul3A_128] : memref<32x1000000xf32, #tpu.memory_space<hbm>> -> memref<8x128xf32, #tpu.memory_space<hbm>>
        tpu.wait_dma2 semaphore(%arg6 : memref<!tpu.dma_semaphore, #tpu.memory_space<semaphore_mem>>) src(%dma_wait3A_142 : memref<8x128xf32, #tpu.memory_space<hbm>>) dst(%dma_wait3A_140 : memref<8x128xf32, #tpu.memory_space<vmem>>)
        %mul3A_143 = arith.constant 128 : i32
        %mul3A_144 = arith.muli %add3A_93, %mul3A_143 : i32
        %dma_wait3A_145 = arith.constant 0 : i32
        %dma_wait3A_146 = arith.constant 2 : i32
        %dma_wait3A_147 = arith.constant 0 : i32
        %dma_wait3A_148 = arith.constant 0 : i32
        %dma_wait3A_149 = tpu.memref_slice %arg4[%dma_wait3A_145, %dma_wait3A_146, %dma_wait3A_147, %dma_wait3A_148] : memref<2x4x8x129xf32, #tpu.memory_space<vmem>> -> memref<1x1x8x128xf32, #tpu.memory_space<vmem>>
        %dma_wait3A_150 = tpu.memref_squeeze %dma_wait3A_149 : memref<1x1x8x128xf32, #tpu.memory_space<vmem>> -> memref<8x128xf32, #tpu.memory_space<vmem>>
        %dma_wait3A_151 = arith.constant 16 : i32
        %dma_wait3A_152 = tpu.memref_slice %arg2[%dma_wait3A_151, %mul3A_144] : memref<32x1000000xf32, #tpu.memory_space<hbm>> -> memref<8x128xf32, #tpu.memory_space<hbm>>
        %dma_wait3A_153 = arith.constant 0 : i32
        %dma_wait3A_154 = arith.constant 0 : i32
        %dma_wait3A_155 = tpu.memref_slice %arg4[%dma_wait3A_145, %dma_wait3A_146, %dma_wait3A_153, %dma_wait3A_154] : memref<2x4x8x129xf32, #tpu.memory_space<vmem>> -> memref<1x1x8x128xf32, #tpu.memory_space<vmem>>
        %dma_wait3A_156 = tpu.memref_squeeze %dma_wait3A_155 : memref<1x1x8x128xf32, #tpu.memory_space<vmem>> -> memref<8x128xf32, #tpu.memory_space<vmem>>
        %dma_wait3A_157 = arith.constant 16 : i32
        %dma_wait3A_158 = tpu.memref_slice %arg2[%dma_wait3A_157, %mul3A_144] : memref<32x1000000xf32, #tpu.memory_space<hbm>> -> memref<8x128xf32, #tpu.memory_space<hbm>>
        tpu.wait_dma2 semaphore(%arg6 : memref<!tpu.dma_semaphore, #tpu.memory_space<semaphore_mem>>) src(%dma_wait3A_158 : memref<8x128xf32, #tpu.memory_space<hbm>>) dst(%dma_wait3A_156 : memref<8x128xf32, #tpu.memory_space<vmem>>)
        %mul3A_159 = arith.constant 128 : i32
        %mul3A_160 = arith.muli %add3A_93, %mul3A_159 : i32
        %dma_wait3A_161 = arith.constant 0 : i32
        %dma_wait3A_162 = arith.constant 3 : i32
        %dma_wait3A_163 = arith.constant 0 : i32
        %dma_wait3A_164 = arith.constant 0 : i32
        %dma_wait3A_165 = tpu.memref_slice %arg4[%dma_wait3A_161, %dma_wait3A_162, %dma_wait3A_163, %dma_wait3A_164] : memref<2x4x8x129xf32, #tpu.memory_space<vmem>> -> memref<1x1x8x128xf32, #tpu.memory_space<vmem>>
        %dma_wait3A_166 = tpu.memref_squeeze %dma_wait3A_165 : memref<1x1x8x128xf32, #tpu.memory_space<vmem>> -> memref<8x128xf32, #tpu.memory_space<vmem>>
        %dma_wait3A_167 = arith.constant 24 : i32
        %dma_wait3A_168 = tpu.memref_slice %arg2[%dma_wait3A_167, %mul3A_160] : memref<32x1000000xf32, #tpu.memory_space<hbm>> -> memref<8x128xf32, #tpu.memory_space<hbm>>
        %dma_wait3A_169 = arith.constant 0 : i32
        %dma_wait3A_170 = arith.constant 0 : i32
        %dma_wait3A_171 = tpu.memref_slice %arg4[%dma_wait3A_161, %dma_wait3A_162, %dma_wait3A_169, %dma_wait3A_170] : memref<2x4x8x129xf32, #tpu.memory_space<vmem>> -> memref<1x1x8x128xf32, #tpu.memory_space<vmem>>
        %dma_wait3A_172 = tpu.memref_squeeze %dma_wait3A_171 : memref<1x1x8x128xf32, #tpu.memory_space<vmem>> -> memref<8x128xf32, #tpu.memory_space<vmem>>
        %dma_wait3A_173 = arith.constant 24 : i32
        %dma_wait3A_174 = tpu.memref_slice %arg2[%dma_wait3A_173, %mul3A_160] : memref<32x1000000xf32, #tpu.memory_space<hbm>> -> memref<8x128xf32, #tpu.memory_space<hbm>>
        tpu.wait_dma2 semaphore(%arg6 : memref<!tpu.dma_semaphore, #tpu.memory_space<semaphore_mem>>) src(%dma_wait3A_174 : memref<8x128xf32, #tpu.memory_space<hbm>>) dst(%dma_wait3A_172 : memref<8x128xf32, #tpu.memory_space<vmem>>)
        %ge3A_175 = arith.constant 2 : i32
        %ge3A_176 = arith.cmpi sge, %add3A_90, %ge3A_175 : i32
        %convert_element_type3A_177 = arith.extui %ge3A_176 : i1 to i32
        %cond3A_178 = arith.constant 0 : i32
        %cond3A_179 = arith.cmpi ne, %convert_element_type3A_177, %cond3A_178 : i32
        scf.if %cond3A_179 {
          %sub3A_196 = arith.constant 64 : i32
          %sub3A_197 = arith.subi %add3A_93, %sub3A_196 : i32
          %mul3A_198 = arith.constant 32 : i32
          %mul3A_199 = arith.muli %sub3A_197, %mul3A_198 : i32
          %dma_wait3A_200 = arith.constant 0 : i32
          %dma_wait3A_201 = arith.constant 0 : i32
          %dma_wait3A_202 = arith.constant 0 : i32
          %dma_wait3A_203 = tpu.memref_slice %arg5[%dma_wait3A_200, %dma_wait3A_201, %dma_wait3A_202] : memref<2x32x128xf32, #tpu.memory_space<vmem>> -> memref<1x32x128xf32, #tpu.memory_space<vmem>>
          %dma_wait3A_204 = tpu.memref_squeeze %dma_wait3A_203 : memref<1x32x128xf32, #tpu.memory_space<vmem>> -> memref<32x128xf32, #tpu.memory_space<vmem>>
          %dma_wait3A_205 = arith.constant 0 : i32
          %dma_wait3A_206 = tpu.memref_slice %arg3[%mul3A_199, %dma_wait3A_205] : memref<250000x128xf32, #tpu.memory_space<hbm>> -> memref<32x128xf32, #tpu.memory_space<hbm>>
          %dma_wait3A_207 = arith.constant 0 : i32
          %dma_wait3A_208 = tpu.memref_slice %arg3[%mul3A_199, %dma_wait3A_207] : memref<250000x128xf32, #tpu.memory_space<hbm>> -> memref<32x128xf32, #tpu.memory_space<hbm>>
          %dma_wait3A_209 = arith.constant 0 : i32
          %dma_wait3A_210 = arith.constant 0 : i32
          %dma_wait3A_211 = tpu.memref_slice %arg5[%dma_wait3A_200, %dma_wait3A_209, %dma_wait3A_210] : memref<2x32x128xf32, #tpu.memory_space<vmem>> -> memref<1x32x128xf32, #tpu.memory_space<vmem>>
          %dma_wait3A_212 = tpu.memref_squeeze %dma_wait3A_211 : memref<1x32x128xf32, #tpu.memory_space<vmem>> -> memref<32x128xf32, #tpu.memory_space<vmem>>
          tpu.wait_dma2 semaphore(%arg8 : memref<!tpu.dma_semaphore, #tpu.memory_space<semaphore_mem>>) src(%dma_wait3A_212 : memref<32x128xf32, #tpu.memory_space<vmem>>) dst(%dma_wait3A_208 : memref<32x128xf32, #tpu.memory_space<hbm>>)
        } else {
        }
        %parallel_loop3A = arith.constant 0 : i32
        %parallel_loop3A_180 = arith.constant 32 : i32
        %parallel_loop3A_181 = arith.constant 1 : i32
        scf.for %parallel_loop3A_196 = %parallel_loop3A to %parallel_loop3A_180 step %parallel_loop3A_181  : i32 {
          %parallel_loop3A_197 = arith.constant 0 : i32
          %parallel_loop3A_198 = vector.broadcast %parallel_loop3A_197 : i32 to vector<16xi32>
          %parallel_loop3A_199 = arith.constant 4 : i32
          %parallel_loop3A_200 = arith.muli %parallel_loop3A_199, %parallel_loop3A_196 : i32
          %parallel_loop3A_201 = vector.broadcast %parallel_loop3A_200 : i32 to vector<16xi32>
          %parallel_loop3A_202 = arith.addi %parallel_loop3A_198, %parallel_loop3A_201 : vector<16xi32>
          %parallel_loop3A_203 = arith.addi %parallel_loop3A_202, %add3A_43 : vector<16xi32>
          %parallel_loop3A_204 = arith.constant 0 : i32
          %parallel_loop3A_205 = arith.constant 0 : i32
          %parallel_loop3A_206 = arith.constant 0 : i32
          %parallel_loop3A_207 = arith.constant 0 : i32
          %parallel_loop3A_208 = tpu.memref_slice %arg4[%parallel_loop3A_204, %parallel_loop3A_205, %parallel_loop3A_206, %parallel_loop3A_207] : memref<2x4x8x129xf32, #tpu.memory_space<vmem>> -> memref<1x4x8x129xf32, #tpu.memory_space<vmem>>
          %parallel_loop3A_209 = tpu.memref_squeeze %parallel_loop3A_208 : memref<1x4x8x129xf32, #tpu.memory_space<vmem>> -> memref<4x8x129xf32, #tpu.memory_space<vmem>>
          %parallel_loop3A_210 = tpu.vector_load_idx %parallel_loop3A_209[%shift_right_logical3A_24, %and3A_33, %parallel_loop3A_203] : memref<4x8x129xf32, #tpu.memory_space<vmem>>[vector<16xi32>, vector<16xi32>, vector<16xi32>], vector<16xf32>,
          %parallel_loop3A_211 = arith.constant 5.65685415 : f32
          %parallel_loop3A_212 = vector.broadcast %parallel_loop3A_211 : f32 to vector<16xf32>
          %parallel_loop3A_213 = arith.mulf %parallel_loop3A_210, %parallel_loop3A_212 : vector<16xf32>
          %parallel_loop3A_214 = arith.constant 0 : i32
          %parallel_loop3A_215 = arith.index_cast %parallel_loop3A_214 : i32 to index
          %parallel_loop3A_216 = arith.index_cast %parallel_loop3A_196 : i32 to index
          %parallel_loop3A_217 = arith.constant 0 : index
          %parallel_loop3A_218 = tpu.vector_load %arg5[%parallel_loop3A_215, %parallel_loop3A_216, %parallel_loop3A_217] {strides = array<i32>} : memref<2x32x128xf32, #tpu.memory_space<vmem>>, vector<16xf32>,
          tpu.vector_store %arg5[%parallel_loop3A_215, %parallel_loop3A_216, %parallel_loop3A_217], %parallel_loop3A_213 {strides = array<i32>} : memref<2x32x128xf32, #tpu.memory_space<vmem>>, vector<16xf32>,
          %parallel_loop3A_219 = arith.addi %parallel_loop3A_202, %add3A_43 : vector<16xi32>
          %parallel_loop3A_220 = arith.constant 0 : i32
          %parallel_loop3A_221 = arith.constant 0 : i32
          %parallel_loop3A_222 = arith.constant 0 : i32
          %parallel_loop3A_223 = arith.constant 0 : i32
          %parallel_loop3A_224 = tpu.memref_slice %arg4[%parallel_loop3A_220, %parallel_loop3A_221, %parallel_loop3A_222, %parallel_loop3A_223] : memref<2x4x8x129xf32, #tpu.memory_space<vmem>> -> memref<1x4x8x129xf32, #tpu.memory_space<vmem>>
          %parallel_loop3A_225 = tpu.memref_squeeze %parallel_loop3A_224 : memref<1x4x8x129xf32, #tpu.memory_space<vmem>> -> memref<4x8x129xf32, #tpu.memory_space<vmem>>
          %parallel_loop3A_226 = tpu.vector_load_idx %parallel_loop3A_225[%shift_right_logical3A_30, %and3A_39, %parallel_loop3A_219] : memref<4x8x129xf32, #tpu.memory_space<vmem>>[vector<16xi32>, vector<16xi32>, vector<16xi32>], vector<16xf32>,
          %parallel_loop3A_227 = arith.constant 5.65685415 : f32
          %parallel_loop3A_228 = vector.broadcast %parallel_loop3A_227 : f32 to vector<16xf32>
          %parallel_loop3A_229 = arith.mulf %parallel_loop3A_226, %parallel_loop3A_228 : vector<16xf32>
          %parallel_loop3A_230 = arith.constant 0 : i32
          %parallel_loop3A_231 = arith.index_cast %parallel_loop3A_230 : i32 to index
          %parallel_loop3A_232 = arith.index_cast %parallel_loop3A_196 : i32 to index
          %parallel_loop3A_233 = arith.constant 16 : index
          %parallel_loop3A_234 = tpu.vector_load %arg5[%parallel_loop3A_231, %parallel_loop3A_232, %parallel_loop3A_233] {strides = array<i32>} : memref<2x32x128xf32, #tpu.memory_space<vmem>>, vector<16xf32>,
          tpu.vector_store %arg5[%parallel_loop3A_231, %parallel_loop3A_232, %parallel_loop3A_233], %parallel_loop3A_229 {strides = array<i32>} : memref<2x32x128xf32, #tpu.memory_space<vmem>>, vector<16xf32>,
          %parallel_loop3A_235 = arith.addi %parallel_loop3A_202, %add3A_48 : vector<16xi32>
          %parallel_loop3A_236 = arith.constant 0 : i32
          %parallel_loop3A_237 = arith.constant 0 : i32
          %parallel_loop3A_238 = arith.constant 0 : i32
          %parallel_loop3A_239 = arith.constant 0 : i32
          %parallel_loop3A_240 = tpu.memref_slice %arg4[%parallel_loop3A_236, %parallel_loop3A_237, %parallel_loop3A_238, %parallel_loop3A_239] : memref<2x4x8x129xf32, #tpu.memory_space<vmem>> -> memref<1x4x8x129xf32, #tpu.memory_space<vmem>>
          %parallel_loop3A_241 = tpu.memref_squeeze %parallel_loop3A_240 : memref<1x4x8x129xf32, #tpu.memory_space<vmem>> -> memref<4x8x129xf32, #tpu.memory_space<vmem>>
          %parallel_loop3A_242 = tpu.vector_load_idx %parallel_loop3A_241[%shift_right_logical3A_24, %and3A_33, %parallel_loop3A_235] : memref<4x8x129xf32, #tpu.memory_space<vmem>>[vector<16xi32>, vector<16xi32>, vector<16xi32>], vector<16xf32>,
          %parallel_loop3A_243 = arith.constant 5.65685415 : f32
          %parallel_loop3A_244 = vector.broadcast %parallel_loop3A_243 : f32 to vector<16xf32>
          %parallel_loop3A_245 = arith.mulf %parallel_loop3A_242, %parallel_loop3A_244 : vector<16xf32>
          %parallel_loop3A_246 = arith.constant 0 : i32
          %parallel_loop3A_247 = arith.index_cast %parallel_loop3A_246 : i32 to index
          %parallel_loop3A_248 = arith.index_cast %parallel_loop3A_196 : i32 to index
          %parallel_loop3A_249 = arith.constant 32 : index
          %parallel_loop3A_250 = tpu.vector_load %arg5[%parallel_loop3A_247, %parallel_loop3A_248, %parallel_loop3A_249] {strides = array<i32>} : memref<2x32x128xf32, #tpu.memory_space<vmem>>, vector<16xf32>,
          tpu.vector_store %arg5[%parallel_loop3A_247, %parallel_loop3A_248, %parallel_loop3A_249], %parallel_loop3A_245 {strides = array<i32>} : memref<2x32x128xf32, #tpu.memory_space<vmem>>, vector<16xf32>,
          %parallel_loop3A_251 = arith.addi %parallel_loop3A_202, %add3A_48 : vector<16xi32>
          %parallel_loop3A_252 = arith.constant 0 : i32
          %parallel_loop3A_253 = arith.constant 0 : i32
          %parallel_loop3A_254 = arith.constant 0 : i32
          %parallel_loop3A_255 = arith.constant 0 : i32
          %parallel_loop3A_256 = tpu.memref_slice %arg4[%parallel_loop3A_252, %parallel_loop3A_253, %parallel_loop3A_254, %parallel_loop3A_255] : memref<2x4x8x129xf32, #tpu.memory_space<vmem>> -> memref<1x4x8x129xf32, #tpu.memory_space<vmem>>
          %parallel_loop3A_257 = tpu.memref_squeeze %parallel_loop3A_256 : memref<1x4x8x129xf32, #tpu.memory_space<vmem>> -> memref<4x8x129xf32, #tpu.memory_space<vmem>>
          %parallel_loop3A_258 = tpu.vector_load_idx %parallel_loop3A_257[%shift_right_logical3A_30, %and3A_39, %parallel_loop3A_251] : memref<4x8x129xf32, #tpu.memory_space<vmem>>[vector<16xi32>, vector<16xi32>, vector<16xi32>], vector<16xf32>,
          %parallel_loop3A_259 = arith.constant 5.65685415 : f32
          %parallel_loop3A_260 = vector.broadcast %parallel_loop3A_259 : f32 to vector<16xf32>
          %parallel_loop3A_261 = arith.mulf %parallel_loop3A_258, %parallel_loop3A_260 : vector<16xf32>
          %parallel_loop3A_262 = arith.constant 0 : i32
          %parallel_loop3A_263 = arith.index_cast %parallel_loop3A_262 : i32 to index
          %parallel_loop3A_264 = arith.index_cast %parallel_loop3A_196 : i32 to index
          %parallel_loop3A_265 = arith.constant 48 : index
          %parallel_loop3A_266 = tpu.vector_load %arg5[%parallel_loop3A_263, %parallel_loop3A_264, %parallel_loop3A_265] {strides = array<i32>} : memref<2x32x128xf32, #tpu.memory_space<vmem>>, vector<16xf32>,
          tpu.vector_store %arg5[%parallel_loop3A_263, %parallel_loop3A_264, %parallel_loop3A_265], %parallel_loop3A_261 {strides = array<i32>} : memref<2x32x128xf32, #tpu.memory_space<vmem>>, vector<16xf32>,
          %parallel_loop3A_267 = arith.addi %parallel_loop3A_202, %add3A_53 : vector<16xi32>
          %parallel_loop3A_268 = arith.constant 0 : i32
          %parallel_loop3A_269 = arith.constant 0 : i32
          %parallel_loop3A_270 = arith.constant 0 : i32
          %parallel_loop3A_271 = arith.constant 0 : i32
          %parallel_loop3A_272 = tpu.memref_slice %arg4[%parallel_loop3A_268, %parallel_loop3A_269, %parallel_loop3A_270, %parallel_loop3A_271] : memref<2x4x8x129xf32, #tpu.memory_space<vmem>> -> memref<1x4x8x129xf32, #tpu.memory_space<vmem>>
          %parallel_loop3A_273 = tpu.memref_squeeze %parallel_loop3A_272 : memref<1x4x8x129xf32, #tpu.memory_space<vmem>> -> memref<4x8x129xf32, #tpu.memory_space<vmem>>
          %parallel_loop3A_274 = tpu.vector_load_idx %parallel_loop3A_273[%shift_right_logical3A_24, %and3A_33, %parallel_loop3A_267] : memref<4x8x129xf32, #tpu.memory_space<vmem>>[vector<16xi32>, vector<16xi32>, vector<16xi32>], vector<16xf32>,
          %parallel_loop3A_275 = arith.constant 5.65685415 : f32
          %parallel_loop3A_276 = vector.broadcast %parallel_loop3A_275 : f32 to vector<16xf32>
          %parallel_loop3A_277 = arith.mulf %parallel_loop3A_274, %parallel_loop3A_276 : vector<16xf32>
          %parallel_loop3A_278 = arith.constant 0 : i32
          %parallel_loop3A_279 = arith.index_cast %parallel_loop3A_278 : i32 to index
          %parallel_loop3A_280 = arith.index_cast %parallel_loop3A_196 : i32 to index
          %parallel_loop3A_281 = arith.constant 64 : index
          %parallel_loop3A_282 = tpu.vector_load %arg5[%parallel_loop3A_279, %parallel_loop3A_280, %parallel_loop3A_281] {strides = array<i32>} : memref<2x32x128xf32, #tpu.memory_space<vmem>>, vector<16xf32>,
          tpu.vector_store %arg5[%parallel_loop3A_279, %parallel_loop3A_280, %parallel_loop3A_281], %parallel_loop3A_277 {strides = array<i32>} : memref<2x32x128xf32, #tpu.memory_space<vmem>>, vector<16xf32>,
          %parallel_loop3A_283 = arith.addi %parallel_loop3A_202, %add3A_53 : vector<16xi32>
          %parallel_loop3A_284 = arith.constant 0 : i32
          %parallel_loop3A_285 = arith.constant 0 : i32
          %parallel_loop3A_286 = arith.constant 0 : i32
          %parallel_loop3A_287 = arith.constant 0 : i32
          %parallel_loop3A_288 = tpu.memref_slice %arg4[%parallel_loop3A_284, %parallel_loop3A_285, %parallel_loop3A_286, %parallel_loop3A_287] : memref<2x4x8x129xf32, #tpu.memory_space<vmem>> -> memref<1x4x8x129xf32, #tpu.memory_space<vmem>>
          %parallel_loop3A_289 = tpu.memref_squeeze %parallel_loop3A_288 : memref<1x4x8x129xf32, #tpu.memory_space<vmem>> -> memref<4x8x129xf32, #tpu.memory_space<vmem>>
          %parallel_loop3A_290 = tpu.vector_load_idx %parallel_loop3A_289[%shift_right_logical3A_30, %and3A_39, %parallel_loop3A_283] : memref<4x8x129xf32, #tpu.memory_space<vmem>>[vector<16xi32>, vector<16xi32>, vector<16xi32>], vector<16xf32>,
          %parallel_loop3A_291 = arith.constant 5.65685415 : f32
          %parallel_loop3A_292 = vector.broadcast %parallel_loop3A_291 : f32 to vector<16xf32>
          %parallel_loop3A_293 = arith.mulf %parallel_loop3A_290, %parallel_loop3A_292 : vector<16xf32>
          %parallel_loop3A_294 = arith.constant 0 : i32
          %parallel_loop3A_295 = arith.index_cast %parallel_loop3A_294 : i32 to index
          %parallel_loop3A_296 = arith.index_cast %parallel_loop3A_196 : i32 to index
          %parallel_loop3A_297 = arith.constant 80 : index
          %parallel_loop3A_298 = tpu.vector_load %arg5[%parallel_loop3A_295, %parallel_loop3A_296, %parallel_loop3A_297] {strides = array<i32>} : memref<2x32x128xf32, #tpu.memory_space<vmem>>, vector<16xf32>,
          tpu.vector_store %arg5[%parallel_loop3A_295, %parallel_loop3A_296, %parallel_loop3A_297], %parallel_loop3A_293 {strides = array<i32>} : memref<2x32x128xf32, #tpu.memory_space<vmem>>, vector<16xf32>,
          %parallel_loop3A_299 = arith.addi %parallel_loop3A_202, %add3A_58 : vector<16xi32>
          %parallel_loop3A_300 = arith.constant 0 : i32
          %parallel_loop3A_301 = arith.constant 0 : i32
          %parallel_loop3A_302 = arith.constant 0 : i32
          %parallel_loop3A_303 = arith.constant 0 : i32
          %parallel_loop3A_304 = tpu.memref_slice %arg4[%parallel_loop3A_300, %parallel_loop3A_301, %parallel_loop3A_302, %parallel_loop3A_303] : memref<2x4x8x129xf32, #tpu.memory_space<vmem>> -> memref<1x4x8x129xf32, #tpu.memory_space<vmem>>
          %parallel_loop3A_305 = tpu.memref_squeeze %parallel_loop3A_304 : memref<1x4x8x129xf32, #tpu.memory_space<vmem>> -> memref<4x8x129xf32, #tpu.memory_space<vmem>>
          %parallel_loop3A_306 = tpu.vector_load_idx %parallel_loop3A_305[%shift_right_logical3A_24, %and3A_33, %parallel_loop3A_299] : memref<4x8x129xf32, #tpu.memory_space<vmem>>[vector<16xi32>, vector<16xi32>, vector<16xi32>], vector<16xf32>,
          %parallel_loop3A_307 = arith.constant 5.65685415 : f32
          %parallel_loop3A_308 = vector.broadcast %parallel_loop3A_307 : f32 to vector<16xf32>
          %parallel_loop3A_309 = arith.mulf %parallel_loop3A_306, %parallel_loop3A_308 : vector<16xf32>
          %parallel_loop3A_310 = arith.constant 0 : i32
          %parallel_loop3A_311 = arith.index_cast %parallel_loop3A_310 : i32 to index
          %parallel_loop3A_312 = arith.index_cast %parallel_loop3A_196 : i32 to index
          %parallel_loop3A_313 = arith.constant 96 : index
          %parallel_loop3A_314 = tpu.vector_load %arg5[%parallel_loop3A_311, %parallel_loop3A_312, %parallel_loop3A_313] {strides = array<i32>} : memref<2x32x128xf32, #tpu.memory_space<vmem>>, vector<16xf32>,
          tpu.vector_store %arg5[%parallel_loop3A_311, %parallel_loop3A_312, %parallel_loop3A_313], %parallel_loop3A_309 {strides = array<i32>} : memref<2x32x128xf32, #tpu.memory_space<vmem>>, vector<16xf32>,
          %parallel_loop3A_315 = arith.addi %parallel_loop3A_202, %add3A_58 : vector<16xi32>
          %parallel_loop3A_316 = arith.constant 0 : i32
          %parallel_loop3A_317 = arith.constant 0 : i32
          %parallel_loop3A_318 = arith.constant 0 : i32
          %parallel_loop3A_319 = arith.constant 0 : i32
          %parallel_loop3A_320 = tpu.memref_slice %arg4[%parallel_loop3A_316, %parallel_loop3A_317, %parallel_loop3A_318, %parallel_loop3A_319] : memref<2x4x8x129xf32, #tpu.memory_space<vmem>> -> memref<1x4x8x129xf32, #tpu.memory_space<vmem>>
          %parallel_loop3A_321 = tpu.memref_squeeze %parallel_loop3A_320 : memref<1x4x8x129xf32, #tpu.memory_space<vmem>> -> memref<4x8x129xf32, #tpu.memory_space<vmem>>
          %parallel_loop3A_322 = tpu.vector_load_idx %parallel_loop3A_321[%shift_right_logical3A_30, %and3A_39, %parallel_loop3A_315] : memref<4x8x129xf32, #tpu.memory_space<vmem>>[vector<16xi32>, vector<16xi32>, vector<16xi32>], vector<16xf32>,
          %parallel_loop3A_323 = arith.constant 5.65685415 : f32
          %parallel_loop3A_324 = vector.broadcast %parallel_loop3A_323 : f32 to vector<16xf32>
          %parallel_loop3A_325 = arith.mulf %parallel_loop3A_322, %parallel_loop3A_324 : vector<16xf32>
          %parallel_loop3A_326 = arith.constant 0 : i32
          %parallel_loop3A_327 = arith.index_cast %parallel_loop3A_326 : i32 to index
          %parallel_loop3A_328 = arith.index_cast %parallel_loop3A_196 : i32 to index
          %parallel_loop3A_329 = arith.constant 112 : index
          %parallel_loop3A_330 = tpu.vector_load %arg5[%parallel_loop3A_327, %parallel_loop3A_328, %parallel_loop3A_329] {strides = array<i32>} : memref<2x32x128xf32, #tpu.memory_space<vmem>>, vector<16xf32>,
          tpu.vector_store %arg5[%parallel_loop3A_327, %parallel_loop3A_328, %parallel_loop3A_329], %parallel_loop3A_325 {strides = array<i32>} : memref<2x32x128xf32, #tpu.memory_space<vmem>>, vector<16xf32>,
        } {sc.loop_unroll_factor = 4 : i64, sc.parallel_access}
        %mul3A_182 = arith.constant 32 : i32
        %mul3A_183 = arith.muli %add3A_93, %mul3A_182 : i32
        %dma_start3A = arith.constant 0 : i32
        %dma_start3A_184 = arith.constant 0 : i32
        %dma_start3A_185 = arith.constant 0 : i32
        %dma_start3A_186 = tpu.memref_slice %arg5[%dma_start3A, %dma_start3A_184, %dma_start3A_185] : memref<2x32x128xf32, #tpu.memory_space<vmem>> -> memref<1x32x128xf32, #tpu.memory_space<vmem>>
        %dma_start3A_187 = tpu.memref_squeeze %dma_start3A_186 : memref<1x32x128xf32, #tpu.memory_space<vmem>> -> memref<32x128xf32, #tpu.memory_space<vmem>>
        %dma_start3A_188 = arith.constant 0 : i32
        %dma_start3A_189 = tpu.memref_slice %arg3[%mul3A_183, %dma_start3A_188] : memref<250000x128xf32, #tpu.memory_space<hbm>> -> memref<32x128xf32, #tpu.memory_space<hbm>>
        %dma_start3A_190 = arith.constant 0 : i32
        %dma_start3A_191 = tpu.memref_slice %arg3[%mul3A_183, %dma_start3A_190] : memref<250000x128xf32, #tpu.memory_space<hbm>> -> memref<32x128xf32, #tpu.memory_space<hbm>>
        %dma_start3A_192 = arith.constant 0 : i32
        %dma_start3A_193 = arith.constant 0 : i32
        %dma_start3A_194 = tpu.memref_slice %arg5[%dma_start3A, %dma_start3A_192, %dma_start3A_193] : memref<2x32x128xf32, #tpu.memory_space<vmem>> -> memref<1x32x128xf32, #tpu.memory_space<vmem>>
        %dma_start3A_195 = tpu.memref_squeeze %dma_start3A_194 : memref<1x32x128xf32, #tpu.memory_space<vmem>> -> memref<32x128xf32, #tpu.memory_space<vmem>>
        tpu.enqueue_dma source(%dma_start3A_195 : memref<32x128xf32, #tpu.memory_space<vmem>>) target(%dma_start3A_191 : memref<32x128xf32, #tpu.memory_space<hbm>>) target_semaphore(%arg8 : memref<!tpu.dma_semaphore, #tpu.memory_space<semaphore_mem>>)
      } else {
      }
      %rem3A_100 = arith.constant 2 : i32
      %rem3A_101 = arith.remsi %add3A_90, %rem3A_100 : i32
      %eq3A_102 = arith.constant 1 : i32
      %eq3A_103 = arith.cmpi eq, %rem3A_101, %eq3A_102 : i32
      %convert_element_type3A_104 = arith.extui %eq3A_103 : i1 to i32
      %cond3A_105 = arith.constant 0 : i32
      %cond3A_106 = arith.cmpi ne, %convert_element_type3A_104, %cond3A_105 : i32
      scf.if %cond3A_106 {
        %add3A_107 = arith.constant 1 : i32
        %add3A_108 = arith.addi %add3A_90, %add3A_107 : i32
        %lt3A = arith.cmpi slt, %add3A_108, %select_n3A : i32
        %convert_element_type3A_109 = arith.extui %lt3A : i1 to i32
        %cond3A_110 = arith.constant 0 : i32
        %cond3A_111 = arith.cmpi ne, %convert_element_type3A_109, %cond3A_110 : i32
        scf.if %cond3A_111 {
          %add3A_196 = arith.constant 32 : i32
          %add3A_197 = arith.addi %add3A_93, %add3A_196 : i32
          %mul3A_198 = arith.constant 128 : i32
          %mul3A_199 = arith.muli %add3A_197, %mul3A_198 : i32
          %dma_start3A_200 = arith.constant 0 : i32
          %dma_start3A_201 = arith.constant 0 : i32
          %dma_start3A_202 = arith.constant 0 : i32
          %dma_start3A_203 = arith.constant 0 : i32
          %dma_start3A_204 = tpu.memref_slice %arg4[%dma_start3A_200, %dma_start3A_201, %dma_start3A_202, %dma_start3A_203] : memref<2x4x8x129xf32, #tpu.memory_space<vmem>> -> memref<1x1x8x128xf32, #tpu.memory_space<vmem>>
          %dma_start3A_205 = tpu.memref_squeeze %dma_start3A_204 : memref<1x1x8x128xf32, #tpu.memory_space<vmem>> -> memref<8x128xf32, #tpu.memory_space<vmem>>
          %dma_start3A_206 = arith.constant 0 : i32
          %dma_start3A_207 = tpu.memref_slice %arg2[%dma_start3A_206, %mul3A_199] : memref<32x1000000xf32, #tpu.memory_space<hbm>> -> memref<8x128xf32, #tpu.memory_space<hbm>>
          %dma_start3A_208 = arith.constant 0 : i32
          %dma_start3A_209 = arith.constant 0 : i32
          %dma_start3A_210 = tpu.memref_slice %arg4[%dma_start3A_200, %dma_start3A_201, %dma_start3A_208, %dma_start3A_209] : memref<2x4x8x129xf32, #tpu.memory_space<vmem>> -> memref<1x1x8x128xf32, #tpu.memory_space<vmem>>
          %dma_start3A_211 = tpu.memref_squeeze %dma_start3A_210 : memref<1x1x8x128xf32, #tpu.memory_space<vmem>> -> memref<8x128xf32, #tpu.memory_space<vmem>>
          %dma_start3A_212 = arith.constant 0 : i32
          %dma_start3A_213 = tpu.memref_slice %arg2[%dma_start3A_212, %mul3A_199] : memref<32x1000000xf32, #tpu.memory_space<hbm>> -> memref<8x128xf32, #tpu.memory_space<hbm>>
          tpu.enqueue_dma source(%dma_start3A_213 : memref<8x128xf32, #tpu.memory_space<hbm>>) target(%dma_start3A_211 : memref<8x128xf32, #tpu.memory_space<vmem>>) target_semaphore(%arg6 : memref<!tpu.dma_semaphore, #tpu.memory_space<semaphore_mem>>)
          %mul3A_214 = arith.constant 128 : i32
          %mul3A_215 = arith.muli %add3A_197, %mul3A_214 : i32
          %dma_start3A_216 = arith.constant 0 : i32
          %dma_start3A_217 = arith.constant 1 : i32
          %dma_start3A_218 = arith.constant 0 : i32
          %dma_start3A_219 = arith.constant 0 : i32
          %dma_start3A_220 = tpu.memref_slice %arg4[%dma_start3A_216, %dma_start3A_217, %dma_start3A_218, %dma_start3A_219] : memref<2x4x8x129xf32, #tpu.memory_space<vmem>> -> memref<1x1x8x128xf32, #tpu.memory_space<vmem>>
          %dma_start3A_221 = tpu.memref_squeeze %dma_start3A_220 : memref<1x1x8x128xf32, #tpu.memory_space<vmem>> -> memref<8x128xf32, #tpu.memory_space<vmem>>
          %dma_start3A_222 = arith.constant 8 : i32
          %dma_start3A_223 = tpu.memref_slice %arg2[%dma_start3A_222, %mul3A_215] : memref<32x1000000xf32, #tpu.memory_space<hbm>> -> memref<8x128xf32, #tpu.memory_space<hbm>>
          %dma_start3A_224 = arith.constant 0 : i32
          %dma_start3A_225 = arith.constant 0 : i32
          %dma_start3A_226 = tpu.memref_slice %arg4[%dma_start3A_216, %dma_start3A_217, %dma_start3A_224, %dma_start3A_225] : memref<2x4x8x129xf32, #tpu.memory_space<vmem>> -> memref<1x1x8x128xf32, #tpu.memory_space<vmem>>
          %dma_start3A_227 = tpu.memref_squeeze %dma_start3A_226 : memref<1x1x8x128xf32, #tpu.memory_space<vmem>> -> memref<8x128xf32, #tpu.memory_space<vmem>>
          %dma_start3A_228 = arith.constant 8 : i32
          %dma_start3A_229 = tpu.memref_slice %arg2[%dma_start3A_228, %mul3A_215] : memref<32x1000000xf32, #tpu.memory_space<hbm>> -> memref<8x128xf32, #tpu.memory_space<hbm>>
          tpu.enqueue_dma source(%dma_start3A_229 : memref<8x128xf32, #tpu.memory_space<hbm>>) target(%dma_start3A_227 : memref<8x128xf32, #tpu.memory_space<vmem>>) target_semaphore(%arg6 : memref<!tpu.dma_semaphore, #tpu.memory_space<semaphore_mem>>)
          %mul3A_230 = arith.constant 128 : i32
          %mul3A_231 = arith.muli %add3A_197, %mul3A_230 : i32
          %dma_start3A_232 = arith.constant 0 : i32
          %dma_start3A_233 = arith.constant 2 : i32
          %dma_start3A_234 = arith.constant 0 : i32
          %dma_start3A_235 = arith.constant 0 : i32
          %dma_start3A_236 = tpu.memref_slice %arg4[%dma_start3A_232, %dma_start3A_233, %dma_start3A_234, %dma_start3A_235] : memref<2x4x8x129xf32, #tpu.memory_space<vmem>> -> memref<1x1x8x128xf32, #tpu.memory_space<vmem>>
          %dma_start3A_237 = tpu.memref_squeeze %dma_start3A_236 : memref<1x1x8x128xf32, #tpu.memory_space<vmem>> -> memref<8x128xf32, #tpu.memory_space<vmem>>
          %dma_start3A_238 = arith.constant 16 : i32
          %dma_start3A_239 = tpu.memref_slice %arg2[%dma_start3A_238, %mul3A_231] : memref<32x1000000xf32, #tpu.memory_space<hbm>> -> memref<8x128xf32, #tpu.memory_space<hbm>>
          %dma_start3A_240 = arith.constant 0 : i32
          %dma_start3A_241 = arith.constant 0 : i32
          %dma_start3A_242 = tpu.memref_slice %arg4[%dma_start3A_232, %dma_start3A_233, %dma_start3A_240, %dma_start3A_241] : memref<2x4x8x129xf32, #tpu.memory_space<vmem>> -> memref<1x1x8x128xf32, #tpu.memory_space<vmem>>
          %dma_start3A_243 = tpu.memref_squeeze %dma_start3A_242 : memref<1x1x8x128xf32, #tpu.memory_space<vmem>> -> memref<8x128xf32, #tpu.memory_space<vmem>>
          %dma_start3A_244 = arith.constant 16 : i32
          %dma_start3A_245 = tpu.memref_slice %arg2[%dma_start3A_244, %mul3A_231] : memref<32x1000000xf32, #tpu.memory_space<hbm>> -> memref<8x128xf32, #tpu.memory_space<hbm>>
          tpu.enqueue_dma source(%dma_start3A_245 : memref<8x128xf32, #tpu.memory_space<hbm>>) target(%dma_start3A_243 : memref<8x128xf32, #tpu.memory_space<vmem>>) target_semaphore(%arg6 : memref<!tpu.dma_semaphore, #tpu.memory_space<semaphore_mem>>)
          %mul3A_246 = arith.constant 128 : i32
          %mul3A_247 = arith.muli %add3A_197, %mul3A_246 : i32
          %dma_start3A_248 = arith.constant 0 : i32
          %dma_start3A_249 = arith.constant 3 : i32
          %dma_start3A_250 = arith.constant 0 : i32
          %dma_start3A_251 = arith.constant 0 : i32
          %dma_start3A_252 = tpu.memref_slice %arg4[%dma_start3A_248, %dma_start3A_249, %dma_start3A_250, %dma_start3A_251] : memref<2x4x8x129xf32, #tpu.memory_space<vmem>> -> memref<1x1x8x128xf32, #tpu.memory_space<vmem>>
          %dma_start3A_253 = tpu.memref_squeeze %dma_start3A_252 : memref<1x1x8x128xf32, #tpu.memory_space<vmem>> -> memref<8x128xf32, #tpu.memory_space<vmem>>
          %dma_start3A_254 = arith.constant 24 : i32
          %dma_start3A_255 = tpu.memref_slice %arg2[%dma_start3A_254, %mul3A_247] : memref<32x1000000xf32, #tpu.memory_space<hbm>> -> memref<8x128xf32, #tpu.memory_space<hbm>>
          %dma_start3A_256 = arith.constant 0 : i32
          %dma_start3A_257 = arith.constant 0 : i32
          %dma_start3A_258 = tpu.memref_slice %arg4[%dma_start3A_248, %dma_start3A_249, %dma_start3A_256, %dma_start3A_257] : memref<2x4x8x129xf32, #tpu.memory_space<vmem>> -> memref<1x1x8x128xf32, #tpu.memory_space<vmem>>
          %dma_start3A_259 = tpu.memref_squeeze %dma_start3A_258 : memref<1x1x8x128xf32, #tpu.memory_space<vmem>> -> memref<8x128xf32, #tpu.memory_space<vmem>>
          %dma_start3A_260 = arith.constant 24 : i32
          %dma_start3A_261 = tpu.memref_slice %arg2[%dma_start3A_260, %mul3A_247] : memref<32x1000000xf32, #tpu.memory_space<hbm>> -> memref<8x128xf32, #tpu.memory_space<hbm>>
          tpu.enqueue_dma source(%dma_start3A_261 : memref<8x128xf32, #tpu.memory_space<hbm>>) target(%dma_start3A_259 : memref<8x128xf32, #tpu.memory_space<vmem>>) target_semaphore(%arg6 : memref<!tpu.dma_semaphore, #tpu.memory_space<semaphore_mem>>)
        } else {
        }
        %mul3A_112 = arith.constant 128 : i32
        %mul3A_113 = arith.muli %add3A_93, %mul3A_112 : i32
        %dma_wait3A = arith.constant 1 : i32
        %dma_wait3A_114 = arith.constant 0 : i32
        %dma_wait3A_115 = arith.constant 0 : i32
        %dma_wait3A_116 = arith.constant 0 : i32
        %dma_wait3A_117 = tpu.memref_slice %arg4[%dma_wait3A, %dma_wait3A_114, %dma_wait3A_115, %dma_wait3A_116] : memref<2x4x8x129xf32, #tpu.memory_space<vmem>> -> memref<1x1x8x128xf32, #tpu.memory_space<vmem>>
        %dma_wait3A_118 = tpu.memref_squeeze %dma_wait3A_117 : memref<1x1x8x128xf32, #tpu.memory_space<vmem>> -> memref<8x128xf32, #tpu.memory_space<vmem>>
        %dma_wait3A_119 = arith.constant 0 : i32
        %dma_wait3A_120 = tpu.memref_slice %arg2[%dma_wait3A_119, %mul3A_113] : memref<32x1000000xf32, #tpu.memory_space<hbm>> -> memref<8x128xf32, #tpu.memory_space<hbm>>
        %dma_wait3A_121 = arith.constant 0 : i32
        %dma_wait3A_122 = arith.constant 0 : i32
        %dma_wait3A_123 = tpu.memref_slice %arg4[%dma_wait3A, %dma_wait3A_114, %dma_wait3A_121, %dma_wait3A_122] : memref<2x4x8x129xf32, #tpu.memory_space<vmem>> -> memref<1x1x8x128xf32, #tpu.memory_space<vmem>>
        %dma_wait3A_124 = tpu.memref_squeeze %dma_wait3A_123 : memref<1x1x8x128xf32, #tpu.memory_space<vmem>> -> memref<8x128xf32, #tpu.memory_space<vmem>>
        %dma_wait3A_125 = arith.constant 0 : i32
        %dma_wait3A_126 = tpu.memref_slice %arg2[%dma_wait3A_125, %mul3A_113] : memref<32x1000000xf32, #tpu.memory_space<hbm>> -> memref<8x128xf32, #tpu.memory_space<hbm>>
        tpu.wait_dma2 semaphore(%arg7 : memref<!tpu.dma_semaphore, #tpu.memory_space<semaphore_mem>>) src(%dma_wait3A_126 : memref<8x128xf32, #tpu.memory_space<hbm>>) dst(%dma_wait3A_124 : memref<8x128xf32, #tpu.memory_space<vmem>>)
        %mul3A_127 = arith.constant 128 : i32
        %mul3A_128 = arith.muli %add3A_93, %mul3A_127 : i32
        %dma_wait3A_129 = arith.constant 1 : i32
        %dma_wait3A_130 = arith.constant 1 : i32
        %dma_wait3A_131 = arith.constant 0 : i32
        %dma_wait3A_132 = arith.constant 0 : i32
        %dma_wait3A_133 = tpu.memref_slice %arg4[%dma_wait3A_129, %dma_wait3A_130, %dma_wait3A_131, %dma_wait3A_132] : memref<2x4x8x129xf32, #tpu.memory_space<vmem>> -> memref<1x1x8x128xf32, #tpu.memory_space<vmem>>
        %dma_wait3A_134 = tpu.memref_squeeze %dma_wait3A_133 : memref<1x1x8x128xf32, #tpu.memory_space<vmem>> -> memref<8x128xf32, #tpu.memory_space<vmem>>
        %dma_wait3A_135 = arith.constant 8 : i32
        %dma_wait3A_136 = tpu.memref_slice %arg2[%dma_wait3A_135, %mul3A_128] : memref<32x1000000xf32, #tpu.memory_space<hbm>> -> memref<8x128xf32, #tpu.memory_space<hbm>>
        %dma_wait3A_137 = arith.constant 0 : i32
        %dma_wait3A_138 = arith.constant 0 : i32
        %dma_wait3A_139 = tpu.memref_slice %arg4[%dma_wait3A_129, %dma_wait3A_130, %dma_wait3A_137, %dma_wait3A_138] : memref<2x4x8x129xf32, #tpu.memory_space<vmem>> -> memref<1x1x8x128xf32, #tpu.memory_space<vmem>>
        %dma_wait3A_140 = tpu.memref_squeeze %dma_wait3A_139 : memref<1x1x8x128xf32, #tpu.memory_space<vmem>> -> memref<8x128xf32, #tpu.memory_space<vmem>>
        %dma_wait3A_141 = arith.constant 8 : i32
        %dma_wait3A_142 = tpu.memref_slice %arg2[%dma_wait3A_141, %mul3A_128] : memref<32x1000000xf32, #tpu.memory_space<hbm>> -> memref<8x128xf32, #tpu.memory_space<hbm>>
        tpu.wait_dma2 semaphore(%arg7 : memref<!tpu.dma_semaphore, #tpu.memory_space<semaphore_mem>>) src(%dma_wait3A_142 : memref<8x128xf32, #tpu.memory_space<hbm>>) dst(%dma_wait3A_140 : memref<8x128xf32, #tpu.memory_space<vmem>>)
        %mul3A_143 = arith.constant 128 : i32
        %mul3A_144 = arith.muli %add3A_93, %mul3A_143 : i32
        %dma_wait3A_145 = arith.constant 1 : i32
        %dma_wait3A_146 = arith.constant 2 : i32
        %dma_wait3A_147 = arith.constant 0 : i32
        %dma_wait3A_148 = arith.constant 0 : i32
        %dma_wait3A_149 = tpu.memref_slice %arg4[%dma_wait3A_145, %dma_wait3A_146, %dma_wait3A_147, %dma_wait3A_148] : memref<2x4x8x129xf32, #tpu.memory_space<vmem>> -> memref<1x1x8x128xf32, #tpu.memory_space<vmem>>
        %dma_wait3A_150 = tpu.memref_squeeze %dma_wait3A_149 : memref<1x1x8x128xf32, #tpu.memory_space<vmem>> -> memref<8x128xf32, #tpu.memory_space<vmem>>
        %dma_wait3A_151 = arith.constant 16 : i32
        %dma_wait3A_152 = tpu.memref_slice %arg2[%dma_wait3A_151, %mul3A_144] : memref<32x1000000xf32, #tpu.memory_space<hbm>> -> memref<8x128xf32, #tpu.memory_space<hbm>>
        %dma_wait3A_153 = arith.constant 0 : i32
        %dma_wait3A_154 = arith.constant 0 : i32
        %dma_wait3A_155 = tpu.memref_slice %arg4[%dma_wait3A_145, %dma_wait3A_146, %dma_wait3A_153, %dma_wait3A_154] : memref<2x4x8x129xf32, #tpu.memory_space<vmem>> -> memref<1x1x8x128xf32, #tpu.memory_space<vmem>>
        %dma_wait3A_156 = tpu.memref_squeeze %dma_wait3A_155 : memref<1x1x8x128xf32, #tpu.memory_space<vmem>> -> memref<8x128xf32, #tpu.memory_space<vmem>>
        %dma_wait3A_157 = arith.constant 16 : i32
        %dma_wait3A_158 = tpu.memref_slice %arg2[%dma_wait3A_157, %mul3A_144] : memref<32x1000000xf32, #tpu.memory_space<hbm>> -> memref<8x128xf32, #tpu.memory_space<hbm>>
        tpu.wait_dma2 semaphore(%arg7 : memref<!tpu.dma_semaphore, #tpu.memory_space<semaphore_mem>>) src(%dma_wait3A_158 : memref<8x128xf32, #tpu.memory_space<hbm>>) dst(%dma_wait3A_156 : memref<8x128xf32, #tpu.memory_space<vmem>>)
        %mul3A_159 = arith.constant 128 : i32
        %mul3A_160 = arith.muli %add3A_93, %mul3A_159 : i32
        %dma_wait3A_161 = arith.constant 1 : i32
        %dma_wait3A_162 = arith.constant 3 : i32
        %dma_wait3A_163 = arith.constant 0 : i32
        %dma_wait3A_164 = arith.constant 0 : i32
        %dma_wait3A_165 = tpu.memref_slice %arg4[%dma_wait3A_161, %dma_wait3A_162, %dma_wait3A_163, %dma_wait3A_164] : memref<2x4x8x129xf32, #tpu.memory_space<vmem>> -> memref<1x1x8x128xf32, #tpu.memory_space<vmem>>
        %dma_wait3A_166 = tpu.memref_squeeze %dma_wait3A_165 : memref<1x1x8x128xf32, #tpu.memory_space<vmem>> -> memref<8x128xf32, #tpu.memory_space<vmem>>
        %dma_wait3A_167 = arith.constant 24 : i32
        %dma_wait3A_168 = tpu.memref_slice %arg2[%dma_wait3A_167, %mul3A_160] : memref<32x1000000xf32, #tpu.memory_space<hbm>> -> memref<8x128xf32, #tpu.memory_space<hbm>>
        %dma_wait3A_169 = arith.constant 0 : i32
        %dma_wait3A_170 = arith.constant 0 : i32
        %dma_wait3A_171 = tpu.memref_slice %arg4[%dma_wait3A_161, %dma_wait3A_162, %dma_wait3A_169, %dma_wait3A_170] : memref<2x4x8x129xf32, #tpu.memory_space<vmem>> -> memref<1x1x8x128xf32, #tpu.memory_space<vmem>>
        %dma_wait3A_172 = tpu.memref_squeeze %dma_wait3A_171 : memref<1x1x8x128xf32, #tpu.memory_space<vmem>> -> memref<8x128xf32, #tpu.memory_space<vmem>>
        %dma_wait3A_173 = arith.constant 24 : i32
        %dma_wait3A_174 = tpu.memref_slice %arg2[%dma_wait3A_173, %mul3A_160] : memref<32x1000000xf32, #tpu.memory_space<hbm>> -> memref<8x128xf32, #tpu.memory_space<hbm>>
        tpu.wait_dma2 semaphore(%arg7 : memref<!tpu.dma_semaphore, #tpu.memory_space<semaphore_mem>>) src(%dma_wait3A_174 : memref<8x128xf32, #tpu.memory_space<hbm>>) dst(%dma_wait3A_172 : memref<8x128xf32, #tpu.memory_space<vmem>>)
        %ge3A_175 = arith.constant 2 : i32
        %ge3A_176 = arith.cmpi sge, %add3A_90, %ge3A_175 : i32
        %convert_element_type3A_177 = arith.extui %ge3A_176 : i1 to i32
        %cond3A_178 = arith.constant 0 : i32
        %cond3A_179 = arith.cmpi ne, %convert_element_type3A_177, %cond3A_178 : i32
        scf.if %cond3A_179 {
          %sub3A_196 = arith.constant 64 : i32
          %sub3A_197 = arith.subi %add3A_93, %sub3A_196 : i32
          %mul3A_198 = arith.constant 32 : i32
          %mul3A_199 = arith.muli %sub3A_197, %mul3A_198 : i32
          %dma_wait3A_200 = arith.constant 1 : i32
          %dma_wait3A_201 = arith.constant 0 : i32
          %dma_wait3A_202 = arith.constant 0 : i32
          %dma_wait3A_203 = tpu.memref_slice %arg5[%dma_wait3A_200, %dma_wait3A_201, %dma_wait3A_202] : memref<2x32x128xf32, #tpu.memory_space<vmem>> -> memref<1x32x128xf32, #tpu.memory_space<vmem>>
          %dma_wait3A_204 = tpu.memref_squeeze %dma_wait3A_203 : memref<1x32x128xf32, #tpu.memory_space<vmem>> -> memref<32x128xf32, #tpu.memory_space<vmem>>
          %dma_wait3A_205 = arith.constant 0 : i32
          %dma_wait3A_206 = tpu.memref_slice %arg3[%mul3A_199, %dma_wait3A_205] : memref<250000x128xf32, #tpu.memory_space<hbm>> -> memref<32x128xf32, #tpu.memory_space<hbm>>
          %dma_wait3A_207 = arith.constant 0 : i32
          %dma_wait3A_208 = tpu.memref_slice %arg3[%mul3A_199, %dma_wait3A_207] : memref<250000x128xf32, #tpu.memory_space<hbm>> -> memref<32x128xf32, #tpu.memory_space<hbm>>
          %dma_wait3A_209 = arith.constant 0 : i32
          %dma_wait3A_210 = arith.constant 0 : i32
          %dma_wait3A_211 = tpu.memref_slice %arg5[%dma_wait3A_200, %dma_wait3A_209, %dma_wait3A_210] : memref<2x32x128xf32, #tpu.memory_space<vmem>> -> memref<1x32x128xf32, #tpu.memory_space<vmem>>
          %dma_wait3A_212 = tpu.memref_squeeze %dma_wait3A_211 : memref<1x32x128xf32, #tpu.memory_space<vmem>> -> memref<32x128xf32, #tpu.memory_space<vmem>>
          tpu.wait_dma2 semaphore(%arg9 : memref<!tpu.dma_semaphore, #tpu.memory_space<semaphore_mem>>) src(%dma_wait3A_212 : memref<32x128xf32, #tpu.memory_space<vmem>>) dst(%dma_wait3A_208 : memref<32x128xf32, #tpu.memory_space<hbm>>)
        } else {
        }
        %parallel_loop3A = arith.constant 0 : i32
        %parallel_loop3A_180 = arith.constant 32 : i32
        %parallel_loop3A_181 = arith.constant 1 : i32
        scf.for %parallel_loop3A_196 = %parallel_loop3A to %parallel_loop3A_180 step %parallel_loop3A_181  : i32 {
          %parallel_loop3A_197 = arith.constant 0 : i32
          %parallel_loop3A_198 = vector.broadcast %parallel_loop3A_197 : i32 to vector<16xi32>
          %parallel_loop3A_199 = arith.constant 4 : i32
          %parallel_loop3A_200 = arith.muli %parallel_loop3A_199, %parallel_loop3A_196 : i32
          %parallel_loop3A_201 = vector.broadcast %parallel_loop3A_200 : i32 to vector<16xi32>
          %parallel_loop3A_202 = arith.addi %parallel_loop3A_198, %parallel_loop3A_201 : vector<16xi32>
          %parallel_loop3A_203 = arith.addi %parallel_loop3A_202, %add3A_43 : vector<16xi32>
          %parallel_loop3A_204 = arith.constant 1 : i32
          %parallel_loop3A_205 = arith.constant 0 : i32
          %parallel_loop3A_206 = arith.constant 0 : i32
          %parallel_loop3A_207 = arith.constant 0 : i32
          %parallel_loop3A_208 = tpu.memref_slice %arg4[%parallel_loop3A_204, %parallel_loop3A_205, %parallel_loop3A_206, %parallel_loop3A_207] : memref<2x4x8x129xf32, #tpu.memory_space<vmem>> -> memref<1x4x8x129xf32, #tpu.memory_space<vmem>>
          %parallel_loop3A_209 = tpu.memref_squeeze %parallel_loop3A_208 : memref<1x4x8x129xf32, #tpu.memory_space<vmem>> -> memref<4x8x129xf32, #tpu.memory_space<vmem>>
          %parallel_loop3A_210 = tpu.vector_load_idx %parallel_loop3A_209[%shift_right_logical3A_24, %and3A_33, %parallel_loop3A_203] : memref<4x8x129xf32, #tpu.memory_space<vmem>>[vector<16xi32>, vector<16xi32>, vector<16xi32>], vector<16xf32>,
          %parallel_loop3A_211 = arith.constant 5.65685415 : f32
          %parallel_loop3A_212 = vector.broadcast %parallel_loop3A_211 : f32 to vector<16xf32>
          %parallel_loop3A_213 = arith.mulf %parallel_loop3A_210, %parallel_loop3A_212 : vector<16xf32>
          %parallel_loop3A_214 = arith.constant 1 : i32
          %parallel_loop3A_215 = arith.index_cast %parallel_loop3A_214 : i32 to index
          %parallel_loop3A_216 = arith.index_cast %parallel_loop3A_196 : i32 to index
          %parallel_loop3A_217 = arith.constant 0 : index
          %parallel_loop3A_218 = tpu.vector_load %arg5[%parallel_loop3A_215, %parallel_loop3A_216, %parallel_loop3A_217] {strides = array<i32>} : memref<2x32x128xf32, #tpu.memory_space<vmem>>, vector<16xf32>,
          tpu.vector_store %arg5[%parallel_loop3A_215, %parallel_loop3A_216, %parallel_loop3A_217], %parallel_loop3A_213 {strides = array<i32>} : memref<2x32x128xf32, #tpu.memory_space<vmem>>, vector<16xf32>,
          %parallel_loop3A_219 = arith.addi %parallel_loop3A_202, %add3A_43 : vector<16xi32>
          %parallel_loop3A_220 = arith.constant 1 : i32
          %parallel_loop3A_221 = arith.constant 0 : i32
          %parallel_loop3A_222 = arith.constant 0 : i32
          %parallel_loop3A_223 = arith.constant 0 : i32
          %parallel_loop3A_224 = tpu.memref_slice %arg4[%parallel_loop3A_220, %parallel_loop3A_221, %parallel_loop3A_222, %parallel_loop3A_223] : memref<2x4x8x129xf32, #tpu.memory_space<vmem>> -> memref<1x4x8x129xf32, #tpu.memory_space<vmem>>
          %parallel_loop3A_225 = tpu.memref_squeeze %parallel_loop3A_224 : memref<1x4x8x129xf32, #tpu.memory_space<vmem>> -> memref<4x8x129xf32, #tpu.memory_space<vmem>>
          %parallel_loop3A_226 = tpu.vector_load_idx %parallel_loop3A_225[%shift_right_logical3A_30, %and3A_39, %parallel_loop3A_219] : memref<4x8x129xf32, #tpu.memory_space<vmem>>[vector<16xi32>, vector<16xi32>, vector<16xi32>], vector<16xf32>,
          %parallel_loop3A_227 = arith.constant 5.65685415 : f32
          %parallel_loop3A_228 = vector.broadcast %parallel_loop3A_227 : f32 to vector<16xf32>
          %parallel_loop3A_229 = arith.mulf %parallel_loop3A_226, %parallel_loop3A_228 : vector<16xf32>
          %parallel_loop3A_230 = arith.constant 1 : i32
          %parallel_loop3A_231 = arith.index_cast %parallel_loop3A_230 : i32 to index
          %parallel_loop3A_232 = arith.index_cast %parallel_loop3A_196 : i32 to index
          %parallel_loop3A_233 = arith.constant 16 : index
          %parallel_loop3A_234 = tpu.vector_load %arg5[%parallel_loop3A_231, %parallel_loop3A_232, %parallel_loop3A_233] {strides = array<i32>} : memref<2x32x128xf32, #tpu.memory_space<vmem>>, vector<16xf32>,
          tpu.vector_store %arg5[%parallel_loop3A_231, %parallel_loop3A_232, %parallel_loop3A_233], %parallel_loop3A_229 {strides = array<i32>} : memref<2x32x128xf32, #tpu.memory_space<vmem>>, vector<16xf32>,
          %parallel_loop3A_235 = arith.addi %parallel_loop3A_202, %add3A_48 : vector<16xi32>
          %parallel_loop3A_236 = arith.constant 1 : i32
          %parallel_loop3A_237 = arith.constant 0 : i32
          %parallel_loop3A_238 = arith.constant 0 : i32
          %parallel_loop3A_239 = arith.constant 0 : i32
          %parallel_loop3A_240 = tpu.memref_slice %arg4[%parallel_loop3A_236, %parallel_loop3A_237, %parallel_loop3A_238, %parallel_loop3A_239] : memref<2x4x8x129xf32, #tpu.memory_space<vmem>> -> memref<1x4x8x129xf32, #tpu.memory_space<vmem>>
          %parallel_loop3A_241 = tpu.memref_squeeze %parallel_loop3A_240 : memref<1x4x8x129xf32, #tpu.memory_space<vmem>> -> memref<4x8x129xf32, #tpu.memory_space<vmem>>
          %parallel_loop3A_242 = tpu.vector_load_idx %parallel_loop3A_241[%shift_right_logical3A_24, %and3A_33, %parallel_loop3A_235] : memref<4x8x129xf32, #tpu.memory_space<vmem>>[vector<16xi32>, vector<16xi32>, vector<16xi32>], vector<16xf32>,
          %parallel_loop3A_243 = arith.constant 5.65685415 : f32
          %parallel_loop3A_244 = vector.broadcast %parallel_loop3A_243 : f32 to vector<16xf32>
          %parallel_loop3A_245 = arith.mulf %parallel_loop3A_242, %parallel_loop3A_244 : vector<16xf32>
          %parallel_loop3A_246 = arith.constant 1 : i32
          %parallel_loop3A_247 = arith.index_cast %parallel_loop3A_246 : i32 to index
          %parallel_loop3A_248 = arith.index_cast %parallel_loop3A_196 : i32 to index
          %parallel_loop3A_249 = arith.constant 32 : index
          %parallel_loop3A_250 = tpu.vector_load %arg5[%parallel_loop3A_247, %parallel_loop3A_248, %parallel_loop3A_249] {strides = array<i32>} : memref<2x32x128xf32, #tpu.memory_space<vmem>>, vector<16xf32>,
          tpu.vector_store %arg5[%parallel_loop3A_247, %parallel_loop3A_248, %parallel_loop3A_249], %parallel_loop3A_245 {strides = array<i32>} : memref<2x32x128xf32, #tpu.memory_space<vmem>>, vector<16xf32>,
          %parallel_loop3A_251 = arith.addi %parallel_loop3A_202, %add3A_48 : vector<16xi32>
          %parallel_loop3A_252 = arith.constant 1 : i32
          %parallel_loop3A_253 = arith.constant 0 : i32
          %parallel_loop3A_254 = arith.constant 0 : i32
          %parallel_loop3A_255 = arith.constant 0 : i32
          %parallel_loop3A_256 = tpu.memref_slice %arg4[%parallel_loop3A_252, %parallel_loop3A_253, %parallel_loop3A_254, %parallel_loop3A_255] : memref<2x4x8x129xf32, #tpu.memory_space<vmem>> -> memref<1x4x8x129xf32, #tpu.memory_space<vmem>>
          %parallel_loop3A_257 = tpu.memref_squeeze %parallel_loop3A_256 : memref<1x4x8x129xf32, #tpu.memory_space<vmem>> -> memref<4x8x129xf32, #tpu.memory_space<vmem>>
          %parallel_loop3A_258 = tpu.vector_load_idx %parallel_loop3A_257[%shift_right_logical3A_30, %and3A_39, %parallel_loop3A_251] : memref<4x8x129xf32, #tpu.memory_space<vmem>>[vector<16xi32>, vector<16xi32>, vector<16xi32>], vector<16xf32>,
          %parallel_loop3A_259 = arith.constant 5.65685415 : f32
          %parallel_loop3A_260 = vector.broadcast %parallel_loop3A_259 : f32 to vector<16xf32>
          %parallel_loop3A_261 = arith.mulf %parallel_loop3A_258, %parallel_loop3A_260 : vector<16xf32>
          %parallel_loop3A_262 = arith.constant 1 : i32
          %parallel_loop3A_263 = arith.index_cast %parallel_loop3A_262 : i32 to index
          %parallel_loop3A_264 = arith.index_cast %parallel_loop3A_196 : i32 to index
          %parallel_loop3A_265 = arith.constant 48 : index
          %parallel_loop3A_266 = tpu.vector_load %arg5[%parallel_loop3A_263, %parallel_loop3A_264, %parallel_loop3A_265] {strides = array<i32>} : memref<2x32x128xf32, #tpu.memory_space<vmem>>, vector<16xf32>,
          tpu.vector_store %arg5[%parallel_loop3A_263, %parallel_loop3A_264, %parallel_loop3A_265], %parallel_loop3A_261 {strides = array<i32>} : memref<2x32x128xf32, #tpu.memory_space<vmem>>, vector<16xf32>,
          %parallel_loop3A_267 = arith.addi %parallel_loop3A_202, %add3A_53 : vector<16xi32>
          %parallel_loop3A_268 = arith.constant 1 : i32
          %parallel_loop3A_269 = arith.constant 0 : i32
          %parallel_loop3A_270 = arith.constant 0 : i32
          %parallel_loop3A_271 = arith.constant 0 : i32
          %parallel_loop3A_272 = tpu.memref_slice %arg4[%parallel_loop3A_268, %parallel_loop3A_269, %parallel_loop3A_270, %parallel_loop3A_271] : memref<2x4x8x129xf32, #tpu.memory_space<vmem>> -> memref<1x4x8x129xf32, #tpu.memory_space<vmem>>
          %parallel_loop3A_273 = tpu.memref_squeeze %parallel_loop3A_272 : memref<1x4x8x129xf32, #tpu.memory_space<vmem>> -> memref<4x8x129xf32, #tpu.memory_space<vmem>>
          %parallel_loop3A_274 = tpu.vector_load_idx %parallel_loop3A_273[%shift_right_logical3A_24, %and3A_33, %parallel_loop3A_267] : memref<4x8x129xf32, #tpu.memory_space<vmem>>[vector<16xi32>, vector<16xi32>, vector<16xi32>], vector<16xf32>,
          %parallel_loop3A_275 = arith.constant 5.65685415 : f32
          %parallel_loop3A_276 = vector.broadcast %parallel_loop3A_275 : f32 to vector<16xf32>
          %parallel_loop3A_277 = arith.mulf %parallel_loop3A_274, %parallel_loop3A_276 : vector<16xf32>
          %parallel_loop3A_278 = arith.constant 1 : i32
          %parallel_loop3A_279 = arith.index_cast %parallel_loop3A_278 : i32 to index
          %parallel_loop3A_280 = arith.index_cast %parallel_loop3A_196 : i32 to index
          %parallel_loop3A_281 = arith.constant 64 : index
          %parallel_loop3A_282 = tpu.vector_load %arg5[%parallel_loop3A_279, %parallel_loop3A_280, %parallel_loop3A_281] {strides = array<i32>} : memref<2x32x128xf32, #tpu.memory_space<vmem>>, vector<16xf32>,
          tpu.vector_store %arg5[%parallel_loop3A_279, %parallel_loop3A_280, %parallel_loop3A_281], %parallel_loop3A_277 {strides = array<i32>} : memref<2x32x128xf32, #tpu.memory_space<vmem>>, vector<16xf32>,
          %parallel_loop3A_283 = arith.addi %parallel_loop3A_202, %add3A_53 : vector<16xi32>
          %parallel_loop3A_284 = arith.constant 1 : i32
          %parallel_loop3A_285 = arith.constant 0 : i32
          %parallel_loop3A_286 = arith.constant 0 : i32
          %parallel_loop3A_287 = arith.constant 0 : i32
          %parallel_loop3A_288 = tpu.memref_slice %arg4[%parallel_loop3A_284, %parallel_loop3A_285, %parallel_loop3A_286, %parallel_loop3A_287] : memref<2x4x8x129xf32, #tpu.memory_space<vmem>> -> memref<1x4x8x129xf32, #tpu.memory_space<vmem>>
          %parallel_loop3A_289 = tpu.memref_squeeze %parallel_loop3A_288 : memref<1x4x8x129xf32, #tpu.memory_space<vmem>> -> memref<4x8x129xf32, #tpu.memory_space<vmem>>
          %parallel_loop3A_290 = tpu.vector_load_idx %parallel_loop3A_289[%shift_right_logical3A_30, %and3A_39, %parallel_loop3A_283] : memref<4x8x129xf32, #tpu.memory_space<vmem>>[vector<16xi32>, vector<16xi32>, vector<16xi32>], vector<16xf32>,
          %parallel_loop3A_291 = arith.constant 5.65685415 : f32
          %parallel_loop3A_292 = vector.broadcast %parallel_loop3A_291 : f32 to vector<16xf32>
          %parallel_loop3A_293 = arith.mulf %parallel_loop3A_290, %parallel_loop3A_292 : vector<16xf32>
          %parallel_loop3A_294 = arith.constant 1 : i32
          %parallel_loop3A_295 = arith.index_cast %parallel_loop3A_294 : i32 to index
          %parallel_loop3A_296 = arith.index_cast %parallel_loop3A_196 : i32 to index
          %parallel_loop3A_297 = arith.constant 80 : index
          %parallel_loop3A_298 = tpu.vector_load %arg5[%parallel_loop3A_295, %parallel_loop3A_296, %parallel_loop3A_297] {strides = array<i32>} : memref<2x32x128xf32, #tpu.memory_space<vmem>>, vector<16xf32>,
          tpu.vector_store %arg5[%parallel_loop3A_295, %parallel_loop3A_296, %parallel_loop3A_297], %parallel_loop3A_293 {strides = array<i32>} : memref<2x32x128xf32, #tpu.memory_space<vmem>>, vector<16xf32>,
          %parallel_loop3A_299 = arith.addi %parallel_loop3A_202, %add3A_58 : vector<16xi32>
          %parallel_loop3A_300 = arith.constant 1 : i32
          %parallel_loop3A_301 = arith.constant 0 : i32
          %parallel_loop3A_302 = arith.constant 0 : i32
          %parallel_loop3A_303 = arith.constant 0 : i32
          %parallel_loop3A_304 = tpu.memref_slice %arg4[%parallel_loop3A_300, %parallel_loop3A_301, %parallel_loop3A_302, %parallel_loop3A_303] : memref<2x4x8x129xf32, #tpu.memory_space<vmem>> -> memref<1x4x8x129xf32, #tpu.memory_space<vmem>>
          %parallel_loop3A_305 = tpu.memref_squeeze %parallel_loop3A_304 : memref<1x4x8x129xf32, #tpu.memory_space<vmem>> -> memref<4x8x129xf32, #tpu.memory_space<vmem>>
          %parallel_loop3A_306 = tpu.vector_load_idx %parallel_loop3A_305[%shift_right_logical3A_24, %and3A_33, %parallel_loop3A_299] : memref<4x8x129xf32, #tpu.memory_space<vmem>>[vector<16xi32>, vector<16xi32>, vector<16xi32>], vector<16xf32>,
          %parallel_loop3A_307 = arith.constant 5.65685415 : f32
          %parallel_loop3A_308 = vector.broadcast %parallel_loop3A_307 : f32 to vector<16xf32>
          %parallel_loop3A_309 = arith.mulf %parallel_loop3A_306, %parallel_loop3A_308 : vector<16xf32>
          %parallel_loop3A_310 = arith.constant 1 : i32
          %parallel_loop3A_311 = arith.index_cast %parallel_loop3A_310 : i32 to index
          %parallel_loop3A_312 = arith.index_cast %parallel_loop3A_196 : i32 to index
          %parallel_loop3A_313 = arith.constant 96 : index
          %parallel_loop3A_314 = tpu.vector_load %arg5[%parallel_loop3A_311, %parallel_loop3A_312, %parallel_loop3A_313] {strides = array<i32>} : memref<2x32x128xf32, #tpu.memory_space<vmem>>, vector<16xf32>,
          tpu.vector_store %arg5[%parallel_loop3A_311, %parallel_loop3A_312, %parallel_loop3A_313], %parallel_loop3A_309 {strides = array<i32>} : memref<2x32x128xf32, #tpu.memory_space<vmem>>, vector<16xf32>,
          %parallel_loop3A_315 = arith.addi %parallel_loop3A_202, %add3A_58 : vector<16xi32>
          %parallel_loop3A_316 = arith.constant 1 : i32
          %parallel_loop3A_317 = arith.constant 0 : i32
          %parallel_loop3A_318 = arith.constant 0 : i32
          %parallel_loop3A_319 = arith.constant 0 : i32
          %parallel_loop3A_320 = tpu.memref_slice %arg4[%parallel_loop3A_316, %parallel_loop3A_317, %parallel_loop3A_318, %parallel_loop3A_319] : memref<2x4x8x129xf32, #tpu.memory_space<vmem>> -> memref<1x4x8x129xf32, #tpu.memory_space<vmem>>
          %parallel_loop3A_321 = tpu.memref_squeeze %parallel_loop3A_320 : memref<1x4x8x129xf32, #tpu.memory_space<vmem>> -> memref<4x8x129xf32, #tpu.memory_space<vmem>>
          %parallel_loop3A_322 = tpu.vector_load_idx %parallel_loop3A_321[%shift_right_logical3A_30, %and3A_39, %parallel_loop3A_315] : memref<4x8x129xf32, #tpu.memory_space<vmem>>[vector<16xi32>, vector<16xi32>, vector<16xi32>], vector<16xf32>,
          %parallel_loop3A_323 = arith.constant 5.65685415 : f32
          %parallel_loop3A_324 = vector.broadcast %parallel_loop3A_323 : f32 to vector<16xf32>
          %parallel_loop3A_325 = arith.mulf %parallel_loop3A_322, %parallel_loop3A_324 : vector<16xf32>
          %parallel_loop3A_326 = arith.constant 1 : i32
          %parallel_loop3A_327 = arith.index_cast %parallel_loop3A_326 : i32 to index
          %parallel_loop3A_328 = arith.index_cast %parallel_loop3A_196 : i32 to index
          %parallel_loop3A_329 = arith.constant 112 : index
          %parallel_loop3A_330 = tpu.vector_load %arg5[%parallel_loop3A_327, %parallel_loop3A_328, %parallel_loop3A_329] {strides = array<i32>} : memref<2x32x128xf32, #tpu.memory_space<vmem>>, vector<16xf32>,
          tpu.vector_store %arg5[%parallel_loop3A_327, %parallel_loop3A_328, %parallel_loop3A_329], %parallel_loop3A_325 {strides = array<i32>} : memref<2x32x128xf32, #tpu.memory_space<vmem>>, vector<16xf32>,
        } {sc.loop_unroll_factor = 4 : i64, sc.parallel_access}
        %mul3A_182 = arith.constant 32 : i32
        %mul3A_183 = arith.muli %add3A_93, %mul3A_182 : i32
        %dma_start3A = arith.constant 1 : i32
        %dma_start3A_184 = arith.constant 0 : i32
        %dma_start3A_185 = arith.constant 0 : i32
        %dma_start3A_186 = tpu.memref_slice %arg5[%dma_start3A, %dma_start3A_184, %dma_start3A_185] : memref<2x32x128xf32, #tpu.memory_space<vmem>> -> memref<1x32x128xf32, #tpu.memory_space<vmem>>
        %dma_start3A_187 = tpu.memref_squeeze %dma_start3A_186 : memref<1x32x128xf32, #tpu.memory_space<vmem>> -> memref<32x128xf32, #tpu.memory_space<vmem>>
        %dma_start3A_188 = arith.constant 0 : i32
        %dma_start3A_189 = tpu.memref_slice %arg3[%mul3A_183, %dma_start3A_188] : memref<250000x128xf32, #tpu.memory_space<hbm>> -> memref<32x128xf32, #tpu.memory_space<hbm>>
        %dma_start3A_190 = arith.constant 0 : i32
        %dma_start3A_191 = tpu.memref_slice %arg3[%mul3A_183, %dma_start3A_190] : memref<250000x128xf32, #tpu.memory_space<hbm>> -> memref<32x128xf32, #tpu.memory_space<hbm>>
        %dma_start3A_192 = arith.constant 0 : i32
        %dma_start3A_193 = arith.constant 0 : i32
        %dma_start3A_194 = tpu.memref_slice %arg5[%dma_start3A, %dma_start3A_192, %dma_start3A_193] : memref<2x32x128xf32, #tpu.memory_space<vmem>> -> memref<1x32x128xf32, #tpu.memory_space<vmem>>
        %dma_start3A_195 = tpu.memref_squeeze %dma_start3A_194 : memref<1x32x128xf32, #tpu.memory_space<vmem>> -> memref<32x128xf32, #tpu.memory_space<vmem>>
        tpu.enqueue_dma source(%dma_start3A_195 : memref<32x128xf32, #tpu.memory_space<vmem>>) target(%dma_start3A_191 : memref<32x128xf32, #tpu.memory_space<hbm>>) target_semaphore(%arg9 : memref<!tpu.dma_semaphore, #tpu.memory_space<semaphore_mem>>)
      } else {
      }
    }
    %while3A_78 = arith.constant 1 : i32
    scf.for %while3A_88 = %while3A_76 to %while3A_72 step %while3A_78  : i32 {
      %mul3A_89 = arith.muli %while3A_88, %while3A : i32
      %add3A_90 = arith.addi %while3A_69, %mul3A_89 : i32
      %mul3A_91 = arith.constant 32 : i32
      %mul3A_92 = arith.muli %add3A_90, %mul3A_91 : i32
      %add3A_93 = arith.addi %add3A, %mul3A_92 : i32
      %rem3A_94 = arith.constant 2 : i32
      %rem3A_95 = arith.remsi %add3A_90, %rem3A_94 : i32
      %eq3A = arith.constant 0 : i32
      %eq3A_96 = arith.cmpi eq, %rem3A_95, %eq3A : i32
      %convert_element_type3A_97 = arith.extui %eq3A_96 : i1 to i32
      %cond3A_98 = arith.constant 0 : i32
      %cond3A_99 = arith.cmpi ne, %convert_element_type3A_97, %cond3A_98 : i32
      scf.if %cond3A_99 {
        %add3A_107 = arith.constant 1 : i32
        %add3A_108 = arith.addi %add3A_90, %add3A_107 : i32
        %lt3A = arith.cmpi slt, %add3A_108, %select_n3A : i32
        %convert_element_type3A_109 = arith.extui %lt3A : i1 to i32
        %cond3A_110 = arith.constant 0 : i32
        %cond3A_111 = arith.cmpi ne, %convert_element_type3A_109, %cond3A_110 : i32
        scf.if %cond3A_111 {
          %add3A_196 = arith.constant 32 : i32
          %add3A_197 = arith.addi %add3A_93, %add3A_196 : i32
          %mul3A_198 = arith.constant 128 : i32
          %mul3A_199 = arith.muli %add3A_197, %mul3A_198 : i32
          %dma_start3A_200 = arith.constant 1 : i32
          %dma_start3A_201 = arith.constant 0 : i32
          %dma_start3A_202 = arith.constant 0 : i32
          %dma_start3A_203 = arith.constant 0 : i32
          %dma_start3A_204 = tpu.memref_slice %arg4[%dma_start3A_200, %dma_start3A_201, %dma_start3A_202, %dma_start3A_203] : memref<2x4x8x129xf32, #tpu.memory_space<vmem>> -> memref<1x1x8x128xf32, #tpu.memory_space<vmem>>
          %dma_start3A_205 = tpu.memref_squeeze %dma_start3A_204 : memref<1x1x8x128xf32, #tpu.memory_space<vmem>> -> memref<8x128xf32, #tpu.memory_space<vmem>>
          %dma_start3A_206 = arith.constant 0 : i32
          %dma_start3A_207 = tpu.memref_slice %arg2[%dma_start3A_206, %mul3A_199] : memref<32x1000000xf32, #tpu.memory_space<hbm>> -> memref<8x128xf32, #tpu.memory_space<hbm>>
          %dma_start3A_208 = arith.constant 0 : i32
          %dma_start3A_209 = arith.constant 0 : i32
          %dma_start3A_210 = tpu.memref_slice %arg4[%dma_start3A_200, %dma_start3A_201, %dma_start3A_208, %dma_start3A_209] : memref<2x4x8x129xf32, #tpu.memory_space<vmem>> -> memref<1x1x8x128xf32, #tpu.memory_space<vmem>>
          %dma_start3A_211 = tpu.memref_squeeze %dma_start3A_210 : memref<1x1x8x128xf32, #tpu.memory_space<vmem>> -> memref<8x128xf32, #tpu.memory_space<vmem>>
          %dma_start3A_212 = arith.constant 0 : i32
          %dma_start3A_213 = tpu.memref_slice %arg2[%dma_start3A_212, %mul3A_199] : memref<32x1000000xf32, #tpu.memory_space<hbm>> -> memref<8x128xf32, #tpu.memory_space<hbm>>
          tpu.enqueue_dma source(%dma_start3A_213 : memref<8x128xf32, #tpu.memory_space<hbm>>) target(%dma_start3A_211 : memref<8x128xf32, #tpu.memory_space<vmem>>) target_semaphore(%arg7 : memref<!tpu.dma_semaphore, #tpu.memory_space<semaphore_mem>>)
          %mul3A_214 = arith.constant 128 : i32
          %mul3A_215 = arith.muli %add3A_197, %mul3A_214 : i32
          %dma_start3A_216 = arith.constant 1 : i32
          %dma_start3A_217 = arith.constant 1 : i32
          %dma_start3A_218 = arith.constant 0 : i32
          %dma_start3A_219 = arith.constant 0 : i32
          %dma_start3A_220 = tpu.memref_slice %arg4[%dma_start3A_216, %dma_start3A_217, %dma_start3A_218, %dma_start3A_219] : memref<2x4x8x129xf32, #tpu.memory_space<vmem>> -> memref<1x1x8x128xf32, #tpu.memory_space<vmem>>
          %dma_start3A_221 = tpu.memref_squeeze %dma_start3A_220 : memref<1x1x8x128xf32, #tpu.memory_space<vmem>> -> memref<8x128xf32, #tpu.memory_space<vmem>>
          %dma_start3A_222 = arith.constant 8 : i32
          %dma_start3A_223 = tpu.memref_slice %arg2[%dma_start3A_222, %mul3A_215] : memref<32x1000000xf32, #tpu.memory_space<hbm>> -> memref<8x128xf32, #tpu.memory_space<hbm>>
          %dma_start3A_224 = arith.constant 0 : i32
          %dma_start3A_225 = arith.constant 0 : i32
          %dma_start3A_226 = tpu.memref_slice %arg4[%dma_start3A_216, %dma_start3A_217, %dma_start3A_224, %dma_start3A_225] : memref<2x4x8x129xf32, #tpu.memory_space<vmem>> -> memref<1x1x8x128xf32, #tpu.memory_space<vmem>>
          %dma_start3A_227 = tpu.memref_squeeze %dma_start3A_226 : memref<1x1x8x128xf32, #tpu.memory_space<vmem>> -> memref<8x128xf32, #tpu.memory_space<vmem>>
          %dma_start3A_228 = arith.constant 8 : i32
          %dma_start3A_229 = tpu.memref_slice %arg2[%dma_start3A_228, %mul3A_215] : memref<32x1000000xf32, #tpu.memory_space<hbm>> -> memref<8x128xf32, #tpu.memory_space<hbm>>
          tpu.enqueue_dma source(%dma_start3A_229 : memref<8x128xf32, #tpu.memory_space<hbm>>) target(%dma_start3A_227 : memref<8x128xf32, #tpu.memory_space<vmem>>) target_semaphore(%arg7 : memref<!tpu.dma_semaphore, #tpu.memory_space<semaphore_mem>>)
          %mul3A_230 = arith.constant 128 : i32
          %mul3A_231 = arith.muli %add3A_197, %mul3A_230 : i32
          %dma_start3A_232 = arith.constant 1 : i32
          %dma_start3A_233 = arith.constant 2 : i32
          %dma_start3A_234 = arith.constant 0 : i32
          %dma_start3A_235 = arith.constant 0 : i32
          %dma_start3A_236 = tpu.memref_slice %arg4[%dma_start3A_232, %dma_start3A_233, %dma_start3A_234, %dma_start3A_235] : memref<2x4x8x129xf32, #tpu.memory_space<vmem>> -> memref<1x1x8x128xf32, #tpu.memory_space<vmem>>
          %dma_start3A_237 = tpu.memref_squeeze %dma_start3A_236 : memref<1x1x8x128xf32, #tpu.memory_space<vmem>> -> memref<8x128xf32, #tpu.memory_space<vmem>>
          %dma_start3A_238 = arith.constant 16 : i32
          %dma_start3A_239 = tpu.memref_slice %arg2[%dma_start3A_238, %mul3A_231] : memref<32x1000000xf32, #tpu.memory_space<hbm>> -> memref<8x128xf32, #tpu.memory_space<hbm>>
          %dma_start3A_240 = arith.constant 0 : i32
          %dma_start3A_241 = arith.constant 0 : i32
          %dma_start3A_242 = tpu.memref_slice %arg4[%dma_start3A_232, %dma_start3A_233, %dma_start3A_240, %dma_start3A_241] : memref<2x4x8x129xf32, #tpu.memory_space<vmem>> -> memref<1x1x8x128xf32, #tpu.memory_space<vmem>>
          %dma_start3A_243 = tpu.memref_squeeze %dma_start3A_242 : memref<1x1x8x128xf32, #tpu.memory_space<vmem>> -> memref<8x128xf32, #tpu.memory_space<vmem>>
          %dma_start3A_244 = arith.constant 16 : i32
          %dma_start3A_245 = tpu.memref_slice %arg2[%dma_start3A_244, %mul3A_231] : memref<32x1000000xf32, #tpu.memory_space<hbm>> -> memref<8x128xf32, #tpu.memory_space<hbm>>
          tpu.enqueue_dma source(%dma_start3A_245 : memref<8x128xf32, #tpu.memory_space<hbm>>) target(%dma_start3A_243 : memref<8x128xf32, #tpu.memory_space<vmem>>) target_semaphore(%arg7 : memref<!tpu.dma_semaphore, #tpu.memory_space<semaphore_mem>>)
          %mul3A_246 = arith.constant 128 : i32
          %mul3A_247 = arith.muli %add3A_197, %mul3A_246 : i32
          %dma_start3A_248 = arith.constant 1 : i32
          %dma_start3A_249 = arith.constant 3 : i32
          %dma_start3A_250 = arith.constant 0 : i32
          %dma_start3A_251 = arith.constant 0 : i32
          %dma_start3A_252 = tpu.memref_slice %arg4[%dma_start3A_248, %dma_start3A_249, %dma_start3A_250, %dma_start3A_251] : memref<2x4x8x129xf32, #tpu.memory_space<vmem>> -> memref<1x1x8x128xf32, #tpu.memory_space<vmem>>
          %dma_start3A_253 = tpu.memref_squeeze %dma_start3A_252 : memref<1x1x8x128xf32, #tpu.memory_space<vmem>> -> memref<8x128xf32, #tpu.memory_space<vmem>>
          %dma_start3A_254 = arith.constant 24 : i32
          %dma_start3A_255 = tpu.memref_slice %arg2[%dma_start3A_254, %mul3A_247] : memref<32x1000000xf32, #tpu.memory_space<hbm>> -> memref<8x128xf32, #tpu.memory_space<hbm>>
          %dma_start3A_256 = arith.constant 0 : i32
          %dma_start3A_257 = arith.constant 0 : i32
          %dma_start3A_258 = tpu.memref_slice %arg4[%dma_start3A_248, %dma_start3A_249, %dma_start3A_256, %dma_start3A_257] : memref<2x4x8x129xf32, #tpu.memory_space<vmem>> -> memref<1x1x8x128xf32, #tpu.memory_space<vmem>>
          %dma_start3A_259 = tpu.memref_squeeze %dma_start3A_258 : memref<1x1x8x128xf32, #tpu.memory_space<vmem>> -> memref<8x128xf32, #tpu.memory_space<vmem>>
          %dma_start3A_260 = arith.constant 24 : i32
          %dma_start3A_261 = tpu.memref_slice %arg2[%dma_start3A_260, %mul3A_247] : memref<32x1000000xf32, #tpu.memory_space<hbm>> -> memref<8x128xf32, #tpu.memory_space<hbm>>
          tpu.enqueue_dma source(%dma_start3A_261 : memref<8x128xf32, #tpu.memory_space<hbm>>) target(%dma_start3A_259 : memref<8x128xf32, #tpu.memory_space<vmem>>) target_semaphore(%arg7 : memref<!tpu.dma_semaphore, #tpu.memory_space<semaphore_mem>>)
        } else {
        }
        %mul3A_112 = arith.constant 128 : i32
        %mul3A_113 = arith.muli %add3A_93, %mul3A_112 : i32
        %dma_wait3A = arith.constant 0 : i32
        %dma_wait3A_114 = arith.constant 0 : i32
        %dma_wait3A_115 = arith.constant 0 : i32
        %dma_wait3A_116 = arith.constant 0 : i32
        %dma_wait3A_117 = tpu.memref_slice %arg4[%dma_wait3A, %dma_wait3A_114, %dma_wait3A_115, %dma_wait3A_116] : memref<2x4x8x129xf32, #tpu.memory_space<vmem>> -> memref<1x1x8x128xf32, #tpu.memory_space<vmem>>
        %dma_wait3A_118 = tpu.memref_squeeze %dma_wait3A_117 : memref<1x1x8x128xf32, #tpu.memory_space<vmem>> -> memref<8x128xf32, #tpu.memory_space<vmem>>
        %dma_wait3A_119 = arith.constant 0 : i32
        %dma_wait3A_120 = tpu.memref_slice %arg2[%dma_wait3A_119, %mul3A_113] : memref<32x1000000xf32, #tpu.memory_space<hbm>> -> memref<8x128xf32, #tpu.memory_space<hbm>>
        %dma_wait3A_121 = arith.constant 0 : i32
        %dma_wait3A_122 = arith.constant 0 : i32
        %dma_wait3A_123 = tpu.memref_slice %arg4[%dma_wait3A, %dma_wait3A_114, %dma_wait3A_121, %dma_wait3A_122] : memref<2x4x8x129xf32, #tpu.memory_space<vmem>> -> memref<1x1x8x128xf32, #tpu.memory_space<vmem>>
        %dma_wait3A_124 = tpu.memref_squeeze %dma_wait3A_123 : memref<1x1x8x128xf32, #tpu.memory_space<vmem>> -> memref<8x128xf32, #tpu.memory_space<vmem>>
        %dma_wait3A_125 = arith.constant 0 : i32
        %dma_wait3A_126 = tpu.memref_slice %arg2[%dma_wait3A_125, %mul3A_113] : memref<32x1000000xf32, #tpu.memory_space<hbm>> -> memref<8x128xf32, #tpu.memory_space<hbm>>
        tpu.wait_dma2 semaphore(%arg6 : memref<!tpu.dma_semaphore, #tpu.memory_space<semaphore_mem>>) src(%dma_wait3A_126 : memref<8x128xf32, #tpu.memory_space<hbm>>) dst(%dma_wait3A_124 : memref<8x128xf32, #tpu.memory_space<vmem>>)
        %mul3A_127 = arith.constant 128 : i32
        %mul3A_128 = arith.muli %add3A_93, %mul3A_127 : i32
        %dma_wait3A_129 = arith.constant 0 : i32
        %dma_wait3A_130 = arith.constant 1 : i32
        %dma_wait3A_131 = arith.constant 0 : i32
        %dma_wait3A_132 = arith.constant 0 : i32
        %dma_wait3A_133 = tpu.memref_slice %arg4[%dma_wait3A_129, %dma_wait3A_130, %dma_wait3A_131, %dma_wait3A_132] : memref<2x4x8x129xf32, #tpu.memory_space<vmem>> -> memref<1x1x8x128xf32, #tpu.memory_space<vmem>>
        %dma_wait3A_134 = tpu.memref_squeeze %dma_wait3A_133 : memref<1x1x8x128xf32, #tpu.memory_space<vmem>> -> memref<8x128xf32, #tpu.memory_space<vmem>>
        %dma_wait3A_135 = arith.constant 8 : i32
        %dma_wait3A_136 = tpu.memref_slice %arg2[%dma_wait3A_135, %mul3A_128] : memref<32x1000000xf32, #tpu.memory_space<hbm>> -> memref<8x128xf32, #tpu.memory_space<hbm>>
        %dma_wait3A_137 = arith.constant 0 : i32
        %dma_wait3A_138 = arith.constant 0 : i32
        %dma_wait3A_139 = tpu.memref_slice %arg4[%dma_wait3A_129, %dma_wait3A_130, %dma_wait3A_137, %dma_wait3A_138] : memref<2x4x8x129xf32, #tpu.memory_space<vmem>> -> memref<1x1x8x128xf32, #tpu.memory_space<vmem>>
        %dma_wait3A_140 = tpu.memref_squeeze %dma_wait3A_139 : memref<1x1x8x128xf32, #tpu.memory_space<vmem>> -> memref<8x128xf32, #tpu.memory_space<vmem>>
        %dma_wait3A_141 = arith.constant 8 : i32
        %dma_wait3A_142 = tpu.memref_slice %arg2[%dma_wait3A_141, %mul3A_128] : memref<32x1000000xf32, #tpu.memory_space<hbm>> -> memref<8x128xf32, #tpu.memory_space<hbm>>
        tpu.wait_dma2 semaphore(%arg6 : memref<!tpu.dma_semaphore, #tpu.memory_space<semaphore_mem>>) src(%dma_wait3A_142 : memref<8x128xf32, #tpu.memory_space<hbm>>) dst(%dma_wait3A_140 : memref<8x128xf32, #tpu.memory_space<vmem>>)
        %mul3A_143 = arith.constant 128 : i32
        %mul3A_144 = arith.muli %add3A_93, %mul3A_143 : i32
        %dma_wait3A_145 = arith.constant 0 : i32
        %dma_wait3A_146 = arith.constant 2 : i32
        %dma_wait3A_147 = arith.constant 0 : i32
        %dma_wait3A_148 = arith.constant 0 : i32
        %dma_wait3A_149 = tpu.memref_slice %arg4[%dma_wait3A_145, %dma_wait3A_146, %dma_wait3A_147, %dma_wait3A_148] : memref<2x4x8x129xf32, #tpu.memory_space<vmem>> -> memref<1x1x8x128xf32, #tpu.memory_space<vmem>>
        %dma_wait3A_150 = tpu.memref_squeeze %dma_wait3A_149 : memref<1x1x8x128xf32, #tpu.memory_space<vmem>> -> memref<8x128xf32, #tpu.memory_space<vmem>>
        %dma_wait3A_151 = arith.constant 16 : i32
        %dma_wait3A_152 = tpu.memref_slice %arg2[%dma_wait3A_151, %mul3A_144] : memref<32x1000000xf32, #tpu.memory_space<hbm>> -> memref<8x128xf32, #tpu.memory_space<hbm>>
        %dma_wait3A_153 = arith.constant 0 : i32
        %dma_wait3A_154 = arith.constant 0 : i32
        %dma_wait3A_155 = tpu.memref_slice %arg4[%dma_wait3A_145, %dma_wait3A_146, %dma_wait3A_153, %dma_wait3A_154] : memref<2x4x8x129xf32, #tpu.memory_space<vmem>> -> memref<1x1x8x128xf32, #tpu.memory_space<vmem>>
        %dma_wait3A_156 = tpu.memref_squeeze %dma_wait3A_155 : memref<1x1x8x128xf32, #tpu.memory_space<vmem>> -> memref<8x128xf32, #tpu.memory_space<vmem>>
        %dma_wait3A_157 = arith.constant 16 : i32
        %dma_wait3A_158 = tpu.memref_slice %arg2[%dma_wait3A_157, %mul3A_144] : memref<32x1000000xf32, #tpu.memory_space<hbm>> -> memref<8x128xf32, #tpu.memory_space<hbm>>
        tpu.wait_dma2 semaphore(%arg6 : memref<!tpu.dma_semaphore, #tpu.memory_space<semaphore_mem>>) src(%dma_wait3A_158 : memref<8x128xf32, #tpu.memory_space<hbm>>) dst(%dma_wait3A_156 : memref<8x128xf32, #tpu.memory_space<vmem>>)
        %mul3A_159 = arith.constant 128 : i32
        %mul3A_160 = arith.muli %add3A_93, %mul3A_159 : i32
        %dma_wait3A_161 = arith.constant 0 : i32
        %dma_wait3A_162 = arith.constant 3 : i32
        %dma_wait3A_163 = arith.constant 0 : i32
        %dma_wait3A_164 = arith.constant 0 : i32
        %dma_wait3A_165 = tpu.memref_slice %arg4[%dma_wait3A_161, %dma_wait3A_162, %dma_wait3A_163, %dma_wait3A_164] : memref<2x4x8x129xf32, #tpu.memory_space<vmem>> -> memref<1x1x8x128xf32, #tpu.memory_space<vmem>>
        %dma_wait3A_166 = tpu.memref_squeeze %dma_wait3A_165 : memref<1x1x8x128xf32, #tpu.memory_space<vmem>> -> memref<8x128xf32, #tpu.memory_space<vmem>>
        %dma_wait3A_167 = arith.constant 24 : i32
        %dma_wait3A_168 = tpu.memref_slice %arg2[%dma_wait3A_167, %mul3A_160] : memref<32x1000000xf32, #tpu.memory_space<hbm>> -> memref<8x128xf32, #tpu.memory_space<hbm>>
        %dma_wait3A_169 = arith.constant 0 : i32
        %dma_wait3A_170 = arith.constant 0 : i32
        %dma_wait3A_171 = tpu.memref_slice %arg4[%dma_wait3A_161, %dma_wait3A_162, %dma_wait3A_169, %dma_wait3A_170] : memref<2x4x8x129xf32, #tpu.memory_space<vmem>> -> memref<1x1x8x128xf32, #tpu.memory_space<vmem>>
        %dma_wait3A_172 = tpu.memref_squeeze %dma_wait3A_171 : memref<1x1x8x128xf32, #tpu.memory_space<vmem>> -> memref<8x128xf32, #tpu.memory_space<vmem>>
        %dma_wait3A_173 = arith.constant 24 : i32
        %dma_wait3A_174 = tpu.memref_slice %arg2[%dma_wait3A_173, %mul3A_160] : memref<32x1000000xf32, #tpu.memory_space<hbm>> -> memref<8x128xf32, #tpu.memory_space<hbm>>
        tpu.wait_dma2 semaphore(%arg6 : memref<!tpu.dma_semaphore, #tpu.memory_space<semaphore_mem>>) src(%dma_wait3A_174 : memref<8x128xf32, #tpu.memory_space<hbm>>) dst(%dma_wait3A_172 : memref<8x128xf32, #tpu.memory_space<vmem>>)
        %ge3A_175 = arith.constant 2 : i32
        %ge3A_176 = arith.cmpi sge, %add3A_90, %ge3A_175 : i32
        %convert_element_type3A_177 = arith.extui %ge3A_176 : i1 to i32
        %cond3A_178 = arith.constant 0 : i32
        %cond3A_179 = arith.cmpi ne, %convert_element_type3A_177, %cond3A_178 : i32
        scf.if %cond3A_179 {
          %sub3A_196 = arith.constant 64 : i32
          %sub3A_197 = arith.subi %add3A_93, %sub3A_196 : i32
          %mul3A_198 = arith.constant 32 : i32
          %mul3A_199 = arith.muli %sub3A_197, %mul3A_198 : i32
          %dma_wait3A_200 = arith.constant 0 : i32
          %dma_wait3A_201 = arith.constant 0 : i32
          %dma_wait3A_202 = arith.constant 0 : i32
          %dma_wait3A_203 = tpu.memref_slice %arg5[%dma_wait3A_200, %dma_wait3A_201, %dma_wait3A_202] : memref<2x32x128xf32, #tpu.memory_space<vmem>> -> memref<1x32x128xf32, #tpu.memory_space<vmem>>
          %dma_wait3A_204 = tpu.memref_squeeze %dma_wait3A_203 : memref<1x32x128xf32, #tpu.memory_space<vmem>> -> memref<32x128xf32, #tpu.memory_space<vmem>>
          %dma_wait3A_205 = arith.constant 0 : i32
          %dma_wait3A_206 = tpu.memref_slice %arg3[%mul3A_199, %dma_wait3A_205] : memref<250000x128xf32, #tpu.memory_space<hbm>> -> memref<32x128xf32, #tpu.memory_space<hbm>>
          %dma_wait3A_207 = arith.constant 0 : i32
          %dma_wait3A_208 = tpu.memref_slice %arg3[%mul3A_199, %dma_wait3A_207] : memref<250000x128xf32, #tpu.memory_space<hbm>> -> memref<32x128xf32, #tpu.memory_space<hbm>>
          %dma_wait3A_209 = arith.constant 0 : i32
          %dma_wait3A_210 = arith.constant 0 : i32
          %dma_wait3A_211 = tpu.memref_slice %arg5[%dma_wait3A_200, %dma_wait3A_209, %dma_wait3A_210] : memref<2x32x128xf32, #tpu.memory_space<vmem>> -> memref<1x32x128xf32, #tpu.memory_space<vmem>>
          %dma_wait3A_212 = tpu.memref_squeeze %dma_wait3A_211 : memref<1x32x128xf32, #tpu.memory_space<vmem>> -> memref<32x128xf32, #tpu.memory_space<vmem>>
          tpu.wait_dma2 semaphore(%arg8 : memref<!tpu.dma_semaphore, #tpu.memory_space<semaphore_mem>>) src(%dma_wait3A_212 : memref<32x128xf32, #tpu.memory_space<vmem>>) dst(%dma_wait3A_208 : memref<32x128xf32, #tpu.memory_space<hbm>>)
        } else {
        }
        %parallel_loop3A = arith.constant 0 : i32
        %parallel_loop3A_180 = arith.constant 32 : i32
        %parallel_loop3A_181 = arith.constant 1 : i32
        scf.for %parallel_loop3A_196 = %parallel_loop3A to %parallel_loop3A_180 step %parallel_loop3A_181  : i32 {
          %parallel_loop3A_197 = arith.constant 0 : i32
          %parallel_loop3A_198 = vector.broadcast %parallel_loop3A_197 : i32 to vector<16xi32>
          %parallel_loop3A_199 = arith.constant 4 : i32
          %parallel_loop3A_200 = arith.muli %parallel_loop3A_199, %parallel_loop3A_196 : i32
          %parallel_loop3A_201 = vector.broadcast %parallel_loop3A_200 : i32 to vector<16xi32>
          %parallel_loop3A_202 = arith.addi %parallel_loop3A_198, %parallel_loop3A_201 : vector<16xi32>
          %parallel_loop3A_203 = arith.addi %parallel_loop3A_202, %add3A_43 : vector<16xi32>
          %parallel_loop3A_204 = arith.constant 0 : i32
          %parallel_loop3A_205 = arith.constant 0 : i32
          %parallel_loop3A_206 = arith.constant 0 : i32
          %parallel_loop3A_207 = arith.constant 0 : i32
          %parallel_loop3A_208 = tpu.memref_slice %arg4[%parallel_loop3A_204, %parallel_loop3A_205, %parallel_loop3A_206, %parallel_loop3A_207] : memref<2x4x8x129xf32, #tpu.memory_space<vmem>> -> memref<1x4x8x129xf32, #tpu.memory_space<vmem>>
          %parallel_loop3A_209 = tpu.memref_squeeze %parallel_loop3A_208 : memref<1x4x8x129xf32, #tpu.memory_space<vmem>> -> memref<4x8x129xf32, #tpu.memory_space<vmem>>
          %parallel_loop3A_210 = tpu.vector_load_idx %parallel_loop3A_209[%shift_right_logical3A_24, %and3A_33, %parallel_loop3A_203] : memref<4x8x129xf32, #tpu.memory_space<vmem>>[vector<16xi32>, vector<16xi32>, vector<16xi32>], vector<16xf32>,
          %parallel_loop3A_211 = arith.constant 5.65685415 : f32
          %parallel_loop3A_212 = vector.broadcast %parallel_loop3A_211 : f32 to vector<16xf32>
          %parallel_loop3A_213 = arith.mulf %parallel_loop3A_210, %parallel_loop3A_212 : vector<16xf32>
          %parallel_loop3A_214 = arith.constant 0 : i32
          %parallel_loop3A_215 = arith.index_cast %parallel_loop3A_214 : i32 to index
          %parallel_loop3A_216 = arith.index_cast %parallel_loop3A_196 : i32 to index
          %parallel_loop3A_217 = arith.constant 0 : index
          %parallel_loop3A_218 = tpu.vector_load %arg5[%parallel_loop3A_215, %parallel_loop3A_216, %parallel_loop3A_217] {strides = array<i32>} : memref<2x32x128xf32, #tpu.memory_space<vmem>>, vector<16xf32>,
          tpu.vector_store %arg5[%parallel_loop3A_215, %parallel_loop3A_216, %parallel_loop3A_217], %parallel_loop3A_213 {strides = array<i32>} : memref<2x32x128xf32, #tpu.memory_space<vmem>>, vector<16xf32>,
          %parallel_loop3A_219 = arith.addi %parallel_loop3A_202, %add3A_43 : vector<16xi32>
          %parallel_loop3A_220 = arith.constant 0 : i32
          %parallel_loop3A_221 = arith.constant 0 : i32
          %parallel_loop3A_222 = arith.constant 0 : i32
          %parallel_loop3A_223 = arith.constant 0 : i32
          %parallel_loop3A_224 = tpu.memref_slice %arg4[%parallel_loop3A_220, %parallel_loop3A_221, %parallel_loop3A_222, %parallel_loop3A_223] : memref<2x4x8x129xf32, #tpu.memory_space<vmem>> -> memref<1x4x8x129xf32, #tpu.memory_space<vmem>>
          %parallel_loop3A_225 = tpu.memref_squeeze %parallel_loop3A_224 : memref<1x4x8x129xf32, #tpu.memory_space<vmem>> -> memref<4x8x129xf32, #tpu.memory_space<vmem>>
          %parallel_loop3A_226 = tpu.vector_load_idx %parallel_loop3A_225[%shift_right_logical3A_30, %and3A_39, %parallel_loop3A_219] : memref<4x8x129xf32, #tpu.memory_space<vmem>>[vector<16xi32>, vector<16xi32>, vector<16xi32>], vector<16xf32>,
          %parallel_loop3A_227 = arith.constant 5.65685415 : f32
          %parallel_loop3A_228 = vector.broadcast %parallel_loop3A_227 : f32 to vector<16xf32>
          %parallel_loop3A_229 = arith.mulf %parallel_loop3A_226, %parallel_loop3A_228 : vector<16xf32>
          %parallel_loop3A_230 = arith.constant 0 : i32
          %parallel_loop3A_231 = arith.index_cast %parallel_loop3A_230 : i32 to index
          %parallel_loop3A_232 = arith.index_cast %parallel_loop3A_196 : i32 to index
          %parallel_loop3A_233 = arith.constant 16 : index
          %parallel_loop3A_234 = tpu.vector_load %arg5[%parallel_loop3A_231, %parallel_loop3A_232, %parallel_loop3A_233] {strides = array<i32>} : memref<2x32x128xf32, #tpu.memory_space<vmem>>, vector<16xf32>,
          tpu.vector_store %arg5[%parallel_loop3A_231, %parallel_loop3A_232, %parallel_loop3A_233], %parallel_loop3A_229 {strides = array<i32>} : memref<2x32x128xf32, #tpu.memory_space<vmem>>, vector<16xf32>,
          %parallel_loop3A_235 = arith.addi %parallel_loop3A_202, %add3A_48 : vector<16xi32>
          %parallel_loop3A_236 = arith.constant 0 : i32
          %parallel_loop3A_237 = arith.constant 0 : i32
          %parallel_loop3A_238 = arith.constant 0 : i32
          %parallel_loop3A_239 = arith.constant 0 : i32
          %parallel_loop3A_240 = tpu.memref_slice %arg4[%parallel_loop3A_236, %parallel_loop3A_237, %parallel_loop3A_238, %parallel_loop3A_239] : memref<2x4x8x129xf32, #tpu.memory_space<vmem>> -> memref<1x4x8x129xf32, #tpu.memory_space<vmem>>
          %parallel_loop3A_241 = tpu.memref_squeeze %parallel_loop3A_240 : memref<1x4x8x129xf32, #tpu.memory_space<vmem>> -> memref<4x8x129xf32, #tpu.memory_space<vmem>>
          %parallel_loop3A_242 = tpu.vector_load_idx %parallel_loop3A_241[%shift_right_logical3A_24, %and3A_33, %parallel_loop3A_235] : memref<4x8x129xf32, #tpu.memory_space<vmem>>[vector<16xi32>, vector<16xi32>, vector<16xi32>], vector<16xf32>,
          %parallel_loop3A_243 = arith.constant 5.65685415 : f32
          %parallel_loop3A_244 = vector.broadcast %parallel_loop3A_243 : f32 to vector<16xf32>
          %parallel_loop3A_245 = arith.mulf %parallel_loop3A_242, %parallel_loop3A_244 : vector<16xf32>
          %parallel_loop3A_246 = arith.constant 0 : i32
          %parallel_loop3A_247 = arith.index_cast %parallel_loop3A_246 : i32 to index
          %parallel_loop3A_248 = arith.index_cast %parallel_loop3A_196 : i32 to index
          %parallel_loop3A_249 = arith.constant 32 : index
          %parallel_loop3A_250 = tpu.vector_load %arg5[%parallel_loop3A_247, %parallel_loop3A_248, %parallel_loop3A_249] {strides = array<i32>} : memref<2x32x128xf32, #tpu.memory_space<vmem>>, vector<16xf32>,
          tpu.vector_store %arg5[%parallel_loop3A_247, %parallel_loop3A_248, %parallel_loop3A_249], %parallel_loop3A_245 {strides = array<i32>} : memref<2x32x128xf32, #tpu.memory_space<vmem>>, vector<16xf32>,
          %parallel_loop3A_251 = arith.addi %parallel_loop3A_202, %add3A_48 : vector<16xi32>
          %parallel_loop3A_252 = arith.constant 0 : i32
          %parallel_loop3A_253 = arith.constant 0 : i32
          %parallel_loop3A_254 = arith.constant 0 : i32
          %parallel_loop3A_255 = arith.constant 0 : i32
          %parallel_loop3A_256 = tpu.memref_slice %arg4[%parallel_loop3A_252, %parallel_loop3A_253, %parallel_loop3A_254, %parallel_loop3A_255] : memref<2x4x8x129xf32, #tpu.memory_space<vmem>> -> memref<1x4x8x129xf32, #tpu.memory_space<vmem>>
          %parallel_loop3A_257 = tpu.memref_squeeze %parallel_loop3A_256 : memref<1x4x8x129xf32, #tpu.memory_space<vmem>> -> memref<4x8x129xf32, #tpu.memory_space<vmem>>
          %parallel_loop3A_258 = tpu.vector_load_idx %parallel_loop3A_257[%shift_right_logical3A_30, %and3A_39, %parallel_loop3A_251] : memref<4x8x129xf32, #tpu.memory_space<vmem>>[vector<16xi32>, vector<16xi32>, vector<16xi32>], vector<16xf32>,
          %parallel_loop3A_259 = arith.constant 5.65685415 : f32
          %parallel_loop3A_260 = vector.broadcast %parallel_loop3A_259 : f32 to vector<16xf32>
          %parallel_loop3A_261 = arith.mulf %parallel_loop3A_258, %parallel_loop3A_260 : vector<16xf32>
          %parallel_loop3A_262 = arith.constant 0 : i32
          %parallel_loop3A_263 = arith.index_cast %parallel_loop3A_262 : i32 to index
          %parallel_loop3A_264 = arith.index_cast %parallel_loop3A_196 : i32 to index
          %parallel_loop3A_265 = arith.constant 48 : index
          %parallel_loop3A_266 = tpu.vector_load %arg5[%parallel_loop3A_263, %parallel_loop3A_264, %parallel_loop3A_265] {strides = array<i32>} : memref<2x32x128xf32, #tpu.memory_space<vmem>>, vector<16xf32>,
          tpu.vector_store %arg5[%parallel_loop3A_263, %parallel_loop3A_264, %parallel_loop3A_265], %parallel_loop3A_261 {strides = array<i32>} : memref<2x32x128xf32, #tpu.memory_space<vmem>>, vector<16xf32>,
          %parallel_loop3A_267 = arith.addi %parallel_loop3A_202, %add3A_53 : vector<16xi32>
          %parallel_loop3A_268 = arith.constant 0 : i32
          %parallel_loop3A_269 = arith.constant 0 : i32
          %parallel_loop3A_270 = arith.constant 0 : i32
          %parallel_loop3A_271 = arith.constant 0 : i32
          %parallel_loop3A_272 = tpu.memref_slice %arg4[%parallel_loop3A_268, %parallel_loop3A_269, %parallel_loop3A_270, %parallel_loop3A_271] : memref<2x4x8x129xf32, #tpu.memory_space<vmem>> -> memref<1x4x8x129xf32, #tpu.memory_space<vmem>>
          %parallel_loop3A_273 = tpu.memref_squeeze %parallel_loop3A_272 : memref<1x4x8x129xf32, #tpu.memory_space<vmem>> -> memref<4x8x129xf32, #tpu.memory_space<vmem>>
          %parallel_loop3A_274 = tpu.vector_load_idx %parallel_loop3A_273[%shift_right_logical3A_24, %and3A_33, %parallel_loop3A_267] : memref<4x8x129xf32, #tpu.memory_space<vmem>>[vector<16xi32>, vector<16xi32>, vector<16xi32>], vector<16xf32>,
          %parallel_loop3A_275 = arith.constant 5.65685415 : f32
          %parallel_loop3A_276 = vector.broadcast %parallel_loop3A_275 : f32 to vector<16xf32>
          %parallel_loop3A_277 = arith.mulf %parallel_loop3A_274, %parallel_loop3A_276 : vector<16xf32>
          %parallel_loop3A_278 = arith.constant 0 : i32
          %parallel_loop3A_279 = arith.index_cast %parallel_loop3A_278 : i32 to index
          %parallel_loop3A_280 = arith.index_cast %parallel_loop3A_196 : i32 to index
          %parallel_loop3A_281 = arith.constant 64 : index
          %parallel_loop3A_282 = tpu.vector_load %arg5[%parallel_loop3A_279, %parallel_loop3A_280, %parallel_loop3A_281] {strides = array<i32>} : memref<2x32x128xf32, #tpu.memory_space<vmem>>, vector<16xf32>,
          tpu.vector_store %arg5[%parallel_loop3A_279, %parallel_loop3A_280, %parallel_loop3A_281], %parallel_loop3A_277 {strides = array<i32>} : memref<2x32x128xf32, #tpu.memory_space<vmem>>, vector<16xf32>,
          %parallel_loop3A_283 = arith.addi %parallel_loop3A_202, %add3A_53 : vector<16xi32>
          %parallel_loop3A_284 = arith.constant 0 : i32
          %parallel_loop3A_285 = arith.constant 0 : i32
          %parallel_loop3A_286 = arith.constant 0 : i32
          %parallel_loop3A_287 = arith.constant 0 : i32
          %parallel_loop3A_288 = tpu.memref_slice %arg4[%parallel_loop3A_284, %parallel_loop3A_285, %parallel_loop3A_286, %parallel_loop3A_287] : memref<2x4x8x129xf32, #tpu.memory_space<vmem>> -> memref<1x4x8x129xf32, #tpu.memory_space<vmem>>
          %parallel_loop3A_289 = tpu.memref_squeeze %parallel_loop3A_288 : memref<1x4x8x129xf32, #tpu.memory_space<vmem>> -> memref<4x8x129xf32, #tpu.memory_space<vmem>>
          %parallel_loop3A_290 = tpu.vector_load_idx %parallel_loop3A_289[%shift_right_logical3A_30, %and3A_39, %parallel_loop3A_283] : memref<4x8x129xf32, #tpu.memory_space<vmem>>[vector<16xi32>, vector<16xi32>, vector<16xi32>], vector<16xf32>,
          %parallel_loop3A_291 = arith.constant 5.65685415 : f32
          %parallel_loop3A_292 = vector.broadcast %parallel_loop3A_291 : f32 to vector<16xf32>
          %parallel_loop3A_293 = arith.mulf %parallel_loop3A_290, %parallel_loop3A_292 : vector<16xf32>
          %parallel_loop3A_294 = arith.constant 0 : i32
          %parallel_loop3A_295 = arith.index_cast %parallel_loop3A_294 : i32 to index
          %parallel_loop3A_296 = arith.index_cast %parallel_loop3A_196 : i32 to index
          %parallel_loop3A_297 = arith.constant 80 : index
          %parallel_loop3A_298 = tpu.vector_load %arg5[%parallel_loop3A_295, %parallel_loop3A_296, %parallel_loop3A_297] {strides = array<i32>} : memref<2x32x128xf32, #tpu.memory_space<vmem>>, vector<16xf32>,
          tpu.vector_store %arg5[%parallel_loop3A_295, %parallel_loop3A_296, %parallel_loop3A_297], %parallel_loop3A_293 {strides = array<i32>} : memref<2x32x128xf32, #tpu.memory_space<vmem>>, vector<16xf32>,
          %parallel_loop3A_299 = arith.addi %parallel_loop3A_202, %add3A_58 : vector<16xi32>
          %parallel_loop3A_300 = arith.constant 0 : i32
          %parallel_loop3A_301 = arith.constant 0 : i32
          %parallel_loop3A_302 = arith.constant 0 : i32
          %parallel_loop3A_303 = arith.constant 0 : i32
          %parallel_loop3A_304 = tpu.memref_slice %arg4[%parallel_loop3A_300, %parallel_loop3A_301, %parallel_loop3A_302, %parallel_loop3A_303] : memref<2x4x8x129xf32, #tpu.memory_space<vmem>> -> memref<1x4x8x129xf32, #tpu.memory_space<vmem>>
          %parallel_loop3A_305 = tpu.memref_squeeze %parallel_loop3A_304 : memref<1x4x8x129xf32, #tpu.memory_space<vmem>> -> memref<4x8x129xf32, #tpu.memory_space<vmem>>
          %parallel_loop3A_306 = tpu.vector_load_idx %parallel_loop3A_305[%shift_right_logical3A_24, %and3A_33, %parallel_loop3A_299] : memref<4x8x129xf32, #tpu.memory_space<vmem>>[vector<16xi32>, vector<16xi32>, vector<16xi32>], vector<16xf32>,
          %parallel_loop3A_307 = arith.constant 5.65685415 : f32
          %parallel_loop3A_308 = vector.broadcast %parallel_loop3A_307 : f32 to vector<16xf32>
          %parallel_loop3A_309 = arith.mulf %parallel_loop3A_306, %parallel_loop3A_308 : vector<16xf32>
          %parallel_loop3A_310 = arith.constant 0 : i32
          %parallel_loop3A_311 = arith.index_cast %parallel_loop3A_310 : i32 to index
          %parallel_loop3A_312 = arith.index_cast %parallel_loop3A_196 : i32 to index
          %parallel_loop3A_313 = arith.constant 96 : index
          %parallel_loop3A_314 = tpu.vector_load %arg5[%parallel_loop3A_311, %parallel_loop3A_312, %parallel_loop3A_313] {strides = array<i32>} : memref<2x32x128xf32, #tpu.memory_space<vmem>>, vector<16xf32>,
          tpu.vector_store %arg5[%parallel_loop3A_311, %parallel_loop3A_312, %parallel_loop3A_313], %parallel_loop3A_309 {strides = array<i32>} : memref<2x32x128xf32, #tpu.memory_space<vmem>>, vector<16xf32>,
          %parallel_loop3A_315 = arith.addi %parallel_loop3A_202, %add3A_58 : vector<16xi32>
          %parallel_loop3A_316 = arith.constant 0 : i32
          %parallel_loop3A_317 = arith.constant 0 : i32
          %parallel_loop3A_318 = arith.constant 0 : i32
          %parallel_loop3A_319 = arith.constant 0 : i32
          %parallel_loop3A_320 = tpu.memref_slice %arg4[%parallel_loop3A_316, %parallel_loop3A_317, %parallel_loop3A_318, %parallel_loop3A_319] : memref<2x4x8x129xf32, #tpu.memory_space<vmem>> -> memref<1x4x8x129xf32, #tpu.memory_space<vmem>>
          %parallel_loop3A_321 = tpu.memref_squeeze %parallel_loop3A_320 : memref<1x4x8x129xf32, #tpu.memory_space<vmem>> -> memref<4x8x129xf32, #tpu.memory_space<vmem>>
          %parallel_loop3A_322 = tpu.vector_load_idx %parallel_loop3A_321[%shift_right_logical3A_30, %and3A_39, %parallel_loop3A_315] : memref<4x8x129xf32, #tpu.memory_space<vmem>>[vector<16xi32>, vector<16xi32>, vector<16xi32>], vector<16xf32>,
          %parallel_loop3A_323 = arith.constant 5.65685415 : f32
          %parallel_loop3A_324 = vector.broadcast %parallel_loop3A_323 : f32 to vector<16xf32>
          %parallel_loop3A_325 = arith.mulf %parallel_loop3A_322, %parallel_loop3A_324 : vector<16xf32>
          %parallel_loop3A_326 = arith.constant 0 : i32
          %parallel_loop3A_327 = arith.index_cast %parallel_loop3A_326 : i32 to index
          %parallel_loop3A_328 = arith.index_cast %parallel_loop3A_196 : i32 to index
          %parallel_loop3A_329 = arith.constant 112 : index
          %parallel_loop3A_330 = tpu.vector_load %arg5[%parallel_loop3A_327, %parallel_loop3A_328, %parallel_loop3A_329] {strides = array<i32>} : memref<2x32x128xf32, #tpu.memory_space<vmem>>, vector<16xf32>,
          tpu.vector_store %arg5[%parallel_loop3A_327, %parallel_loop3A_328, %parallel_loop3A_329], %parallel_loop3A_325 {strides = array<i32>} : memref<2x32x128xf32, #tpu.memory_space<vmem>>, vector<16xf32>,
        } {sc.loop_unroll_factor = 4 : i64, sc.parallel_access}
        %mul3A_182 = arith.constant 32 : i32
        %mul3A_183 = arith.muli %add3A_93, %mul3A_182 : i32
        %dma_start3A = arith.constant 0 : i32
        %dma_start3A_184 = arith.constant 0 : i32
        %dma_start3A_185 = arith.constant 0 : i32
        %dma_start3A_186 = tpu.memref_slice %arg5[%dma_start3A, %dma_start3A_184, %dma_start3A_185] : memref<2x32x128xf32, #tpu.memory_space<vmem>> -> memref<1x32x128xf32, #tpu.memory_space<vmem>>
        %dma_start3A_187 = tpu.memref_squeeze %dma_start3A_186 : memref<1x32x128xf32, #tpu.memory_space<vmem>> -> memref<32x128xf32, #tpu.memory_space<vmem>>
        %dma_start3A_188 = arith.constant 0 : i32
        %dma_start3A_189 = tpu.memref_slice %arg3[%mul3A_183, %dma_start3A_188] : memref<250000x128xf32, #tpu.memory_space<hbm>> -> memref<32x128xf32, #tpu.memory_space<hbm>>
        %dma_start3A_190 = arith.constant 0 : i32
        %dma_start3A_191 = tpu.memref_slice %arg3[%mul3A_183, %dma_start3A_190] : memref<250000x128xf32, #tpu.memory_space<hbm>> -> memref<32x128xf32, #tpu.memory_space<hbm>>
        %dma_start3A_192 = arith.constant 0 : i32
        %dma_start3A_193 = arith.constant 0 : i32
        %dma_start3A_194 = tpu.memref_slice %arg5[%dma_start3A, %dma_start3A_192, %dma_start3A_193] : memref<2x32x128xf32, #tpu.memory_space<vmem>> -> memref<1x32x128xf32, #tpu.memory_space<vmem>>
        %dma_start3A_195 = tpu.memref_squeeze %dma_start3A_194 : memref<1x32x128xf32, #tpu.memory_space<vmem>> -> memref<32x128xf32, #tpu.memory_space<vmem>>
        tpu.enqueue_dma source(%dma_start3A_195 : memref<32x128xf32, #tpu.memory_space<vmem>>) target(%dma_start3A_191 : memref<32x128xf32, #tpu.memory_space<hbm>>) target_semaphore(%arg8 : memref<!tpu.dma_semaphore, #tpu.memory_space<semaphore_mem>>)
      } else {
      }
      %rem3A_100 = arith.constant 2 : i32
      %rem3A_101 = arith.remsi %add3A_90, %rem3A_100 : i32
      %eq3A_102 = arith.constant 1 : i32
      %eq3A_103 = arith.cmpi eq, %rem3A_101, %eq3A_102 : i32
      %convert_element_type3A_104 = arith.extui %eq3A_103 : i1 to i32
      %cond3A_105 = arith.constant 0 : i32
      %cond3A_106 = arith.cmpi ne, %convert_element_type3A_104, %cond3A_105 : i32
      scf.if %cond3A_106 {
        %add3A_107 = arith.constant 1 : i32
        %add3A_108 = arith.addi %add3A_90, %add3A_107 : i32
        %lt3A = arith.cmpi slt, %add3A_108, %select_n3A : i32
        %convert_element_type3A_109 = arith.extui %lt3A : i1 to i32
        %cond3A_110 = arith.constant 0 : i32
        %cond3A_111 = arith.cmpi ne, %convert_element_type3A_109, %cond3A_110 : i32
        scf.if %cond3A_111 {
          %add3A_196 = arith.constant 32 : i32
          %add3A_197 = arith.addi %add3A_93, %add3A_196 : i32
          %mul3A_198 = arith.constant 128 : i32
          %mul3A_199 = arith.muli %add3A_197, %mul3A_198 : i32
          %dma_start3A_200 = arith.constant 0 : i32
          %dma_start3A_201 = arith.constant 0 : i32
          %dma_start3A_202 = arith.constant 0 : i32
          %dma_start3A_203 = arith.constant 0 : i32
          %dma_start3A_204 = tpu.memref_slice %arg4[%dma_start3A_200, %dma_start3A_201, %dma_start3A_202, %dma_start3A_203] : memref<2x4x8x129xf32, #tpu.memory_space<vmem>> -> memref<1x1x8x128xf32, #tpu.memory_space<vmem>>
          %dma_start3A_205 = tpu.memref_squeeze %dma_start3A_204 : memref<1x1x8x128xf32, #tpu.memory_space<vmem>> -> memref<8x128xf32, #tpu.memory_space<vmem>>
          %dma_start3A_206 = arith.constant 0 : i32
          %dma_start3A_207 = tpu.memref_slice %arg2[%dma_start3A_206, %mul3A_199] : memref<32x1000000xf32, #tpu.memory_space<hbm>> -> memref<8x128xf32, #tpu.memory_space<hbm>>
          %dma_start3A_208 = arith.constant 0 : i32
          %dma_start3A_209 = arith.constant 0 : i32
          %dma_start3A_210 = tpu.memref_slice %arg4[%dma_start3A_200, %dma_start3A_201, %dma_start3A_208, %dma_start3A_209] : memref<2x4x8x129xf32, #tpu.memory_space<vmem>> -> memref<1x1x8x128xf32, #tpu.memory_space<vmem>>
          %dma_start3A_211 = tpu.memref_squeeze %dma_start3A_210 : memref<1x1x8x128xf32, #tpu.memory_space<vmem>> -> memref<8x128xf32, #tpu.memory_space<vmem>>
          %dma_start3A_212 = arith.constant 0 : i32
          %dma_start3A_213 = tpu.memref_slice %arg2[%dma_start3A_212, %mul3A_199] : memref<32x1000000xf32, #tpu.memory_space<hbm>> -> memref<8x128xf32, #tpu.memory_space<hbm>>
          tpu.enqueue_dma source(%dma_start3A_213 : memref<8x128xf32, #tpu.memory_space<hbm>>) target(%dma_start3A_211 : memref<8x128xf32, #tpu.memory_space<vmem>>) target_semaphore(%arg6 : memref<!tpu.dma_semaphore, #tpu.memory_space<semaphore_mem>>)
          %mul3A_214 = arith.constant 128 : i32
          %mul3A_215 = arith.muli %add3A_197, %mul3A_214 : i32
          %dma_start3A_216 = arith.constant 0 : i32
          %dma_start3A_217 = arith.constant 1 : i32
          %dma_start3A_218 = arith.constant 0 : i32
          %dma_start3A_219 = arith.constant 0 : i32
          %dma_start3A_220 = tpu.memref_slice %arg4[%dma_start3A_216, %dma_start3A_217, %dma_start3A_218, %dma_start3A_219] : memref<2x4x8x129xf32, #tpu.memory_space<vmem>> -> memref<1x1x8x128xf32, #tpu.memory_space<vmem>>
          %dma_start3A_221 = tpu.memref_squeeze %dma_start3A_220 : memref<1x1x8x128xf32, #tpu.memory_space<vmem>> -> memref<8x128xf32, #tpu.memory_space<vmem>>
          %dma_start3A_222 = arith.constant 8 : i32
          %dma_start3A_223 = tpu.memref_slice %arg2[%dma_start3A_222, %mul3A_215] : memref<32x1000000xf32, #tpu.memory_space<hbm>> -> memref<8x128xf32, #tpu.memory_space<hbm>>
          %dma_start3A_224 = arith.constant 0 : i32
          %dma_start3A_225 = arith.constant 0 : i32
          %dma_start3A_226 = tpu.memref_slice %arg4[%dma_start3A_216, %dma_start3A_217, %dma_start3A_224, %dma_start3A_225] : memref<2x4x8x129xf32, #tpu.memory_space<vmem>> -> memref<1x1x8x128xf32, #tpu.memory_space<vmem>>
          %dma_start3A_227 = tpu.memref_squeeze %dma_start3A_226 : memref<1x1x8x128xf32, #tpu.memory_space<vmem>> -> memref<8x128xf32, #tpu.memory_space<vmem>>
          %dma_start3A_228 = arith.constant 8 : i32
          %dma_start3A_229 = tpu.memref_slice %arg2[%dma_start3A_228, %mul3A_215] : memref<32x1000000xf32, #tpu.memory_space<hbm>> -> memref<8x128xf32, #tpu.memory_space<hbm>>
          tpu.enqueue_dma source(%dma_start3A_229 : memref<8x128xf32, #tpu.memory_space<hbm>>) target(%dma_start3A_227 : memref<8x128xf32, #tpu.memory_space<vmem>>) target_semaphore(%arg6 : memref<!tpu.dma_semaphore, #tpu.memory_space<semaphore_mem>>)
          %mul3A_230 = arith.constant 128 : i32
          %mul3A_231 = arith.muli %add3A_197, %mul3A_230 : i32
          %dma_start3A_232 = arith.constant 0 : i32
          %dma_start3A_233 = arith.constant 2 : i32
          %dma_start3A_234 = arith.constant 0 : i32
          %dma_start3A_235 = arith.constant 0 : i32
          %dma_start3A_236 = tpu.memref_slice %arg4[%dma_start3A_232, %dma_start3A_233, %dma_start3A_234, %dma_start3A_235] : memref<2x4x8x129xf32, #tpu.memory_space<vmem>> -> memref<1x1x8x128xf32, #tpu.memory_space<vmem>>
          %dma_start3A_237 = tpu.memref_squeeze %dma_start3A_236 : memref<1x1x8x128xf32, #tpu.memory_space<vmem>> -> memref<8x128xf32, #tpu.memory_space<vmem>>
          %dma_start3A_238 = arith.constant 16 : i32
          %dma_start3A_239 = tpu.memref_slice %arg2[%dma_start3A_238, %mul3A_231] : memref<32x1000000xf32, #tpu.memory_space<hbm>> -> memref<8x128xf32, #tpu.memory_space<hbm>>
          %dma_start3A_240 = arith.constant 0 : i32
          %dma_start3A_241 = arith.constant 0 : i32
          %dma_start3A_242 = tpu.memref_slice %arg4[%dma_start3A_232, %dma_start3A_233, %dma_start3A_240, %dma_start3A_241] : memref<2x4x8x129xf32, #tpu.memory_space<vmem>> -> memref<1x1x8x128xf32, #tpu.memory_space<vmem>>
          %dma_start3A_243 = tpu.memref_squeeze %dma_start3A_242 : memref<1x1x8x128xf32, #tpu.memory_space<vmem>> -> memref<8x128xf32, #tpu.memory_space<vmem>>
          %dma_start3A_244 = arith.constant 16 : i32
          %dma_start3A_245 = tpu.memref_slice %arg2[%dma_start3A_244, %mul3A_231] : memref<32x1000000xf32, #tpu.memory_space<hbm>> -> memref<8x128xf32, #tpu.memory_space<hbm>>
          tpu.enqueue_dma source(%dma_start3A_245 : memref<8x128xf32, #tpu.memory_space<hbm>>) target(%dma_start3A_243 : memref<8x128xf32, #tpu.memory_space<vmem>>) target_semaphore(%arg6 : memref<!tpu.dma_semaphore, #tpu.memory_space<semaphore_mem>>)
          %mul3A_246 = arith.constant 128 : i32
          %mul3A_247 = arith.muli %add3A_197, %mul3A_246 : i32
          %dma_start3A_248 = arith.constant 0 : i32
          %dma_start3A_249 = arith.constant 3 : i32
          %dma_start3A_250 = arith.constant 0 : i32
          %dma_start3A_251 = arith.constant 0 : i32
          %dma_start3A_252 = tpu.memref_slice %arg4[%dma_start3A_248, %dma_start3A_249, %dma_start3A_250, %dma_start3A_251] : memref<2x4x8x129xf32, #tpu.memory_space<vmem>> -> memref<1x1x8x128xf32, #tpu.memory_space<vmem>>
          %dma_start3A_253 = tpu.memref_squeeze %dma_start3A_252 : memref<1x1x8x128xf32, #tpu.memory_space<vmem>> -> memref<8x128xf32, #tpu.memory_space<vmem>>
          %dma_start3A_254 = arith.constant 24 : i32
          %dma_start3A_255 = tpu.memref_slice %arg2[%dma_start3A_254, %mul3A_247] : memref<32x1000000xf32, #tpu.memory_space<hbm>> -> memref<8x128xf32, #tpu.memory_space<hbm>>
          %dma_start3A_256 = arith.constant 0 : i32
          %dma_start3A_257 = arith.constant 0 : i32
          %dma_start3A_258 = tpu.memref_slice %arg4[%dma_start3A_248, %dma_start3A_249, %dma_start3A_256, %dma_start3A_257] : memref<2x4x8x129xf32, #tpu.memory_space<vmem>> -> memref<1x1x8x128xf32, #tpu.memory_space<vmem>>
          %dma_start3A_259 = tpu.memref_squeeze %dma_start3A_258 : memref<1x1x8x128xf32, #tpu.memory_space<vmem>> -> memref<8x128xf32, #tpu.memory_space<vmem>>
          %dma_start3A_260 = arith.constant 24 : i32
          %dma_start3A_261 = tpu.memref_slice %arg2[%dma_start3A_260, %mul3A_247] : memref<32x1000000xf32, #tpu.memory_space<hbm>> -> memref<8x128xf32, #tpu.memory_space<hbm>>
          tpu.enqueue_dma source(%dma_start3A_261 : memref<8x128xf32, #tpu.memory_space<hbm>>) target(%dma_start3A_259 : memref<8x128xf32, #tpu.memory_space<vmem>>) target_semaphore(%arg6 : memref<!tpu.dma_semaphore, #tpu.memory_space<semaphore_mem>>)
        } else {
        }
        %mul3A_112 = arith.constant 128 : i32
        %mul3A_113 = arith.muli %add3A_93, %mul3A_112 : i32
        %dma_wait3A = arith.constant 1 : i32
        %dma_wait3A_114 = arith.constant 0 : i32
        %dma_wait3A_115 = arith.constant 0 : i32
        %dma_wait3A_116 = arith.constant 0 : i32
        %dma_wait3A_117 = tpu.memref_slice %arg4[%dma_wait3A, %dma_wait3A_114, %dma_wait3A_115, %dma_wait3A_116] : memref<2x4x8x129xf32, #tpu.memory_space<vmem>> -> memref<1x1x8x128xf32, #tpu.memory_space<vmem>>
        %dma_wait3A_118 = tpu.memref_squeeze %dma_wait3A_117 : memref<1x1x8x128xf32, #tpu.memory_space<vmem>> -> memref<8x128xf32, #tpu.memory_space<vmem>>
        %dma_wait3A_119 = arith.constant 0 : i32
        %dma_wait3A_120 = tpu.memref_slice %arg2[%dma_wait3A_119, %mul3A_113] : memref<32x1000000xf32, #tpu.memory_space<hbm>> -> memref<8x128xf32, #tpu.memory_space<hbm>>
        %dma_wait3A_121 = arith.constant 0 : i32
        %dma_wait3A_122 = arith.constant 0 : i32
        %dma_wait3A_123 = tpu.memref_slice %arg4[%dma_wait3A, %dma_wait3A_114, %dma_wait3A_121, %dma_wait3A_122] : memref<2x4x8x129xf32, #tpu.memory_space<vmem>> -> memref<1x1x8x128xf32, #tpu.memory_space<vmem>>
        %dma_wait3A_124 = tpu.memref_squeeze %dma_wait3A_123 : memref<1x1x8x128xf32, #tpu.memory_space<vmem>> -> memref<8x128xf32, #tpu.memory_space<vmem>>
        %dma_wait3A_125 = arith.constant 0 : i32
        %dma_wait3A_126 = tpu.memref_slice %arg2[%dma_wait3A_125, %mul3A_113] : memref<32x1000000xf32, #tpu.memory_space<hbm>> -> memref<8x128xf32, #tpu.memory_space<hbm>>
        tpu.wait_dma2 semaphore(%arg7 : memref<!tpu.dma_semaphore, #tpu.memory_space<semaphore_mem>>) src(%dma_wait3A_126 : memref<8x128xf32, #tpu.memory_space<hbm>>) dst(%dma_wait3A_124 : memref<8x128xf32, #tpu.memory_space<vmem>>)
        %mul3A_127 = arith.constant 128 : i32
        %mul3A_128 = arith.muli %add3A_93, %mul3A_127 : i32
        %dma_wait3A_129 = arith.constant 1 : i32
        %dma_wait3A_130 = arith.constant 1 : i32
        %dma_wait3A_131 = arith.constant 0 : i32
        %dma_wait3A_132 = arith.constant 0 : i32
        %dma_wait3A_133 = tpu.memref_slice %arg4[%dma_wait3A_129, %dma_wait3A_130, %dma_wait3A_131, %dma_wait3A_132] : memref<2x4x8x129xf32, #tpu.memory_space<vmem>> -> memref<1x1x8x128xf32, #tpu.memory_space<vmem>>
        %dma_wait3A_134 = tpu.memref_squeeze %dma_wait3A_133 : memref<1x1x8x128xf32, #tpu.memory_space<vmem>> -> memref<8x128xf32, #tpu.memory_space<vmem>>
        %dma_wait3A_135 = arith.constant 8 : i32
        %dma_wait3A_136 = tpu.memref_slice %arg2[%dma_wait3A_135, %mul3A_128] : memref<32x1000000xf32, #tpu.memory_space<hbm>> -> memref<8x128xf32, #tpu.memory_space<hbm>>
        %dma_wait3A_137 = arith.constant 0 : i32
        %dma_wait3A_138 = arith.constant 0 : i32
        %dma_wait3A_139 = tpu.memref_slice %arg4[%dma_wait3A_129, %dma_wait3A_130, %dma_wait3A_137, %dma_wait3A_138] : memref<2x4x8x129xf32, #tpu.memory_space<vmem>> -> memref<1x1x8x128xf32, #tpu.memory_space<vmem>>
        %dma_wait3A_140 = tpu.memref_squeeze %dma_wait3A_139 : memref<1x1x8x128xf32, #tpu.memory_space<vmem>> -> memref<8x128xf32, #tpu.memory_space<vmem>>
        %dma_wait3A_141 = arith.constant 8 : i32
        %dma_wait3A_142 = tpu.memref_slice %arg2[%dma_wait3A_141, %mul3A_128] : memref<32x1000000xf32, #tpu.memory_space<hbm>> -> memref<8x128xf32, #tpu.memory_space<hbm>>
        tpu.wait_dma2 semaphore(%arg7 : memref<!tpu.dma_semaphore, #tpu.memory_space<semaphore_mem>>) src(%dma_wait3A_142 : memref<8x128xf32, #tpu.memory_space<hbm>>) dst(%dma_wait3A_140 : memref<8x128xf32, #tpu.memory_space<vmem>>)
        %mul3A_143 = arith.constant 128 : i32
        %mul3A_144 = arith.muli %add3A_93, %mul3A_143 : i32
        %dma_wait3A_145 = arith.constant 1 : i32
        %dma_wait3A_146 = arith.constant 2 : i32
        %dma_wait3A_147 = arith.constant 0 : i32
        %dma_wait3A_148 = arith.constant 0 : i32
        %dma_wait3A_149 = tpu.memref_slice %arg4[%dma_wait3A_145, %dma_wait3A_146, %dma_wait3A_147, %dma_wait3A_148] : memref<2x4x8x129xf32, #tpu.memory_space<vmem>> -> memref<1x1x8x128xf32, #tpu.memory_space<vmem>>
        %dma_wait3A_150 = tpu.memref_squeeze %dma_wait3A_149 : memref<1x1x8x128xf32, #tpu.memory_space<vmem>> -> memref<8x128xf32, #tpu.memory_space<vmem>>
        %dma_wait3A_151 = arith.constant 16 : i32
        %dma_wait3A_152 = tpu.memref_slice %arg2[%dma_wait3A_151, %mul3A_144] : memref<32x1000000xf32, #tpu.memory_space<hbm>> -> memref<8x128xf32, #tpu.memory_space<hbm>>
        %dma_wait3A_153 = arith.constant 0 : i32
        %dma_wait3A_154 = arith.constant 0 : i32
        %dma_wait3A_155 = tpu.memref_slice %arg4[%dma_wait3A_145, %dma_wait3A_146, %dma_wait3A_153, %dma_wait3A_154] : memref<2x4x8x129xf32, #tpu.memory_space<vmem>> -> memref<1x1x8x128xf32, #tpu.memory_space<vmem>>
        %dma_wait3A_156 = tpu.memref_squeeze %dma_wait3A_155 : memref<1x1x8x128xf32, #tpu.memory_space<vmem>> -> memref<8x128xf32, #tpu.memory_space<vmem>>
        %dma_wait3A_157 = arith.constant 16 : i32
        %dma_wait3A_158 = tpu.memref_slice %arg2[%dma_wait3A_157, %mul3A_144] : memref<32x1000000xf32, #tpu.memory_space<hbm>> -> memref<8x128xf32, #tpu.memory_space<hbm>>
        tpu.wait_dma2 semaphore(%arg7 : memref<!tpu.dma_semaphore, #tpu.memory_space<semaphore_mem>>) src(%dma_wait3A_158 : memref<8x128xf32, #tpu.memory_space<hbm>>) dst(%dma_wait3A_156 : memref<8x128xf32, #tpu.memory_space<vmem>>)
        %mul3A_159 = arith.constant 128 : i32
        %mul3A_160 = arith.muli %add3A_93, %mul3A_159 : i32
        %dma_wait3A_161 = arith.constant 1 : i32
        %dma_wait3A_162 = arith.constant 3 : i32
        %dma_wait3A_163 = arith.constant 0 : i32
        %dma_wait3A_164 = arith.constant 0 : i32
        %dma_wait3A_165 = tpu.memref_slice %arg4[%dma_wait3A_161, %dma_wait3A_162, %dma_wait3A_163, %dma_wait3A_164] : memref<2x4x8x129xf32, #tpu.memory_space<vmem>> -> memref<1x1x8x128xf32, #tpu.memory_space<vmem>>
        %dma_wait3A_166 = tpu.memref_squeeze %dma_wait3A_165 : memref<1x1x8x128xf32, #tpu.memory_space<vmem>> -> memref<8x128xf32, #tpu.memory_space<vmem>>
        %dma_wait3A_167 = arith.constant 24 : i32
        %dma_wait3A_168 = tpu.memref_slice %arg2[%dma_wait3A_167, %mul3A_160] : memref<32x1000000xf32, #tpu.memory_space<hbm>> -> memref<8x128xf32, #tpu.memory_space<hbm>>
        %dma_wait3A_169 = arith.constant 0 : i32
        %dma_wait3A_170 = arith.constant 0 : i32
        %dma_wait3A_171 = tpu.memref_slice %arg4[%dma_wait3A_161, %dma_wait3A_162, %dma_wait3A_169, %dma_wait3A_170] : memref<2x4x8x129xf32, #tpu.memory_space<vmem>> -> memref<1x1x8x128xf32, #tpu.memory_space<vmem>>
        %dma_wait3A_172 = tpu.memref_squeeze %dma_wait3A_171 : memref<1x1x8x128xf32, #tpu.memory_space<vmem>> -> memref<8x128xf32, #tpu.memory_space<vmem>>
        %dma_wait3A_173 = arith.constant 24 : i32
        %dma_wait3A_174 = tpu.memref_slice %arg2[%dma_wait3A_173, %mul3A_160] : memref<32x1000000xf32, #tpu.memory_space<hbm>> -> memref<8x128xf32, #tpu.memory_space<hbm>>
        tpu.wait_dma2 semaphore(%arg7 : memref<!tpu.dma_semaphore, #tpu.memory_space<semaphore_mem>>) src(%dma_wait3A_174 : memref<8x128xf32, #tpu.memory_space<hbm>>) dst(%dma_wait3A_172 : memref<8x128xf32, #tpu.memory_space<vmem>>)
        %ge3A_175 = arith.constant 2 : i32
        %ge3A_176 = arith.cmpi sge, %add3A_90, %ge3A_175 : i32
        %convert_element_type3A_177 = arith.extui %ge3A_176 : i1 to i32
        %cond3A_178 = arith.constant 0 : i32
        %cond3A_179 = arith.cmpi ne, %convert_element_type3A_177, %cond3A_178 : i32
        scf.if %cond3A_179 {
          %sub3A_196 = arith.constant 64 : i32
          %sub3A_197 = arith.subi %add3A_93, %sub3A_196 : i32
          %mul3A_198 = arith.constant 32 : i32
          %mul3A_199 = arith.muli %sub3A_197, %mul3A_198 : i32
          %dma_wait3A_200 = arith.constant 1 : i32
          %dma_wait3A_201 = arith.constant 0 : i32
          %dma_wait3A_202 = arith.constant 0 : i32
          %dma_wait3A_203 = tpu.memref_slice %arg5[%dma_wait3A_200, %dma_wait3A_201, %dma_wait3A_202] : memref<2x32x128xf32, #tpu.memory_space<vmem>> -> memref<1x32x128xf32, #tpu.memory_space<vmem>>
          %dma_wait3A_204 = tpu.memref_squeeze %dma_wait3A_203 : memref<1x32x128xf32, #tpu.memory_space<vmem>> -> memref<32x128xf32, #tpu.memory_space<vmem>>
          %dma_wait3A_205 = arith.constant 0 : i32
          %dma_wait3A_206 = tpu.memref_slice %arg3[%mul3A_199, %dma_wait3A_205] : memref<250000x128xf32, #tpu.memory_space<hbm>> -> memref<32x128xf32, #tpu.memory_space<hbm>>
          %dma_wait3A_207 = arith.constant 0 : i32
          %dma_wait3A_208 = tpu.memref_slice %arg3[%mul3A_199, %dma_wait3A_207] : memref<250000x128xf32, #tpu.memory_space<hbm>> -> memref<32x128xf32, #tpu.memory_space<hbm>>
          %dma_wait3A_209 = arith.constant 0 : i32
          %dma_wait3A_210 = arith.constant 0 : i32
          %dma_wait3A_211 = tpu.memref_slice %arg5[%dma_wait3A_200, %dma_wait3A_209, %dma_wait3A_210] : memref<2x32x128xf32, #tpu.memory_space<vmem>> -> memref<1x32x128xf32, #tpu.memory_space<vmem>>
          %dma_wait3A_212 = tpu.memref_squeeze %dma_wait3A_211 : memref<1x32x128xf32, #tpu.memory_space<vmem>> -> memref<32x128xf32, #tpu.memory_space<vmem>>
          tpu.wait_dma2 semaphore(%arg9 : memref<!tpu.dma_semaphore, #tpu.memory_space<semaphore_mem>>) src(%dma_wait3A_212 : memref<32x128xf32, #tpu.memory_space<vmem>>) dst(%dma_wait3A_208 : memref<32x128xf32, #tpu.memory_space<hbm>>)
        } else {
        }
        %parallel_loop3A = arith.constant 0 : i32
        %parallel_loop3A_180 = arith.constant 32 : i32
        %parallel_loop3A_181 = arith.constant 1 : i32
        scf.for %parallel_loop3A_196 = %parallel_loop3A to %parallel_loop3A_180 step %parallel_loop3A_181  : i32 {
          %parallel_loop3A_197 = arith.constant 0 : i32
          %parallel_loop3A_198 = vector.broadcast %parallel_loop3A_197 : i32 to vector<16xi32>
          %parallel_loop3A_199 = arith.constant 4 : i32
          %parallel_loop3A_200 = arith.muli %parallel_loop3A_199, %parallel_loop3A_196 : i32
          %parallel_loop3A_201 = vector.broadcast %parallel_loop3A_200 : i32 to vector<16xi32>
          %parallel_loop3A_202 = arith.addi %parallel_loop3A_198, %parallel_loop3A_201 : vector<16xi32>
          %parallel_loop3A_203 = arith.addi %parallel_loop3A_202, %add3A_43 : vector<16xi32>
          %parallel_loop3A_204 = arith.constant 1 : i32
          %parallel_loop3A_205 = arith.constant 0 : i32
          %parallel_loop3A_206 = arith.constant 0 : i32
          %parallel_loop3A_207 = arith.constant 0 : i32
          %parallel_loop3A_208 = tpu.memref_slice %arg4[%parallel_loop3A_204, %parallel_loop3A_205, %parallel_loop3A_206, %parallel_loop3A_207] : memref<2x4x8x129xf32, #tpu.memory_space<vmem>> -> memref<1x4x8x129xf32, #tpu.memory_space<vmem>>
          %parallel_loop3A_209 = tpu.memref_squeeze %parallel_loop3A_208 : memref<1x4x8x129xf32, #tpu.memory_space<vmem>> -> memref<4x8x129xf32, #tpu.memory_space<vmem>>
          %parallel_loop3A_210 = tpu.vector_load_idx %parallel_loop3A_209[%shift_right_logical3A_24, %and3A_33, %parallel_loop3A_203] : memref<4x8x129xf32, #tpu.memory_space<vmem>>[vector<16xi32>, vector<16xi32>, vector<16xi32>], vector<16xf32>,
          %parallel_loop3A_211 = arith.constant 5.65685415 : f32
          %parallel_loop3A_212 = vector.broadcast %parallel_loop3A_211 : f32 to vector<16xf32>
          %parallel_loop3A_213 = arith.mulf %parallel_loop3A_210, %parallel_loop3A_212 : vector<16xf32>
          %parallel_loop3A_214 = arith.constant 1 : i32
          %parallel_loop3A_215 = arith.index_cast %parallel_loop3A_214 : i32 to index
          %parallel_loop3A_216 = arith.index_cast %parallel_loop3A_196 : i32 to index
          %parallel_loop3A_217 = arith.constant 0 : index
          %parallel_loop3A_218 = tpu.vector_load %arg5[%parallel_loop3A_215, %parallel_loop3A_216, %parallel_loop3A_217] {strides = array<i32>} : memref<2x32x128xf32, #tpu.memory_space<vmem>>, vector<16xf32>,
          tpu.vector_store %arg5[%parallel_loop3A_215, %parallel_loop3A_216, %parallel_loop3A_217], %parallel_loop3A_213 {strides = array<i32>} : memref<2x32x128xf32, #tpu.memory_space<vmem>>, vector<16xf32>,
          %parallel_loop3A_219 = arith.addi %parallel_loop3A_202, %add3A_43 : vector<16xi32>
          %parallel_loop3A_220 = arith.constant 1 : i32
          %parallel_loop3A_221 = arith.constant 0 : i32
          %parallel_loop3A_222 = arith.constant 0 : i32
          %parallel_loop3A_223 = arith.constant 0 : i32
          %parallel_loop3A_224 = tpu.memref_slice %arg4[%parallel_loop3A_220, %parallel_loop3A_221, %parallel_loop3A_222, %parallel_loop3A_223] : memref<2x4x8x129xf32, #tpu.memory_space<vmem>> -> memref<1x4x8x129xf32, #tpu.memory_space<vmem>>
          %parallel_loop3A_225 = tpu.memref_squeeze %parallel_loop3A_224 : memref<1x4x8x129xf32, #tpu.memory_space<vmem>> -> memref<4x8x129xf32, #tpu.memory_space<vmem>>
          %parallel_loop3A_226 = tpu.vector_load_idx %parallel_loop3A_225[%shift_right_logical3A_30, %and3A_39, %parallel_loop3A_219] : memref<4x8x129xf32, #tpu.memory_space<vmem>>[vector<16xi32>, vector<16xi32>, vector<16xi32>], vector<16xf32>,
          %parallel_loop3A_227 = arith.constant 5.65685415 : f32
          %parallel_loop3A_228 = vector.broadcast %parallel_loop3A_227 : f32 to vector<16xf32>
          %parallel_loop3A_229 = arith.mulf %parallel_loop3A_226, %parallel_loop3A_228 : vector<16xf32>
          %parallel_loop3A_230 = arith.constant 1 : i32
          %parallel_loop3A_231 = arith.index_cast %parallel_loop3A_230 : i32 to index
          %parallel_loop3A_232 = arith.index_cast %parallel_loop3A_196 : i32 to index
          %parallel_loop3A_233 = arith.constant 16 : index
          %parallel_loop3A_234 = tpu.vector_load %arg5[%parallel_loop3A_231, %parallel_loop3A_232, %parallel_loop3A_233] {strides = array<i32>} : memref<2x32x128xf32, #tpu.memory_space<vmem>>, vector<16xf32>,
          tpu.vector_store %arg5[%parallel_loop3A_231, %parallel_loop3A_232, %parallel_loop3A_233], %parallel_loop3A_229 {strides = array<i32>} : memref<2x32x128xf32, #tpu.memory_space<vmem>>, vector<16xf32>,
          %parallel_loop3A_235 = arith.addi %parallel_loop3A_202, %add3A_48 : vector<16xi32>
          %parallel_loop3A_236 = arith.constant 1 : i32
          %parallel_loop3A_237 = arith.constant 0 : i32
          %parallel_loop3A_238 = arith.constant 0 : i32
          %parallel_loop3A_239 = arith.constant 0 : i32
          %parallel_loop3A_240 = tpu.memref_slice %arg4[%parallel_loop3A_236, %parallel_loop3A_237, %parallel_loop3A_238, %parallel_loop3A_239] : memref<2x4x8x129xf32, #tpu.memory_space<vmem>> -> memref<1x4x8x129xf32, #tpu.memory_space<vmem>>
          %parallel_loop3A_241 = tpu.memref_squeeze %parallel_loop3A_240 : memref<1x4x8x129xf32, #tpu.memory_space<vmem>> -> memref<4x8x129xf32, #tpu.memory_space<vmem>>
          %parallel_loop3A_242 = tpu.vector_load_idx %parallel_loop3A_241[%shift_right_logical3A_24, %and3A_33, %parallel_loop3A_235] : memref<4x8x129xf32, #tpu.memory_space<vmem>>[vector<16xi32>, vector<16xi32>, vector<16xi32>], vector<16xf32>,
          %parallel_loop3A_243 = arith.constant 5.65685415 : f32
          %parallel_loop3A_244 = vector.broadcast %parallel_loop3A_243 : f32 to vector<16xf32>
          %parallel_loop3A_245 = arith.mulf %parallel_loop3A_242, %parallel_loop3A_244 : vector<16xf32>
          %parallel_loop3A_246 = arith.constant 1 : i32
          %parallel_loop3A_247 = arith.index_cast %parallel_loop3A_246 : i32 to index
          %parallel_loop3A_248 = arith.index_cast %parallel_loop3A_196 : i32 to index
          %parallel_loop3A_249 = arith.constant 32 : index
          %parallel_loop3A_250 = tpu.vector_load %arg5[%parallel_loop3A_247, %parallel_loop3A_248, %parallel_loop3A_249] {strides = array<i32>} : memref<2x32x128xf32, #tpu.memory_space<vmem>>, vector<16xf32>,
          tpu.vector_store %arg5[%parallel_loop3A_247, %parallel_loop3A_248, %parallel_loop3A_249], %parallel_loop3A_245 {strides = array<i32>} : memref<2x32x128xf32, #tpu.memory_space<vmem>>, vector<16xf32>,
          %parallel_loop3A_251 = arith.addi %parallel_loop3A_202, %add3A_48 : vector<16xi32>
          %parallel_loop3A_252 = arith.constant 1 : i32
          %parallel_loop3A_253 = arith.constant 0 : i32
          %parallel_loop3A_254 = arith.constant 0 : i32
          %parallel_loop3A_255 = arith.constant 0 : i32
          %parallel_loop3A_256 = tpu.memref_slice %arg4[%parallel_loop3A_252, %parallel_loop3A_253, %parallel_loop3A_254, %parallel_loop3A_255] : memref<2x4x8x129xf32, #tpu.memory_space<vmem>> -> memref<1x4x8x129xf32, #tpu.memory_space<vmem>>
          %parallel_loop3A_257 = tpu.memref_squeeze %parallel_loop3A_256 : memref<1x4x8x129xf32, #tpu.memory_space<vmem>> -> memref<4x8x129xf32, #tpu.memory_space<vmem>>
          %parallel_loop3A_258 = tpu.vector_load_idx %parallel_loop3A_257[%shift_right_logical3A_30, %and3A_39, %parallel_loop3A_251] : memref<4x8x129xf32, #tpu.memory_space<vmem>>[vector<16xi32>, vector<16xi32>, vector<16xi32>], vector<16xf32>,
          %parallel_loop3A_259 = arith.constant 5.65685415 : f32
          %parallel_loop3A_260 = vector.broadcast %parallel_loop3A_259 : f32 to vector<16xf32>
          %parallel_loop3A_261 = arith.mulf %parallel_loop3A_258, %parallel_loop3A_260 : vector<16xf32>
          %parallel_loop3A_262 = arith.constant 1 : i32
          %parallel_loop3A_263 = arith.index_cast %parallel_loop3A_262 : i32 to index
          %parallel_loop3A_264 = arith.index_cast %parallel_loop3A_196 : i32 to index
          %parallel_loop3A_265 = arith.constant 48 : index
          %parallel_loop3A_266 = tpu.vector_load %arg5[%parallel_loop3A_263, %parallel_loop3A_264, %parallel_loop3A_265] {strides = array<i32>} : memref<2x32x128xf32, #tpu.memory_space<vmem>>, vector<16xf32>,
          tpu.vector_store %arg5[%parallel_loop3A_263, %parallel_loop3A_264, %parallel_loop3A_265], %parallel_loop3A_261 {strides = array<i32>} : memref<2x32x128xf32, #tpu.memory_space<vmem>>, vector<16xf32>,
          %parallel_loop3A_267 = arith.addi %parallel_loop3A_202, %add3A_53 : vector<16xi32>
          %parallel_loop3A_268 = arith.constant 1 : i32
          %parallel_loop3A_269 = arith.constant 0 : i32
          %parallel_loop3A_270 = arith.constant 0 : i32
          %parallel_loop3A_271 = arith.constant 0 : i32
          %parallel_loop3A_272 = tpu.memref_slice %arg4[%parallel_loop3A_268, %parallel_loop3A_269, %parallel_loop3A_270, %parallel_loop3A_271] : memref<2x4x8x129xf32, #tpu.memory_space<vmem>> -> memref<1x4x8x129xf32, #tpu.memory_space<vmem>>
          %parallel_loop3A_273 = tpu.memref_squeeze %parallel_loop3A_272 : memref<1x4x8x129xf32, #tpu.memory_space<vmem>> -> memref<4x8x129xf32, #tpu.memory_space<vmem>>
          %parallel_loop3A_274 = tpu.vector_load_idx %parallel_loop3A_273[%shift_right_logical3A_24, %and3A_33, %parallel_loop3A_267] : memref<4x8x129xf32, #tpu.memory_space<vmem>>[vector<16xi32>, vector<16xi32>, vector<16xi32>], vector<16xf32>,
          %parallel_loop3A_275 = arith.constant 5.65685415 : f32
          %parallel_loop3A_276 = vector.broadcast %parallel_loop3A_275 : f32 to vector<16xf32>
          %parallel_loop3A_277 = arith.mulf %parallel_loop3A_274, %parallel_loop3A_276 : vector<16xf32>
          %parallel_loop3A_278 = arith.constant 1 : i32
          %parallel_loop3A_279 = arith.index_cast %parallel_loop3A_278 : i32 to index
          %parallel_loop3A_280 = arith.index_cast %parallel_loop3A_196 : i32 to index
          %parallel_loop3A_281 = arith.constant 64 : index
          %parallel_loop3A_282 = tpu.vector_load %arg5[%parallel_loop3A_279, %parallel_loop3A_280, %parallel_loop3A_281] {strides = array<i32>} : memref<2x32x128xf32, #tpu.memory_space<vmem>>, vector<16xf32>,
          tpu.vector_store %arg5[%parallel_loop3A_279, %parallel_loop3A_280, %parallel_loop3A_281], %parallel_loop3A_277 {strides = array<i32>} : memref<2x32x128xf32, #tpu.memory_space<vmem>>, vector<16xf32>,
          %parallel_loop3A_283 = arith.addi %parallel_loop3A_202, %add3A_53 : vector<16xi32>
          %parallel_loop3A_284 = arith.constant 1 : i32
          %parallel_loop3A_285 = arith.constant 0 : i32
          %parallel_loop3A_286 = arith.constant 0 : i32
          %parallel_loop3A_287 = arith.constant 0 : i32
          %parallel_loop3A_288 = tpu.memref_slice %arg4[%parallel_loop3A_284, %parallel_loop3A_285, %parallel_loop3A_286, %parallel_loop3A_287] : memref<2x4x8x129xf32, #tpu.memory_space<vmem>> -> memref<1x4x8x129xf32, #tpu.memory_space<vmem>>
          %parallel_loop3A_289 = tpu.memref_squeeze %parallel_loop3A_288 : memref<1x4x8x129xf32, #tpu.memory_space<vmem>> -> memref<4x8x129xf32, #tpu.memory_space<vmem>>
          %parallel_loop3A_290 = tpu.vector_load_idx %parallel_loop3A_289[%shift_right_logical3A_30, %and3A_39, %parallel_loop3A_283] : memref<4x8x129xf32, #tpu.memory_space<vmem>>[vector<16xi32>, vector<16xi32>, vector<16xi32>], vector<16xf32>,
          %parallel_loop3A_291 = arith.constant 5.65685415 : f32
          %parallel_loop3A_292 = vector.broadcast %parallel_loop3A_291 : f32 to vector<16xf32>
          %parallel_loop3A_293 = arith.mulf %parallel_loop3A_290, %parallel_loop3A_292 : vector<16xf32>
          %parallel_loop3A_294 = arith.constant 1 : i32
          %parallel_loop3A_295 = arith.index_cast %parallel_loop3A_294 : i32 to index
          %parallel_loop3A_296 = arith.index_cast %parallel_loop3A_196 : i32 to index
          %parallel_loop3A_297 = arith.constant 80 : index
          %parallel_loop3A_298 = tpu.vector_load %arg5[%parallel_loop3A_295, %parallel_loop3A_296, %parallel_loop3A_297] {strides = array<i32>} : memref<2x32x128xf32, #tpu.memory_space<vmem>>, vector<16xf32>,
          tpu.vector_store %arg5[%parallel_loop3A_295, %parallel_loop3A_296, %parallel_loop3A_297], %parallel_loop3A_293 {strides = array<i32>} : memref<2x32x128xf32, #tpu.memory_space<vmem>>, vector<16xf32>,
          %parallel_loop3A_299 = arith.addi %parallel_loop3A_202, %add3A_58 : vector<16xi32>
          %parallel_loop3A_300 = arith.constant 1 : i32
          %parallel_loop3A_301 = arith.constant 0 : i32
          %parallel_loop3A_302 = arith.constant 0 : i32
          %parallel_loop3A_303 = arith.constant 0 : i32
          %parallel_loop3A_304 = tpu.memref_slice %arg4[%parallel_loop3A_300, %parallel_loop3A_301, %parallel_loop3A_302, %parallel_loop3A_303] : memref<2x4x8x129xf32, #tpu.memory_space<vmem>> -> memref<1x4x8x129xf32, #tpu.memory_space<vmem>>
          %parallel_loop3A_305 = tpu.memref_squeeze %parallel_loop3A_304 : memref<1x4x8x129xf32, #tpu.memory_space<vmem>> -> memref<4x8x129xf32, #tpu.memory_space<vmem>>
          %parallel_loop3A_306 = tpu.vector_load_idx %parallel_loop3A_305[%shift_right_logical3A_24, %and3A_33, %parallel_loop3A_299] : memref<4x8x129xf32, #tpu.memory_space<vmem>>[vector<16xi32>, vector<16xi32>, vector<16xi32>], vector<16xf32>,
          %parallel_loop3A_307 = arith.constant 5.65685415 : f32
          %parallel_loop3A_308 = vector.broadcast %parallel_loop3A_307 : f32 to vector<16xf32>
          %parallel_loop3A_309 = arith.mulf %parallel_loop3A_306, %parallel_loop3A_308 : vector<16xf32>
          %parallel_loop3A_310 = arith.constant 1 : i32
          %parallel_loop3A_311 = arith.index_cast %parallel_loop3A_310 : i32 to index
          %parallel_loop3A_312 = arith.index_cast %parallel_loop3A_196 : i32 to index
          %parallel_loop3A_313 = arith.constant 96 : index
          %parallel_loop3A_314 = tpu.vector_load %arg5[%parallel_loop3A_311, %parallel_loop3A_312, %parallel_loop3A_313] {strides = array<i32>} : memref<2x32x128xf32, #tpu.memory_space<vmem>>, vector<16xf32>,
          tpu.vector_store %arg5[%parallel_loop3A_311, %parallel_loop3A_312, %parallel_loop3A_313], %parallel_loop3A_309 {strides = array<i32>} : memref<2x32x128xf32, #tpu.memory_space<vmem>>, vector<16xf32>,
          %parallel_loop3A_315 = arith.addi %parallel_loop3A_202, %add3A_58 : vector<16xi32>
          %parallel_loop3A_316 = arith.constant 1 : i32
          %parallel_loop3A_317 = arith.constant 0 : i32
          %parallel_loop3A_318 = arith.constant 0 : i32
          %parallel_loop3A_319 = arith.constant 0 : i32
          %parallel_loop3A_320 = tpu.memref_slice %arg4[%parallel_loop3A_316, %parallel_loop3A_317, %parallel_loop3A_318, %parallel_loop3A_319] : memref<2x4x8x129xf32, #tpu.memory_space<vmem>> -> memref<1x4x8x129xf32, #tpu.memory_space<vmem>>
          %parallel_loop3A_321 = tpu.memref_squeeze %parallel_loop3A_320 : memref<1x4x8x129xf32, #tpu.memory_space<vmem>> -> memref<4x8x129xf32, #tpu.memory_space<vmem>>
          %parallel_loop3A_322 = tpu.vector_load_idx %parallel_loop3A_321[%shift_right_logical3A_30, %and3A_39, %parallel_loop3A_315] : memref<4x8x129xf32, #tpu.memory_space<vmem>>[vector<16xi32>, vector<16xi32>, vector<16xi32>], vector<16xf32>,
          %parallel_loop3A_323 = arith.constant 5.65685415 : f32
          %parallel_loop3A_324 = vector.broadcast %parallel_loop3A_323 : f32 to vector<16xf32>
          %parallel_loop3A_325 = arith.mulf %parallel_loop3A_322, %parallel_loop3A_324 : vector<16xf32>
          %parallel_loop3A_326 = arith.constant 1 : i32
          %parallel_loop3A_327 = arith.index_cast %parallel_loop3A_326 : i32 to index
          %parallel_loop3A_328 = arith.index_cast %parallel_loop3A_196 : i32 to index
          %parallel_loop3A_329 = arith.constant 112 : index
          %parallel_loop3A_330 = tpu.vector_load %arg5[%parallel_loop3A_327, %parallel_loop3A_328, %parallel_loop3A_329] {strides = array<i32>} : memref<2x32x128xf32, #tpu.memory_space<vmem>>, vector<16xf32>,
          tpu.vector_store %arg5[%parallel_loop3A_327, %parallel_loop3A_328, %parallel_loop3A_329], %parallel_loop3A_325 {strides = array<i32>} : memref<2x32x128xf32, #tpu.memory_space<vmem>>, vector<16xf32>,
        } {sc.loop_unroll_factor = 4 : i64, sc.parallel_access}
        %mul3A_182 = arith.constant 32 : i32
        %mul3A_183 = arith.muli %add3A_93, %mul3A_182 : i32
        %dma_start3A = arith.constant 1 : i32
        %dma_start3A_184 = arith.constant 0 : i32
        %dma_start3A_185 = arith.constant 0 : i32
        %dma_start3A_186 = tpu.memref_slice %arg5[%dma_start3A, %dma_start3A_184, %dma_start3A_185] : memref<2x32x128xf32, #tpu.memory_space<vmem>> -> memref<1x32x128xf32, #tpu.memory_space<vmem>>
        %dma_start3A_187 = tpu.memref_squeeze %dma_start3A_186 : memref<1x32x128xf32, #tpu.memory_space<vmem>> -> memref<32x128xf32, #tpu.memory_space<vmem>>
        %dma_start3A_188 = arith.constant 0 : i32
        %dma_start3A_189 = tpu.memref_slice %arg3[%mul3A_183, %dma_start3A_188] : memref<250000x128xf32, #tpu.memory_space<hbm>> -> memref<32x128xf32, #tpu.memory_space<hbm>>
        %dma_start3A_190 = arith.constant 0 : i32
        %dma_start3A_191 = tpu.memref_slice %arg3[%mul3A_183, %dma_start3A_190] : memref<250000x128xf32, #tpu.memory_space<hbm>> -> memref<32x128xf32, #tpu.memory_space<hbm>>
        %dma_start3A_192 = arith.constant 0 : i32
        %dma_start3A_193 = arith.constant 0 : i32
        %dma_start3A_194 = tpu.memref_slice %arg5[%dma_start3A, %dma_start3A_192, %dma_start3A_193] : memref<2x32x128xf32, #tpu.memory_space<vmem>> -> memref<1x32x128xf32, #tpu.memory_space<vmem>>
        %dma_start3A_195 = tpu.memref_squeeze %dma_start3A_194 : memref<1x32x128xf32, #tpu.memory_space<vmem>> -> memref<32x128xf32, #tpu.memory_space<vmem>>
        tpu.enqueue_dma source(%dma_start3A_195 : memref<32x128xf32, #tpu.memory_space<vmem>>) target(%dma_start3A_191 : memref<32x128xf32, #tpu.memory_space<hbm>>) target_semaphore(%arg9 : memref<!tpu.dma_semaphore, #tpu.memory_space<semaphore_mem>>)
      } else {
      }
    }
    %ge3A = arith.constant 1 : i32
    %ge3A_79 = arith.cmpi sge, %select_n3A, %ge3A : i32
    %convert_element_type3A_80 = arith.extui %ge3A_79 : i1 to i32
    %cond3A_81 = arith.constant 0 : i32
    %cond3A_82 = arith.cmpi ne, %convert_element_type3A_80, %cond3A_81 : i32
    scf.if %cond3A_82 {
      %sub3A_88 = arith.constant 1 : i32
      %sub3A_89 = arith.subi %select_n3A, %sub3A_88 : i32
      %mul3A_90 = arith.constant 32 : i32
      %mul3A_91 = arith.muli %sub3A_89, %mul3A_90 : i32
      %add3A_92 = arith.addi %add3A, %mul3A_91 : i32
      %rem3A_93 = arith.constant 2 : i32
      %rem3A_94 = arith.remsi %sub3A_89, %rem3A_93 : i32
      %eq3A = arith.constant 0 : i32
      %eq3A_95 = arith.cmpi eq, %rem3A_94, %eq3A : i32
      %convert_element_type3A_96 = arith.extui %eq3A_95 : i1 to i32
      %cond3A_97 = arith.constant 0 : i32
      %cond3A_98 = arith.cmpi ne, %convert_element_type3A_96, %cond3A_97 : i32
      scf.if %cond3A_98 {
        %mul3A_106 = arith.constant 32 : i32
        %mul3A_107 = arith.muli %add3A_92, %mul3A_106 : i32
        %dma_wait3A = arith.constant 0 : i32
        %dma_wait3A_108 = arith.constant 0 : i32
        %dma_wait3A_109 = arith.constant 0 : i32
        %dma_wait3A_110 = tpu.memref_slice %arg5[%dma_wait3A, %dma_wait3A_108, %dma_wait3A_109] : memref<2x32x128xf32, #tpu.memory_space<vmem>> -> memref<1x32x128xf32, #tpu.memory_space<vmem>>
        %dma_wait3A_111 = tpu.memref_squeeze %dma_wait3A_110 : memref<1x32x128xf32, #tpu.memory_space<vmem>> -> memref<32x128xf32, #tpu.memory_space<vmem>>
        %dma_wait3A_112 = arith.constant 0 : i32
        %dma_wait3A_113 = tpu.memref_slice %arg3[%mul3A_107, %dma_wait3A_112] : memref<250000x128xf32, #tpu.memory_space<hbm>> -> memref<32x128xf32, #tpu.memory_space<hbm>>
        %dma_wait3A_114 = arith.constant 0 : i32
        %dma_wait3A_115 = tpu.memref_slice %arg3[%mul3A_107, %dma_wait3A_114] : memref<250000x128xf32, #tpu.memory_space<hbm>> -> memref<32x128xf32, #tpu.memory_space<hbm>>
        %dma_wait3A_116 = arith.constant 0 : i32
        %dma_wait3A_117 = arith.constant 0 : i32
        %dma_wait3A_118 = tpu.memref_slice %arg5[%dma_wait3A, %dma_wait3A_116, %dma_wait3A_117] : memref<2x32x128xf32, #tpu.memory_space<vmem>> -> memref<1x32x128xf32, #tpu.memory_space<vmem>>
        %dma_wait3A_119 = tpu.memref_squeeze %dma_wait3A_118 : memref<1x32x128xf32, #tpu.memory_space<vmem>> -> memref<32x128xf32, #tpu.memory_space<vmem>>
        tpu.wait_dma2 semaphore(%arg8 : memref<!tpu.dma_semaphore, #tpu.memory_space<semaphore_mem>>) src(%dma_wait3A_119 : memref<32x128xf32, #tpu.memory_space<vmem>>) dst(%dma_wait3A_115 : memref<32x128xf32, #tpu.memory_space<hbm>>)
      } else {
      }
      %rem3A_99 = arith.constant 2 : i32
      %rem3A_100 = arith.remsi %sub3A_89, %rem3A_99 : i32
      %eq3A_101 = arith.constant 1 : i32
      %eq3A_102 = arith.cmpi eq, %rem3A_100, %eq3A_101 : i32
      %convert_element_type3A_103 = arith.extui %eq3A_102 : i1 to i32
      %cond3A_104 = arith.constant 0 : i32
      %cond3A_105 = arith.cmpi ne, %convert_element_type3A_103, %cond3A_104 : i32
      scf.if %cond3A_105 {
        %mul3A_106 = arith.constant 32 : i32
        %mul3A_107 = arith.muli %add3A_92, %mul3A_106 : i32
        %dma_wait3A = arith.constant 1 : i32
        %dma_wait3A_108 = arith.constant 0 : i32
        %dma_wait3A_109 = arith.constant 0 : i32
        %dma_wait3A_110 = tpu.memref_slice %arg5[%dma_wait3A, %dma_wait3A_108, %dma_wait3A_109] : memref<2x32x128xf32, #tpu.memory_space<vmem>> -> memref<1x32x128xf32, #tpu.memory_space<vmem>>
        %dma_wait3A_111 = tpu.memref_squeeze %dma_wait3A_110 : memref<1x32x128xf32, #tpu.memory_space<vmem>> -> memref<32x128xf32, #tpu.memory_space<vmem>>
        %dma_wait3A_112 = arith.constant 0 : i32
        %dma_wait3A_113 = tpu.memref_slice %arg3[%mul3A_107, %dma_wait3A_112] : memref<250000x128xf32, #tpu.memory_space<hbm>> -> memref<32x128xf32, #tpu.memory_space<hbm>>
        %dma_wait3A_114 = arith.constant 0 : i32
        %dma_wait3A_115 = tpu.memref_slice %arg3[%mul3A_107, %dma_wait3A_114] : memref<250000x128xf32, #tpu.memory_space<hbm>> -> memref<32x128xf32, #tpu.memory_space<hbm>>
        %dma_wait3A_116 = arith.constant 0 : i32
        %dma_wait3A_117 = arith.constant 0 : i32
        %dma_wait3A_118 = tpu.memref_slice %arg5[%dma_wait3A, %dma_wait3A_116, %dma_wait3A_117] : memref<2x32x128xf32, #tpu.memory_space<vmem>> -> memref<1x32x128xf32, #tpu.memory_space<vmem>>
        %dma_wait3A_119 = tpu.memref_squeeze %dma_wait3A_118 : memref<1x32x128xf32, #tpu.memory_space<vmem>> -> memref<32x128xf32, #tpu.memory_space<vmem>>
        tpu.wait_dma2 semaphore(%arg9 : memref<!tpu.dma_semaphore, #tpu.memory_space<semaphore_mem>>) src(%dma_wait3A_119 : memref<32x128xf32, #tpu.memory_space<vmem>>) dst(%dma_wait3A_115 : memref<32x128xf32, #tpu.memory_space<hbm>>)
      } else {
      }
    } else {
    }
    %ge3A_83 = arith.constant 2 : i32
    %ge3A_84 = arith.cmpi sge, %select_n3A, %ge3A_83 : i32
    %convert_element_type3A_85 = arith.extui %ge3A_84 : i1 to i32
    %cond3A_86 = arith.constant 0 : i32
    %cond3A_87 = arith.cmpi ne, %convert_element_type3A_85, %cond3A_86 : i32
    scf.if %cond3A_87 {
      %sub3A_88 = arith.constant 2 : i32
      %sub3A_89 = arith.subi %select_n3A, %sub3A_88 : i32
      %mul3A_90 = arith.constant 32 : i32
      %mul3A_91 = arith.muli %sub3A_89, %mul3A_90 : i32
      %add3A_92 = arith.addi %add3A, %mul3A_91 : i32
      %rem3A_93 = arith.constant 2 : i32
      %rem3A_94 = arith.remsi %sub3A_89, %rem3A_93 : i32
      %eq3A = arith.constant 0 : i32
      %eq3A_95 = arith.cmpi eq, %rem3A_94, %eq3A : i32
      %convert_element_type3A_96 = arith.extui %eq3A_95 : i1 to i32
      %cond3A_97 = arith.constant 0 : i32
      %cond3A_98 = arith.cmpi ne, %convert_element_type3A_96, %cond3A_97 : i32
      scf.if %cond3A_98 {
        %mul3A_106 = arith.constant 32 : i32
        %mul3A_107 = arith.muli %add3A_92, %mul3A_106 : i32
        %dma_wait3A = arith.constant 0 : i32
        %dma_wait3A_108 = arith.constant 0 : i32
        %dma_wait3A_109 = arith.constant 0 : i32
        %dma_wait3A_110 = tpu.memref_slice %arg5[%dma_wait3A, %dma_wait3A_108, %dma_wait3A_109] : memref<2x32x128xf32, #tpu.memory_space<vmem>> -> memref<1x32x128xf32, #tpu.memory_space<vmem>>
        %dma_wait3A_111 = tpu.memref_squeeze %dma_wait3A_110 : memref<1x32x128xf32, #tpu.memory_space<vmem>> -> memref<32x128xf32, #tpu.memory_space<vmem>>
        %dma_wait3A_112 = arith.constant 0 : i32
        %dma_wait3A_113 = tpu.memref_slice %arg3[%mul3A_107, %dma_wait3A_112] : memref<250000x128xf32, #tpu.memory_space<hbm>> -> memref<32x128xf32, #tpu.memory_space<hbm>>
        %dma_wait3A_114 = arith.constant 0 : i32
        %dma_wait3A_115 = tpu.memref_slice %arg3[%mul3A_107, %dma_wait3A_114] : memref<250000x128xf32, #tpu.memory_space<hbm>> -> memref<32x128xf32, #tpu.memory_space<hbm>>
        %dma_wait3A_116 = arith.constant 0 : i32
        %dma_wait3A_117 = arith.constant 0 : i32
        %dma_wait3A_118 = tpu.memref_slice %arg5[%dma_wait3A, %dma_wait3A_116, %dma_wait3A_117] : memref<2x32x128xf32, #tpu.memory_space<vmem>> -> memref<1x32x128xf32, #tpu.memory_space<vmem>>
        %dma_wait3A_119 = tpu.memref_squeeze %dma_wait3A_118 : memref<1x32x128xf32, #tpu.memory_space<vmem>> -> memref<32x128xf32, #tpu.memory_space<vmem>>
        tpu.wait_dma2 semaphore(%arg8 : memref<!tpu.dma_semaphore, #tpu.memory_space<semaphore_mem>>) src(%dma_wait3A_119 : memref<32x128xf32, #tpu.memory_space<vmem>>) dst(%dma_wait3A_115 : memref<32x128xf32, #tpu.memory_space<hbm>>)
      } else {
      }
      %rem3A_99 = arith.constant 2 : i32
      %rem3A_100 = arith.remsi %sub3A_89, %rem3A_99 : i32
      %eq3A_101 = arith.constant 1 : i32
      %eq3A_102 = arith.cmpi eq, %rem3A_100, %eq3A_101 : i32
      %convert_element_type3A_103 = arith.extui %eq3A_102 : i1 to i32
      %cond3A_104 = arith.constant 0 : i32
      %cond3A_105 = arith.cmpi ne, %convert_element_type3A_103, %cond3A_104 : i32
      scf.if %cond3A_105 {
        %mul3A_106 = arith.constant 32 : i32
        %mul3A_107 = arith.muli %add3A_92, %mul3A_106 : i32
        %dma_wait3A = arith.constant 1 : i32
        %dma_wait3A_108 = arith.constant 0 : i32
        %dma_wait3A_109 = arith.constant 0 : i32
        %dma_wait3A_110 = tpu.memref_slice %arg5[%dma_wait3A, %dma_wait3A_108, %dma_wait3A_109] : memref<2x32x128xf32, #tpu.memory_space<vmem>> -> memref<1x32x128xf32, #tpu.memory_space<vmem>>
        %dma_wait3A_111 = tpu.memref_squeeze %dma_wait3A_110 : memref<1x32x128xf32, #tpu.memory_space<vmem>> -> memref<32x128xf32, #tpu.memory_space<vmem>>
        %dma_wait3A_112 = arith.constant 0 : i32
        %dma_wait3A_113 = tpu.memref_slice %arg3[%mul3A_107, %dma_wait3A_112] : memref<250000x128xf32, #tpu.memory_space<hbm>> -> memref<32x128xf32, #tpu.memory_space<hbm>>
        %dma_wait3A_114 = arith.constant 0 : i32
        %dma_wait3A_115 = tpu.memref_slice %arg3[%mul3A_107, %dma_wait3A_114] : memref<250000x128xf32, #tpu.memory_space<hbm>> -> memref<32x128xf32, #tpu.memory_space<hbm>>
        %dma_wait3A_116 = arith.constant 0 : i32
        %dma_wait3A_117 = arith.constant 0 : i32
        %dma_wait3A_118 = tpu.memref_slice %arg5[%dma_wait3A, %dma_wait3A_116, %dma_wait3A_117] : memref<2x32x128xf32, #tpu.memory_space<vmem>> -> memref<1x32x128xf32, #tpu.memory_space<vmem>>
        %dma_wait3A_119 = tpu.memref_squeeze %dma_wait3A_118 : memref<1x32x128xf32, #tpu.memory_space<vmem>> -> memref<32x128xf32, #tpu.memory_space<vmem>>
        tpu.wait_dma2 semaphore(%arg9 : memref<!tpu.dma_semaphore, #tpu.memory_space<semaphore_mem>>) src(%dma_wait3A_119 : memref<32x128xf32, #tpu.memory_space<vmem>>) dst(%dma_wait3A_115 : memref<32x128xf32, #tpu.memory_space<hbm>>)
      } else {
      }
    } else {
    }
    return
  }
}

#map = affine_map<(d0, d1) -> (0, 0, 0)>
#map1 = affine_map<(d0, d1) -> (0, 0)>
module attributes {stable_mosaic.version = 14 : i64} {
  func.func @body(%arg0: i32, %arg1: i32, %arg2: memref<32x200x128xi32, #tpu.memory_space<hbm>>, %arg3: memref<1000000x32xf32, #tpu.memory_space<hbm>>, %arg4: memref<819200x32xf32, #tpu.memory_space<hbm>>, %arg5: memref<200x128xi32, #tpu.memory_space<vmem>>, %arg6: memref<8x128x32xf32, #tpu.memory_space<vmem>>, %arg7: memref<!tpu.dma_semaphore, #tpu.memory_space<semaphore_mem>>, %arg8: memref<!tpu.dma_semaphore, #tpu.memory_space<semaphore_mem>>, %arg9: memref<!tpu.dma_semaphore, #tpu.memory_space<semaphore_mem>>, %arg10: memref<!tpu.dma_semaphore, #tpu.memory_space<semaphore_mem>>, %arg11: memref<!tpu.dma_semaphore, #tpu.memory_space<semaphore_mem>>, %arg12: memref<!tpu.dma_semaphore, #tpu.memory_space<semaphore_mem>>, %arg13: memref<!tpu.dma_semaphore, #tpu.memory_space<semaphore_mem>>, %arg14: memref<!tpu.dma_semaphore, #tpu.memory_space<semaphore_mem>>, %arg15: memref<!tpu.dma_semaphore, #tpu.memory_space<semaphore_mem>>, %arg16: memref<!tpu.dma_semaphore, #tpu.memory_space<semaphore_mem>>, %arg17: memref<!tpu.dma_semaphore, #tpu.memory_space<semaphore_mem>>, %arg18: memref<!tpu.dma_semaphore, #tpu.memory_space<semaphore_mem>>, %arg19: memref<!tpu.dma_semaphore, #tpu.memory_space<semaphore_mem>>, %arg20: memref<!tpu.dma_semaphore, #tpu.memory_space<semaphore_mem>>, %arg21: memref<!tpu.dma_semaphore, #tpu.memory_space<semaphore_mem>>, %arg22: memref<!tpu.dma_semaphore, #tpu.memory_space<semaphore_mem>>) attributes {dimension_semantics = [#tpu.dimension_semantics<core_parallel>, #tpu.dimension_semantics<subcore_parallel>], iteration_bounds = array<i64: 2, 16>, scalar_prefetch = 0 : i64, scratch_operands = 18 : i64, tpu.core_type = #tpu.core_type<sc_vector_subcore>, window_params = [{transform_indices = #map}, {transform_indices = #map1}, {transform_indices = #map1}]} {
    %mul3A = arith.constant 2 : i32
    %mul3A_0 = arith.muli %arg1, %mul3A : i32
    %add3A = arith.addi %mul3A_0, %arg0 : i32
    %mul3A_1 = arith.constant 25600 : i32
    %mul3A_2 = arith.muli %add3A, %mul3A_1 : i32
    "tpu.region"() ({
      %run_scoped3A = tpu.sem_alloc : memref<!tpu.dma_semaphore, #tpu.memory_space<semaphore_mem>>
      %dma_start3A = arith.constant 0 : i32
      %dma_start3A_126 = arith.constant 0 : i32
      %dma_start3A_127 = tpu.memref_slice %arg2[%add3A, %dma_start3A, %dma_start3A_126] : memref<32x200x128xi32, #tpu.memory_space<hbm>> -> memref<1x200x128xi32, #tpu.memory_space<hbm>>
      %dma_start3A_128 = tpu.memref_squeeze %dma_start3A_127 : memref<1x200x128xi32, #tpu.memory_space<hbm>> -> memref<200x128xi32, #tpu.memory_space<hbm>>
      %dma_start3A_129 = arith.constant 0 : i32
      %dma_start3A_130 = arith.constant 0 : i32
      %dma_start3A_131 = tpu.memref_slice %arg2[%add3A, %dma_start3A_129, %dma_start3A_130] : memref<32x200x128xi32, #tpu.memory_space<hbm>> -> memref<1x200x128xi32, #tpu.memory_space<hbm>>
      %dma_start3A_132 = tpu.memref_squeeze %dma_start3A_131 : memref<1x200x128xi32, #tpu.memory_space<hbm>> -> memref<200x128xi32, #tpu.memory_space<hbm>>
      tpu.enqueue_dma source(%dma_start3A_132 : memref<200x128xi32, #tpu.memory_space<hbm>>) target(%arg5 : memref<200x128xi32, #tpu.memory_space<vmem>>) target_semaphore(%run_scoped3A : memref<!tpu.dma_semaphore, #tpu.memory_space<semaphore_mem>>)
      %dma_wait3A_133 = arith.constant 0 : i32
      %dma_wait3A_134 = arith.constant 0 : i32
      %dma_wait3A_135 = tpu.memref_slice %arg2[%add3A, %dma_wait3A_133, %dma_wait3A_134] : memref<32x200x128xi32, #tpu.memory_space<hbm>> -> memref<1x200x128xi32, #tpu.memory_space<hbm>>
      %dma_wait3A_136 = tpu.memref_squeeze %dma_wait3A_135 : memref<1x200x128xi32, #tpu.memory_space<hbm>> -> memref<200x128xi32, #tpu.memory_space<hbm>>
      %dma_wait3A_137 = arith.constant 0 : i32
      %dma_wait3A_138 = arith.constant 0 : i32
      %dma_wait3A_139 = tpu.memref_slice %arg2[%add3A, %dma_wait3A_137, %dma_wait3A_138] : memref<32x200x128xi32, #tpu.memory_space<hbm>> -> memref<1x200x128xi32, #tpu.memory_space<hbm>>
      %dma_wait3A_140 = tpu.memref_squeeze %dma_wait3A_139 : memref<1x200x128xi32, #tpu.memory_space<hbm>> -> memref<200x128xi32, #tpu.memory_space<hbm>>
      tpu.wait_dma2 semaphore(%run_scoped3A : memref<!tpu.dma_semaphore, #tpu.memory_space<semaphore_mem>>) src(%dma_wait3A_140 : memref<200x128xi32, #tpu.memory_space<hbm>>) dst(%arg5 : memref<200x128xi32, #tpu.memory_space<vmem>>)
      tpu.yield
    }) : () -> ()
    %scan3A = arith.constant 0 : i32
    %scan3A_3 = arith.constant 25 : i32
    %scan3A_4 = arith.addi %scan3A, %scan3A_3 : i32
    %scan3A_5 = arith.constant 1 : i32
    scf.for %scan3A_126 = %scan3A to %scan3A_4 step %scan3A_5  : i32 {
      %mul3A_127 = arith.constant 8 : i32
      %mul3A_128 = arith.muli %scan3A_126, %mul3A_127 : i32
      %add3A_129 = arith.constant 0 : i32
      %add3A_130 = arith.addi %add3A_129, %mul3A_128 : i32
      %gt3A = arith.constant 0 : i32
      %gt3A_131 = arith.cmpi sgt, %add3A_130, %gt3A : i32
      %convert_element_type3A = arith.extui %gt3A_131 : i1 to i32
      %cond3A = arith.constant 0 : i32
      %cond3A_132 = arith.cmpi ne, %convert_element_type3A, %cond3A : i32
      scf.if %cond3A_132 {
        %sub3A = arith.constant 8 : i32
        %sub3A_503 = arith.subi %add3A_130, %sub3A : i32
        %add3A_504 = arith.constant 0 : i32
        %add3A_505 = arith.addi %sub3A_503, %add3A_504 : i32
        %mul3A_506 = arith.constant 128 : i32
        %mul3A_507 = arith.muli %add3A_505, %mul3A_506 : i32
        %add3A_508 = arith.addi %mul3A_2, %mul3A_507 : i32
        %dma_wait3A_509 = arith.constant 0 : i32
        %dma_wait3A_510 = arith.constant 0 : i32
        %dma_wait3A_511 = arith.constant 0 : i32
        %dma_wait3A_512 = tpu.memref_slice %arg6[%dma_wait3A_509, %dma_wait3A_510, %dma_wait3A_511] : memref<8x128x32xf32, #tpu.memory_space<vmem>> -> memref<1x128x32xf32, #tpu.memory_space<vmem>>
        %dma_wait3A_513 = tpu.memref_squeeze %dma_wait3A_512 : memref<1x128x32xf32, #tpu.memory_space<vmem>> -> memref<128x32xf32, #tpu.memory_space<vmem>>
        %dma_wait3A_514 = arith.constant 0 : i32
        %dma_wait3A_515 = tpu.memref_slice %arg4[%add3A_508, %dma_wait3A_514] : memref<819200x32xf32, #tpu.memory_space<hbm>> -> memref<128x32xf32, #tpu.memory_space<hbm>>
        %dma_wait3A_516 = arith.constant 0 : i32
        %dma_wait3A_517 = tpu.memref_slice %arg4[%add3A_508, %dma_wait3A_516] : memref<819200x32xf32, #tpu.memory_space<hbm>> -> memref<128x32xf32, #tpu.memory_space<hbm>>
        %dma_wait3A_518 = arith.constant 0 : i32
        %dma_wait3A_519 = arith.constant 0 : i32
        %dma_wait3A_520 = tpu.memref_slice %arg6[%dma_wait3A_509, %dma_wait3A_518, %dma_wait3A_519] : memref<8x128x32xf32, #tpu.memory_space<vmem>> -> memref<1x128x32xf32, #tpu.memory_space<vmem>>
        %dma_wait3A_521 = tpu.memref_squeeze %dma_wait3A_520 : memref<1x128x32xf32, #tpu.memory_space<vmem>> -> memref<128x32xf32, #tpu.memory_space<vmem>>
        tpu.wait_dma2 semaphore(%arg15 : memref<!tpu.dma_semaphore, #tpu.memory_space<semaphore_mem>>) src(%dma_wait3A_521 : memref<128x32xf32, #tpu.memory_space<vmem>>) dst(%dma_wait3A_517 : memref<128x32xf32, #tpu.memory_space<hbm>>)
      } else {
      }
      %add3A_133 = arith.constant 0 : i32
      %add3A_134 = arith.addi %add3A_130, %add3A_133 : i32
      %dma_start3A = arith.constant 0 : i32
      %dma_start3A_135 = arith.constant 0 : i32
      %dma_start3A_136 = arith.constant 0 : i32
      %dma_start3A_137 = tpu.memref_slice %arg6[%dma_start3A, %dma_start3A_135, %dma_start3A_136] : memref<8x128x32xf32, #tpu.memory_space<vmem>> -> memref<1x128x32xf32, #tpu.memory_space<vmem>>
      %dma_start3A_138 = tpu.memref_squeeze %dma_start3A_137 : memref<1x128x32xf32, #tpu.memory_space<vmem>> -> memref<128x32xf32, #tpu.memory_space<vmem>>
      %dma_start3A_139 = arith.constant 0 : i32
      %dma_start3A_140 = tpu.memref_slice %arg5[%add3A_134, %dma_start3A_139] : memref<200x128xi32, #tpu.memory_space<vmem>> -> memref<1x128xi32, #tpu.memory_space<vmem>>
      %dma_start3A_141 = tpu.memref_squeeze %dma_start3A_140 : memref<1x128xi32, #tpu.memory_space<vmem>> -> memref<128xi32, #tpu.memory_space<vmem>>
      %dma_start3A_142 = arith.constant 0 : i32
      %dma_start3A_143 = arith.constant 0 : i32
      %dma_start3A_144 = tpu.memref_slice %arg3[%dma_start3A_142, %dma_start3A_143] : memref<1000000x32xf32, #tpu.memory_space<hbm>> -> memref<1000000x32xf32, #tpu.memory_space<hbm>>
      tpu.enqueue_indirect_dma source(%dma_start3A_144 : memref<1000000x32xf32, #tpu.memory_space<hbm>>) target(%dma_start3A_138 : memref<128x32xf32, #tpu.memory_space<vmem>>) offsets(%dma_start3A_141 : memref<128xi32, #tpu.memory_space<vmem>>) semaphore(%arg7 : memref<!tpu.dma_semaphore, #tpu.memory_space<semaphore_mem>>)
      %gt3A_145 = arith.constant 0 : i32
      %gt3A_146 = arith.cmpi sgt, %add3A_130, %gt3A_145 : i32
      %convert_element_type3A_147 = arith.extui %gt3A_146 : i1 to i32
      %cond3A_148 = arith.constant 0 : i32
      %cond3A_149 = arith.cmpi ne, %convert_element_type3A_147, %cond3A_148 : i32
      scf.if %cond3A_149 {
        %sub3A = arith.constant 8 : i32
        %sub3A_503 = arith.subi %add3A_130, %sub3A : i32
        %add3A_504 = arith.constant 1 : i32
        %add3A_505 = arith.addi %sub3A_503, %add3A_504 : i32
        %mul3A_506 = arith.constant 128 : i32
        %mul3A_507 = arith.muli %add3A_505, %mul3A_506 : i32
        %add3A_508 = arith.addi %mul3A_2, %mul3A_507 : i32
        %dma_wait3A_509 = arith.constant 1 : i32
        %dma_wait3A_510 = arith.constant 0 : i32
        %dma_wait3A_511 = arith.constant 0 : i32
        %dma_wait3A_512 = tpu.memref_slice %arg6[%dma_wait3A_509, %dma_wait3A_510, %dma_wait3A_511] : memref<8x128x32xf32, #tpu.memory_space<vmem>> -> memref<1x128x32xf32, #tpu.memory_space<vmem>>
        %dma_wait3A_513 = tpu.memref_squeeze %dma_wait3A_512 : memref<1x128x32xf32, #tpu.memory_space<vmem>> -> memref<128x32xf32, #tpu.memory_space<vmem>>
        %dma_wait3A_514 = arith.constant 0 : i32
        %dma_wait3A_515 = tpu.memref_slice %arg4[%add3A_508, %dma_wait3A_514] : memref<819200x32xf32, #tpu.memory_space<hbm>> -> memref<128x32xf32, #tpu.memory_space<hbm>>
        %dma_wait3A_516 = arith.constant 0 : i32
        %dma_wait3A_517 = tpu.memref_slice %arg4[%add3A_508, %dma_wait3A_516] : memref<819200x32xf32, #tpu.memory_space<hbm>> -> memref<128x32xf32, #tpu.memory_space<hbm>>
        %dma_wait3A_518 = arith.constant 0 : i32
        %dma_wait3A_519 = arith.constant 0 : i32
        %dma_wait3A_520 = tpu.memref_slice %arg6[%dma_wait3A_509, %dma_wait3A_518, %dma_wait3A_519] : memref<8x128x32xf32, #tpu.memory_space<vmem>> -> memref<1x128x32xf32, #tpu.memory_space<vmem>>
        %dma_wait3A_521 = tpu.memref_squeeze %dma_wait3A_520 : memref<1x128x32xf32, #tpu.memory_space<vmem>> -> memref<128x32xf32, #tpu.memory_space<vmem>>
        tpu.wait_dma2 semaphore(%arg16 : memref<!tpu.dma_semaphore, #tpu.memory_space<semaphore_mem>>) src(%dma_wait3A_521 : memref<128x32xf32, #tpu.memory_space<vmem>>) dst(%dma_wait3A_517 : memref<128x32xf32, #tpu.memory_space<hbm>>)
      } else {
      }
      %add3A_150 = arith.constant 1 : i32
      %add3A_151 = arith.addi %add3A_130, %add3A_150 : i32
      %dma_start3A_152 = arith.constant 1 : i32
      %dma_start3A_153 = arith.constant 0 : i32
      %dma_start3A_154 = arith.constant 0 : i32
      %dma_start3A_155 = tpu.memref_slice %arg6[%dma_start3A_152, %dma_start3A_153, %dma_start3A_154] : memref<8x128x32xf32, #tpu.memory_space<vmem>> -> memref<1x128x32xf32, #tpu.memory_space<vmem>>
      %dma_start3A_156 = tpu.memref_squeeze %dma_start3A_155 : memref<1x128x32xf32, #tpu.memory_space<vmem>> -> memref<128x32xf32, #tpu.memory_space<vmem>>
      %dma_start3A_157 = arith.constant 0 : i32
      %dma_start3A_158 = tpu.memref_slice %arg5[%add3A_151, %dma_start3A_157] : memref<200x128xi32, #tpu.memory_space<vmem>> -> memref<1x128xi32, #tpu.memory_space<vmem>>
      %dma_start3A_159 = tpu.memref_squeeze %dma_start3A_158 : memref<1x128xi32, #tpu.memory_space<vmem>> -> memref<128xi32, #tpu.memory_space<vmem>>
      %dma_start3A_160 = arith.constant 0 : i32
      %dma_start3A_161 = arith.constant 0 : i32
      %dma_start3A_162 = tpu.memref_slice %arg3[%dma_start3A_160, %dma_start3A_161] : memref<1000000x32xf32, #tpu.memory_space<hbm>> -> memref<1000000x32xf32, #tpu.memory_space<hbm>>
      tpu.enqueue_indirect_dma source(%dma_start3A_162 : memref<1000000x32xf32, #tpu.memory_space<hbm>>) target(%dma_start3A_156 : memref<128x32xf32, #tpu.memory_space<vmem>>) offsets(%dma_start3A_159 : memref<128xi32, #tpu.memory_space<vmem>>) semaphore(%arg8 : memref<!tpu.dma_semaphore, #tpu.memory_space<semaphore_mem>>)
      %gt3A_163 = arith.constant 0 : i32
      %gt3A_164 = arith.cmpi sgt, %add3A_130, %gt3A_163 : i32
      %convert_element_type3A_165 = arith.extui %gt3A_164 : i1 to i32
      %cond3A_166 = arith.constant 0 : i32
      %cond3A_167 = arith.cmpi ne, %convert_element_type3A_165, %cond3A_166 : i32
      scf.if %cond3A_167 {
        %sub3A = arith.constant 8 : i32
        %sub3A_503 = arith.subi %add3A_130, %sub3A : i32
        %add3A_504 = arith.constant 2 : i32
        %add3A_505 = arith.addi %sub3A_503, %add3A_504 : i32
        %mul3A_506 = arith.constant 128 : i32
        %mul3A_507 = arith.muli %add3A_505, %mul3A_506 : i32
        %add3A_508 = arith.addi %mul3A_2, %mul3A_507 : i32
        %dma_wait3A_509 = arith.constant 2 : i32
        %dma_wait3A_510 = arith.constant 0 : i32
        %dma_wait3A_511 = arith.constant 0 : i32
        %dma_wait3A_512 = tpu.memref_slice %arg6[%dma_wait3A_509, %dma_wait3A_510, %dma_wait3A_511] : memref<8x128x32xf32, #tpu.memory_space<vmem>> -> memref<1x128x32xf32, #tpu.memory_space<vmem>>
        %dma_wait3A_513 = tpu.memref_squeeze %dma_wait3A_512 : memref<1x128x32xf32, #tpu.memory_space<vmem>> -> memref<128x32xf32, #tpu.memory_space<vmem>>
        %dma_wait3A_514 = arith.constant 0 : i32
        %dma_wait3A_515 = tpu.memref_slice %arg4[%add3A_508, %dma_wait3A_514] : memref<819200x32xf32, #tpu.memory_space<hbm>> -> memref<128x32xf32, #tpu.memory_space<hbm>>
        %dma_wait3A_516 = arith.constant 0 : i32
        %dma_wait3A_517 = tpu.memref_slice %arg4[%add3A_508, %dma_wait3A_516] : memref<819200x32xf32, #tpu.memory_space<hbm>> -> memref<128x32xf32, #tpu.memory_space<hbm>>
        %dma_wait3A_518 = arith.constant 0 : i32
        %dma_wait3A_519 = arith.constant 0 : i32
        %dma_wait3A_520 = tpu.memref_slice %arg6[%dma_wait3A_509, %dma_wait3A_518, %dma_wait3A_519] : memref<8x128x32xf32, #tpu.memory_space<vmem>> -> memref<1x128x32xf32, #tpu.memory_space<vmem>>
        %dma_wait3A_521 = tpu.memref_squeeze %dma_wait3A_520 : memref<1x128x32xf32, #tpu.memory_space<vmem>> -> memref<128x32xf32, #tpu.memory_space<vmem>>
        tpu.wait_dma2 semaphore(%arg17 : memref<!tpu.dma_semaphore, #tpu.memory_space<semaphore_mem>>) src(%dma_wait3A_521 : memref<128x32xf32, #tpu.memory_space<vmem>>) dst(%dma_wait3A_517 : memref<128x32xf32, #tpu.memory_space<hbm>>)
      } else {
      }
      %add3A_168 = arith.constant 2 : i32
      %add3A_169 = arith.addi %add3A_130, %add3A_168 : i32
      %dma_start3A_170 = arith.constant 2 : i32
      %dma_start3A_171 = arith.constant 0 : i32
      %dma_start3A_172 = arith.constant 0 : i32
      %dma_start3A_173 = tpu.memref_slice %arg6[%dma_start3A_170, %dma_start3A_171, %dma_start3A_172] : memref<8x128x32xf32, #tpu.memory_space<vmem>> -> memref<1x128x32xf32, #tpu.memory_space<vmem>>
      %dma_start3A_174 = tpu.memref_squeeze %dma_start3A_173 : memref<1x128x32xf32, #tpu.memory_space<vmem>> -> memref<128x32xf32, #tpu.memory_space<vmem>>
      %dma_start3A_175 = arith.constant 0 : i32
      %dma_start3A_176 = tpu.memref_slice %arg5[%add3A_169, %dma_start3A_175] : memref<200x128xi32, #tpu.memory_space<vmem>> -> memref<1x128xi32, #tpu.memory_space<vmem>>
      %dma_start3A_177 = tpu.memref_squeeze %dma_start3A_176 : memref<1x128xi32, #tpu.memory_space<vmem>> -> memref<128xi32, #tpu.memory_space<vmem>>
      %dma_start3A_178 = arith.constant 0 : i32
      %dma_start3A_179 = arith.constant 0 : i32
      %dma_start3A_180 = tpu.memref_slice %arg3[%dma_start3A_178, %dma_start3A_179] : memref<1000000x32xf32, #tpu.memory_space<hbm>> -> memref<1000000x32xf32, #tpu.memory_space<hbm>>
      tpu.enqueue_indirect_dma source(%dma_start3A_180 : memref<1000000x32xf32, #tpu.memory_space<hbm>>) target(%dma_start3A_174 : memref<128x32xf32, #tpu.memory_space<vmem>>) offsets(%dma_start3A_177 : memref<128xi32, #tpu.memory_space<vmem>>) semaphore(%arg9 : memref<!tpu.dma_semaphore, #tpu.memory_space<semaphore_mem>>)
      %gt3A_181 = arith.constant 0 : i32
      %gt3A_182 = arith.cmpi sgt, %add3A_130, %gt3A_181 : i32
      %convert_element_type3A_183 = arith.extui %gt3A_182 : i1 to i32
      %cond3A_184 = arith.constant 0 : i32
      %cond3A_185 = arith.cmpi ne, %convert_element_type3A_183, %cond3A_184 : i32
      scf.if %cond3A_185 {
        %sub3A = arith.constant 8 : i32
        %sub3A_503 = arith.subi %add3A_130, %sub3A : i32
        %add3A_504 = arith.constant 3 : i32
        %add3A_505 = arith.addi %sub3A_503, %add3A_504 : i32
        %mul3A_506 = arith.constant 128 : i32
        %mul3A_507 = arith.muli %add3A_505, %mul3A_506 : i32
        %add3A_508 = arith.addi %mul3A_2, %mul3A_507 : i32
        %dma_wait3A_509 = arith.constant 3 : i32
        %dma_wait3A_510 = arith.constant 0 : i32
        %dma_wait3A_511 = arith.constant 0 : i32
        %dma_wait3A_512 = tpu.memref_slice %arg6[%dma_wait3A_509, %dma_wait3A_510, %dma_wait3A_511] : memref<8x128x32xf32, #tpu.memory_space<vmem>> -> memref<1x128x32xf32, #tpu.memory_space<vmem>>
        %dma_wait3A_513 = tpu.memref_squeeze %dma_wait3A_512 : memref<1x128x32xf32, #tpu.memory_space<vmem>> -> memref<128x32xf32, #tpu.memory_space<vmem>>
        %dma_wait3A_514 = arith.constant 0 : i32
        %dma_wait3A_515 = tpu.memref_slice %arg4[%add3A_508, %dma_wait3A_514] : memref<819200x32xf32, #tpu.memory_space<hbm>> -> memref<128x32xf32, #tpu.memory_space<hbm>>
        %dma_wait3A_516 = arith.constant 0 : i32
        %dma_wait3A_517 = tpu.memref_slice %arg4[%add3A_508, %dma_wait3A_516] : memref<819200x32xf32, #tpu.memory_space<hbm>> -> memref<128x32xf32, #tpu.memory_space<hbm>>
        %dma_wait3A_518 = arith.constant 0 : i32
        %dma_wait3A_519 = arith.constant 0 : i32
        %dma_wait3A_520 = tpu.memref_slice %arg6[%dma_wait3A_509, %dma_wait3A_518, %dma_wait3A_519] : memref<8x128x32xf32, #tpu.memory_space<vmem>> -> memref<1x128x32xf32, #tpu.memory_space<vmem>>
        %dma_wait3A_521 = tpu.memref_squeeze %dma_wait3A_520 : memref<1x128x32xf32, #tpu.memory_space<vmem>> -> memref<128x32xf32, #tpu.memory_space<vmem>>
        tpu.wait_dma2 semaphore(%arg18 : memref<!tpu.dma_semaphore, #tpu.memory_space<semaphore_mem>>) src(%dma_wait3A_521 : memref<128x32xf32, #tpu.memory_space<vmem>>) dst(%dma_wait3A_517 : memref<128x32xf32, #tpu.memory_space<hbm>>)
      } else {
      }
      %add3A_186 = arith.constant 3 : i32
      %add3A_187 = arith.addi %add3A_130, %add3A_186 : i32
      %dma_start3A_188 = arith.constant 3 : i32
      %dma_start3A_189 = arith.constant 0 : i32
      %dma_start3A_190 = arith.constant 0 : i32
      %dma_start3A_191 = tpu.memref_slice %arg6[%dma_start3A_188, %dma_start3A_189, %dma_start3A_190] : memref<8x128x32xf32, #tpu.memory_space<vmem>> -> memref<1x128x32xf32, #tpu.memory_space<vmem>>
      %dma_start3A_192 = tpu.memref_squeeze %dma_start3A_191 : memref<1x128x32xf32, #tpu.memory_space<vmem>> -> memref<128x32xf32, #tpu.memory_space<vmem>>
      %dma_start3A_193 = arith.constant 0 : i32
      %dma_start3A_194 = tpu.memref_slice %arg5[%add3A_187, %dma_start3A_193] : memref<200x128xi32, #tpu.memory_space<vmem>> -> memref<1x128xi32, #tpu.memory_space<vmem>>
      %dma_start3A_195 = tpu.memref_squeeze %dma_start3A_194 : memref<1x128xi32, #tpu.memory_space<vmem>> -> memref<128xi32, #tpu.memory_space<vmem>>
      %dma_start3A_196 = arith.constant 0 : i32
      %dma_start3A_197 = arith.constant 0 : i32
      %dma_start3A_198 = tpu.memref_slice %arg3[%dma_start3A_196, %dma_start3A_197] : memref<1000000x32xf32, #tpu.memory_space<hbm>> -> memref<1000000x32xf32, #tpu.memory_space<hbm>>
      tpu.enqueue_indirect_dma source(%dma_start3A_198 : memref<1000000x32xf32, #tpu.memory_space<hbm>>) target(%dma_start3A_192 : memref<128x32xf32, #tpu.memory_space<vmem>>) offsets(%dma_start3A_195 : memref<128xi32, #tpu.memory_space<vmem>>) semaphore(%arg10 : memref<!tpu.dma_semaphore, #tpu.memory_space<semaphore_mem>>)
      %gt3A_199 = arith.constant 0 : i32
      %gt3A_200 = arith.cmpi sgt, %add3A_130, %gt3A_199 : i32
      %convert_element_type3A_201 = arith.extui %gt3A_200 : i1 to i32
      %cond3A_202 = arith.constant 0 : i32
      %cond3A_203 = arith.cmpi ne, %convert_element_type3A_201, %cond3A_202 : i32
      scf.if %cond3A_203 {
        %sub3A = arith.constant 8 : i32
        %sub3A_503 = arith.subi %add3A_130, %sub3A : i32
        %add3A_504 = arith.constant 4 : i32
        %add3A_505 = arith.addi %sub3A_503, %add3A_504 : i32
        %mul3A_506 = arith.constant 128 : i32
        %mul3A_507 = arith.muli %add3A_505, %mul3A_506 : i32
        %add3A_508 = arith.addi %mul3A_2, %mul3A_507 : i32
        %dma_wait3A_509 = arith.constant 4 : i32
        %dma_wait3A_510 = arith.constant 0 : i32
        %dma_wait3A_511 = arith.constant 0 : i32
        %dma_wait3A_512 = tpu.memref_slice %arg6[%dma_wait3A_509, %dma_wait3A_510, %dma_wait3A_511] : memref<8x128x32xf32, #tpu.memory_space<vmem>> -> memref<1x128x32xf32, #tpu.memory_space<vmem>>
        %dma_wait3A_513 = tpu.memref_squeeze %dma_wait3A_512 : memref<1x128x32xf32, #tpu.memory_space<vmem>> -> memref<128x32xf32, #tpu.memory_space<vmem>>
        %dma_wait3A_514 = arith.constant 0 : i32
        %dma_wait3A_515 = tpu.memref_slice %arg4[%add3A_508, %dma_wait3A_514] : memref<819200x32xf32, #tpu.memory_space<hbm>> -> memref<128x32xf32, #tpu.memory_space<hbm>>
        %dma_wait3A_516 = arith.constant 0 : i32
        %dma_wait3A_517 = tpu.memref_slice %arg4[%add3A_508, %dma_wait3A_516] : memref<819200x32xf32, #tpu.memory_space<hbm>> -> memref<128x32xf32, #tpu.memory_space<hbm>>
        %dma_wait3A_518 = arith.constant 0 : i32
        %dma_wait3A_519 = arith.constant 0 : i32
        %dma_wait3A_520 = tpu.memref_slice %arg6[%dma_wait3A_509, %dma_wait3A_518, %dma_wait3A_519] : memref<8x128x32xf32, #tpu.memory_space<vmem>> -> memref<1x128x32xf32, #tpu.memory_space<vmem>>
        %dma_wait3A_521 = tpu.memref_squeeze %dma_wait3A_520 : memref<1x128x32xf32, #tpu.memory_space<vmem>> -> memref<128x32xf32, #tpu.memory_space<vmem>>
        tpu.wait_dma2 semaphore(%arg19 : memref<!tpu.dma_semaphore, #tpu.memory_space<semaphore_mem>>) src(%dma_wait3A_521 : memref<128x32xf32, #tpu.memory_space<vmem>>) dst(%dma_wait3A_517 : memref<128x32xf32, #tpu.memory_space<hbm>>)
      } else {
      }
      %add3A_204 = arith.constant 4 : i32
      %add3A_205 = arith.addi %add3A_130, %add3A_204 : i32
      %dma_start3A_206 = arith.constant 4 : i32
      %dma_start3A_207 = arith.constant 0 : i32
      %dma_start3A_208 = arith.constant 0 : i32
      %dma_start3A_209 = tpu.memref_slice %arg6[%dma_start3A_206, %dma_start3A_207, %dma_start3A_208] : memref<8x128x32xf32, #tpu.memory_space<vmem>> -> memref<1x128x32xf32, #tpu.memory_space<vmem>>
      %dma_start3A_210 = tpu.memref_squeeze %dma_start3A_209 : memref<1x128x32xf32, #tpu.memory_space<vmem>> -> memref<128x32xf32, #tpu.memory_space<vmem>>
      %dma_start3A_211 = arith.constant 0 : i32
      %dma_start3A_212 = tpu.memref_slice %arg5[%add3A_205, %dma_start3A_211] : memref<200x128xi32, #tpu.memory_space<vmem>> -> memref<1x128xi32, #tpu.memory_space<vmem>>
      %dma_start3A_213 = tpu.memref_squeeze %dma_start3A_212 : memref<1x128xi32, #tpu.memory_space<vmem>> -> memref<128xi32, #tpu.memory_space<vmem>>
      %dma_start3A_214 = arith.constant 0 : i32
      %dma_start3A_215 = arith.constant 0 : i32
      %dma_start3A_216 = tpu.memref_slice %arg3[%dma_start3A_214, %dma_start3A_215] : memref<1000000x32xf32, #tpu.memory_space<hbm>> -> memref<1000000x32xf32, #tpu.memory_space<hbm>>
      tpu.enqueue_indirect_dma source(%dma_start3A_216 : memref<1000000x32xf32, #tpu.memory_space<hbm>>) target(%dma_start3A_210 : memref<128x32xf32, #tpu.memory_space<vmem>>) offsets(%dma_start3A_213 : memref<128xi32, #tpu.memory_space<vmem>>) semaphore(%arg11 : memref<!tpu.dma_semaphore, #tpu.memory_space<semaphore_mem>>)
      %gt3A_217 = arith.constant 0 : i32
      %gt3A_218 = arith.cmpi sgt, %add3A_130, %gt3A_217 : i32
      %convert_element_type3A_219 = arith.extui %gt3A_218 : i1 to i32
      %cond3A_220 = arith.constant 0 : i32
      %cond3A_221 = arith.cmpi ne, %convert_element_type3A_219, %cond3A_220 : i32
      scf.if %cond3A_221 {
        %sub3A = arith.constant 8 : i32
        %sub3A_503 = arith.subi %add3A_130, %sub3A : i32
        %add3A_504 = arith.constant 5 : i32
        %add3A_505 = arith.addi %sub3A_503, %add3A_504 : i32
        %mul3A_506 = arith.constant 128 : i32
        %mul3A_507 = arith.muli %add3A_505, %mul3A_506 : i32
        %add3A_508 = arith.addi %mul3A_2, %mul3A_507 : i32
        %dma_wait3A_509 = arith.constant 5 : i32
        %dma_wait3A_510 = arith.constant 0 : i32
        %dma_wait3A_511 = arith.constant 0 : i32
        %dma_wait3A_512 = tpu.memref_slice %arg6[%dma_wait3A_509, %dma_wait3A_510, %dma_wait3A_511] : memref<8x128x32xf32, #tpu.memory_space<vmem>> -> memref<1x128x32xf32, #tpu.memory_space<vmem>>
        %dma_wait3A_513 = tpu.memref_squeeze %dma_wait3A_512 : memref<1x128x32xf32, #tpu.memory_space<vmem>> -> memref<128x32xf32, #tpu.memory_space<vmem>>
        %dma_wait3A_514 = arith.constant 0 : i32
        %dma_wait3A_515 = tpu.memref_slice %arg4[%add3A_508, %dma_wait3A_514] : memref<819200x32xf32, #tpu.memory_space<hbm>> -> memref<128x32xf32, #tpu.memory_space<hbm>>
        %dma_wait3A_516 = arith.constant 0 : i32
        %dma_wait3A_517 = tpu.memref_slice %arg4[%add3A_508, %dma_wait3A_516] : memref<819200x32xf32, #tpu.memory_space<hbm>> -> memref<128x32xf32, #tpu.memory_space<hbm>>
        %dma_wait3A_518 = arith.constant 0 : i32
        %dma_wait3A_519 = arith.constant 0 : i32
        %dma_wait3A_520 = tpu.memref_slice %arg6[%dma_wait3A_509, %dma_wait3A_518, %dma_wait3A_519] : memref<8x128x32xf32, #tpu.memory_space<vmem>> -> memref<1x128x32xf32, #tpu.memory_space<vmem>>
        %dma_wait3A_521 = tpu.memref_squeeze %dma_wait3A_520 : memref<1x128x32xf32, #tpu.memory_space<vmem>> -> memref<128x32xf32, #tpu.memory_space<vmem>>
        tpu.wait_dma2 semaphore(%arg20 : memref<!tpu.dma_semaphore, #tpu.memory_space<semaphore_mem>>) src(%dma_wait3A_521 : memref<128x32xf32, #tpu.memory_space<vmem>>) dst(%dma_wait3A_517 : memref<128x32xf32, #tpu.memory_space<hbm>>)
      } else {
      }
      %add3A_222 = arith.constant 5 : i32
      %add3A_223 = arith.addi %add3A_130, %add3A_222 : i32
      %dma_start3A_224 = arith.constant 5 : i32
      %dma_start3A_225 = arith.constant 0 : i32
      %dma_start3A_226 = arith.constant 0 : i32
      %dma_start3A_227 = tpu.memref_slice %arg6[%dma_start3A_224, %dma_start3A_225, %dma_start3A_226] : memref<8x128x32xf32, #tpu.memory_space<vmem>> -> memref<1x128x32xf32, #tpu.memory_space<vmem>>
      %dma_start3A_228 = tpu.memref_squeeze %dma_start3A_227 : memref<1x128x32xf32, #tpu.memory_space<vmem>> -> memref<128x32xf32, #tpu.memory_space<vmem>>
      %dma_start3A_229 = arith.constant 0 : i32
      %dma_start3A_230 = tpu.memref_slice %arg5[%add3A_223, %dma_start3A_229] : memref<200x128xi32, #tpu.memory_space<vmem>> -> memref<1x128xi32, #tpu.memory_space<vmem>>
      %dma_start3A_231 = tpu.memref_squeeze %dma_start3A_230 : memref<1x128xi32, #tpu.memory_space<vmem>> -> memref<128xi32, #tpu.memory_space<vmem>>
      %dma_start3A_232 = arith.constant 0 : i32
      %dma_start3A_233 = arith.constant 0 : i32
      %dma_start3A_234 = tpu.memref_slice %arg3[%dma_start3A_232, %dma_start3A_233] : memref<1000000x32xf32, #tpu.memory_space<hbm>> -> memref<1000000x32xf32, #tpu.memory_space<hbm>>
      tpu.enqueue_indirect_dma source(%dma_start3A_234 : memref<1000000x32xf32, #tpu.memory_space<hbm>>) target(%dma_start3A_228 : memref<128x32xf32, #tpu.memory_space<vmem>>) offsets(%dma_start3A_231 : memref<128xi32, #tpu.memory_space<vmem>>) semaphore(%arg12 : memref<!tpu.dma_semaphore, #tpu.memory_space<semaphore_mem>>)
      %gt3A_235 = arith.constant 0 : i32
      %gt3A_236 = arith.cmpi sgt, %add3A_130, %gt3A_235 : i32
      %convert_element_type3A_237 = arith.extui %gt3A_236 : i1 to i32
      %cond3A_238 = arith.constant 0 : i32
      %cond3A_239 = arith.cmpi ne, %convert_element_type3A_237, %cond3A_238 : i32
      scf.if %cond3A_239 {
        %sub3A = arith.constant 8 : i32
        %sub3A_503 = arith.subi %add3A_130, %sub3A : i32
        %add3A_504 = arith.constant 6 : i32
        %add3A_505 = arith.addi %sub3A_503, %add3A_504 : i32
        %mul3A_506 = arith.constant 128 : i32
        %mul3A_507 = arith.muli %add3A_505, %mul3A_506 : i32
        %add3A_508 = arith.addi %mul3A_2, %mul3A_507 : i32
        %dma_wait3A_509 = arith.constant 6 : i32
        %dma_wait3A_510 = arith.constant 0 : i32
        %dma_wait3A_511 = arith.constant 0 : i32
        %dma_wait3A_512 = tpu.memref_slice %arg6[%dma_wait3A_509, %dma_wait3A_510, %dma_wait3A_511] : memref<8x128x32xf32, #tpu.memory_space<vmem>> -> memref<1x128x32xf32, #tpu.memory_space<vmem>>
        %dma_wait3A_513 = tpu.memref_squeeze %dma_wait3A_512 : memref<1x128x32xf32, #tpu.memory_space<vmem>> -> memref<128x32xf32, #tpu.memory_space<vmem>>
        %dma_wait3A_514 = arith.constant 0 : i32
        %dma_wait3A_515 = tpu.memref_slice %arg4[%add3A_508, %dma_wait3A_514] : memref<819200x32xf32, #tpu.memory_space<hbm>> -> memref<128x32xf32, #tpu.memory_space<hbm>>
        %dma_wait3A_516 = arith.constant 0 : i32
        %dma_wait3A_517 = tpu.memref_slice %arg4[%add3A_508, %dma_wait3A_516] : memref<819200x32xf32, #tpu.memory_space<hbm>> -> memref<128x32xf32, #tpu.memory_space<hbm>>
        %dma_wait3A_518 = arith.constant 0 : i32
        %dma_wait3A_519 = arith.constant 0 : i32
        %dma_wait3A_520 = tpu.memref_slice %arg6[%dma_wait3A_509, %dma_wait3A_518, %dma_wait3A_519] : memref<8x128x32xf32, #tpu.memory_space<vmem>> -> memref<1x128x32xf32, #tpu.memory_space<vmem>>
        %dma_wait3A_521 = tpu.memref_squeeze %dma_wait3A_520 : memref<1x128x32xf32, #tpu.memory_space<vmem>> -> memref<128x32xf32, #tpu.memory_space<vmem>>
        tpu.wait_dma2 semaphore(%arg21 : memref<!tpu.dma_semaphore, #tpu.memory_space<semaphore_mem>>) src(%dma_wait3A_521 : memref<128x32xf32, #tpu.memory_space<vmem>>) dst(%dma_wait3A_517 : memref<128x32xf32, #tpu.memory_space<hbm>>)
      } else {
      }
      %add3A_240 = arith.constant 6 : i32
      %add3A_241 = arith.addi %add3A_130, %add3A_240 : i32
      %dma_start3A_242 = arith.constant 6 : i32
      %dma_start3A_243 = arith.constant 0 : i32
      %dma_start3A_244 = arith.constant 0 : i32
      %dma_start3A_245 = tpu.memref_slice %arg6[%dma_start3A_242, %dma_start3A_243, %dma_start3A_244] : memref<8x128x32xf32, #tpu.memory_space<vmem>> -> memref<1x128x32xf32, #tpu.memory_space<vmem>>
      %dma_start3A_246 = tpu.memref_squeeze %dma_start3A_245 : memref<1x128x32xf32, #tpu.memory_space<vmem>> -> memref<128x32xf32, #tpu.memory_space<vmem>>
      %dma_start3A_247 = arith.constant 0 : i32
      %dma_start3A_248 = tpu.memref_slice %arg5[%add3A_241, %dma_start3A_247] : memref<200x128xi32, #tpu.memory_space<vmem>> -> memref<1x128xi32, #tpu.memory_space<vmem>>
      %dma_start3A_249 = tpu.memref_squeeze %dma_start3A_248 : memref<1x128xi32, #tpu.memory_space<vmem>> -> memref<128xi32, #tpu.memory_space<vmem>>
      %dma_start3A_250 = arith.constant 0 : i32
      %dma_start3A_251 = arith.constant 0 : i32
      %dma_start3A_252 = tpu.memref_slice %arg3[%dma_start3A_250, %dma_start3A_251] : memref<1000000x32xf32, #tpu.memory_space<hbm>> -> memref<1000000x32xf32, #tpu.memory_space<hbm>>
      tpu.enqueue_indirect_dma source(%dma_start3A_252 : memref<1000000x32xf32, #tpu.memory_space<hbm>>) target(%dma_start3A_246 : memref<128x32xf32, #tpu.memory_space<vmem>>) offsets(%dma_start3A_249 : memref<128xi32, #tpu.memory_space<vmem>>) semaphore(%arg13 : memref<!tpu.dma_semaphore, #tpu.memory_space<semaphore_mem>>)
      %gt3A_253 = arith.constant 0 : i32
      %gt3A_254 = arith.cmpi sgt, %add3A_130, %gt3A_253 : i32
      %convert_element_type3A_255 = arith.extui %gt3A_254 : i1 to i32
      %cond3A_256 = arith.constant 0 : i32
      %cond3A_257 = arith.cmpi ne, %convert_element_type3A_255, %cond3A_256 : i32
      scf.if %cond3A_257 {
        %sub3A = arith.constant 8 : i32
        %sub3A_503 = arith.subi %add3A_130, %sub3A : i32
        %add3A_504 = arith.constant 7 : i32
        %add3A_505 = arith.addi %sub3A_503, %add3A_504 : i32
        %mul3A_506 = arith.constant 128 : i32
        %mul3A_507 = arith.muli %add3A_505, %mul3A_506 : i32
        %add3A_508 = arith.addi %mul3A_2, %mul3A_507 : i32
        %dma_wait3A_509 = arith.constant 7 : i32
        %dma_wait3A_510 = arith.constant 0 : i32
        %dma_wait3A_511 = arith.constant 0 : i32
        %dma_wait3A_512 = tpu.memref_slice %arg6[%dma_wait3A_509, %dma_wait3A_510, %dma_wait3A_511] : memref<8x128x32xf32, #tpu.memory_space<vmem>> -> memref<1x128x32xf32, #tpu.memory_space<vmem>>
        %dma_wait3A_513 = tpu.memref_squeeze %dma_wait3A_512 : memref<1x128x32xf32, #tpu.memory_space<vmem>> -> memref<128x32xf32, #tpu.memory_space<vmem>>
        %dma_wait3A_514 = arith.constant 0 : i32
        %dma_wait3A_515 = tpu.memref_slice %arg4[%add3A_508, %dma_wait3A_514] : memref<819200x32xf32, #tpu.memory_space<hbm>> -> memref<128x32xf32, #tpu.memory_space<hbm>>
        %dma_wait3A_516 = arith.constant 0 : i32
        %dma_wait3A_517 = tpu.memref_slice %arg4[%add3A_508, %dma_wait3A_516] : memref<819200x32xf32, #tpu.memory_space<hbm>> -> memref<128x32xf32, #tpu.memory_space<hbm>>
        %dma_wait3A_518 = arith.constant 0 : i32
        %dma_wait3A_519 = arith.constant 0 : i32
        %dma_wait3A_520 = tpu.memref_slice %arg6[%dma_wait3A_509, %dma_wait3A_518, %dma_wait3A_519] : memref<8x128x32xf32, #tpu.memory_space<vmem>> -> memref<1x128x32xf32, #tpu.memory_space<vmem>>
        %dma_wait3A_521 = tpu.memref_squeeze %dma_wait3A_520 : memref<1x128x32xf32, #tpu.memory_space<vmem>> -> memref<128x32xf32, #tpu.memory_space<vmem>>
        tpu.wait_dma2 semaphore(%arg22 : memref<!tpu.dma_semaphore, #tpu.memory_space<semaphore_mem>>) src(%dma_wait3A_521 : memref<128x32xf32, #tpu.memory_space<vmem>>) dst(%dma_wait3A_517 : memref<128x32xf32, #tpu.memory_space<hbm>>)
      } else {
      }
      %add3A_258 = arith.constant 7 : i32
      %add3A_259 = arith.addi %add3A_130, %add3A_258 : i32
      %dma_start3A_260 = arith.constant 7 : i32
      %dma_start3A_261 = arith.constant 0 : i32
      %dma_start3A_262 = arith.constant 0 : i32
      %dma_start3A_263 = tpu.memref_slice %arg6[%dma_start3A_260, %dma_start3A_261, %dma_start3A_262] : memref<8x128x32xf32, #tpu.memory_space<vmem>> -> memref<1x128x32xf32, #tpu.memory_space<vmem>>
      %dma_start3A_264 = tpu.memref_squeeze %dma_start3A_263 : memref<1x128x32xf32, #tpu.memory_space<vmem>> -> memref<128x32xf32, #tpu.memory_space<vmem>>
      %dma_start3A_265 = arith.constant 0 : i32
      %dma_start3A_266 = tpu.memref_slice %arg5[%add3A_259, %dma_start3A_265] : memref<200x128xi32, #tpu.memory_space<vmem>> -> memref<1x128xi32, #tpu.memory_space<vmem>>
      %dma_start3A_267 = tpu.memref_squeeze %dma_start3A_266 : memref<1x128xi32, #tpu.memory_space<vmem>> -> memref<128xi32, #tpu.memory_space<vmem>>
      %dma_start3A_268 = arith.constant 0 : i32
      %dma_start3A_269 = arith.constant 0 : i32
      %dma_start3A_270 = tpu.memref_slice %arg3[%dma_start3A_268, %dma_start3A_269] : memref<1000000x32xf32, #tpu.memory_space<hbm>> -> memref<1000000x32xf32, #tpu.memory_space<hbm>>
      tpu.enqueue_indirect_dma source(%dma_start3A_270 : memref<1000000x32xf32, #tpu.memory_space<hbm>>) target(%dma_start3A_264 : memref<128x32xf32, #tpu.memory_space<vmem>>) offsets(%dma_start3A_267 : memref<128xi32, #tpu.memory_space<vmem>>) semaphore(%arg14 : memref<!tpu.dma_semaphore, #tpu.memory_space<semaphore_mem>>)
      %add3A_271 = arith.constant 0 : i32
      %add3A_272 = arith.addi %add3A_130, %add3A_271 : i32
      %dma_wait3A_273 = arith.constant 0 : i32
      %dma_wait3A_274 = arith.constant 0 : i32
      %dma_wait3A_275 = arith.constant 0 : i32
      %dma_wait3A_276 = tpu.memref_slice %arg6[%dma_wait3A_273, %dma_wait3A_274, %dma_wait3A_275] : memref<8x128x32xf32, #tpu.memory_space<vmem>> -> memref<1x128x32xf32, #tpu.memory_space<vmem>>
      %dma_wait3A_277 = tpu.memref_squeeze %dma_wait3A_276 : memref<1x128x32xf32, #tpu.memory_space<vmem>> -> memref<128x32xf32, #tpu.memory_space<vmem>>
      %dma_wait3A_278 = arith.constant 0 : i32
      %dma_wait3A_279 = tpu.memref_slice %arg5[%add3A_272, %dma_wait3A_278] : memref<200x128xi32, #tpu.memory_space<vmem>> -> memref<1x128xi32, #tpu.memory_space<vmem>>
      %dma_wait3A_280 = tpu.memref_squeeze %dma_wait3A_279 : memref<1x128xi32, #tpu.memory_space<vmem>> -> memref<128xi32, #tpu.memory_space<vmem>>
      %dma_wait3A_281 = arith.constant 0 : i32
      %dma_wait3A_282 = arith.constant 0 : i32
      %dma_wait3A_283 = tpu.memref_slice %arg3[%dma_wait3A_281, %dma_wait3A_282] : memref<1000000x32xf32, #tpu.memory_space<hbm>> -> memref<1000000x32xf32, #tpu.memory_space<hbm>>
      tpu.wait_indirect_dma semaphore(%arg7 : memref<!tpu.dma_semaphore, #tpu.memory_space<semaphore_mem>>) src(%dma_wait3A_283 : memref<1000000x32xf32, #tpu.memory_space<hbm>>) dst(%dma_wait3A_277 : memref<128x32xf32, #tpu.memory_space<vmem>>)
      %mul3A_284 = arith.constant 128 : i32
      %mul3A_285 = arith.muli %add3A_272, %mul3A_284 : i32
      %add3A_286 = arith.addi %mul3A_2, %mul3A_285 : i32
      %dma_start3A_287 = arith.constant 0 : i32
      %dma_start3A_288 = arith.constant 0 : i32
      %dma_start3A_289 = arith.constant 0 : i32
      %dma_start3A_290 = tpu.memref_slice %arg6[%dma_start3A_287, %dma_start3A_288, %dma_start3A_289] : memref<8x128x32xf32, #tpu.memory_space<vmem>> -> memref<1x128x32xf32, #tpu.memory_space<vmem>>
      %dma_start3A_291 = tpu.memref_squeeze %dma_start3A_290 : memref<1x128x32xf32, #tpu.memory_space<vmem>> -> memref<128x32xf32, #tpu.memory_space<vmem>>
      %dma_start3A_292 = arith.constant 0 : i32
      %dma_start3A_293 = tpu.memref_slice %arg4[%add3A_286, %dma_start3A_292] : memref<819200x32xf32, #tpu.memory_space<hbm>> -> memref<128x32xf32, #tpu.memory_space<hbm>>
      %dma_start3A_294 = arith.constant 0 : i32
      %dma_start3A_295 = tpu.memref_slice %arg4[%add3A_286, %dma_start3A_294] : memref<819200x32xf32, #tpu.memory_space<hbm>> -> memref<128x32xf32, #tpu.memory_space<hbm>>
      %dma_start3A_296 = arith.constant 0 : i32
      %dma_start3A_297 = arith.constant 0 : i32
      %dma_start3A_298 = tpu.memref_slice %arg6[%dma_start3A_287, %dma_start3A_296, %dma_start3A_297] : memref<8x128x32xf32, #tpu.memory_space<vmem>> -> memref<1x128x32xf32, #tpu.memory_space<vmem>>
      %dma_start3A_299 = tpu.memref_squeeze %dma_start3A_298 : memref<1x128x32xf32, #tpu.memory_space<vmem>> -> memref<128x32xf32, #tpu.memory_space<vmem>>
      tpu.enqueue_dma source(%dma_start3A_299 : memref<128x32xf32, #tpu.memory_space<vmem>>) target(%dma_start3A_295 : memref<128x32xf32, #tpu.memory_space<hbm>>) target_semaphore(%arg15 : memref<!tpu.dma_semaphore, #tpu.memory_space<semaphore_mem>>)
      %add3A_300 = arith.constant 1 : i32
      %add3A_301 = arith.addi %add3A_130, %add3A_300 : i32
      %dma_wait3A_302 = arith.constant 1 : i32
      %dma_wait3A_303 = arith.constant 0 : i32
      %dma_wait3A_304 = arith.constant 0 : i32
      %dma_wait3A_305 = tpu.memref_slice %arg6[%dma_wait3A_302, %dma_wait3A_303, %dma_wait3A_304] : memref<8x128x32xf32, #tpu.memory_space<vmem>> -> memref<1x128x32xf32, #tpu.memory_space<vmem>>
      %dma_wait3A_306 = tpu.memref_squeeze %dma_wait3A_305 : memref<1x128x32xf32, #tpu.memory_space<vmem>> -> memref<128x32xf32, #tpu.memory_space<vmem>>
      %dma_wait3A_307 = arith.constant 0 : i32
      %dma_wait3A_308 = tpu.memref_slice %arg5[%add3A_301, %dma_wait3A_307] : memref<200x128xi32, #tpu.memory_space<vmem>> -> memref<1x128xi32, #tpu.memory_space<vmem>>
      %dma_wait3A_309 = tpu.memref_squeeze %dma_wait3A_308 : memref<1x128xi32, #tpu.memory_space<vmem>> -> memref<128xi32, #tpu.memory_space<vmem>>
      %dma_wait3A_310 = arith.constant 0 : i32
      %dma_wait3A_311 = arith.constant 0 : i32
      %dma_wait3A_312 = tpu.memref_slice %arg3[%dma_wait3A_310, %dma_wait3A_311] : memref<1000000x32xf32, #tpu.memory_space<hbm>> -> memref<1000000x32xf32, #tpu.memory_space<hbm>>
      tpu.wait_indirect_dma semaphore(%arg8 : memref<!tpu.dma_semaphore, #tpu.memory_space<semaphore_mem>>) src(%dma_wait3A_312 : memref<1000000x32xf32, #tpu.memory_space<hbm>>) dst(%dma_wait3A_306 : memref<128x32xf32, #tpu.memory_space<vmem>>)
      %mul3A_313 = arith.constant 128 : i32
      %mul3A_314 = arith.muli %add3A_301, %mul3A_313 : i32
      %add3A_315 = arith.addi %mul3A_2, %mul3A_314 : i32
      %dma_start3A_316 = arith.constant 1 : i32
      %dma_start3A_317 = arith.constant 0 : i32
      %dma_start3A_318 = arith.constant 0 : i32
      %dma_start3A_319 = tpu.memref_slice %arg6[%dma_start3A_316, %dma_start3A_317, %dma_start3A_318] : memref<8x128x32xf32, #tpu.memory_space<vmem>> -> memref<1x128x32xf32, #tpu.memory_space<vmem>>
      %dma_start3A_320 = tpu.memref_squeeze %dma_start3A_319 : memref<1x128x32xf32, #tpu.memory_space<vmem>> -> memref<128x32xf32, #tpu.memory_space<vmem>>
      %dma_start3A_321 = arith.constant 0 : i32
      %dma_start3A_322 = tpu.memref_slice %arg4[%add3A_315, %dma_start3A_321] : memref<819200x32xf32, #tpu.memory_space<hbm>> -> memref<128x32xf32, #tpu.memory_space<hbm>>
      %dma_start3A_323 = arith.constant 0 : i32
      %dma_start3A_324 = tpu.memref_slice %arg4[%add3A_315, %dma_start3A_323] : memref<819200x32xf32, #tpu.memory_space<hbm>> -> memref<128x32xf32, #tpu.memory_space<hbm>>
      %dma_start3A_325 = arith.constant 0 : i32
      %dma_start3A_326 = arith.constant 0 : i32
      %dma_start3A_327 = tpu.memref_slice %arg6[%dma_start3A_316, %dma_start3A_325, %dma_start3A_326] : memref<8x128x32xf32, #tpu.memory_space<vmem>> -> memref<1x128x32xf32, #tpu.memory_space<vmem>>
      %dma_start3A_328 = tpu.memref_squeeze %dma_start3A_327 : memref<1x128x32xf32, #tpu.memory_space<vmem>> -> memref<128x32xf32, #tpu.memory_space<vmem>>
      tpu.enqueue_dma source(%dma_start3A_328 : memref<128x32xf32, #tpu.memory_space<vmem>>) target(%dma_start3A_324 : memref<128x32xf32, #tpu.memory_space<hbm>>) target_semaphore(%arg16 : memref<!tpu.dma_semaphore, #tpu.memory_space<semaphore_mem>>)
      %add3A_329 = arith.constant 2 : i32
      %add3A_330 = arith.addi %add3A_130, %add3A_329 : i32
      %dma_wait3A_331 = arith.constant 2 : i32
      %dma_wait3A_332 = arith.constant 0 : i32
      %dma_wait3A_333 = arith.constant 0 : i32
      %dma_wait3A_334 = tpu.memref_slice %arg6[%dma_wait3A_331, %dma_wait3A_332, %dma_wait3A_333] : memref<8x128x32xf32, #tpu.memory_space<vmem>> -> memref<1x128x32xf32, #tpu.memory_space<vmem>>
      %dma_wait3A_335 = tpu.memref_squeeze %dma_wait3A_334 : memref<1x128x32xf32, #tpu.memory_space<vmem>> -> memref<128x32xf32, #tpu.memory_space<vmem>>
      %dma_wait3A_336 = arith.constant 0 : i32
      %dma_wait3A_337 = tpu.memref_slice %arg5[%add3A_330, %dma_wait3A_336] : memref<200x128xi32, #tpu.memory_space<vmem>> -> memref<1x128xi32, #tpu.memory_space<vmem>>
      %dma_wait3A_338 = tpu.memref_squeeze %dma_wait3A_337 : memref<1x128xi32, #tpu.memory_space<vmem>> -> memref<128xi32, #tpu.memory_space<vmem>>
      %dma_wait3A_339 = arith.constant 0 : i32
      %dma_wait3A_340 = arith.constant 0 : i32
      %dma_wait3A_341 = tpu.memref_slice %arg3[%dma_wait3A_339, %dma_wait3A_340] : memref<1000000x32xf32, #tpu.memory_space<hbm>> -> memref<1000000x32xf32, #tpu.memory_space<hbm>>
      tpu.wait_indirect_dma semaphore(%arg9 : memref<!tpu.dma_semaphore, #tpu.memory_space<semaphore_mem>>) src(%dma_wait3A_341 : memref<1000000x32xf32, #tpu.memory_space<hbm>>) dst(%dma_wait3A_335 : memref<128x32xf32, #tpu.memory_space<vmem>>)
      %mul3A_342 = arith.constant 128 : i32
      %mul3A_343 = arith.muli %add3A_330, %mul3A_342 : i32
      %add3A_344 = arith.addi %mul3A_2, %mul3A_343 : i32
      %dma_start3A_345 = arith.constant 2 : i32
      %dma_start3A_346 = arith.constant 0 : i32
      %dma_start3A_347 = arith.constant 0 : i32
      %dma_start3A_348 = tpu.memref_slice %arg6[%dma_start3A_345, %dma_start3A_346, %dma_start3A_347] : memref<8x128x32xf32, #tpu.memory_space<vmem>> -> memref<1x128x32xf32, #tpu.memory_space<vmem>>
      %dma_start3A_349 = tpu.memref_squeeze %dma_start3A_348 : memref<1x128x32xf32, #tpu.memory_space<vmem>> -> memref<128x32xf32, #tpu.memory_space<vmem>>
      %dma_start3A_350 = arith.constant 0 : i32
      %dma_start3A_351 = tpu.memref_slice %arg4[%add3A_344, %dma_start3A_350] : memref<819200x32xf32, #tpu.memory_space<hbm>> -> memref<128x32xf32, #tpu.memory_space<hbm>>
      %dma_start3A_352 = arith.constant 0 : i32
      %dma_start3A_353 = tpu.memref_slice %arg4[%add3A_344, %dma_start3A_352] : memref<819200x32xf32, #tpu.memory_space<hbm>> -> memref<128x32xf32, #tpu.memory_space<hbm>>
      %dma_start3A_354 = arith.constant 0 : i32
      %dma_start3A_355 = arith.constant 0 : i32
      %dma_start3A_356 = tpu.memref_slice %arg6[%dma_start3A_345, %dma_start3A_354, %dma_start3A_355] : memref<8x128x32xf32, #tpu.memory_space<vmem>> -> memref<1x128x32xf32, #tpu.memory_space<vmem>>
      %dma_start3A_357 = tpu.memref_squeeze %dma_start3A_356 : memref<1x128x32xf32, #tpu.memory_space<vmem>> -> memref<128x32xf32, #tpu.memory_space<vmem>>
      tpu.enqueue_dma source(%dma_start3A_357 : memref<128x32xf32, #tpu.memory_space<vmem>>) target(%dma_start3A_353 : memref<128x32xf32, #tpu.memory_space<hbm>>) target_semaphore(%arg17 : memref<!tpu.dma_semaphore, #tpu.memory_space<semaphore_mem>>)
      %add3A_358 = arith.constant 3 : i32
      %add3A_359 = arith.addi %add3A_130, %add3A_358 : i32
      %dma_wait3A_360 = arith.constant 3 : i32
      %dma_wait3A_361 = arith.constant 0 : i32
      %dma_wait3A_362 = arith.constant 0 : i32
      %dma_wait3A_363 = tpu.memref_slice %arg6[%dma_wait3A_360, %dma_wait3A_361, %dma_wait3A_362] : memref<8x128x32xf32, #tpu.memory_space<vmem>> -> memref<1x128x32xf32, #tpu.memory_space<vmem>>
      %dma_wait3A_364 = tpu.memref_squeeze %dma_wait3A_363 : memref<1x128x32xf32, #tpu.memory_space<vmem>> -> memref<128x32xf32, #tpu.memory_space<vmem>>
      %dma_wait3A_365 = arith.constant 0 : i32
      %dma_wait3A_366 = tpu.memref_slice %arg5[%add3A_359, %dma_wait3A_365] : memref<200x128xi32, #tpu.memory_space<vmem>> -> memref<1x128xi32, #tpu.memory_space<vmem>>
      %dma_wait3A_367 = tpu.memref_squeeze %dma_wait3A_366 : memref<1x128xi32, #tpu.memory_space<vmem>> -> memref<128xi32, #tpu.memory_space<vmem>>
      %dma_wait3A_368 = arith.constant 0 : i32
      %dma_wait3A_369 = arith.constant 0 : i32
      %dma_wait3A_370 = tpu.memref_slice %arg3[%dma_wait3A_368, %dma_wait3A_369] : memref<1000000x32xf32, #tpu.memory_space<hbm>> -> memref<1000000x32xf32, #tpu.memory_space<hbm>>
      tpu.wait_indirect_dma semaphore(%arg10 : memref<!tpu.dma_semaphore, #tpu.memory_space<semaphore_mem>>) src(%dma_wait3A_370 : memref<1000000x32xf32, #tpu.memory_space<hbm>>) dst(%dma_wait3A_364 : memref<128x32xf32, #tpu.memory_space<vmem>>)
      %mul3A_371 = arith.constant 128 : i32
      %mul3A_372 = arith.muli %add3A_359, %mul3A_371 : i32
      %add3A_373 = arith.addi %mul3A_2, %mul3A_372 : i32
      %dma_start3A_374 = arith.constant 3 : i32
      %dma_start3A_375 = arith.constant 0 : i32
      %dma_start3A_376 = arith.constant 0 : i32
      %dma_start3A_377 = tpu.memref_slice %arg6[%dma_start3A_374, %dma_start3A_375, %dma_start3A_376] : memref<8x128x32xf32, #tpu.memory_space<vmem>> -> memref<1x128x32xf32, #tpu.memory_space<vmem>>
      %dma_start3A_378 = tpu.memref_squeeze %dma_start3A_377 : memref<1x128x32xf32, #tpu.memory_space<vmem>> -> memref<128x32xf32, #tpu.memory_space<vmem>>
      %dma_start3A_379 = arith.constant 0 : i32
      %dma_start3A_380 = tpu.memref_slice %arg4[%add3A_373, %dma_start3A_379] : memref<819200x32xf32, #tpu.memory_space<hbm>> -> memref<128x32xf32, #tpu.memory_space<hbm>>
      %dma_start3A_381 = arith.constant 0 : i32
      %dma_start3A_382 = tpu.memref_slice %arg4[%add3A_373, %dma_start3A_381] : memref<819200x32xf32, #tpu.memory_space<hbm>> -> memref<128x32xf32, #tpu.memory_space<hbm>>
      %dma_start3A_383 = arith.constant 0 : i32
      %dma_start3A_384 = arith.constant 0 : i32
      %dma_start3A_385 = tpu.memref_slice %arg6[%dma_start3A_374, %dma_start3A_383, %dma_start3A_384] : memref<8x128x32xf32, #tpu.memory_space<vmem>> -> memref<1x128x32xf32, #tpu.memory_space<vmem>>
      %dma_start3A_386 = tpu.memref_squeeze %dma_start3A_385 : memref<1x128x32xf32, #tpu.memory_space<vmem>> -> memref<128x32xf32, #tpu.memory_space<vmem>>
      tpu.enqueue_dma source(%dma_start3A_386 : memref<128x32xf32, #tpu.memory_space<vmem>>) target(%dma_start3A_382 : memref<128x32xf32, #tpu.memory_space<hbm>>) target_semaphore(%arg18 : memref<!tpu.dma_semaphore, #tpu.memory_space<semaphore_mem>>)
      %add3A_387 = arith.constant 4 : i32
      %add3A_388 = arith.addi %add3A_130, %add3A_387 : i32
      %dma_wait3A_389 = arith.constant 4 : i32
      %dma_wait3A_390 = arith.constant 0 : i32
      %dma_wait3A_391 = arith.constant 0 : i32
      %dma_wait3A_392 = tpu.memref_slice %arg6[%dma_wait3A_389, %dma_wait3A_390, %dma_wait3A_391] : memref<8x128x32xf32, #tpu.memory_space<vmem>> -> memref<1x128x32xf32, #tpu.memory_space<vmem>>
      %dma_wait3A_393 = tpu.memref_squeeze %dma_wait3A_392 : memref<1x128x32xf32, #tpu.memory_space<vmem>> -> memref<128x32xf32, #tpu.memory_space<vmem>>
      %dma_wait3A_394 = arith.constant 0 : i32
      %dma_wait3A_395 = tpu.memref_slice %arg5[%add3A_388, %dma_wait3A_394] : memref<200x128xi32, #tpu.memory_space<vmem>> -> memref<1x128xi32, #tpu.memory_space<vmem>>
      %dma_wait3A_396 = tpu.memref_squeeze %dma_wait3A_395 : memref<1x128xi32, #tpu.memory_space<vmem>> -> memref<128xi32, #tpu.memory_space<vmem>>
      %dma_wait3A_397 = arith.constant 0 : i32
      %dma_wait3A_398 = arith.constant 0 : i32
      %dma_wait3A_399 = tpu.memref_slice %arg3[%dma_wait3A_397, %dma_wait3A_398] : memref<1000000x32xf32, #tpu.memory_space<hbm>> -> memref<1000000x32xf32, #tpu.memory_space<hbm>>
      tpu.wait_indirect_dma semaphore(%arg11 : memref<!tpu.dma_semaphore, #tpu.memory_space<semaphore_mem>>) src(%dma_wait3A_399 : memref<1000000x32xf32, #tpu.memory_space<hbm>>) dst(%dma_wait3A_393 : memref<128x32xf32, #tpu.memory_space<vmem>>)
      %mul3A_400 = arith.constant 128 : i32
      %mul3A_401 = arith.muli %add3A_388, %mul3A_400 : i32
      %add3A_402 = arith.addi %mul3A_2, %mul3A_401 : i32
      %dma_start3A_403 = arith.constant 4 : i32
      %dma_start3A_404 = arith.constant 0 : i32
      %dma_start3A_405 = arith.constant 0 : i32
      %dma_start3A_406 = tpu.memref_slice %arg6[%dma_start3A_403, %dma_start3A_404, %dma_start3A_405] : memref<8x128x32xf32, #tpu.memory_space<vmem>> -> memref<1x128x32xf32, #tpu.memory_space<vmem>>
      %dma_start3A_407 = tpu.memref_squeeze %dma_start3A_406 : memref<1x128x32xf32, #tpu.memory_space<vmem>> -> memref<128x32xf32, #tpu.memory_space<vmem>>
      %dma_start3A_408 = arith.constant 0 : i32
      %dma_start3A_409 = tpu.memref_slice %arg4[%add3A_402, %dma_start3A_408] : memref<819200x32xf32, #tpu.memory_space<hbm>> -> memref<128x32xf32, #tpu.memory_space<hbm>>
      %dma_start3A_410 = arith.constant 0 : i32
      %dma_start3A_411 = tpu.memref_slice %arg4[%add3A_402, %dma_start3A_410] : memref<819200x32xf32, #tpu.memory_space<hbm>> -> memref<128x32xf32, #tpu.memory_space<hbm>>
      %dma_start3A_412 = arith.constant 0 : i32
      %dma_start3A_413 = arith.constant 0 : i32
      %dma_start3A_414 = tpu.memref_slice %arg6[%dma_start3A_403, %dma_start3A_412, %dma_start3A_413] : memref<8x128x32xf32, #tpu.memory_space<vmem>> -> memref<1x128x32xf32, #tpu.memory_space<vmem>>
      %dma_start3A_415 = tpu.memref_squeeze %dma_start3A_414 : memref<1x128x32xf32, #tpu.memory_space<vmem>> -> memref<128x32xf32, #tpu.memory_space<vmem>>
      tpu.enqueue_dma source(%dma_start3A_415 : memref<128x32xf32, #tpu.memory_space<vmem>>) target(%dma_start3A_411 : memref<128x32xf32, #tpu.memory_space<hbm>>) target_semaphore(%arg19 : memref<!tpu.dma_semaphore, #tpu.memory_space<semaphore_mem>>)
      %add3A_416 = arith.constant 5 : i32
      %add3A_417 = arith.addi %add3A_130, %add3A_416 : i32
      %dma_wait3A_418 = arith.constant 5 : i32
      %dma_wait3A_419 = arith.constant 0 : i32
      %dma_wait3A_420 = arith.constant 0 : i32
      %dma_wait3A_421 = tpu.memref_slice %arg6[%dma_wait3A_418, %dma_wait3A_419, %dma_wait3A_420] : memref<8x128x32xf32, #tpu.memory_space<vmem>> -> memref<1x128x32xf32, #tpu.memory_space<vmem>>
      %dma_wait3A_422 = tpu.memref_squeeze %dma_wait3A_421 : memref<1x128x32xf32, #tpu.memory_space<vmem>> -> memref<128x32xf32, #tpu.memory_space<vmem>>
      %dma_wait3A_423 = arith.constant 0 : i32
      %dma_wait3A_424 = tpu.memref_slice %arg5[%add3A_417, %dma_wait3A_423] : memref<200x128xi32, #tpu.memory_space<vmem>> -> memref<1x128xi32, #tpu.memory_space<vmem>>
      %dma_wait3A_425 = tpu.memref_squeeze %dma_wait3A_424 : memref<1x128xi32, #tpu.memory_space<vmem>> -> memref<128xi32, #tpu.memory_space<vmem>>
      %dma_wait3A_426 = arith.constant 0 : i32
      %dma_wait3A_427 = arith.constant 0 : i32
      %dma_wait3A_428 = tpu.memref_slice %arg3[%dma_wait3A_426, %dma_wait3A_427] : memref<1000000x32xf32, #tpu.memory_space<hbm>> -> memref<1000000x32xf32, #tpu.memory_space<hbm>>
      tpu.wait_indirect_dma semaphore(%arg12 : memref<!tpu.dma_semaphore, #tpu.memory_space<semaphore_mem>>) src(%dma_wait3A_428 : memref<1000000x32xf32, #tpu.memory_space<hbm>>) dst(%dma_wait3A_422 : memref<128x32xf32, #tpu.memory_space<vmem>>)
      %mul3A_429 = arith.constant 128 : i32
      %mul3A_430 = arith.muli %add3A_417, %mul3A_429 : i32
      %add3A_431 = arith.addi %mul3A_2, %mul3A_430 : i32
      %dma_start3A_432 = arith.constant 5 : i32
      %dma_start3A_433 = arith.constant 0 : i32
      %dma_start3A_434 = arith.constant 0 : i32
      %dma_start3A_435 = tpu.memref_slice %arg6[%dma_start3A_432, %dma_start3A_433, %dma_start3A_434] : memref<8x128x32xf32, #tpu.memory_space<vmem>> -> memref<1x128x32xf32, #tpu.memory_space<vmem>>
      %dma_start3A_436 = tpu.memref_squeeze %dma_start3A_435 : memref<1x128x32xf32, #tpu.memory_space<vmem>> -> memref<128x32xf32, #tpu.memory_space<vmem>>
      %dma_start3A_437 = arith.constant 0 : i32
      %dma_start3A_438 = tpu.memref_slice %arg4[%add3A_431, %dma_start3A_437] : memref<819200x32xf32, #tpu.memory_space<hbm>> -> memref<128x32xf32, #tpu.memory_space<hbm>>
      %dma_start3A_439 = arith.constant 0 : i32
      %dma_start3A_440 = tpu.memref_slice %arg4[%add3A_431, %dma_start3A_439] : memref<819200x32xf32, #tpu.memory_space<hbm>> -> memref<128x32xf32, #tpu.memory_space<hbm>>
      %dma_start3A_441 = arith.constant 0 : i32
      %dma_start3A_442 = arith.constant 0 : i32
      %dma_start3A_443 = tpu.memref_slice %arg6[%dma_start3A_432, %dma_start3A_441, %dma_start3A_442] : memref<8x128x32xf32, #tpu.memory_space<vmem>> -> memref<1x128x32xf32, #tpu.memory_space<vmem>>
      %dma_start3A_444 = tpu.memref_squeeze %dma_start3A_443 : memref<1x128x32xf32, #tpu.memory_space<vmem>> -> memref<128x32xf32, #tpu.memory_space<vmem>>
      tpu.enqueue_dma source(%dma_start3A_444 : memref<128x32xf32, #tpu.memory_space<vmem>>) target(%dma_start3A_440 : memref<128x32xf32, #tpu.memory_space<hbm>>) target_semaphore(%arg20 : memref<!tpu.dma_semaphore, #tpu.memory_space<semaphore_mem>>)
      %add3A_445 = arith.constant 6 : i32
      %add3A_446 = arith.addi %add3A_130, %add3A_445 : i32
      %dma_wait3A_447 = arith.constant 6 : i32
      %dma_wait3A_448 = arith.constant 0 : i32
      %dma_wait3A_449 = arith.constant 0 : i32
      %dma_wait3A_450 = tpu.memref_slice %arg6[%dma_wait3A_447, %dma_wait3A_448, %dma_wait3A_449] : memref<8x128x32xf32, #tpu.memory_space<vmem>> -> memref<1x128x32xf32, #tpu.memory_space<vmem>>
      %dma_wait3A_451 = tpu.memref_squeeze %dma_wait3A_450 : memref<1x128x32xf32, #tpu.memory_space<vmem>> -> memref<128x32xf32, #tpu.memory_space<vmem>>
      %dma_wait3A_452 = arith.constant 0 : i32
      %dma_wait3A_453 = tpu.memref_slice %arg5[%add3A_446, %dma_wait3A_452] : memref<200x128xi32, #tpu.memory_space<vmem>> -> memref<1x128xi32, #tpu.memory_space<vmem>>
      %dma_wait3A_454 = tpu.memref_squeeze %dma_wait3A_453 : memref<1x128xi32, #tpu.memory_space<vmem>> -> memref<128xi32, #tpu.memory_space<vmem>>
      %dma_wait3A_455 = arith.constant 0 : i32
      %dma_wait3A_456 = arith.constant 0 : i32
      %dma_wait3A_457 = tpu.memref_slice %arg3[%dma_wait3A_455, %dma_wait3A_456] : memref<1000000x32xf32, #tpu.memory_space<hbm>> -> memref<1000000x32xf32, #tpu.memory_space<hbm>>
      tpu.wait_indirect_dma semaphore(%arg13 : memref<!tpu.dma_semaphore, #tpu.memory_space<semaphore_mem>>) src(%dma_wait3A_457 : memref<1000000x32xf32, #tpu.memory_space<hbm>>) dst(%dma_wait3A_451 : memref<128x32xf32, #tpu.memory_space<vmem>>)
      %mul3A_458 = arith.constant 128 : i32
      %mul3A_459 = arith.muli %add3A_446, %mul3A_458 : i32
      %add3A_460 = arith.addi %mul3A_2, %mul3A_459 : i32
      %dma_start3A_461 = arith.constant 6 : i32
      %dma_start3A_462 = arith.constant 0 : i32
      %dma_start3A_463 = arith.constant 0 : i32
      %dma_start3A_464 = tpu.memref_slice %arg6[%dma_start3A_461, %dma_start3A_462, %dma_start3A_463] : memref<8x128x32xf32, #tpu.memory_space<vmem>> -> memref<1x128x32xf32, #tpu.memory_space<vmem>>
      %dma_start3A_465 = tpu.memref_squeeze %dma_start3A_464 : memref<1x128x32xf32, #tpu.memory_space<vmem>> -> memref<128x32xf32, #tpu.memory_space<vmem>>
      %dma_start3A_466 = arith.constant 0 : i32
      %dma_start3A_467 = tpu.memref_slice %arg4[%add3A_460, %dma_start3A_466] : memref<819200x32xf32, #tpu.memory_space<hbm>> -> memref<128x32xf32, #tpu.memory_space<hbm>>
      %dma_start3A_468 = arith.constant 0 : i32
      %dma_start3A_469 = tpu.memref_slice %arg4[%add3A_460, %dma_start3A_468] : memref<819200x32xf32, #tpu.memory_space<hbm>> -> memref<128x32xf32, #tpu.memory_space<hbm>>
      %dma_start3A_470 = arith.constant 0 : i32
      %dma_start3A_471 = arith.constant 0 : i32
      %dma_start3A_472 = tpu.memref_slice %arg6[%dma_start3A_461, %dma_start3A_470, %dma_start3A_471] : memref<8x128x32xf32, #tpu.memory_space<vmem>> -> memref<1x128x32xf32, #tpu.memory_space<vmem>>
      %dma_start3A_473 = tpu.memref_squeeze %dma_start3A_472 : memref<1x128x32xf32, #tpu.memory_space<vmem>> -> memref<128x32xf32, #tpu.memory_space<vmem>>
      tpu.enqueue_dma source(%dma_start3A_473 : memref<128x32xf32, #tpu.memory_space<vmem>>) target(%dma_start3A_469 : memref<128x32xf32, #tpu.memory_space<hbm>>) target_semaphore(%arg21 : memref<!tpu.dma_semaphore, #tpu.memory_space<semaphore_mem>>)
      %add3A_474 = arith.constant 7 : i32
      %add3A_475 = arith.addi %add3A_130, %add3A_474 : i32
      %dma_wait3A_476 = arith.constant 7 : i32
      %dma_wait3A_477 = arith.constant 0 : i32
      %dma_wait3A_478 = arith.constant 0 : i32
      %dma_wait3A_479 = tpu.memref_slice %arg6[%dma_wait3A_476, %dma_wait3A_477, %dma_wait3A_478] : memref<8x128x32xf32, #tpu.memory_space<vmem>> -> memref<1x128x32xf32, #tpu.memory_space<vmem>>
      %dma_wait3A_480 = tpu.memref_squeeze %dma_wait3A_479 : memref<1x128x32xf32, #tpu.memory_space<vmem>> -> memref<128x32xf32, #tpu.memory_space<vmem>>
      %dma_wait3A_481 = arith.constant 0 : i32
      %dma_wait3A_482 = tpu.memref_slice %arg5[%add3A_475, %dma_wait3A_481] : memref<200x128xi32, #tpu.memory_space<vmem>> -> memref<1x128xi32, #tpu.memory_space<vmem>>
      %dma_wait3A_483 = tpu.memref_squeeze %dma_wait3A_482 : memref<1x128xi32, #tpu.memory_space<vmem>> -> memref<128xi32, #tpu.memory_space<vmem>>
      %dma_wait3A_484 = arith.constant 0 : i32
      %dma_wait3A_485 = arith.constant 0 : i32
      %dma_wait3A_486 = tpu.memref_slice %arg3[%dma_wait3A_484, %dma_wait3A_485] : memref<1000000x32xf32, #tpu.memory_space<hbm>> -> memref<1000000x32xf32, #tpu.memory_space<hbm>>
      tpu.wait_indirect_dma semaphore(%arg14 : memref<!tpu.dma_semaphore, #tpu.memory_space<semaphore_mem>>) src(%dma_wait3A_486 : memref<1000000x32xf32, #tpu.memory_space<hbm>>) dst(%dma_wait3A_480 : memref<128x32xf32, #tpu.memory_space<vmem>>)
      %mul3A_487 = arith.constant 128 : i32
      %mul3A_488 = arith.muli %add3A_475, %mul3A_487 : i32
      %add3A_489 = arith.addi %mul3A_2, %mul3A_488 : i32
      %dma_start3A_490 = arith.constant 7 : i32
      %dma_start3A_491 = arith.constant 0 : i32
      %dma_start3A_492 = arith.constant 0 : i32
      %dma_start3A_493 = tpu.memref_slice %arg6[%dma_start3A_490, %dma_start3A_491, %dma_start3A_492] : memref<8x128x32xf32, #tpu.memory_space<vmem>> -> memref<1x128x32xf32, #tpu.memory_space<vmem>>
      %dma_start3A_494 = tpu.memref_squeeze %dma_start3A_493 : memref<1x128x32xf32, #tpu.memory_space<vmem>> -> memref<128x32xf32, #tpu.memory_space<vmem>>
      %dma_start3A_495 = arith.constant 0 : i32
      %dma_start3A_496 = tpu.memref_slice %arg4[%add3A_489, %dma_start3A_495] : memref<819200x32xf32, #tpu.memory_space<hbm>> -> memref<128x32xf32, #tpu.memory_space<hbm>>
      %dma_start3A_497 = arith.constant 0 : i32
      %dma_start3A_498 = tpu.memref_slice %arg4[%add3A_489, %dma_start3A_497] : memref<819200x32xf32, #tpu.memory_space<hbm>> -> memref<128x32xf32, #tpu.memory_space<hbm>>
      %dma_start3A_499 = arith.constant 0 : i32
      %dma_start3A_500 = arith.constant 0 : i32
      %dma_start3A_501 = tpu.memref_slice %arg6[%dma_start3A_490, %dma_start3A_499, %dma_start3A_500] : memref<8x128x32xf32, #tpu.memory_space<vmem>> -> memref<1x128x32xf32, #tpu.memory_space<vmem>>
      %dma_start3A_502 = tpu.memref_squeeze %dma_start3A_501 : memref<1x128x32xf32, #tpu.memory_space<vmem>> -> memref<128x32xf32, #tpu.memory_space<vmem>>
      tpu.enqueue_dma source(%dma_start3A_502 : memref<128x32xf32, #tpu.memory_space<vmem>>) target(%dma_start3A_498 : memref<128x32xf32, #tpu.memory_space<hbm>>) target_semaphore(%arg22 : memref<!tpu.dma_semaphore, #tpu.memory_space<semaphore_mem>>)
    }
    %scan3A_6 = arith.constant 25 : i32
    %add3A_7 = arith.constant 24576 : i32
    %add3A_8 = arith.addi %mul3A_2, %add3A_7 : i32
    %dma_wait3A = arith.constant 0 : i32
    %dma_wait3A_9 = arith.constant 0 : i32
    %dma_wait3A_10 = arith.constant 0 : i32
    %dma_wait3A_11 = tpu.memref_slice %arg6[%dma_wait3A, %dma_wait3A_9, %dma_wait3A_10] : memref<8x128x32xf32, #tpu.memory_space<vmem>> -> memref<1x128x32xf32, #tpu.memory_space<vmem>>
    %dma_wait3A_12 = tpu.memref_squeeze %dma_wait3A_11 : memref<1x128x32xf32, #tpu.memory_space<vmem>> -> memref<128x32xf32, #tpu.memory_space<vmem>>
    %dma_wait3A_13 = arith.constant 0 : i32
    %dma_wait3A_14 = tpu.memref_slice %arg4[%add3A_8, %dma_wait3A_13] : memref<819200x32xf32, #tpu.memory_space<hbm>> -> memref<128x32xf32, #tpu.memory_space<hbm>>
    %dma_wait3A_15 = arith.constant 0 : i32
    %dma_wait3A_16 = tpu.memref_slice %arg4[%add3A_8, %dma_wait3A_15] : memref<819200x32xf32, #tpu.memory_space<hbm>> -> memref<128x32xf32, #tpu.memory_space<hbm>>
    %dma_wait3A_17 = arith.constant 0 : i32
    %dma_wait3A_18 = arith.constant 0 : i32
    %dma_wait3A_19 = tpu.memref_slice %arg6[%dma_wait3A, %dma_wait3A_17, %dma_wait3A_18] : memref<8x128x32xf32, #tpu.memory_space<vmem>> -> memref<1x128x32xf32, #tpu.memory_space<vmem>>
    %dma_wait3A_20 = tpu.memref_squeeze %dma_wait3A_19 : memref<1x128x32xf32, #tpu.memory_space<vmem>> -> memref<128x32xf32, #tpu.memory_space<vmem>>
    tpu.wait_dma2 semaphore(%arg15 : memref<!tpu.dma_semaphore, #tpu.memory_space<semaphore_mem>>) src(%dma_wait3A_20 : memref<128x32xf32, #tpu.memory_space<vmem>>) dst(%dma_wait3A_16 : memref<128x32xf32, #tpu.memory_space<hbm>>)
    %add3A_21 = arith.constant 24704 : i32
    %add3A_22 = arith.addi %mul3A_2, %add3A_21 : i32
    %dma_wait3A_23 = arith.constant 1 : i32
    %dma_wait3A_24 = arith.constant 0 : i32
    %dma_wait3A_25 = arith.constant 0 : i32
    %dma_wait3A_26 = tpu.memref_slice %arg6[%dma_wait3A_23, %dma_wait3A_24, %dma_wait3A_25] : memref<8x128x32xf32, #tpu.memory_space<vmem>> -> memref<1x128x32xf32, #tpu.memory_space<vmem>>
    %dma_wait3A_27 = tpu.memref_squeeze %dma_wait3A_26 : memref<1x128x32xf32, #tpu.memory_space<vmem>> -> memref<128x32xf32, #tpu.memory_space<vmem>>
    %dma_wait3A_28 = arith.constant 0 : i32
    %dma_wait3A_29 = tpu.memref_slice %arg4[%add3A_22, %dma_wait3A_28] : memref<819200x32xf32, #tpu.memory_space<hbm>> -> memref<128x32xf32, #tpu.memory_space<hbm>>
    %dma_wait3A_30 = arith.constant 0 : i32
    %dma_wait3A_31 = tpu.memref_slice %arg4[%add3A_22, %dma_wait3A_30] : memref<819200x32xf32, #tpu.memory_space<hbm>> -> memref<128x32xf32, #tpu.memory_space<hbm>>
    %dma_wait3A_32 = arith.constant 0 : i32
    %dma_wait3A_33 = arith.constant 0 : i32
    %dma_wait3A_34 = tpu.memref_slice %arg6[%dma_wait3A_23, %dma_wait3A_32, %dma_wait3A_33] : memref<8x128x32xf32, #tpu.memory_space<vmem>> -> memref<1x128x32xf32, #tpu.memory_space<vmem>>
    %dma_wait3A_35 = tpu.memref_squeeze %dma_wait3A_34 : memref<1x128x32xf32, #tpu.memory_space<vmem>> -> memref<128x32xf32, #tpu.memory_space<vmem>>
    tpu.wait_dma2 semaphore(%arg16 : memref<!tpu.dma_semaphore, #tpu.memory_space<semaphore_mem>>) src(%dma_wait3A_35 : memref<128x32xf32, #tpu.memory_space<vmem>>) dst(%dma_wait3A_31 : memref<128x32xf32, #tpu.memory_space<hbm>>)
    %add3A_36 = arith.constant 24832 : i32
    %add3A_37 = arith.addi %mul3A_2, %add3A_36 : i32
    %dma_wait3A_38 = arith.constant 2 : i32
    %dma_wait3A_39 = arith.constant 0 : i32
    %dma_wait3A_40 = arith.constant 0 : i32
    %dma_wait3A_41 = tpu.memref_slice %arg6[%dma_wait3A_38, %dma_wait3A_39, %dma_wait3A_40] : memref<8x128x32xf32, #tpu.memory_space<vmem>> -> memref<1x128x32xf32, #tpu.memory_space<vmem>>
    %dma_wait3A_42 = tpu.memref_squeeze %dma_wait3A_41 : memref<1x128x32xf32, #tpu.memory_space<vmem>> -> memref<128x32xf32, #tpu.memory_space<vmem>>
    %dma_wait3A_43 = arith.constant 0 : i32
    %dma_wait3A_44 = tpu.memref_slice %arg4[%add3A_37, %dma_wait3A_43] : memref<819200x32xf32, #tpu.memory_space<hbm>> -> memref<128x32xf32, #tpu.memory_space<hbm>>
    %dma_wait3A_45 = arith.constant 0 : i32
    %dma_wait3A_46 = tpu.memref_slice %arg4[%add3A_37, %dma_wait3A_45] : memref<819200x32xf32, #tpu.memory_space<hbm>> -> memref<128x32xf32, #tpu.memory_space<hbm>>
    %dma_wait3A_47 = arith.constant 0 : i32
    %dma_wait3A_48 = arith.constant 0 : i32
    %dma_wait3A_49 = tpu.memref_slice %arg6[%dma_wait3A_38, %dma_wait3A_47, %dma_wait3A_48] : memref<8x128x32xf32, #tpu.memory_space<vmem>> -> memref<1x128x32xf32, #tpu.memory_space<vmem>>
    %dma_wait3A_50 = tpu.memref_squeeze %dma_wait3A_49 : memref<1x128x32xf32, #tpu.memory_space<vmem>> -> memref<128x32xf32, #tpu.memory_space<vmem>>
    tpu.wait_dma2 semaphore(%arg17 : memref<!tpu.dma_semaphore, #tpu.memory_space<semaphore_mem>>) src(%dma_wait3A_50 : memref<128x32xf32, #tpu.memory_space<vmem>>) dst(%dma_wait3A_46 : memref<128x32xf32, #tpu.memory_space<hbm>>)
    %add3A_51 = arith.constant 24960 : i32
    %add3A_52 = arith.addi %mul3A_2, %add3A_51 : i32
    %dma_wait3A_53 = arith.constant 3 : i32
    %dma_wait3A_54 = arith.constant 0 : i32
    %dma_wait3A_55 = arith.constant 0 : i32
    %dma_wait3A_56 = tpu.memref_slice %arg6[%dma_wait3A_53, %dma_wait3A_54, %dma_wait3A_55] : memref<8x128x32xf32, #tpu.memory_space<vmem>> -> memref<1x128x32xf32, #tpu.memory_space<vmem>>
    %dma_wait3A_57 = tpu.memref_squeeze %dma_wait3A_56 : memref<1x128x32xf32, #tpu.memory_space<vmem>> -> memref<128x32xf32, #tpu.memory_space<vmem>>
    %dma_wait3A_58 = arith.constant 0 : i32
    %dma_wait3A_59 = tpu.memref_slice %arg4[%add3A_52, %dma_wait3A_58] : memref<819200x32xf32, #tpu.memory_space<hbm>> -> memref<128x32xf32, #tpu.memory_space<hbm>>
    %dma_wait3A_60 = arith.constant 0 : i32
    %dma_wait3A_61 = tpu.memref_slice %arg4[%add3A_52, %dma_wait3A_60] : memref<819200x32xf32, #tpu.memory_space<hbm>> -> memref<128x32xf32, #tpu.memory_space<hbm>>
    %dma_wait3A_62 = arith.constant 0 : i32
    %dma_wait3A_63 = arith.constant 0 : i32
    %dma_wait3A_64 = tpu.memref_slice %arg6[%dma_wait3A_53, %dma_wait3A_62, %dma_wait3A_63] : memref<8x128x32xf32, #tpu.memory_space<vmem>> -> memref<1x128x32xf32, #tpu.memory_space<vmem>>
    %dma_wait3A_65 = tpu.memref_squeeze %dma_wait3A_64 : memref<1x128x32xf32, #tpu.memory_space<vmem>> -> memref<128x32xf32, #tpu.memory_space<vmem>>
    tpu.wait_dma2 semaphore(%arg18 : memref<!tpu.dma_semaphore, #tpu.memory_space<semaphore_mem>>) src(%dma_wait3A_65 : memref<128x32xf32, #tpu.memory_space<vmem>>) dst(%dma_wait3A_61 : memref<128x32xf32, #tpu.memory_space<hbm>>)
    %add3A_66 = arith.constant 25088 : i32
    %add3A_67 = arith.addi %mul3A_2, %add3A_66 : i32
    %dma_wait3A_68 = arith.constant 4 : i32
    %dma_wait3A_69 = arith.constant 0 : i32
    %dma_wait3A_70 = arith.constant 0 : i32
    %dma_wait3A_71 = tpu.memref_slice %arg6[%dma_wait3A_68, %dma_wait3A_69, %dma_wait3A_70] : memref<8x128x32xf32, #tpu.memory_space<vmem>> -> memref<1x128x32xf32, #tpu.memory_space<vmem>>
    %dma_wait3A_72 = tpu.memref_squeeze %dma_wait3A_71 : memref<1x128x32xf32, #tpu.memory_space<vmem>> -> memref<128x32xf32, #tpu.memory_space<vmem>>
    %dma_wait3A_73 = arith.constant 0 : i32
    %dma_wait3A_74 = tpu.memref_slice %arg4[%add3A_67, %dma_wait3A_73] : memref<819200x32xf32, #tpu.memory_space<hbm>> -> memref<128x32xf32, #tpu.memory_space<hbm>>
    %dma_wait3A_75 = arith.constant 0 : i32
    %dma_wait3A_76 = tpu.memref_slice %arg4[%add3A_67, %dma_wait3A_75] : memref<819200x32xf32, #tpu.memory_space<hbm>> -> memref<128x32xf32, #tpu.memory_space<hbm>>
    %dma_wait3A_77 = arith.constant 0 : i32
    %dma_wait3A_78 = arith.constant 0 : i32
    %dma_wait3A_79 = tpu.memref_slice %arg6[%dma_wait3A_68, %dma_wait3A_77, %dma_wait3A_78] : memref<8x128x32xf32, #tpu.memory_space<vmem>> -> memref<1x128x32xf32, #tpu.memory_space<vmem>>
    %dma_wait3A_80 = tpu.memref_squeeze %dma_wait3A_79 : memref<1x128x32xf32, #tpu.memory_space<vmem>> -> memref<128x32xf32, #tpu.memory_space<vmem>>
    tpu.wait_dma2 semaphore(%arg19 : memref<!tpu.dma_semaphore, #tpu.memory_space<semaphore_mem>>) src(%dma_wait3A_80 : memref<128x32xf32, #tpu.memory_space<vmem>>) dst(%dma_wait3A_76 : memref<128x32xf32, #tpu.memory_space<hbm>>)
    %add3A_81 = arith.constant 25216 : i32
    %add3A_82 = arith.addi %mul3A_2, %add3A_81 : i32
    %dma_wait3A_83 = arith.constant 5 : i32
    %dma_wait3A_84 = arith.constant 0 : i32
    %dma_wait3A_85 = arith.constant 0 : i32
    %dma_wait3A_86 = tpu.memref_slice %arg6[%dma_wait3A_83, %dma_wait3A_84, %dma_wait3A_85] : memref<8x128x32xf32, #tpu.memory_space<vmem>> -> memref<1x128x32xf32, #tpu.memory_space<vmem>>
    %dma_wait3A_87 = tpu.memref_squeeze %dma_wait3A_86 : memref<1x128x32xf32, #tpu.memory_space<vmem>> -> memref<128x32xf32, #tpu.memory_space<vmem>>
    %dma_wait3A_88 = arith.constant 0 : i32
    %dma_wait3A_89 = tpu.memref_slice %arg4[%add3A_82, %dma_wait3A_88] : memref<819200x32xf32, #tpu.memory_space<hbm>> -> memref<128x32xf32, #tpu.memory_space<hbm>>
    %dma_wait3A_90 = arith.constant 0 : i32
    %dma_wait3A_91 = tpu.memref_slice %arg4[%add3A_82, %dma_wait3A_90] : memref<819200x32xf32, #tpu.memory_space<hbm>> -> memref<128x32xf32, #tpu.memory_space<hbm>>
    %dma_wait3A_92 = arith.constant 0 : i32
    %dma_wait3A_93 = arith.constant 0 : i32
    %dma_wait3A_94 = tpu.memref_slice %arg6[%dma_wait3A_83, %dma_wait3A_92, %dma_wait3A_93] : memref<8x128x32xf32, #tpu.memory_space<vmem>> -> memref<1x128x32xf32, #tpu.memory_space<vmem>>
    %dma_wait3A_95 = tpu.memref_squeeze %dma_wait3A_94 : memref<1x128x32xf32, #tpu.memory_space<vmem>> -> memref<128x32xf32, #tpu.memory_space<vmem>>
    tpu.wait_dma2 semaphore(%arg20 : memref<!tpu.dma_semaphore, #tpu.memory_space<semaphore_mem>>) src(%dma_wait3A_95 : memref<128x32xf32, #tpu.memory_space<vmem>>) dst(%dma_wait3A_91 : memref<128x32xf32, #tpu.memory_space<hbm>>)
    %add3A_96 = arith.constant 25344 : i32
    %add3A_97 = arith.addi %mul3A_2, %add3A_96 : i32
    %dma_wait3A_98 = arith.constant 6 : i32
    %dma_wait3A_99 = arith.constant 0 : i32
    %dma_wait3A_100 = arith.constant 0 : i32
    %dma_wait3A_101 = tpu.memref_slice %arg6[%dma_wait3A_98, %dma_wait3A_99, %dma_wait3A_100] : memref<8x128x32xf32, #tpu.memory_space<vmem>> -> memref<1x128x32xf32, #tpu.memory_space<vmem>>
    %dma_wait3A_102 = tpu.memref_squeeze %dma_wait3A_101 : memref<1x128x32xf32, #tpu.memory_space<vmem>> -> memref<128x32xf32, #tpu.memory_space<vmem>>
    %dma_wait3A_103 = arith.constant 0 : i32
    %dma_wait3A_104 = tpu.memref_slice %arg4[%add3A_97, %dma_wait3A_103] : memref<819200x32xf32, #tpu.memory_space<hbm>> -> memref<128x32xf32, #tpu.memory_space<hbm>>
    %dma_wait3A_105 = arith.constant 0 : i32
    %dma_wait3A_106 = tpu.memref_slice %arg4[%add3A_97, %dma_wait3A_105] : memref<819200x32xf32, #tpu.memory_space<hbm>> -> memref<128x32xf32, #tpu.memory_space<hbm>>
    %dma_wait3A_107 = arith.constant 0 : i32
    %dma_wait3A_108 = arith.constant 0 : i32
    %dma_wait3A_109 = tpu.memref_slice %arg6[%dma_wait3A_98, %dma_wait3A_107, %dma_wait3A_108] : memref<8x128x32xf32, #tpu.memory_space<vmem>> -> memref<1x128x32xf32, #tpu.memory_space<vmem>>
    %dma_wait3A_110 = tpu.memref_squeeze %dma_wait3A_109 : memref<1x128x32xf32, #tpu.memory_space<vmem>> -> memref<128x32xf32, #tpu.memory_space<vmem>>
    tpu.wait_dma2 semaphore(%arg21 : memref<!tpu.dma_semaphore, #tpu.memory_space<semaphore_mem>>) src(%dma_wait3A_110 : memref<128x32xf32, #tpu.memory_space<vmem>>) dst(%dma_wait3A_106 : memref<128x32xf32, #tpu.memory_space<hbm>>)
    %add3A_111 = arith.constant 25472 : i32
    %add3A_112 = arith.addi %mul3A_2, %add3A_111 : i32
    %dma_wait3A_113 = arith.constant 7 : i32
    %dma_wait3A_114 = arith.constant 0 : i32
    %dma_wait3A_115 = arith.constant 0 : i32
    %dma_wait3A_116 = tpu.memref_slice %arg6[%dma_wait3A_113, %dma_wait3A_114, %dma_wait3A_115] : memref<8x128x32xf32, #tpu.memory_space<vmem>> -> memref<1x128x32xf32, #tpu.memory_space<vmem>>
    %dma_wait3A_117 = tpu.memref_squeeze %dma_wait3A_116 : memref<1x128x32xf32, #tpu.memory_space<vmem>> -> memref<128x32xf32, #tpu.memory_space<vmem>>
    %dma_wait3A_118 = arith.constant 0 : i32
    %dma_wait3A_119 = tpu.memref_slice %arg4[%add3A_112, %dma_wait3A_118] : memref<819200x32xf32, #tpu.memory_space<hbm>> -> memref<128x32xf32, #tpu.memory_space<hbm>>
    %dma_wait3A_120 = arith.constant 0 : i32
    %dma_wait3A_121 = tpu.memref_slice %arg4[%add3A_112, %dma_wait3A_120] : memref<819200x32xf32, #tpu.memory_space<hbm>> -> memref<128x32xf32, #tpu.memory_space<hbm>>
    %dma_wait3A_122 = arith.constant 0 : i32
    %dma_wait3A_123 = arith.constant 0 : i32
    %dma_wait3A_124 = tpu.memref_slice %arg6[%dma_wait3A_113, %dma_wait3A_122, %dma_wait3A_123] : memref<8x128x32xf32, #tpu.memory_space<vmem>> -> memref<1x128x32xf32, #tpu.memory_space<vmem>>
    %dma_wait3A_125 = tpu.memref_squeeze %dma_wait3A_124 : memref<1x128x32xf32, #tpu.memory_space<vmem>> -> memref<128x32xf32, #tpu.memory_space<vmem>>
    tpu.wait_dma2 semaphore(%arg22 : memref<!tpu.dma_semaphore, #tpu.memory_space<semaphore_mem>>) src(%dma_wait3A_125 : memref<128x32xf32, #tpu.memory_space<vmem>>) dst(%dma_wait3A_121 : memref<128x32xf32, #tpu.memory_space<hbm>>)
    return
  }
}

module attributes {stable_mosaic.version = 14 : i64} {
  func.func @body(%arg0: i32, %arg1: memref<6400x128xf32, #tpu.memory_space<vmem>>, %arg2: memref<200x32x128xf32, #tpu.memory_space<vmem>>) attributes {dimension_semantics = [#tpu.dimension_semantics<arbitrary>], iteration_bounds = array<i64: 32>, scalar_prefetch = 0 : i64, scratch_operands = 0 : i64, tpu.core_type = #tpu.core_type<tc>, window_params = [{transform_indices = @transform_0, window_bounds = array<i64: 6400, 128>}, {transform_indices = @transform_1, window_bounds = array<i64: 200, 32, 128>}]} {
    %get3A = arith.constant 0 : index
    %get3A_0 = arith.constant 0 : index
    %get3A_1 = vector.load %arg1[%get3A, %get3A_0] : memref<6400x128xf32, #tpu.memory_space<vmem>>, vector<6400x128xf32>
    %reshape3A = vector.shape_cast %get3A_1 : vector<6400x128xf32> to vector<128x50x128xf32>
    %reshape3A_2 = vector.shape_cast %reshape3A : vector<128x50x128xf32> to vector<128x6400xf32>
    %transpose3A = tpu.transpose %reshape3A_2, [1, 0] : vector<128x6400xf32> -> vector<6400x128xf32>
    %reshape3A_3 = vector.shape_cast %transpose3A : vector<6400x128xf32> to vector<200x32x128xf32>
    %swap3A = arith.constant 0 : index
    %swap3A_4 = arith.constant 0 : index
    %swap3A_5 = arith.constant 0 : index
    %swap3A_6 = vector.load %arg2[%swap3A, %swap3A_4, %swap3A_5] : memref<200x32x128xf32, #tpu.memory_space<vmem>>, vector<200x32x128xf32>
    tpu.vector_store %arg2[%swap3A, %swap3A_4, %swap3A_5], %reshape3A_3 {strides = array<i32>} : memref<200x32x128xf32, #tpu.memory_space<vmem>>, vector<200x32x128xf32>,
    return
  }
  func.func @transform_0(%arg0: i32) -> (i32, i32) {
    %c0_i32 = arith.constant 0 : i32
    %c0_i32_0 = arith.constant 0 : i32
    return %arg0, %c0_i32 : i32, i32
  }
  func.func @transform_1(%arg0: i32) -> (i32, i32, i32) {
    %c0_i32 = arith.constant 0 : i32
    %c0_i32_0 = arith.constant 0 : i32
    %c0_i32_1 = arith.constant 0 : i32
    return %c0_i32, %c0_i32_0, %arg0 : i32, i32, i32
  }
}

</mosaic_0001>

<sc_bundles>
// kernel: kernel.5.cloned.1.call-start
scs
__scs_entry_jumppad:
0x0: {  	(pc) =	sbr.rel $0x88, $3  }
0x1: {  	(tag) =	ssettag $0x0;
	lr =	simm.s32 $0x1  }
0x2: {  	[smem:$0x3F9F] =	sst lr;
	_ =	strace $0xD0000000  }
0x3: {  	_ = 	snop  }
0x4: {  	_ = 	snop  }
0x5: {  	_ = 	snop  }
0x6: {  	_ = 	snop  }
0x7: {  	_ = 	snop  }
__scs_overlays_trampoline_lowered:
0x8: {  	[smem:$0x3FAE] =	sst s0  }
0x9: {  	[smem:$0x3FAF] =	sst s1  }
0xa: {  	[smem:$0x3FB0] =	sst s2  }
0xb: {  	[smem:$0x3FB1] =	sst s3  }
0xc: {  	[smem:$0x3FB2] =	sst s4  }
0xd: {  	[smem:$0x3FB3] =	sst s5  }
0xe: {  	[smem:$0x3FB4] =	sst s6  }
0xf: {  	[smem:$0x3FB5] =	sst s7  }
0x10: {  	[smem:$0x3FB6] =	sst s8  }
0x11: {  	[smem:$0x3FB7] =	sst s9;
	s0 =	simm.s32 @!p0 $0x0  }
0x12: {  	s1 =	sld [smem:$0x3F9D];
	s0 =	simm.s32 @p0 $0x1  }
0x13: {  	[smem:$0x3FB8] =	sst s0;
	s0 =	simm.s32 @!p1 $0x0  }
0x14: {  	s2 =	sld [smem:$0x3F9C];
	s0 =	simm.s32 @p1 $0x1  }
0x15: {  	[smem:$0x3FB9] =	sst s0;
	s0 =	simm.s32 @!p2 $0x0  }
0x16: {  	s3 =	sld [smem:$0x3FDB];
	s0 =	simm.s32 @p2 $0x1  }
0x17: {  	s4 =	simm.s32 $0x1BF5;
	[smem:$0x3FBB] =	sst s0  }
0x18: {  	s0 =	sld [smem:$0x3F9E];
	_ =	swait.ge [sflag:s4], $0x0  }
0x19: {  	s7 =	sld [smem:$0x3F9F]  }
0x1a: {  	s8 =	sadd.s32 $0xFFFFE003, lr  }
0x1b: {  	s9 =	sadd.s32 $0xFFFFFEF7, lr;
	s5 =	simm.s32 $0xFFFFFFFF;
	p2 =	slt.u32 s8, $0xFFFFF086  }
0x1c: {  	p1 =	slt.u32 s9, $0xF7A;
	s5 =	simm.s32 @!p2 $0x0  }
0x1d: {  	s5 =	simm.s32 @p1 $0x1;
	p0 =	seq.s32 s7, s2  }
0x1e: {  	s7 =	smul.u32 @!p0 $0xF7A, s2;
	p2 =	seq.s32 @!p0 s5, $0x0  }
0x1f: {  	s9 =	smul.u32 $0xF7A, s1;
	s8 =	simm.s32 @!p0 $0x1BF5;
	p2 =	por !p2, p0  }
0x20: {  	[sflag:s8] =	ssyncset.s32 @!p0 $0xFFFFF086;
	s6 =	sadd.s32 @!p0 s3, s7;
	s7 =	simm.s32 @!p0 $0x108  }
0x21: {  	s3 =	sadd.s32 s3, s9;
	s6 =	sadd.s32 @!p0 $0x88, s6;
	s7 =	simm.s32 @p2 $0x1082  }
0x22: {  	[simem:s7], [sflag:s8] =	dma.local @!p0 [hbm:s6], $0xF7A  }
0x23: {  	s9 =	sor.u32 $0xD0000000, s2;
	s6 =	simm.s32 $0x108;
	_ =	swait.ge @!p0 [sflag:s8], $0x0  }
0x24: {  	s3 =	sadd.s32 $0x88, s3;
	s6 =	simm.s32 @!p1 $0x1082;
	[sflag:s4] =	ssyncset.s32 $0xFFFFF086  }
0x25: {  	[simem:s6], [sflag:s4] =	dma.local [hbm:s3], $0xF7A  }
0x26: {  	[smem:$0x3F9F] =	sst s1;
	(tag) =	ssettag s2;
	_ =	strace s9  }
0x27: {  	s1 =	sld [smem:$0x3FAF]  }
0x28: {  	s2 =	sld [smem:$0x3FB0]  }
0x29: {  	s4 =	sld [smem:$0x3FB2]  }
0x2a: {  	p0 =	seq.s32 s5, $0x0;
	s5 =	sld [smem:$0x3FB3]  }
0x2b: {  	s6 =	sld [smem:$0x3FB4]  }
0x2c: {  	s7 =	sld [smem:$0x3FB5]  }
0x2d: {  	s3 =	simm.s32 $0x108;
	s8 =	sld [smem:$0x3FB6]  }
0x2e: {  	s3 =	simm.s32 @!p0 $0x1082;
	s9 =	sld [smem:$0x3FB7]  }
0x2f: {  	lr =	sadd.s32 s0, s3;
	s0 =	sld [smem:$0x3FAE]  }
0x30: {  	s3 =	sld [smem:$0x3FB1]  }
0x31: {  	[smem:$0x3FBA] =	sst s10  }
0x32: {  	s10 =	sld [smem:$0x3FB8];
	_ =	sdelay $0x3  }
0x33: {  	p0 =	seq.s32 s10, $0x1;
	s10 =	sld [smem:$0x3FBA];
	_ =	sdelay $0x3  }
0x34: {  	[smem:$0x3FBA] =	sst s10  }
0x35: {  	s10 =	sld [smem:$0x3FB9];
	_ =	sdelay $0x3  }
0x36: {  	p1 =	seq.s32 s10, $0x1;
	s10 =	sld [smem:$0x3FBA];
	_ =	sdelay $0x3  }
0x37: {  	[smem:$0x3FBA] =	sst s10  }
0x38: {  	s10 =	sld [smem:$0x3FBB]  }
0x39: {  	_ = 	snop;
	(pc) =	sbr.ind lr, $3  }
0x3a: {  	_ = 	snop  }
0x3b: {  	_ = 	snop  }
0x3c: {  	p2 =	seq.s32 s10, $0x1;
	s10 =	sld [smem:$0x3FBA]  }
0x3d: {  	_ =	shalt  }
0x3e: {  	_ =	shalt  }
0x3f: {  	_ =	shalt  }
0x40: {  	_ =	shalt  }
0x41: {  	_ =	shalt  }
0x42: {  	_ =	shalt  }
0x43: {  	_ =	shalt  }
0x44: {  	_ =	shalt  }
0x45: {  	_ =	shalt  }
0x46: {  	_ =	shalt  }
0x47: {  	_ =	shalt  }
0x48: {  	_ =	shalt  }
0x49: {  	_ =	shalt  }
0x4a: {  	_ =	shalt  }
0x4b: {  	_ =	shalt  }
0x4c: {  	_ =	shalt  }
0x4d: {  	_ =	shalt  }
0x4e: {  	_ =	shalt  }
0x4f: {  	_ =	shalt  }
0x50: {  	_ =	shalt  }
0x51: {  	_ =	shalt  }
0x52: {  	_ =	shalt  }
0x53: {  	_ =	shalt  }
0x54: {  	_ =	shalt  }
0x55: {  	_ =	shalt  }
0x56: {  	_ =	shalt  }
0x57: {  	_ =	shalt  }
0x58: {  	_ =	shalt  }
0x59: {  	_ =	shalt  }
0x5a: {  	_ =	shalt  }
0x5b: {  	_ =	shalt  }
0x5c: {  	_ =	shalt  }
0x5d: {  	_ =	shalt  }
0x5e: {  	_ =	shalt  }
0x5f: {  	_ =	shalt  }
0x60: {  	_ =	shalt  }
0x61: {  	_ =	shalt  }
0x62: {  	_ =	shalt  }
0x63: {  	_ =	shalt  }
0x64: {  	_ =	shalt  }
0x65: {  	_ =	shalt  }
0x66: {  	_ =	shalt  }
0x67: {  	_ =	shalt  }
0x68: {  	_ =	shalt  }
0x69: {  	_ =	shalt  }
0x6a: {  	_ =	shalt  }
0x6b: {  	_ =	shalt  }
0x6c: {  	_ =	shalt  }
0x6d: {  	_ =	shalt  }
0x6e: {  	_ =	shalt  }
0x6f: {  	_ =	shalt  }
0x70: {  	_ =	shalt  }
0x71: {  	_ =	shalt  }
0x72: {  	_ =	shalt  }
0x73: {  	_ =	shalt  }
0x74: {  	_ =	shalt  }
0x75: {  	_ =	shalt  }
0x76: {  	_ =	shalt  }
0x77: {  	_ =	shalt  }
0x78: {  	_ =	shalt  }
0x79: {  	_ =	shalt  }
0x7a: {  	_ =	shalt  }
0x7b: {  	_ =	shalt  }
0x7c: {  	_ =	shalt  }
0x7d: {  	_ =	shalt  }
0x7e: {  	_ =	shalt  }
0x7f: {  	_ =	shalt  }
0x80: {  	_ =	shalt  }
0x81: {  	_ =	shalt  }
0x82: {  	_ =	shalt  }
0x83: {  	_ =	shalt  }
0x84: {  	_ =	shalt  }
0x85: {  	_ =	shalt  }
0x86: {  	_ =	shalt  }
0x87: {  	_ =	shalt  }
.Lfunc_end0:
.L_simem_size_0:
called_computation_lowered:
.L_overlay_start_0:
0x88: {  	s2 =	sld [smem:$0x3FD9]  }
0x89: {  	s3 =	sld [smem:$0x3FFE];
	_ =	sdelay $0x1  }
0x8a: {  	s1 =	srdreg.scid  }
0x8b: {  	s0 =	sand.u32 $0x1, s1  }
0x8c: {  	s17 =	sshll.u32 s0, $0xA;
	s2 =	sadd.s32 s3, s2  }
0x8d: {  	s2 =	sadd.s32 s2, s17  }
0x8e: {  	[smem:$0x3FC6] =	sst s2  }
0x8f: {  	_ = 	snop  }
0x90: {  	s2 =	sld [smem:$0x3FC8];
	(tm) =	ssettm $0x1  }
0x91: {  	s18 =	sld [smem:$0x3FFB];
	_ =	sdelay $0x3  }
0x92: {  	_ =	strace s18  }
0x93: {  	s3 =	sld [smem:$0x3FFC];
	_ =	sdelay $0x3  }
0x94: {  	_ =	strace s3  }
0x95: {  	s3 =	sld [smem:$0x3FFD];
	_ =	sdelay $0x3  }
0x96: {  	_ =	strace s3  }
0x97: {  	_ =	strace $0x8FFFFFFF  }
0x98: {  	s19 =	sld [smem:$0x3FDB];
	_ =	sdelay $0x1  }
0x99: {  	s4 =	simm.s32 $_scs_section_size  }
0x9a: {  	s5 =	simm.s32 $_size__tile_overlayer_lowered;
	s6 =	simm.s32 $_tile_overlayer_lowered  }
0x9b: {  	s22 =	simm.s32 $0x1BFF;
	s21 =	sshll.u32 s6, $0x1;
	s3 =	sadd.s32 s4, s19  }
0x9c: {  	s7 =	simm.s32 $0x0;
	s20 =	sshll.u32 s5, $0x1;
	s5 =	sadd.s32 s21, s3  }
0x9d: {  	[timem:s7], [sflag:s22] =	dma.local [hbm:s5], s20  }
0x9e: {  	_ =	swait.ge [sflag:s22], s20  }
0x9f: {  	s4 =	ssub.s32 $0x0, s20;
	[sflag:s22] =	ssyncset.done $0x0  }
0xa0: {  	[sflag:s22] =	ssyncadd.s32 s4;
	_ =	sdelay $0x1  }
0xa1: {  	s23 =	simm.s32 $0x1B8B  }
0xa2: {  	_ =	swait.ge [sflag:s23], $0x1  }
0xa3: {  	[sflag:s23] =	ssyncset.done $0x0  }
0xa4: {  	s25 =	simm.s32 $0x1B8E;
	s24 =	sld [smem:$0x3FFE];
	[sflag:s23] =	ssyncadd.s32 $0xFFFFFFFF  }
0xa5: {  	s26 =	simm.s32 $execute0_lowered;
	[smem:$0x3FD2] =	sst s25  }
0xa6: {  	s5 =	sshll.u32 s26, $0x1;
	_ =	strace $0x80000046;
	[dreg:$0x1] =	wrdreg $0xFFFFFFFF  }
0xa7: {  	s28 =	simm.s32 $_size_execute0_lowered;
	s3 =	sadd.s32 s3, s5;
	[dreg:$0x0] =	wrdreg $0x0  }
0xa8: {  	s5 =	sshll.u32 s28, $0x1;
	[dreg:$0x2] =	wrdreg s3  }
0xa9: {  	[dreg:$0x3] =	wrdreg s5  }
0xaa: {  	[dreg:$0x4] =	wrdreg $0xC0  }
0xab: {  	_ =	task [dreg:s7], $0x5FFFF  }
0xac: {  	[dreg:$0x1] =	wrdreg $0xFFFFFFFF  }
0xad: {  	[dreg:$0x0] =	wrdreg $0x60  }
0xae: {  	[dreg:$0x2] =	wrdreg s2  }
0xaf: {  	[dreg:$0x3] =	wrdreg s24  }
0xb0: {  	[dreg:$0x4] =	wrdreg $0x9  }
0xb1: {  	_ =	task.clear_ibuf [dreg:s7], $0x5FFFF;
	_ =	strace $0x90000046  }
0xb2: {  	s29 =	simm.s32 $0x9;
	_ =	strace $0x80000048  }
0xb3: {  	_ =	swait.ge [sflag:s29], $0x1  }
0xb4: {  	[sflag:s29] =	ssyncadd.s32 $0xFFFFFFFF  }
0xb5: {  	_ =	strace $0x90000048  }
0xb6: {  	_ =	sfence  }
0xb7: {  	s30 =	sld [smem:$0x0];
	_ =	sdelay $0x2  }
0xb8: {  	s31 =	sshll.u32 s1, $0xD;
	s1 =	sshrl.u32 s1, $0x2  }
0xb9: {  	s3 =	sand.u32 $0x4000, s31;
	s1 =	sadd.s32 s1, s30  }
0xba: {  	s0 =	sor.u32 s3, s0;
	s1 =	sshll.u32 s1, $0x11  }
0xbb: {  	s0 =	sor.u32 s1, s0  }
0xbc: {  	s0 =	sadd.s32 $0x8F2B, s0  }
0xbd: {  	[sflag:s0] =	ssyncadd.remote.s32 $0x1  }
0xbe: {  	_ =	sfence.sel $0xFFFF  }
0xbf: {  	[dreg:$0x0] =	wrdreg $0xFFFFFFFF;
	(pc) =	sbr.abs _section_cstart, $3  }
0xc0: {  	[dreg:$0x1] =	wrdreg $0xFFFFFFFF  }
0xc1: {  	_ =	task.clear_ibuf [dreg:s7], $0x2FFFF;
	_ =	strace $0x9FFFFFFF  }
0xc2: {  	(tm) =	ssettm $0x7FFFFFFF  }
0xc3: {  	_ =	shalt  }
tec
execute0_lowered:
.L_overlay_start_1:
0x0: {  	(tag) =	ssettag $0x1  }
0x1: {  	v0 =	vimm.s32 $0xB80;
	vm14 =	vcmask $0x300  }
0x2: {  	v1 =	vimm.s32 $0x1B80;
	vm13 =	vcmask $0x704;
	vm12 =	vcmask $0xB08  }
0x3: {  	vm11 =	vcmask $0xF0C;
	vm10 =	vcmask $0x1310;
	vm9 =	vcmask $0x1714  }
0x4: {  	vm8 =	vcmask $0x1B18;
	vm7 =	vcmask $0x1F1C;
	vm6 =	vcmask $0x2320  }
0x5: {  	vm5 =	vcmask $0x2724;
	vm4 =	vcmask $0x2B28;
	vm3 =	vcmask $0x2F2C  }
0x6: {  	vm2 =	vcmask $0x3330;
	vm1 =	vcmask $0x3734;
	vm0 =	vcmask $0x3B38  }
0x7: {  	v2 =	vimm.s32 $0xB81;
	v3 =	vimm.s32 $0x1B81;
	v4 =	vimm.s32 $0xB82  }
0x8: {  	v5 =	vimm.s32 $0x1B82;
	v6 =	vimm.s32 $0xB83;
	v7 =	vimm.s32 $0x1B83  }
0x9: {  	v0 =	vsel vm14, $0x0, v0;
	v1 =	vsel vm14, $0x1000, v1;
	v2 =	vsel vm14, $0x1, v2  }
0xa: {  	v3 =	vsel vm14, $0x1001, v3;
	v4 =	vsel vm14, $0x2, v4;
	v5 =	vsel vm14, $0x1002, v5  }
0xb: {  	v6 =	vsel vm14, $0x3, v6;
	v7 =	vsel vm14, $0x1003, v7;
	v0 =	vsel vm13, $0x80, v0  }
0xc: {  	v1 =	vsel vm13, $0x1080, v1;
	v2 =	vsel vm13, $0x81, v2;
	v3 =	vsel vm13, $0x1081, v3  }
0xd: {  	v4 =	vsel vm13, $0x82, v4;
	v5 =	vsel vm13, $0x1082, v5;
	v6 =	vsel vm13, $0x83, v6  }
0xe: {  	v7 =	vsel vm13, $0x1083, v7;
	v0 =	vsel vm12, $0x100, v0;
	v1 =	vsel vm12, $0x1100, v1  }
0xf: {  	v2 =	vsel vm12, $0x101, v2;
	v3 =	vsel vm12, $0x1101, v3;
	v4 =	vsel vm12, $0x102, v4  }
0x10: {  	v5 =	vsel vm12, $0x1102, v5;
	v6 =	vsel vm12, $0x103, v6;
	v7 =	vsel vm12, $0x1103, v7  }
0x11: {  	v0 =	vsel vm11, $0x180, v0;
	v1 =	vsel vm11, $0x1180, v1;
	v2 =	vsel vm11, $0x181, v2  }
0x12: {  	v3 =	vsel vm11, $0x1181, v3;
	v4 =	vsel vm11, $0x182, v4;
	v5 =	vsel vm11, $0x1182, v5  }
0x13: {  	v6 =	vsel vm11, $0x183, v6;
	v7 =	vsel vm11, $0x1183, v7;
	v0 =	vsel vm10, $0x200, v0  }
0x14: {  	v1 =	vsel vm10, $0x1200, v1;
	v2 =	vsel vm10, $0x201, v2;
	v3 =	vsel vm10, $0x1201, v3  }
0x15: {  	v4 =	vsel vm10, $0x202, v4;
	v5 =	vsel vm10, $0x1202, v5;
	v6 =	vsel vm10, $0x203, v6  }
0x16: {  	v7 =	vsel vm10, $0x1203, v7;
	v0 =	vsel vm9, $0x280, v0;
	v1 =	vsel vm9, $0x1280, v1  }
0x17: {  	v2 =	vsel vm9, $0x281, v2;
	v3 =	vsel vm9, $0x1281, v3;
	v4 =	vsel vm9, $0x282, v4  }
0x18: {  	v5 =	vsel vm9, $0x1282, v5;
	v6 =	vsel vm9, $0x283, v6;
	v7 =	vsel vm9, $0x1283, v7  }
0x19: {  	v0 =	vsel vm8, $0x300, v0;
	v1 =	vsel vm8, $0x1300, v1;
	v2 =	vsel vm8, $0x301, v2  }
0x1a: {  	v3 =	vsel vm8, $0x1301, v3;
	v4 =	vsel vm8, $0x302, v4;
	v5 =	vsel vm8, $0x1302, v5  }
0x1b: {  	v6 =	vsel vm8, $0x303, v6;
	v7 =	vsel vm8, $0x1303, v7;
	v0 =	vsel vm7, $0x380, v0  }
0x1c: {  	v1 =	vsel vm7, $0x1380, v1;
	v2 =	vsel vm7, $0x381, v2;
	v3 =	vsel vm7, $0x1381, v3  }
0x1d: {  	v4 =	vsel vm7, $0x382, v4;
	v5 =	vsel vm7, $0x1382, v5;
	v6 =	vsel vm7, $0x383, v6  }
0x1e: {  	v7 =	vsel vm7, $0x1383, v7;
	v0 =	vsel vm6, $0x800, v0;
	v1 =	vsel vm6, $0x1800, v1  }
0x1f: {  	v2 =	vsel vm6, $0x801, v2;
	v3 =	vsel vm6, $0x1801, v3;
	v4 =	vsel vm6, $0x802, v4  }
0x20: {  	v5 =	vsel vm6, $0x1802, v5;
	v6 =	vsel vm6, $0x803, v6;
	v7 =	vsel vm6, $0x1803, v7  }
0x21: {  	v0 =	vsel vm5, $0x880, v0;
	v1 =	vsel vm5, $0x1880, v1;
	v2 =	vsel vm5, $0x881, v2  }
0x22: {  	s0 =	rddreg [dreg:$0x0];
	v3 =	vsel vm5, $0x1881, v3;
	v4 =	vsel vm5, $0x882, v4;
	v5 =	vsel vm5, $0x1882, v5  }
0x23: {  	s1 =	rddreg [dreg:$0x1];
	s3 =	simm.s32 $0x0;
	v6 =	vsel vm5, $0x883, v6;
	v7 =	vsel vm5, $0x1883, v7;
	v0 =	vsel vm4, $0x900, v0  }
0x24: {  	s2 =	srdreg.scid;
	s4 =	stileid.u32;
	s13 =	simm.s32 $0x4;
	v1 =	vsel vm4, $0x1900, v1;
	v2 =	vsel vm4, $0x901, v2;
	v3 =	vsel vm4, $0x1901, v3  }
0x25: {  	s18 =	simm.s32 $0x2;
	s19 =	simm.s32 $0x2000;
	s20 =	simm.s32 $0x5000;
	v4 =	vsel vm4, $0x902, v4;
	v5 =	vsel vm4, $0x1902, v5;
	v6 =	vsel vm4, $0x903, v6  }
0x26: {  	s21 =	simm.s32 $0x1;
	s22 =	simm.s32 $0x4000;
	[smem:$0x7FF] =	sst s3;
	v7 =	vsel vm4, $0x1903, v7;
	v0 =	vsel vm3, $0x980, v0;
	v1 =	vsel vm3, $0x1980, v1  }
0x27: {  	s2 =	sand.u32 $0x1, s2;
	s4 =	sshll.u32 s4, $0x1;
	s5 =	sadd.s32 $0xA00, s1;
	v2 =	vsel vm3, $0x981, v2;
	v3 =	vsel vm3, $0x1981, v3;
	v4 =	vsel vm3, $0x982, v4  }
0x28: {  	_ =	strace $0x80000047;
	s6 =	ssub.s32 $0x2, s2;
	s4 =	sor.u32 s2, s4;
	v5 =	vsel vm3, $0x1982, v5;
	v6 =	vsel vm3, $0x983, v6;
	v7 =	vsel vm3, $0x1983, v7  }
0x29: {  	s26 =	sshrl.u32 s6, $0x1;
	s2 =	sshll.u32 s4, $0x7;
	s28 =	ssub.s32 $0x1EA3, s4;
	v0 =	vsel vm2, $0xA00, v0;
	v1 =	vsel vm2, $0x1A00, v1;
	v2 =	vsel vm2, $0xA01, v2  }
0x2a: {  	s1 =	ssub.s32 s6, s26;
	s2 =	sadd.s32 s0, s2;
	s7 =	sshrl.u32 s28, $0x5;
	v3 =	vsel vm2, $0x1A01, v3;
	v4 =	vsel vm2, $0xA02, v4;
	v5 =	vsel vm2, $0x1A02, v5  }
0x2b: {  	s29 =	sadd.s32 $0xF4280, s2;
	s30 =	sadd.s32 $0x1E8500, s2;
	[dreg:$0x3] =	wrdreg s2;
	v6 =	vsel vm2, $0xA03, v6;
	v7 =	vsel vm2, $0x1A03, v7;
	v0 =	vsel vm1, $0xA80, v0  }
.Ltmp0:
0x2c: {  	s2 =	sadd.s32 $0x2DC780, s2;
	[dreg:$0x4] =	wrdreg s29;
	v1 =	vsel vm1, $0x1A80, v1;
	v2 =	vsel vm1, $0xA81, v2;
	v3 =	vsel vm1, $0x1A81, v3;
	(pc) =	sbr.rel .LBB2_1-.Ltmp0, $4  }
0x2d: {  	s31 =	sand.u32 $0x1, s7;
	s1 =	smax.u32 s1, $0x1;
	[dreg:$0x5] =	wrdreg s30;
	v4 =	vsel vm1, $0xA82, v4;
	v5 =	vsel vm1, $0x1A82, v5;
	v6 =	vsel vm1, $0xA83, v6  }
0x2e: {  	[dreg:$0x6] =	wrdreg s2;
	p0 =	seq.s32 s31, $0x1;
	s2 =	simm.s32 $0x3;
	v7 =	vsel vm1, $0x1A83, v7;
	v0 =	vsel vm0, $0xB00, v0;
	v1 =	vsel vm0, $0x1B00, v1  }
0x2f: {  	s23 =	simm.s32 $0x0;
	[dreg:$0x8] =	wrdreg s1;
	s2 =	simm.s32 @!p0 $0x4;
	v2 =	vsel vm0, $0xB01, v2;
	v3 =	vsel vm0, $0x1B01, v3;
	v4 =	vsel vm0, $0xB02, v4  }
0x30: {  	s11 =	sadd.s32 $0xFFFFFFFF, s7;
	s13 =	simm.s32 @!p0 $0x3;
	[dreg:$0x7] =	wrdreg s2;
	v5 =	vsel vm0, $0x1B02, v5;
	v6 =	vsel vm0, $0xB03, v6;
	v7 =	vsel vm0, $0x1B03, v7  }
.LBB2_10:
0x31: {  	s1 =	rddreg [dreg:$0x7]  }
0x32: {  	_ =	swait.ge [sflag:s1], $0x1000  }
0x33: {  	[sflag:s1] =	ssyncset.done $0x0  }
0x34: {  	[sflag:s1] =	ssyncadd.s32 $0xFFFFF000  }
0x35: {  	_ =	swait.ge [sflag:s13], $0x1000  }
0x36: {  	s23 =	sadd.s32 $0x1, s23;
	s31 =	rddreg [dreg:$0x8]  }
0x37: {  	p0 =	sne.s32 s23, s31  }
.Ltmp1:
0x38: {  	_ = 	snop;
	(pc) =	sbr.rel @!p0 .LBB2_11-.Ltmp1, $3  }
0x39: {  	_ =	sdelay $0x1  }
0x3a: {  	[sflag:s13] =	ssyncset.done $0x0  }
0x3b: {  	[sflag:s13] =	ssyncadd.s32 $0xFFFFF000  }
.LBB2_1:
0x3c: {  	s1 =	rddreg [dreg:$0x3]  }
0x3d: {  	[tilespmem:s3], [sflag:$0x1] =	stream.linear.gather [hbm4b:s1+s3], $0x400, $0x38;
	[tilespmem:$0x6000] =	vst v63  }
0x3e: {  	s26 =	rddreg [dreg:$0x4];
	s2 =	simm.s32 $0x800  }
0x3f: {  	[tilespmem:s2], [sflag:$0x1] =	stream.linear.gather [hbm4b:s26+s3], $0x400, $0x38;
	[tilespmem:$0x6000] =	vst v63  }
.Ltmp2:
0x40: {  	_ = 	snop;
	(pc) =	sbr.rel .LBB2_2-.Ltmp2, $4  }
0x41: {  	s28 =	rddreg [dreg:$0x5];
	s29 =	simm.s32 $0x1000  }
0x42: {  	[tilespmem:s29], [sflag:$0x1] =	stream.linear.gather [hbm4b:s28+s3], $0x400, $0x38;
	[tilespmem:$0x6000] =	vst v63  }
0x43: {  	s30 =	rddreg [dreg:$0x6];
	s31 =	simm.s32 $0x1800;
	s24 =	simm.s32 $0x0  }
0x44: {  	[tilespmem:s31], [sflag:$0x1] =	stream.linear.gather [hbm4b:s30+s3], $0x400, $0x38;
	[tilespmem:$0x6000] =	vst v63  }
.LBB2_5:
0x45: {  	v23 =	vor.u32 s2, v3  }
0x46: {  	v18 =	vmul.f32 $5.656854150e+00, v18  }
0x47: {  	v24 =	vor.u32 s16, v3;
	v9 =	vmul.f32 $5.656854150e+00, v9  }
0x48: {  	v17 =	vmul.f32 $5.656854150e+00, v17;
	[tilespmem:s17+$0xFFFFFFA0] =	vst v18  }
0x49: {  	v59 =	vmul.f32 $5.656854150e+00, v19;
	[tilespmem:s17+$0xFFFFFF20] =	vst v9;
	v8 =	vld.idx.msk [tilespmem:v8+s3+$0x0], $0xffff  }
0x4a: {  	[tilespmem:s17+$0xA0] =	vst v17;
	v9 =	vld.idx.msk [tilespmem:v23+s3+$0x0], $0xffff  }
0x4b: {  	[tilespmem:s17+$0x20] =	vst v59;
	v17 =	vld.idx.msk [tilespmem:v21+s3+$0x0], $0xffff  }
0x4c: {  	v60 =	vor.u32 s8, v4;
	v61 =	vld.idx.msk [tilespmem:v24+s3+$0x0], $0xffff  }
0x4d: {  	v62 =	vor.u32 s2, v4  }
0x4e: {  	v63 =	vor.u32 s15, v4;
	v8 =	vmul.f32 $5.656854150e+00, v8  }
0x4f: {  	[tilespmem:s28+$0xFFFFFFD0] =	vst v22;
	v24 =	vor.u32 s16, v4;
	v9 =	vmul.f32 $5.656854150e+00, v9  }
0x50: {  	v17 =	vmul.f32 $5.656854150e+00, v17;
	[tilespmem:s17+$0xFFFFFFB0] =	vst v8  }
0x51: {  	v8 =	vor.u32 s1, v5;
	v19 =	vmul.f32 $5.656854150e+00, v61;
	v18 =	vld.idx.msk [tilespmem:v60+s3+$0x0], $0xffff;
	[tilespmem:s17+$0xFFFFFF30] =	vst v9  }
0x52: {  	[tilespmem:s17+$0xB0] =	vst v17;
	v9 =	vld.idx.msk [tilespmem:v62+s3+$0x0], $0xffff  }
0x53: {  	v15 =	vmul.f32 $5.656854150e+00, v15;
	v25 =	vor.u32 s30, v5;
	v26 =	vld.idx.msk [tilespmem:v63+s3+$0x0], $0xffff;
	[tilespmem:s17+$0x30] =	vst v19  }
0x54: {  	v12 =	vmul.f32 $5.656854150e+00, v12;
	[tilespmem:s26+$0x60] =	vst v20;
	v27 =	vor.u32 s8, v5;
	v28 =	vld.idx.msk [tilespmem:v24+s3+$0x0], $0xffff  }
0x55: {  	v14 =	vld.idx.msk [tilespmem:v14+s3+$0x0], $0xffff;
	v16 =	vmul.f32 $5.656854150e+00, v16;
	v29 =	vor.u32 s2, v5;
	[tilespmem:s28+$0xFFFFFF40] =	vst v15  }
0x56: {  	v31 =	vor.u32 s15, v5;
	[tilespmem:s28+$0xD0] =	vst v12;
	v8 =	vld.idx.msk [tilespmem:v8+s3+$0x0], $0xffff;
	v30 =	vmul.f32 $5.656854150e+00, v18  }
0x57: {  	v32 =	vor.u32 s16, v5;
	v13 =	vld.idx.msk [tilespmem:v13+s3+$0x0], $0xffff;
	[tilespmem:s26+$0xFFFFFF70] =	vst v16;
	v9 =	vmul.f32 $5.656854150e+00, v9  }
0x58: {  	v17 =	vld.idx.msk [tilespmem:v25+s3+$0x0], $0xffff;
	v33 =	vmul.f32 $5.656854150e+00, v26;
	[tilespmem:s17+$0xFFFFFFC0] =	vst v30  }
0x59: {  	v34 =	vor.u32 s1, v6;
	v20 =	vmul.f32 $5.656854150e+00, v28;
	v19 =	vld.idx.msk [tilespmem:v27+s3+$0x0], $0xffff;
	[tilespmem:s17+$0xFFFFFF40] =	vst v9  }
0x5a: {  	v35 =	vmul.f32 $5.656854150e+00, v14;
	[tilespmem:s17+$0xC0] =	vst v33;
	v36 =	vld.idx.msk [tilespmem:v29+s3+$0x0], $0xffff  }
0x5b: {  	v37 =	vor.u32 s30, v6;
	v38 =	vld.idx.msk [tilespmem:v31+s3+$0x0], $0xffff;
	v8 =	vmul.f32 $5.656854150e+00, v8;
	[tilespmem:s17+$0x40] =	vst v20  }
0x5c: {  	v39 =	vor.u32 s8, v6;
	v13 =	vmul.f32 $5.656854150e+00, v13;
	[tilespmem:s26+$0xF0] =	vst v35;
	v16 =	vld.idx.msk [tilespmem:v32+s3+$0x0], $0xffff  }
0x5d: {  	v40 =	vor.u32 s2, v6;
	v11 =	vld.idx.msk [tilespmem:v11+s3+$0x0], $0xffff;
	[tilespmem:s28+$0xFFFFFF50] =	vst v8;
	v8 =	vmul.f32 $5.656854150e+00, v17  }
0x5e: {  	v43 =	vor.u32 s15, v6;
	[tilespmem:s28+$0xFFFFFFE0] =	vst v13;
	v41 =	vld.idx.msk [tilespmem:v34+s3+$0x0], $0xffff;
	v42 =	vmul.f32 $5.656854150e+00, v19  }
0x5f: {  	v44 =	vor.u32 s16, v6;
	v10 =	vld.idx.msk [tilespmem:v10+s3+$0x0], $0xffff;
	[tilespmem:s28+$0x50] =	vst v8;
	v8 =	vmul.f32 $5.656854150e+00, v36  }
0x60: {  	v45 =	vor.u32 s31, v7;
	v15 =	vmul.f32 $5.656854150e+00, v38;
	v14 =	vld.idx.msk [tilespmem:v37+s3+$0x0], $0xffff;
	[tilespmem:s17+$0xFFFFFFD0] =	vst v42  }
0x61: {  	v46 =	vor.u32 s1, v7;
	v9 =	vld.idx.msk [tilespmem:v39+s3+$0x0], $0xffff;
	[tilespmem:s17+$0xFFFFFF50] =	vst v8;
	v8 =	vmul.f32 $5.656854150e+00, v16  }
0x62: {  	v47 =	vor.u32 s29, v7;
	v11 =	vmul.f32 $5.656854150e+00, v11;
	[tilespmem:s17+$0xD0] =	vst v15;
	v48 =	vld.idx.msk [tilespmem:v40+s3+$0x0], $0xffff  }
0x63: {  	v49 =	vor.u32 s30, v7;
	v19 =	vld.idx.msk [tilespmem:v43+s3+$0x0], $0xffff;
	v13 =	vmul.f32 $5.656854150e+00, v41;
	[tilespmem:s17+$0x50] =	vst v8  }
0x64: {  	v50 =	vor.u32 s8, v7;
	[tilespmem:s26+$0x70] =	vst v11;
	v8 =	vmul.f32 $5.656854150e+00, v10;
	v51 =	vld.idx.msk [tilespmem:v44+s3+$0x0], $0xffff  }
0x65: {  	v54 =	vor.u32 s2, v7;
	v52 =	vld.idx.msk [tilespmem:v45+s3+$0x0], $0xffff;
	[tilespmem:s28+$0xFFFFFF60] =	vst v13;
	v53 =	vmul.f32 $5.656854150e+00, v14  }
0x66: {  	v55 =	vor.u32 s15, v7;
	[tilespmem:s28+$0xE0] =	vst v8;
	v8 =	vld.idx.msk [tilespmem:v46+s3+$0x0], $0xffff;
	v9 =	vmul.f32 $5.656854150e+00, v9  }
0x67: {  	v57 =	vor.u32 s16, v7;
	[tilespmem:s28+$0x60] =	vst v53;
	v16 =	vld.idx.msk [tilespmem:v47+s3+$0x0], $0xffff;
	v56 =	vmul.f32 $5.656854150e+00, v48  }
0x68: {  	v58 =	vmul.f32 $5.656854150e+00, v19;
	v17 =	vld.idx.msk [tilespmem:v49+s3+$0x0], $0xffff;
	[tilespmem:s17+$0xFFFFFFE0] =	vst v9  }
0x69: {  	v10 =	vld.idx.msk [tilespmem:v50+s3+$0x0], $0xffff;
	[tilespmem:s17+$0xFFFFFF60] =	vst v56;
	v11 =	vmul.f32 $5.656854150e+00, v51  }
0x6a: {  	v12 =	vmul.f32 $5.656854150e+00, v52;
	[tilespmem:s17+$0xE0] =	vst v58;
	v59 =	vld.idx.msk [tilespmem:v54+s3+$0x0], $0xffff  }
0x6b: {  	v60 =	vld.idx.msk [tilespmem:v55+s3+$0x0], $0xffff;
	v8 =	vmul.f32 $5.656854150e+00, v8;
	[tilespmem:s17+$0x60] =	vst v11  }
0x6c: {  	[tilespmem:s28+$0xFFFFFFF0] =	vst v12;
	v61 =	vmul.f32 $5.656854150e+00, v16;
	v62 =	vld.idx.msk [tilespmem:v57+s3+$0x0], $0xffff  }
0x6d: {  	[tilespmem:s28+$0xFFFFFF70] =	vst v8;
	v8 =	vmul.f32 $5.656854150e+00, v17  }
0x6e: {  	[tilespmem:s28+$0xF0] =	vst v61;
	v10 =	vmul.f32 $5.656854150e+00, v10  }
0x6f: {  	[tilespmem:s28+$0x70] =	vst v8;
	v8 =	vmul.f32 $5.656854150e+00, v59  }
0x70: {  	v63 =	vmul.f32 $5.656854150e+00, v60;
	[tilespmem:s17+$0xFFFFFFF0] =	vst v10  }
0x71: {  	s31 =	sshll.u32 s25, $0x9;
	[tilespmem:s17+$0xFFFFFF70] =	vst v8;
	v8 =	vmul.f32 $5.656854150e+00, v62  }
0x72: {  	s1 =	sand.u32 $0x1FFFBE00, s31;
	[tilespmem:s17+$0xF0] =	vst v63  }
0x73: {  	s1 =	sadd.s32 s5, s1;
	[tilespmem:s17+$0x70] =	vst v8  }
0x74: {  	[hbm4b:s1+s3] =	stream.linear.scatter [tilespmem:s22], [sflag:$0x3], $0x1000, $0x38;
	[tilespmem:$0x6000] =	vst v63  }
.LBB2_9:
0x75: {  	s24 =	sadd.s32 $0x1, s24  }
0x76: {  	p0 =	sne.s32 s24, s7  }
.Ltmp3:
0x77: {  	_ = 	snop;
	(pc) =	sbr.rel @!p0 .LBB2_10-.Ltmp3, $1  }
0x78: {  	_ =	sdelay $0x3  }
.LBB2_2:
0x79: {  	s2 =	sand.u32 $0x1, s24  }
0x7a: {  	p1 =	seq.s32 s2, $0x1  }
.Ltmp4:
0x7b: {  	_ = 	snop;
	(pc) =	sbr.rel @!p1 .LBB2_3-.Ltmp4, $4  }
0x7c: {  	_ = 	snop  }
0x7d: {  	s1 =	sshll.u32 s24, $0x5  }
0x7e: {  	p0 =	sge.u32 s24, s11;
	s25 =	sor.u32 s4, s1  }
0x7f: {  	s1 =	sshll.u32 @!p0 s25, $0xA  }
0x80: {  	s2 =	sadd.s32 @!p0 $0x8000, s1  }
0x81: {  	s2 =	sshrl.u32 @!p0 s2, $0x3  }
0x82: {  	s6 =	simm.s32 @!p0 $0x0;
	s2 =	sadd.s32 @!p0 s0, s2  }
0x83: {  	[tilespmem:s6], [sflag:$0x1] =	stream.linear.gather @!p0 [hbm4b:s2+s6], $0x400, $0x38;
	[tilespmem:$0x6000] =	vst v63  }
0x84: {  	s2 =	sadd.s32 @!p0 $0x7A9400, s1  }
0x85: {  	s2 =	sshrl.u32 @!p0 s2, $0x3  }
0x86: {  	s8 =	simm.s32 @!p0 $0x800;
	s2 =	sadd.s32 @!p0 s0, s2  }
0x87: {  	[tilespmem:s8], [sflag:$0x1] =	stream.linear.gather @!p0 [hbm4b:s2+s6], $0x400, $0x38;
	[tilespmem:$0x6000] =	vst v63  }
0x88: {  	s2 =	sadd.s32 @!p0 $0xF4A800, s1  }
0x89: {  	s1 =	sadd.s32 @!p0 $0x16EBC00, s1;
	s2 =	sshrl.u32 @!p0 s2, $0x3  }
0x8a: {  	s8 =	simm.s32 @!p0 $0x1000;
	s1 =	sshrl.u32 @!p0 s1, $0x3;
	s2 =	sadd.s32 @!p0 s0, s2  }
0x8b: {  	[tilespmem:s8], [sflag:$0x1] =	stream.linear.gather @!p0 [hbm4b:s2+s6], $0x400, $0x38;
	[tilespmem:$0x6000] =	vst v63  }
0x8c: {  	s1 =	sadd.s32 @!p0 s0, s1;
	s2 =	simm.s32 @!p0 $0x1800  }
0x8d: {  	[tilespmem:s2], [sflag:$0x1] =	stream.linear.gather @!p0 [hbm4b:s1+s6], $0x400, $0x38;
	[tilespmem:$0x6000] =	vst v63  }
0x8e: {  	_ =	swait.ge [sflag:s18], $0x400  }
0x8f: {  	[sflag:s18] =	ssyncset.done $0x0  }
0x90: {  	[sflag:s18] =	ssyncadd.s32 $0xFFFFFC00  }
0x91: {  	_ =	swait.ge [sflag:s18], $0x400  }
0x92: {  	[sflag:s18] =	ssyncset.done $0x0  }
0x93: {  	[sflag:s18] =	ssyncadd.s32 $0xFFFFFC00  }
0x94: {  	_ =	swait.ge [sflag:s18], $0x400  }
0x95: {  	[sflag:s18] =	ssyncset.done $0x0  }
0x96: {  	[sflag:s18] =	ssyncadd.s32 $0xFFFFFC00  }
0x97: {  	s17 =	simm.s32 $0x4;
	_ =	swait.ge [sflag:s18], $0x400  }
0x98: {  	s9 =	simm.s32 $0xC;
	v8 =	vor.u32 s17, v0;
	p0 =	slt.u32 s24, $0x2;
	[sflag:s18] =	ssyncset.done $0x0  }
0x99: {  	v9 =	vor.u32 s9, v0;
	s1 =	simm.s32 @!p0 $0x4;
	[sflag:s18] =	ssyncadd.s32 $0xFFFFFC00  }
0x9a: {  	_ =	swait.ge @!p0 [sflag:s1], $0x1000  }
0x9b: {  	[sflag:s1] =	ssyncset.done @!p0 $0x0  }
0x9c: {  	[sflag:s1] =	ssyncadd.s32 @!p0 $0xFFFFF000  }
0x9d: {  	v8 =	vld.idx.msk [tilespmem:v8+s19+$0x0], $0xffff  }
0x9e: {  	v9 =	vld.idx.msk [tilespmem:v9+s19+$0x0], $0xffff;
	_ =	sdelay $0x1  }
0x9f: {  	v10 =	vor.u32 s17, v1  }
0xa0: {  	v11 =	vor.u32 s9, v1  }
0xa1: {  	v8 =	vmul.f32 $5.656854150e+00, v8  }
0xa2: {  	s26 =	simm.s32 $0x51F0;
	s10 =	simm.s32 $0x8;
	v9 =	vmul.f32 $5.656854150e+00, v9  }
0xa3: {  	s14 =	simm.s32 $0x0;
	v12 =	vor.u32 s10, v0;
	[tilespmem:s26+$0xFFFFFE90] =	vst v8  }
0xa4: {  	v8 =	vor.u32 s14, v0;
	[tilespmem:s26+$0xFFFFFF90] =	vst v9;
	v9 =	vld.idx.msk [tilespmem:v10+s19+$0x0], $0xffff  }
0xa5: {  	v10 =	vld.idx.msk [tilespmem:v11+s19+$0x0], $0xffff;
	_ =	sdelay $0x1  }
0xa6: {  	v11 =	vor.u32 s17, v2  }
0xa7: {  	v13 =	vor.u32 s9, v2;
	v12 =	vld.idx.msk [tilespmem:v12+s19+$0x0], $0xffff  }
0xa8: {  	v8 =	vld.idx.msk [tilespmem:v8+s19+$0x0], $0xffff;
	v9 =	vmul.f32 $5.656854150e+00, v9  }
0xa9: {  	v10 =	vmul.f32 $5.656854150e+00, v10  }
0xaa: {  	v14 =	vor.u32 s10, v1;
	[tilespmem:s26+$0xFFFFFEA0] =	vst v9  }
0xab: {  	v9 =	vor.u32 s14, v1;
	[tilespmem:s26+$0xFFFFFFA0] =	vst v10;
	v10 =	vld.idx.msk [tilespmem:v11+s19+$0x0], $0xffff  }
0xac: {  	v11 =	vmul.f32 $5.656854150e+00, v12;
	v12 =	vld.idx.msk [tilespmem:v13+s19+$0x0], $0xffff  }
0xad: {  	v8 =	vmul.f32 $5.656854150e+00, v8  }
0xae: {  	v13 =	vor.u32 s17, v3;
	[tilespmem:s26+$0xFFFFFF10] =	vst v11  }
0xaf: {  	s29 =	simm.s32 $0x1C;
	v11 =	vor.u32 s9, v3;
	[tilespmem:s26+$0xFFFFFE10] =	vst v8;
	v8 =	vld.idx.msk [tilespmem:v14+s19+$0x0], $0xffff  }
0xb0: {  	s31 =	simm.s32 $0x14;
	v14 =	vor.u32 s29, v0;
	v9 =	vld.idx.msk [tilespmem:v9+s19+$0x0], $0xffff;
	v10 =	vmul.f32 $5.656854150e+00, v10  }
0xb1: {  	v15 =	vor.u32 s31, v0;
	v12 =	vmul.f32 $5.656854150e+00, v12  }
0xb2: {  	v16 =	vor.u32 s10, v2;
	[tilespmem:s26+$0xFFFFFEB0] =	vst v10  }
0xb3: {  	s1 =	simm.s32 $0x10;
	v10 =	vor.u32 s14, v2;
	[tilespmem:s26+$0xFFFFFFB0] =	vst v12;
	v12 =	vld.idx.msk [tilespmem:v13+s19+$0x0], $0xffff  }
0xb4: {  	s30 =	simm.s32 $0x18;
	v8 =	vmul.f32 $5.656854150e+00, v8;
	v13 =	vor.u32 s1, v0;
	v11 =	vld.idx.msk [tilespmem:v11+s19+$0x0], $0xffff  }
0xb5: {  	v17 =	vor.u32 s30, v0;
	v14 =	vld.idx.msk [tilespmem:v14+s19+$0x0], $0xffff;
	v9 =	vmul.f32 $5.656854150e+00, v9  }
0xb6: {  	[tilespmem:s26+$0xFFFFFF20] =	vst v8;
	v8 =	vld.idx.msk [tilespmem:v15+s19+$0x0], $0xffff;
	v15 =	vor.u32 s17, v4  }
0xb7: {  	[tilespmem:s26+$0xFFFFFE20] =	vst v9;
	v9 =	vld.idx.msk [tilespmem:v16+s19+$0x0], $0xffff;
	v16 =	vor.u32 s9, v4  }
0xb8: {  	v18 =	vor.u32 s29, v1;
	v10 =	vld.idx.msk [tilespmem:v10+s19+$0x0], $0xffff;
	v12 =	vmul.f32 $5.656854150e+00, v12  }
0xb9: {  	v19 =	vor.u32 s31, v1;
	v13 =	vld.idx.msk [tilespmem:v13+s19+$0x0], $0xffff;
	v11 =	vmul.f32 $5.656854150e+00, v11  }
0xba: {  	v20 =	vor.u32 s10, v3;
	v17 =	vld.idx.msk [tilespmem:v17+s19+$0x0], $0xffff;
	[tilespmem:s26+$0xFFFFFEC0] =	vst v12;
	v12 =	vmul.f32 $5.656854150e+00, v14  }
0xbb: {  	s28 =	simm.s32 $0x53F0;
	[tilespmem:s26+$0xFFFFFFC0] =	vst v11;
	v8 =	vmul.f32 $5.656854150e+00, v8;
	v14 =	vor.u32 s14, v3;
	v11 =	vld.idx.msk [tilespmem:v15+s19+$0x0], $0xffff  }
0xbc: {  	v9 =	vmul.f32 $5.656854150e+00, v9;
	v15 =	vor.u32 s1, v1;
	v16 =	vld.idx.msk [tilespmem:v16+s19+$0x0], $0xffff;
	[tilespmem:s28+$0xFFFFFF90] =	vst v12  }
0xbd: {  	v10 =	vmul.f32 $5.656854150e+00, v10;
	v12 =	vor.u32 s30, v1;
	[tilespmem:s28+$0xFFFFFE90] =	vst v8;
	v8 =	vld.idx.msk [tilespmem:v18+s19+$0x0], $0xffff  }
0xbe: {  	[tilespmem:s26+$0xFFFFFF30] =	vst v9;
	v9 =	vmul.f32 $5.656854150e+00, v13;
	v13 =	vld.idx.msk [tilespmem:v19+s19+$0x0], $0xffff;
	v18 =	vor.u32 s17, v5  }
0xbf: {  	v19 =	vld.idx.msk [tilespmem:v20+s19+$0x0], $0xffff;
	[tilespmem:s26+$0xFFFFFE30] =	vst v10;
	v10 =	vmul.f32 $5.656854150e+00, v17;
	v17 =	vor.u32 s9, v5  }
0xc0: {  	[tilespmem:s28+$0xFFFFFE10] =	vst v9;
	v9 =	vld.idx.msk [tilespmem:v14+s19+$0x0], $0xffff;
	v14 =	vor.u32 s29, v2;
	v11 =	vmul.f32 $5.656854150e+00, v11  }
0xc1: {  	v15 =	vld.idx.msk [tilespmem:v15+s19+$0x0], $0xffff;
	[tilespmem:s28+$0xFFFFFF10] =	vst v10;
	v10 =	vor.u32 s31, v2;
	v16 =	vmul.f32 $5.656854150e+00, v16  }
0xc2: {  	v20 =	vor.u32 s10, v4;
	v12 =	vld.idx.msk [tilespmem:v12+s19+$0x0], $0xffff;
	[tilespmem:s26+$0xFFFFFED0] =	vst v11;
	v8 =	vmul.f32 $5.656854150e+00, v8  }
0xc3: {  	v13 =	vmul.f32 $5.656854150e+00, v13;
	[tilespmem:s26+$0xFFFFFFD0] =	vst v16;
	v11 =	vld.idx.msk [tilespmem:v18+s19+$0x0], $0xffff;
	v18 =	vor.u32 s14, v4  }
0xc4: {  	v16 =	vmul.f32 $5.656854150e+00, v19;
	v19 =	vor.u32 s1, v2;
	[tilespmem:s28+$0xFFFFFFA0] =	vst v8;
	v8 =	vld.idx.msk [tilespmem:v17+s19+$0x0], $0xffff  }
0xc5: {  	v17 =	vor.u32 s30, v2;
	v9 =	vmul.f32 $5.656854150e+00, v9;
	[tilespmem:s28+$0xFFFFFEA0] =	vst v13;
	v13 =	vld.idx.msk [tilespmem:v14+s19+$0x0], $0xffff  }
0xc6: {  	[tilespmem:s26+$0xFFFFFF40] =	vst v16;
	v14 =	vmul.f32 $5.656854150e+00, v15;
	v10 =	vld.idx.msk [tilespmem:v10+s19+$0x0], $0xffff;
	v15 =	vor.u32 s17, v6  }
0xc7: {  	v16 =	vld.idx.msk [tilespmem:v20+s19+$0x0], $0xffff;
	v12 =	vmul.f32 $5.656854150e+00, v12;
	[tilespmem:s26+$0xFFFFFE40] =	vst v9;
	v9 =	vor.u32 s9, v6  }
0xc8: {  	[tilespmem:s28+$0xFFFFFE20] =	vst v14;
	v14 =	vld.idx.msk [tilespmem:v18+s19+$0x0], $0xffff;
	v11 =	vmul.f32 $5.656854150e+00, v11;
	v18 =	vor.u32 s29, v3  }
0xc9: {  	s2 =	simm.s32 $0x20;
	v20 =	vor.u32 s31, v3;
	v19 =	vld.idx.msk [tilespmem:v19+s19+$0x0], $0xffff;
	[tilespmem:s28+$0xFFFFFF20] =	vst v12;
	v8 =	vmul.f32 $5.656854150e+00, v8  }
0xca: {  	v12 =	vld.idx.msk [tilespmem:v17+s19+$0x0], $0xffff;
	v17 =	vor.u32 s2, v0;
	[tilespmem:s26+$0xFFFFFEE0] =	vst v11;
	v11 =	vmul.f32 $5.656854150e+00, v13  }
0xcb: {  	s15 =	simm.s32 $0x2C;
	v13 =	vor.u32 s14, v5;
	v10 =	vmul.f32 $5.656854150e+00, v10;
	v15 =	vld.idx.msk [tilespmem:v15+s19+$0x0], $0xffff;
	[tilespmem:s26+$0xFFFFFFE0] =	vst v8  }
0xcc: {  	s8 =	simm.s32 $0x24;
	v8 =	vor.u32 s15, v0;
	[tilespmem:s28+$0xFFFFFFB0] =	vst v11;
	v9 =	vld.idx.msk [tilespmem:v9+s19+$0x0], $0xffff  }
0xcd: {  	s16 =	simm.s32 $0x28;
	v11 =	vor.u32 s8, v0;
	[tilespmem:s28+$0xFFFFFEB0] =	vst v10;
	v10 =	vld.idx.msk [tilespmem:v18+s19+$0x0], $0xffff;
	v14 =	vmul.f32 $5.656854150e+00, v14  }
0xce: {  	v18 =	vor.u32 s16, v0;
	v20 =	vld.idx.msk [tilespmem:v20+s19+$0x0], $0xffff  }
0xcf: {  	v21 =	vor.u32 s30, v3;
	v16 =	vmul.f32 $5.656854150e+00, v16;
	v17 =	vld.idx.msk [tilespmem:v17+s19+$0x0], $0xffff;
	[tilespmem:s26+$0xFFFFFE50] =	vst v14  }
0xd0: {  	v12 =	vmul.f32 $5.656854150e+00, v12;
	v14 =	vor.u32 s17, v7;
	v13 =	vld.idx.msk [tilespmem:v13+s19+$0x0], $0xffff  }
0xd1: {  	[tilespmem:s26+$0xFFFFFF50] =	vst v16;
	v16 =	vor.u32 s29, v4;
	v15 =	vmul.f32 $5.656854150e+00, v15;
	v8 =	vld.idx.msk [tilespmem:v8+s19+$0x0], $0xffff  }
0xd2: {  	[tilespmem:s28+$0xFFFFFF30] =	vst v12;
	v12 =	vor.u32 s31, v4;
	v11 =	vld.idx.msk [tilespmem:v11+s19+$0x0], $0xffff;
	v9 =	vmul.f32 $5.656854150e+00, v9  }
0xd3: {  	v22 =	vor.u32 s2, v1;
	[tilespmem:s26+$0xFFFFFEF0] =	vst v15;
	v15 =	vld.idx.msk [tilespmem:v18+s19+$0x0], $0xffff;
	v10 =	vmul.f32 $5.656854150e+00, v10  }
0xd4: {  	v18 =	vmul.f32 $5.656854150e+00, v20;
	v20 =	vld.idx.msk [tilespmem:v21+s19+$0x0], $0xffff;
	v21 =	vor.u32 s10, v5;
	[tilespmem:s26+$0xFFFFFFF0] =	vst v9  }
0xd5: {  	v9 =	vmul.f32 $5.656854150e+00, v17;
	v17 =	vor.u32 s15, v1;
	[tilespmem:s28+$0xFFFFFFC0] =	vst v10;
	v10 =	vld.idx.msk [tilespmem:v14+s19+$0x0], $0xffff  }
0xd6: {  	v19 =	vmul.f32 $5.656854150e+00, v19;
	s17 =	simm.s32 $0x55F0;
	v14 =	vor.u32 s8, v1;
	[tilespmem:s28+$0xFFFFFEC0] =	vst v18;
	v16 =	vld.idx.msk [tilespmem:v16+s19+$0x0], $0xffff  }
0xd7: {  	[tilespmem:s17+$0xFFFFFE10] =	vst v9;
	v9 =	vor.u32 s16, v1;
	v8 =	vmul.f32 $5.656854150e+00, v8;
	v12 =	vld.idx.msk [tilespmem:v12+s19+$0x0], $0xffff  }
0xd8: {  	[tilespmem:s28+$0xFFFFFE30] =	vst v19;
	v19 =	vor.u32 s1, v3;
	v18 =	vld.idx.msk [tilespmem:v22+s19+$0x0], $0xffff;
	v11 =	vmul.f32 $5.656854150e+00, v11  }
0xd9: {  	v15 =	vmul.f32 $5.656854150e+00, v15;
	[tilespmem:s17+$0xFFFFFF90] =	vst v8;
	v8 =	vor.u32 s14, v6;
	v21 =	vld.idx.msk [tilespmem:v21+s19+$0x0], $0xffff  }
0xda: {  	v13 =	vmul.f32 $5.656854150e+00, v13;
	[tilespmem:s17+$0xFFFFFE90] =	vst v11;
	v11 =	vld.idx.msk [tilespmem:v17+s19+$0x0], $0xffff;
	v17 =	vor.u32 s30, v4  }
0xdb: {  	v20 =	vmul.f32 $5.656854150e+00, v20;
	v14 =	vld.idx.msk [tilespmem:v14+s19+$0x0], $0xffff;
	[tilespmem:s17+$0xFFFFFF10] =	vst v15;
	v15 =	vor.u32 s31, v5  }
0xdc: {  	v22 =	vor.u32 s2, v2;
	[tilespmem:s26+$0xFFFFFE60] =	vst v13;
	v23 =	vld.idx.msk [tilespmem:v9+s19+$0x0], $0xffff;
	v9 =	vmul.f32 $5.656854150e+00, v10  }
0xdd: {  	v13 =	vor.u32 s10, v6;
	[tilespmem:s28+$0xFFFFFF40] =	vst v20;
	v10 =	vld.idx.msk [tilespmem:v19+s19+$0x0], $0xffff;
	v12 =	vmul.f32 $5.656854150e+00, v12  }
0xde: {  	v20 =	vor.u32 s15, v2;
	v18 =	vmul.f32 $5.656854150e+00, v18;
	v8 =	vld.idx.msk [tilespmem:v8+s19+$0x0], $0xffff;
	[tilespmem:s26+$0xFFFFFF00] =	vst v9  }
0xdf: {  	v19 =	vor.u32 s29, v5;
	[tilespmem:s28+$0xFFFFFED0] =	vst v12;
	v12 =	vmul.f32 $5.656854150e+00, v21;
	v24 =	vld.idx.msk [tilespmem:v17+s19+$0x0], $0xffff  }
0xe0: {  	[tilespmem:s17+$0xFFFFFE20] =	vst v18;
	v18 =	vor.u32 s8, v2;
	v11 =	vmul.f32 $5.656854150e+00, v11;
	v21 =	vld.idx.msk [tilespmem:v15+s19+$0x0], $0xffff  }
0xe1: {  	v15 =	vmul.f32 $5.656854150e+00, v16;
	v9 =	vld.idx.msk [tilespmem:v22+s19+$0x0], $0xffff;
	v16 =	vor.u32 s16, v2;
	[tilespmem:s26+$0xFFFFFF60] =	vst v12  }
0xe2: {  	v14 =	vmul.f32 $5.656854150e+00, v14;
	v22 =	vor.u32 s1, v4;
	v25 =	vld.idx.msk [tilespmem:v13+s19+$0x0], $0xffff;
	[tilespmem:s17+$0xFFFFFFA0] =	vst v11  }
0xe3: {  	v13 =	vmul.f32 $5.656854150e+00, v23;
	v23 =	vor.u32 s14, v7;
	[tilespmem:s28+$0xFFFFFFD0] =	vst v15;
	v17 =	vld.idx.msk [tilespmem:v20+s19+$0x0], $0xffff  }
0xe4: {  	v10 =	vmul.f32 $5.656854150e+00, v10;
	[tilespmem:s17+$0xFFFFFEA0] =	vst v14;
	v14 =	vor.u32 s9, v7;
	v12 =	vld.idx.msk [tilespmem:v19+s19+$0x0], $0xffff  }
0xe5: {  	[tilespmem:s17+$0xFFFFFF20] =	vst v13;
	v20 =	vmul.f32 $5.656854150e+00, v8;
	v13 =	vor.u32 s31, v6;
	v18 =	vld.idx.msk [tilespmem:v18+s19+$0x0], $0xffff  }
0xe6: {  	v11 =	vor.u32 s10, v7;
	[tilespmem:s28+$0xFFFFFE40] =	vst v10;
	v19 =	vld.idx.msk [tilespmem:v16+s19+$0x0], $0xffff;
	v16 =	vmul.f32 $5.656854150e+00, v24  }
0xe7: {  	v10 =	vor.u32 s29, v6;
	v15 =	vld.idx.msk [tilespmem:v22+s19+$0x0], $0xffff;
	v22 =	vmul.f32 $5.656854150e+00, v21;
	[tilespmem:s26+$0xFFFFFE70] =	vst v20  }
0xe8: {  	s10 =	simm.s32 $0x30;
	s9 =	simm.s32 $0x8;
	v8 =	vor.u32 s8, v3;
	v21 =	vor.u32 s15, v3;
	v20 =	vmul.f32 $5.656854150e+00, v25;
	[tilespmem:s28+$0xFFFFFF50] =	vst v16;
	v16 =	vld.idx.msk [tilespmem:v23+s19+$0x0], $0xffff  }
.LBB2_7:
0xe9: {  	v23 =	vor.u32 s10, v0;
	s12 =	sadd.s32 $0x4, s10;
	s6 =	sadd.s32 $0xC, s10;
	s9 =	sadd.s32 $0x4, s9;
	v24 =	vor.u32 s1, v5;
	[tilespmem:s28+$0xFFFFFEE0] =	vst v22;
	v12 =	vmul.f32 $5.656854150e+00, v12;
	v14 =	vld.idx.msk [tilespmem:v14+s19+$0x0], $0xffff  }
0xea: {  	s14 =	sadd.s32 $0x8, s10;
	v17 =	vmul.f32 $5.656854150e+00, v17;
	v22 =	vor.u32 s12, v0;
	v25 =	vor.u32 s6, v0;
	p0 =	slt.u32 s9, $0x1C;
	v13 =	vld.idx.msk [tilespmem:v13+s19+$0x0], $0xffff;
	[tilespmem:s26+$0xFFFFFF70] =	vst v20  }
0xeb: {  	v20 =	vor.u32 s12, v3;
	v26 =	vor.u32 s14, v0;
	v18 =	vmul.f32 $5.656854150e+00, v18;
	[tilespmem:s28+$0xFFFFFFE0] =	vst v12;
	v11 =	vld.idx.msk [tilespmem:v11+s19+$0x0], $0xffff  }
0xec: {  	v12 =	vmul.f32 $5.656854150e+00, v19;
	[tilespmem:s17+$0xFFFFFFB0] =	vst v17;
	v10 =	vld.idx.msk [tilespmem:v10+s19+$0x0], $0xffff  }
0xed: {  	v15 =	vmul.f32 $5.656854150e+00, v15;
	[tilespmem:s17+$0xFFFFFEB0] =	vst v18;
	v17 =	vld.idx.msk [tilespmem:v21+s19+$0x0], $0xffff  }
0xee: {  	v18 =	vld.idx.msk [tilespmem:v8+s19+$0x0], $0xffff;
	[tilespmem:s17+$0xFFFFFF30] =	vst v12;
	v12 =	vmul.f32 $5.656854150e+00, v16;
	v8 =	vmov v20  }
0xef: {  	v19 =	vor.u32 s16, v3;
	v14 =	vmul.f32 $5.656854150e+00, v14;
	v16 =	vld.idx.msk [tilespmem:v23+s19+$0x0], $0xffff;
	[tilespmem:s28+$0xFFFFFE50] =	vst v15  }
0xf0: {  	v20 =	vor.u32 s31, v7;
	s31 =	smov.u32 s8;
	s8 =	smov.u32 s12;
	v13 =	vmul.f32 $5.656854150e+00, v13;
	v15 =	vld.idx.msk [tilespmem:v24+s19+$0x0], $0xffff;
	[tilespmem:s26+$0xFFFFFE80] =	vst v12  }
0xf1: {  	v21 =	vor.u32 s15, v4;
	v11 =	vmul.f32 $5.656854150e+00, v11;
	v12 =	vld.idx.msk [tilespmem:v25+s19+$0x0], $0xffff;
	[tilespmem:s26+$0x0] =	vst v14  }
0xf2: {  	v23 =	vor.u32 s31, v4;
	v14 =	vor.u32 s10, v1;
	v10 =	vmul.f32 $5.656854150e+00, v10;
	v22 =	vld.idx.msk [tilespmem:v22+s19+$0x0], $0xffff;
	[tilespmem:s28+$0xFFFFFEF0] =	vst v13  }
0xf3: {  	v17 =	vmul.f32 $5.656854150e+00, v17;
	v13 =	vld.idx.msk [tilespmem:v26+s19+$0x0], $0xffff;
	[tilespmem:s26+$0xFFFFFF80] =	vst v11;
	s26 =	smov.u32 s28;
	s28 =	smov.u32 s17  }
0xf4: {  	v24 =	vor.u32 s30, v5;
	v11 =	vor.u32 s8, v1;
	v18 =	vmul.f32 $5.656854150e+00, v18;
	v19 =	vld.idx.msk [tilespmem:v19+s19+$0x0], $0xffff;
	[tilespmem:s26+$0xFFFFFFF0] =	vst v10  }
0xf5: {  	s17 =	sadd.s32 $0x200, s17;
	v10 =	vmul.f32 $5.656854150e+00, v16;
	v16 =	vor.u32 s6, v1;
	[tilespmem:s28+$0xFFFFFFC0] =	vst v17;
	v17 =	vld.idx.msk [tilespmem:v20+s19+$0x0], $0xffff  }
0xf6: {  	v9 =	vmul.f32 $5.656854150e+00, v9;
	[tilespmem:s28+$0xFFFFFEC0] =	vst v18;
	v18 =	vld.idx.msk [tilespmem:v21+s19+$0x0], $0xffff  }
0xf7: {  	v12 =	vmul.f32 $5.656854150e+00, v12;
	[tilespmem:s17+$0xFFFFFE10] =	vst v10;
	v10 =	vor.u32 s14, v1;
	v20 =	vld.idx.msk [tilespmem:v23+s19+$0x0], $0xffff  }
0xf8: {  	v21 =	vmul.f32 $5.656854150e+00, v22;
	v14 =	vld.idx.msk [tilespmem:v14+s19+$0x0], $0xffff;
	[tilespmem:s28+$0xFFFFFE30] =	vst v9;
	v9 =	vor.u32 s2, v3  }
0xf9: {  	v13 =	vmul.f32 $5.656854150e+00, v13;
	[tilespmem:s17+$0xFFFFFF90] =	vst v12;
	v12 =	vor.u32 s1, v6;
	v22 =	vld.idx.msk [tilespmem:v24+s19+$0x0], $0xffff  }
0xfa: {  	v15 =	vmul.f32 $5.656854150e+00, v15;
	[tilespmem:s17+$0xFFFFFE90] =	vst v21;
	v16 =	vld.idx.msk [tilespmem:v16+s19+$0x0], $0xffff;
	v21 =	vor.u32 s16, v4  }
0xfb: {  	v19 =	vmul.f32 $5.656854150e+00, v19;
	v11 =	vld.idx.msk [tilespmem:v11+s19+$0x0], $0xffff;
	[tilespmem:s17+$0xFFFFFF10] =	vst v13;
	v13 =	vor.u32 s31, v5  }
0xfc: {  	v23 =	vor.u32 s10, v2;
	v10 =	vld.idx.msk [tilespmem:v10+s19+$0x0], $0xffff;
	[tilespmem:s26+$0xFFFFFE60] =	vst v15;
	v15 =	vmul.f32 $5.656854150e+00, v17  }
0xfd: {  	v17 =	vld.idx.msk [tilespmem:v9+s19+$0x0], $0xffff;
	v9 =	vmul.f32 $5.656854150e+00, v20;
	[tilespmem:s28+$0xFFFFFF40] =	vst v19;
	v19 =	vor.u32 s30, v6  }
0xfe: {  	v14 =	vmul.f32 $5.656854150e+00, v14;
	v20 =	vor.u32 s15, v5;
	v24 =	vld.idx.msk [tilespmem:v12+s19+$0x0], $0xffff;
	[tilespmem:s26+$0xFFFFFF00] =	vst v15  }
0xff: {  	v15 =	vor.u32 s6, v2;
	v12 =	vmul.f32 $5.656854150e+00, v22;
	[tilespmem:s28+$0xFFFFFED0] =	vst v9;
	v21 =	vld.idx.msk [tilespmem:v21+s19+$0x0], $0xffff  }
0x100: {  	v22 =	vor.u32 s8, v2;
	[tilespmem:s17+$0xFFFFFE20] =	vst v14;
	v14 =	vmul.f32 $5.656854150e+00, v16;
	v16 =	vld.idx.msk [tilespmem:v13+s19+$0x0], $0xffff;
	v13 =	vmul.f32 $5.656854150e+00, v18  }
0x101: {  	v11 =	vmul.f32 $5.656854150e+00, v11;
	v9 =	vld.idx.msk [tilespmem:v23+s19+$0x0], $0xffff;
	v23 =	vor.u32 s14, v2;
	[tilespmem:s26+$0xFFFFFF60] =	vst v12  }
0x102: {  	v25 =	vor.u32 s2, v4;
	v10 =	vmul.f32 $5.656854150e+00, v10;
	[tilespmem:s28+$0xFFFFFFD0] =	vst v13;
	v26 =	vld.idx.msk [tilespmem:v19+s19+$0x0], $0xffff  }
0x103: {  	v27 =	vmul.f32 $5.656854150e+00, v17;
	[tilespmem:s17+$0xFFFFFFA0] =	vst v14;
	v12 =	vld.idx.msk [tilespmem:v20+s19+$0x0], $0xffff;
	v20 =	vor.u32 s1, v7;
	s1 =	smov.u32 s2;
	s2 =	smov.u32 s10  }
.Ltmp5:
0x104: {  	v14 =	vor.u32 s29, v7;
	s29 =	smov.u32 s15;
	s15 =	smov.u32 s6;
	[tilespmem:s17+$0xFFFFFEA0] =	vst v11;
	v17 =	vld.idx.msk [tilespmem:v15+s19+$0x0], $0xffff;
	(pc) =	sbr.rel @p0 .LBB2_7-.Ltmp5, $4  }
0x105: {  	v13 =	vor.u32 s31, v6;
	v24 =	vmul.f32 $5.656854150e+00, v24;
	v18 =	vld.idx.msk [tilespmem:v22+s19+$0x0], $0xffff;
	[tilespmem:s17+$0xFFFFFF20] =	vst v10  }
0x106: {  	v11 =	vor.u32 s30, v7;
	s30 =	smov.u32 s16;
	s16 =	smov.u32 s14;
	v19 =	vld.idx.msk [tilespmem:v23+s19+$0x0], $0xffff;
	[tilespmem:s28+$0xFFFFFE40] =	vst v27;
	v23 =	vmul.f32 $5.656854150e+00, v21  }
0x107: {  	v22 =	vmul.f32 $5.656854150e+00, v16;
	v10 =	vor.u32 s29, v6;
	v15 =	vld.idx.msk [tilespmem:v25+s19+$0x0], $0xffff;
	[tilespmem:s26+$0xFFFFFE70] =	vst v24  }
0x108: {  	s10 =	sadd.s32 $0x10, s10;
	v21 =	vor.u32 s15, v3;
	[tilespmem:s28+$0xFFFFFF50] =	vst v23;
	v16 =	vld.idx.msk [tilespmem:v20+s19+$0x0], $0xffff;
	v20 =	vmul.f32 $5.656854150e+00, v26  }
0x109: {  	_ = 	snop  }
0x10a: {  	v23 =	vor.u32 s2, v3;
	v17 =	vmul.f32 $5.656854150e+00, v17  }
0x10b: {  	v18 =	vmul.f32 $5.656854150e+00, v18  }
0x10c: {  	v24 =	vor.u32 s16, v3;
	v9 =	vmul.f32 $5.656854150e+00, v9;
	[tilespmem:s17+$0xFFFFFFB0] =	vst v17  }
0x10d: {  	[tilespmem:s17+$0xFFFFFEB0] =	vst v18;
	v17 =	vld.idx.msk [tilespmem:v21+s19+$0x0], $0xffff  }
0x10e: {  	v59 =	vmul.f32 $5.656854150e+00, v19;
	[tilespmem:s17+$0xFFFFFE30] =	vst v9;
	v8 =	vld.idx.msk [tilespmem:v8+s19+$0x0], $0xffff  }
0x10f: {  	v9 =	vld.idx.msk [tilespmem:v23+s19+$0x0], $0xffff  }
0x110: {  	[tilespmem:s17+$0xFFFFFF30] =	vst v59  }
0x111: {  	v63 =	vor.u32 s15, v4;
	v61 =	vld.idx.msk [tilespmem:v24+s19+$0x0], $0xffff  }
0x112: {  	v62 =	vor.u32 s2, v4;
	v17 =	vmul.f32 $5.656854150e+00, v17  }
0x113: {  	v60 =	vor.u32 s8, v4;
	v8 =	vmul.f32 $5.656854150e+00, v8  }
0x114: {  	v24 =	vor.u32 s16, v4;
	v9 =	vmul.f32 $5.656854150e+00, v9;
	[tilespmem:s17+$0xFFFFFFC0] =	vst v17  }
0x115: {  	[tilespmem:s17+$0xFFFFFEC0] =	vst v8  }
0x116: {  	v19 =	vmul.f32 $5.656854150e+00, v61;
	v8 =	vor.u32 s1, v5;
	v26 =	vld.idx.msk [tilespmem:v63+s19+$0x0], $0xffff;
	[tilespmem:s17+$0xFFFFFE40] =	vst v9  }
0x117: {  	[tilespmem:s28+$0xFFFFFEE0] =	vst v22;
	v9 =	vld.idx.msk [tilespmem:v62+s19+$0x0], $0xffff  }
0x118: {  	v25 =	vor.u32 s30, v5;
	v15 =	vmul.f32 $5.656854150e+00, v15;
	v18 =	vld.idx.msk [tilespmem:v60+s19+$0x0], $0xffff;
	[tilespmem:s17+$0xFFFFFF40] =	vst v19  }
0x119: {  	v12 =	vmul.f32 $5.656854150e+00, v12;
	v31 =	vor.u32 s15, v5;
	[tilespmem:s26+$0xFFFFFF70] =	vst v20;
	v28 =	vld.idx.msk [tilespmem:v24+s19+$0x0], $0xffff  }
0x11a: {  	v14 =	vld.idx.msk [tilespmem:v14+s19+$0x0], $0xffff;
	v29 =	vor.u32 s2, v5;
	v16 =	vmul.f32 $5.656854150e+00, v16;
	[tilespmem:s28+$0xFFFFFE50] =	vst v15  }
0x11b: {  	v27 =	vor.u32 s8, v5;
	[tilespmem:s28+$0xFFFFFFE0] =	vst v12;
	v8 =	vld.idx.msk [tilespmem:v8+s19+$0x0], $0xffff;
	v33 =	vmul.f32 $5.656854150e+00, v26  }
0x11c: {  	v32 =	vor.u32 s16, v5;
	v13 =	vld.idx.msk [tilespmem:v13+s19+$0x0], $0xffff;
	[tilespmem:s26+$0xFFFFFE80] =	vst v16;
	v9 =	vmul.f32 $5.656854150e+00, v9  }
0x11d: {  	v17 =	vld.idx.msk [tilespmem:v25+s19+$0x0], $0xffff;
	v30 =	vmul.f32 $5.656854150e+00, v18;
	[tilespmem:s17+$0xFFFFFFD0] =	vst v33  }
0x11e: {  	v34 =	vor.u32 s1, v6;
	v20 =	vmul.f32 $5.656854150e+00, v28;
	v38 =	vld.idx.msk [tilespmem:v31+s19+$0x0], $0xffff;
	[tilespmem:s17+$0xFFFFFE50] =	vst v9  }
0x11f: {  	v35 =	vmul.f32 $5.656854150e+00, v14;
	[tilespmem:s17+$0xFFFFFED0] =	vst v30;
	v36 =	vld.idx.msk [tilespmem:v29+s19+$0x0], $0xffff  }
0x120: {  	v37 =	vor.u32 s30, v6;
	v19 =	vld.idx.msk [tilespmem:v27+s19+$0x0], $0xffff;
	[tilespmem:s17+$0xFFFFFF50] =	vst v20;
	v8 =	vmul.f32 $5.656854150e+00, v8  }
0x121: {  	v43 =	vor.u32 s15, v6;
	v13 =	vmul.f32 $5.656854150e+00, v13;
	[tilespmem:s26+$0x0] =	vst v35;
	v16 =	vld.idx.msk [tilespmem:v32+s19+$0x0], $0xffff  }
0x122: {  	v40 =	vor.u32 s2, v6;
	v11 =	vld.idx.msk [tilespmem:v11+s19+$0x0], $0xffff;
	[tilespmem:s28+$0xFFFFFE60] =	vst v8;
	v8 =	vmul.f32 $5.656854150e+00, v17  }
0x123: {  	v39 =	vor.u32 s8, v6;
	[tilespmem:s28+$0xFFFFFEF0] =	vst v13;
	v41 =	vld.idx.msk [tilespmem:v34+s19+$0x0], $0xffff;
	v15 =	vmul.f32 $5.656854150e+00, v38  }
0x124: {  	v44 =	vor.u32 s16, v6;
	v10 =	vld.idx.msk [tilespmem:v10+s19+$0x0], $0xffff;
	[tilespmem:s28+$0xFFFFFF60] =	vst v8;
	v8 =	vmul.f32 $5.656854150e+00, v36  }
0x125: {  	v45 =	vor.u32 s31, v7;
	v42 =	vmul.f32 $5.656854150e+00, v19;
	v14 =	vld.idx.msk [tilespmem:v37+s19+$0x0], $0xffff;
	[tilespmem:s17+$0xFFFFFFE0] =	vst v15  }
0x126: {  	v46 =	vor.u32 s1, v7;
	v19 =	vld.idx.msk [tilespmem:v43+s19+$0x0], $0xffff;
	[tilespmem:s17+$0xFFFFFE60] =	vst v8;
	v8 =	vmul.f32 $5.656854150e+00, v16  }
0x127: {  	v47 =	vor.u32 s29, v7;
	v11 =	vmul.f32 $5.656854150e+00, v11;
	[tilespmem:s17+$0xFFFFFEE0] =	vst v42;
	v48 =	vld.idx.msk [tilespmem:v40+s19+$0x0], $0xffff  }
0x128: {  	v49 =	vor.u32 s30, v7;
	v9 =	vld.idx.msk [tilespmem:v39+s19+$0x0], $0xffff;
	v13 =	vmul.f32 $5.656854150e+00, v41;
	[tilespmem:s17+$0xFFFFFF60] =	vst v8  }
0x129: {  	v55 =	vor.u32 s15, v7;
	[tilespmem:s26+$0xFFFFFF80] =	vst v11;
	v8 =	vmul.f32 $5.656854150e+00, v10;
	v51 =	vld.idx.msk [tilespmem:v44+s19+$0x0], $0xffff  }
0x12a: {  	v54 =	vor.u32 s2, v7;
	v52 =	vld.idx.msk [tilespmem:v45+s19+$0x0], $0xffff;
	[tilespmem:s28+$0xFFFFFE70] =	vst v13;
	v53 =	vmul.f32 $5.656854150e+00, v14  }
0x12b: {  	v50 =	vor.u32 s8, v7;
	[tilespmem:s28+$0xFFFFFFF0] =	vst v8;
	v8 =	vld.idx.msk [tilespmem:v46+s19+$0x0], $0xffff;
	v58 =	vmul.f32 $5.656854150e+00, v19  }
0x12c: {  	v57 =	vor.u32 s16, v7;
	v16 =	vld.idx.msk [tilespmem:v47+s19+$0x0], $0xffff;
	[tilespmem:s28+$0xFFFFFF70] =	vst v53;
	v56 =	vmul.f32 $5.656854150e+00, v48  }
0x12d: {  	v9 =	vmul.f32 $5.656854150e+00, v9;
	v17 =	vld.idx.msk [tilespmem:v49+s19+$0x0], $0xffff;
	[tilespmem:s17+$0xFFFFFFF0] =	vst v58  }
0x12e: {  	v60 =	vld.idx.msk [tilespmem:v55+s19+$0x0], $0xffff;
	[tilespmem:s17+$0xFFFFFE70] =	vst v56;
	v11 =	vmul.f32 $5.656854150e+00, v51  }
0x12f: {  	v12 =	vmul.f32 $5.656854150e+00, v52;
	[tilespmem:s17+$0xFFFFFEF0] =	vst v9;
	v59 =	vld.idx.msk [tilespmem:v54+s19+$0x0], $0xffff  }
0x130: {  	v10 =	vld.idx.msk [tilespmem:v50+s19+$0x0], $0xffff;
	v8 =	vmul.f32 $5.656854150e+00, v8;
	[tilespmem:s17+$0xFFFFFF70] =	vst v11  }
0x131: {  	[tilespmem:s28+$0xFFFFFF00] =	vst v12;
	v61 =	vmul.f32 $5.656854150e+00, v16;
	v62 =	vld.idx.msk [tilespmem:v57+s19+$0x0], $0xffff  }
0x132: {  	[tilespmem:s28+$0xFFFFFE80] =	vst v8;
	v8 =	vmul.f32 $5.656854150e+00, v17  }
0x133: {  	[tilespmem:s28+$0x0] =	vst v61;
	v63 =	vmul.f32 $5.656854150e+00, v60  }
0x134: {  	[tilespmem:s28+$0xFFFFFF80] =	vst v8;
	v8 =	vmul.f32 $5.656854150e+00, v59  }
.Ltmp6:
0x135: {  	v10 =	vmul.f32 $5.656854150e+00, v10;
	[tilespmem:s17+$0x0] =	vst v63;
	(pc) =	sbr.rel .LBB2_9-.Ltmp6, $4  }
0x136: {  	s31 =	sshll.u32 s25, $0x9;
	[tilespmem:s17+$0xFFFFFE80] =	vst v8;
	v8 =	vmul.f32 $5.656854150e+00, v62  }
0x137: {  	s1 =	sand.u32 $0x1FFFFE00, s31;
	[tilespmem:s17+$0xFFFFFF00] =	vst v10  }
0x138: {  	s1 =	sadd.s32 s5, s1;
	[tilespmem:s17+$0xFFFFFF80] =	vst v8  }
0x139: {  	[hbm4b:s1+s3] =	stream.linear.scatter [tilespmem:s20], [sflag:$0x4], $0x1000, $0x38;
	[tilespmem:$0x6000] =	vst v63  }
.LBB2_3:
0x13a: {  	s2 =	sshrl.u32 @!p0 s1, $0x3  }
0x13b: {  	s2 =	sor.u32 @!p0 $0x1000, s2  }
0x13c: {  	s6 =	simm.s32 @!p0 $0x0;
	s8 =	simm.s32 @!p0 $0x2000;
	s2 =	sadd.s32 @!p0 s0, s2  }
0x13d: {  	[tilespmem:s8], [sflag:$0x2] =	stream.linear.gather @!p0 [hbm4b:s2+s6], $0x400, $0x38;
	[tilespmem:$0x6000] =	vst v63  }
0x13e: {  	s2 =	sadd.s32 @!p0 $0x7A9400, s1  }
0x13f: {  	s2 =	sshrl.u32 @!p0 s2, $0x3  }
0x140: {  	s8 =	simm.s32 @!p0 $0x2800;
	s2 =	sadd.s32 @!p0 s0, s2  }
0x141: {  	[tilespmem:s8], [sflag:$0x2] =	stream.linear.gather @!p0 [hbm4b:s2+s6], $0x400, $0x38;
	[tilespmem:$0x6000] =	vst v63  }
0x142: {  	s2 =	sadd.s32 @!p0 $0xF4A800, s1  }
0x143: {  	s1 =	sadd.s32 @!p0 $0x16EBC00, s1;
	s2 =	sshrl.u32 @!p0 s2, $0x3  }
0x144: {  	s8 =	simm.s32 @!p0 $0x3000;
	s1 =	sshrl.u32 @!p0 s1, $0x3;
	s2 =	sadd.s32 @!p0 s0, s2  }
0x145: {  	[tilespmem:s8], [sflag:$0x2] =	stream.linear.gather @!p0 [hbm4b:s2+s6], $0x400, $0x38;
	[tilespmem:$0x6000] =	vst v63  }
0x146: {  	s1 =	sadd.s32 @!p0 s0, s1;
	s2 =	simm.s32 @!p0 $0x3800  }
0x147: {  	[tilespmem:s2], [sflag:$0x2] =	stream.linear.gather @!p0 [hbm4b:s1+s6], $0x400, $0x38;
	[tilespmem:$0x6000] =	vst v63  }
0x148: {  	_ =	swait.ge [sflag:s21], $0x400  }
0x149: {  	[sflag:s21] =	ssyncset.done $0x0  }
0x14a: {  	[sflag:s21] =	ssyncadd.s32 $0xFFFFFC00  }
0x14b: {  	_ =	swait.ge [sflag:s21], $0x400  }
0x14c: {  	[sflag:s21] =	ssyncset.done $0x0  }
0x14d: {  	[sflag:s21] =	ssyncadd.s32 $0xFFFFFC00  }
0x14e: {  	_ =	swait.ge [sflag:s21], $0x400  }
0x14f: {  	[sflag:s21] =	ssyncset.done $0x0  }
0x150: {  	[sflag:s21] =	ssyncadd.s32 $0xFFFFFC00  }
0x151: {  	s17 =	simm.s32 $0x4;
	_ =	swait.ge [sflag:s21], $0x400  }
0x152: {  	s9 =	simm.s32 $0xC;
	v8 =	vor.u32 s17, v0;
	p0 =	slt.u32 s24, $0x2;
	[sflag:s21] =	ssyncset.done $0x0  }
0x153: {  	v9 =	vor.u32 s9, v0;
	s1 =	simm.s32 @!p0 $0x3;
	[sflag:s21] =	ssyncadd.s32 $0xFFFFFC00  }
0x154: {  	_ =	swait.ge @!p0 [sflag:s1], $0x1000  }
0x155: {  	[sflag:s1] =	ssyncset.done @!p0 $0x0  }
0x156: {  	[sflag:s1] =	ssyncadd.s32 @!p0 $0xFFFFF000  }
0x157: {  	v8 =	vld.idx.msk [tilespmem:v8+s3+$0x0], $0xffff  }
0x158: {  	v9 =	vld.idx.msk [tilespmem:v9+s3+$0x0], $0xffff;
	_ =	sdelay $0x1  }
0x159: {  	v10 =	vor.u32 s17, v1  }
0x15a: {  	v11 =	vor.u32 s9, v1  }
0x15b: {  	v8 =	vmul.f32 $5.656854150e+00, v8  }
0x15c: {  	s26 =	simm.s32 $0x4100;
	s10 =	simm.s32 $0x8;
	v9 =	vmul.f32 $5.656854150e+00, v9  }
0x15d: {  	s14 =	simm.s32 $0x0;
	v12 =	vor.u32 s10, v0;
	[tilespmem:s26+$0xFFFFFF80] =	vst v8  }
0x15e: {  	v8 =	vor.u32 s14, v0;
	[tilespmem:s26+$0x80] =	vst v9;
	v9 =	vld.idx.msk [tilespmem:v10+s3+$0x0], $0xffff  }
0x15f: {  	v10 =	vld.idx.msk [tilespmem:v11+s3+$0x0], $0xffff;
	_ =	sdelay $0x1  }
0x160: {  	v11 =	vor.u32 s17, v2  }
0x161: {  	v13 =	vor.u32 s9, v2;
	v12 =	vld.idx.msk [tilespmem:v12+s3+$0x0], $0xffff  }
0x162: {  	v8 =	vld.idx.msk [tilespmem:v8+s3+$0x0], $0xffff;
	v9 =	vmul.f32 $5.656854150e+00, v9  }
0x163: {  	v10 =	vmul.f32 $5.656854150e+00, v10  }
0x164: {  	v14 =	vor.u32 s10, v1;
	[tilespmem:s26+$0xFFFFFF90] =	vst v9  }
0x165: {  	v9 =	vor.u32 s14, v1;
	[tilespmem:s26+$0x90] =	vst v10;
	v10 =	vld.idx.msk [tilespmem:v11+s3+$0x0], $0xffff  }
0x166: {  	v11 =	vmul.f32 $5.656854150e+00, v12;
	v12 =	vld.idx.msk [tilespmem:v13+s3+$0x0], $0xffff  }
0x167: {  	v8 =	vmul.f32 $5.656854150e+00, v8  }
0x168: {  	v13 =	vor.u32 s17, v3;
	[tilespmem:s26+$0x0] =	vst v11  }
0x169: {  	s29 =	simm.s32 $0x1C;
	v11 =	vor.u32 s9, v3;
	[tilespmem:s26+$0xFFFFFF00] =	vst v8;
	v8 =	vld.idx.msk [tilespmem:v14+s3+$0x0], $0xffff  }
0x16a: {  	s31 =	simm.s32 $0x14;
	v14 =	vor.u32 s29, v0;
	v9 =	vld.idx.msk [tilespmem:v9+s3+$0x0], $0xffff;
	v10 =	vmul.f32 $5.656854150e+00, v10  }
0x16b: {  	v15 =	vor.u32 s31, v0;
	v12 =	vmul.f32 $5.656854150e+00, v12  }
0x16c: {  	v16 =	vor.u32 s10, v2;
	[tilespmem:s26+$0xFFFFFFA0] =	vst v10  }
0x16d: {  	s1 =	simm.s32 $0x10;
	v10 =	vor.u32 s14, v2;
	[tilespmem:s26+$0xA0] =	vst v12;
	v12 =	vld.idx.msk [tilespmem:v13+s3+$0x0], $0xffff  }
0x16e: {  	s30 =	simm.s32 $0x18;
	v8 =	vmul.f32 $5.656854150e+00, v8;
	v13 =	vor.u32 s1, v0;
	v11 =	vld.idx.msk [tilespmem:v11+s3+$0x0], $0xffff  }
0x16f: {  	v17 =	vor.u32 s30, v0;
	v14 =	vld.idx.msk [tilespmem:v14+s3+$0x0], $0xffff;
	v9 =	vmul.f32 $5.656854150e+00, v9  }
0x170: {  	[tilespmem:s26+$0x10] =	vst v8;
	v8 =	vld.idx.msk [tilespmem:v15+s3+$0x0], $0xffff;
	v15 =	vor.u32 s17, v4  }
0x171: {  	[tilespmem:s26+$0xFFFFFF10] =	vst v9;
	v9 =	vld.idx.msk [tilespmem:v16+s3+$0x0], $0xffff;
	v16 =	vor.u32 s9, v4  }
0x172: {  	v18 =	vor.u32 s29, v1;
	v10 =	vld.idx.msk [tilespmem:v10+s3+$0x0], $0xffff;
	v12 =	vmul.f32 $5.656854150e+00, v12  }
0x173: {  	v19 =	vor.u32 s31, v1;
	v13 =	vld.idx.msk [tilespmem:v13+s3+$0x0], $0xffff;
	v11 =	vmul.f32 $5.656854150e+00, v11  }
0x174: {  	v20 =	vor.u32 s10, v3;
	v17 =	vld.idx.msk [tilespmem:v17+s3+$0x0], $0xffff;
	[tilespmem:s26+$0xFFFFFFB0] =	vst v12;
	v12 =	vmul.f32 $5.656854150e+00, v14  }
0x175: {  	s28 =	simm.s32 $0x4300;
	[tilespmem:s26+$0xB0] =	vst v11;
	v8 =	vmul.f32 $5.656854150e+00, v8;
	v14 =	vor.u32 s14, v3;
	v11 =	vld.idx.msk [tilespmem:v15+s3+$0x0], $0xffff  }
0x176: {  	v9 =	vmul.f32 $5.656854150e+00, v9;
	v15 =	vor.u32 s1, v1;
	v16 =	vld.idx.msk [tilespmem:v16+s3+$0x0], $0xffff;
	[tilespmem:s28+$0x80] =	vst v12  }
0x177: {  	v10 =	vmul.f32 $5.656854150e+00, v10;
	v12 =	vor.u32 s30, v1;
	[tilespmem:s28+$0xFFFFFF80] =	vst v8;
	v8 =	vld.idx.msk [tilespmem:v18+s3+$0x0], $0xffff  }
0x178: {  	[tilespmem:s26+$0x20] =	vst v9;
	v9 =	vmul.f32 $5.656854150e+00, v13;
	v13 =	vld.idx.msk [tilespmem:v19+s3+$0x0], $0xffff;
	v18 =	vor.u32 s17, v5  }
0x179: {  	v19 =	vld.idx.msk [tilespmem:v20+s3+$0x0], $0xffff;
	[tilespmem:s26+$0xFFFFFF20] =	vst v10;
	v10 =	vmul.f32 $5.656854150e+00, v17;
	v17 =	vor.u32 s9, v5  }
0x17a: {  	[tilespmem:s28+$0xFFFFFF00] =	vst v9;
	v9 =	vld.idx.msk [tilespmem:v14+s3+$0x0], $0xffff;
	v14 =	vor.u32 s29, v2;
	v11 =	vmul.f32 $5.656854150e+00, v11  }
0x17b: {  	v15 =	vld.idx.msk [tilespmem:v15+s3+$0x0], $0xffff;
	[tilespmem:s28+$0x0] =	vst v10;
	v10 =	vor.u32 s31, v2;
	v16 =	vmul.f32 $5.656854150e+00, v16  }
0x17c: {  	v20 =	vor.u32 s10, v4;
	v12 =	vld.idx.msk [tilespmem:v12+s3+$0x0], $0xffff;
	[tilespmem:s26+$0xFFFFFFC0] =	vst v11;
	v8 =	vmul.f32 $5.656854150e+00, v8  }
0x17d: {  	v13 =	vmul.f32 $5.656854150e+00, v13;
	[tilespmem:s26+$0xC0] =	vst v16;
	v11 =	vld.idx.msk [tilespmem:v18+s3+$0x0], $0xffff;
	v18 =	vor.u32 s14, v4  }
0x17e: {  	v16 =	vmul.f32 $5.656854150e+00, v19;
	v19 =	vor.u32 s1, v2;
	[tilespmem:s28+$0x90] =	vst v8;
	v8 =	vld.idx.msk [tilespmem:v17+s3+$0x0], $0xffff  }
0x17f: {  	v17 =	vor.u32 s30, v2;
	v9 =	vmul.f32 $5.656854150e+00, v9;
	[tilespmem:s28+$0xFFFFFF90] =	vst v13;
	v13 =	vld.idx.msk [tilespmem:v14+s3+$0x0], $0xffff  }
0x180: {  	[tilespmem:s26+$0x30] =	vst v16;
	v14 =	vmul.f32 $5.656854150e+00, v15;
	v10 =	vld.idx.msk [tilespmem:v10+s3+$0x0], $0xffff;
	v15 =	vor.u32 s17, v6  }
0x181: {  	v16 =	vld.idx.msk [tilespmem:v20+s3+$0x0], $0xffff;
	v12 =	vmul.f32 $5.656854150e+00, v12;
	[tilespmem:s26+$0xFFFFFF30] =	vst v9;
	v9 =	vor.u32 s9, v6  }
0x182: {  	[tilespmem:s28+$0xFFFFFF10] =	vst v14;
	v14 =	vld.idx.msk [tilespmem:v18+s3+$0x0], $0xffff;
	v11 =	vmul.f32 $5.656854150e+00, v11;
	v18 =	vor.u32 s29, v3  }
0x183: {  	s2 =	simm.s32 $0x20;
	v20 =	vor.u32 s31, v3;
	v19 =	vld.idx.msk [tilespmem:v19+s3+$0x0], $0xffff;
	[tilespmem:s28+$0x10] =	vst v12;
	v8 =	vmul.f32 $5.656854150e+00, v8  }
0x184: {  	v12 =	vld.idx.msk [tilespmem:v17+s3+$0x0], $0xffff;
	v17 =	vor.u32 s2, v0;
	[tilespmem:s26+$0xFFFFFFD0] =	vst v11;
	v11 =	vmul.f32 $5.656854150e+00, v13  }
0x185: {  	s15 =	simm.s32 $0x2C;
	v13 =	vor.u32 s14, v5;
	v10 =	vmul.f32 $5.656854150e+00, v10;
	v15 =	vld.idx.msk [tilespmem:v15+s3+$0x0], $0xffff;
	[tilespmem:s26+$0xD0] =	vst v8  }
0x186: {  	s8 =	simm.s32 $0x24;
	v8 =	vor.u32 s15, v0;
	[tilespmem:s28+$0xA0] =	vst v11;
	v9 =	vld.idx.msk [tilespmem:v9+s3+$0x0], $0xffff  }
0x187: {  	s16 =	simm.s32 $0x28;
	v11 =	vor.u32 s8, v0;
	[tilespmem:s28+$0xFFFFFFA0] =	vst v10;
	v10 =	vld.idx.msk [tilespmem:v18+s3+$0x0], $0xffff;
	v14 =	vmul.f32 $5.656854150e+00, v14  }
0x188: {  	v18 =	vor.u32 s16, v0;
	v20 =	vld.idx.msk [tilespmem:v20+s3+$0x0], $0xffff  }
0x189: {  	v21 =	vor.u32 s30, v3;
	v16 =	vmul.f32 $5.656854150e+00, v16;
	v17 =	vld.idx.msk [tilespmem:v17+s3+$0x0], $0xffff;
	[tilespmem:s26+$0xFFFFFF40] =	vst v14  }
0x18a: {  	v12 =	vmul.f32 $5.656854150e+00, v12;
	v14 =	vor.u32 s17, v7;
	v13 =	vld.idx.msk [tilespmem:v13+s3+$0x0], $0xffff  }
0x18b: {  	[tilespmem:s26+$0x40] =	vst v16;
	v16 =	vor.u32 s29, v4;
	v15 =	vmul.f32 $5.656854150e+00, v15;
	v8 =	vld.idx.msk [tilespmem:v8+s3+$0x0], $0xffff  }
0x18c: {  	[tilespmem:s28+$0x20] =	vst v12;
	v12 =	vor.u32 s31, v4;
	v11 =	vld.idx.msk [tilespmem:v11+s3+$0x0], $0xffff;
	v9 =	vmul.f32 $5.656854150e+00, v9  }
0x18d: {  	v22 =	vor.u32 s2, v1;
	[tilespmem:s26+$0xFFFFFFE0] =	vst v15;
	v15 =	vld.idx.msk [tilespmem:v18+s3+$0x0], $0xffff;
	v10 =	vmul.f32 $5.656854150e+00, v10  }
0x18e: {  	v18 =	vmul.f32 $5.656854150e+00, v20;
	v20 =	vld.idx.msk [tilespmem:v21+s3+$0x0], $0xffff;
	v21 =	vor.u32 s10, v5;
	[tilespmem:s26+$0xE0] =	vst v9  }
0x18f: {  	v9 =	vmul.f32 $5.656854150e+00, v17;
	v17 =	vor.u32 s15, v1;
	[tilespmem:s28+$0xB0] =	vst v10;
	v10 =	vld.idx.msk [tilespmem:v14+s3+$0x0], $0xffff  }
0x190: {  	v19 =	vmul.f32 $5.656854150e+00, v19;
	s17 =	simm.s32 $0x4500;
	v14 =	vor.u32 s8, v1;
	[tilespmem:s28+$0xFFFFFFB0] =	vst v18;
	v16 =	vld.idx.msk [tilespmem:v16+s3+$0x0], $0xffff  }
0x191: {  	[tilespmem:s17+$0xFFFFFF00] =	vst v9;
	v9 =	vor.u32 s16, v1;
	v8 =	vmul.f32 $5.656854150e+00, v8;
	v12 =	vld.idx.msk [tilespmem:v12+s3+$0x0], $0xffff  }
0x192: {  	[tilespmem:s28+$0xFFFFFF20] =	vst v19;
	v19 =	vor.u32 s1, v3;
	v18 =	vld.idx.msk [tilespmem:v22+s3+$0x0], $0xffff;
	v11 =	vmul.f32 $5.656854150e+00, v11  }
0x193: {  	v15 =	vmul.f32 $5.656854150e+00, v15;
	[tilespmem:s17+$0x80] =	vst v8;
	v8 =	vor.u32 s14, v6;
	v21 =	vld.idx.msk [tilespmem:v21+s3+$0x0], $0xffff  }
0x194: {  	v13 =	vmul.f32 $5.656854150e+00, v13;
	[tilespmem:s17+$0xFFFFFF80] =	vst v11;
	v11 =	vld.idx.msk [tilespmem:v17+s3+$0x0], $0xffff;
	v17 =	vor.u32 s30, v4  }
0x195: {  	v20 =	vmul.f32 $5.656854150e+00, v20;
	v14 =	vld.idx.msk [tilespmem:v14+s3+$0x0], $0xffff;
	[tilespmem:s17+$0x0] =	vst v15;
	v15 =	vor.u32 s31, v5  }
0x196: {  	v22 =	vor.u32 s2, v2;
	[tilespmem:s26+$0xFFFFFF50] =	vst v13;
	v23 =	vld.idx.msk [tilespmem:v9+s3+$0x0], $0xffff;
	v9 =	vmul.f32 $5.656854150e+00, v10  }
0x197: {  	v13 =	vor.u32 s10, v6;
	[tilespmem:s28+$0x30] =	vst v20;
	v10 =	vld.idx.msk [tilespmem:v19+s3+$0x0], $0xffff;
	v12 =	vmul.f32 $5.656854150e+00, v12  }
0x198: {  	v20 =	vor.u32 s15, v2;
	v18 =	vmul.f32 $5.656854150e+00, v18;
	v8 =	vld.idx.msk [tilespmem:v8+s3+$0x0], $0xffff;
	[tilespmem:s26+$0xFFFFFFF0] =	vst v9  }
0x199: {  	v19 =	vor.u32 s29, v5;
	[tilespmem:s28+$0xFFFFFFC0] =	vst v12;
	v12 =	vmul.f32 $5.656854150e+00, v21;
	v24 =	vld.idx.msk [tilespmem:v17+s3+$0x0], $0xffff  }
0x19a: {  	[tilespmem:s17+$0xFFFFFF10] =	vst v18;
	v18 =	vor.u32 s8, v2;
	v11 =	vmul.f32 $5.656854150e+00, v11;
	v21 =	vld.idx.msk [tilespmem:v15+s3+$0x0], $0xffff  }
0x19b: {  	v15 =	vmul.f32 $5.656854150e+00, v16;
	v9 =	vld.idx.msk [tilespmem:v22+s3+$0x0], $0xffff;
	v16 =	vor.u32 s16, v2;
	[tilespmem:s26+$0x50] =	vst v12  }
0x19c: {  	v14 =	vmul.f32 $5.656854150e+00, v14;
	v22 =	vor.u32 s1, v4;
	v25 =	vld.idx.msk [tilespmem:v13+s3+$0x0], $0xffff;
	[tilespmem:s17+$0x90] =	vst v11  }
0x19d: {  	v13 =	vmul.f32 $5.656854150e+00, v23;
	v23 =	vor.u32 s14, v7;
	[tilespmem:s28+$0xC0] =	vst v15;
	v17 =	vld.idx.msk [tilespmem:v20+s3+$0x0], $0xffff  }
0x19e: {  	v10 =	vmul.f32 $5.656854150e+00, v10;
	[tilespmem:s17+$0xFFFFFF90] =	vst v14;
	v14 =	vor.u32 s9, v7;
	v12 =	vld.idx.msk [tilespmem:v19+s3+$0x0], $0xffff  }
0x19f: {  	[tilespmem:s17+$0x10] =	vst v13;
	v20 =	vmul.f32 $5.656854150e+00, v8;
	v13 =	vor.u32 s31, v6;
	v18 =	vld.idx.msk [tilespmem:v18+s3+$0x0], $0xffff  }
0x1a0: {  	v11 =	vor.u32 s10, v7;
	[tilespmem:s28+$0xFFFFFF30] =	vst v10;
	v19 =	vld.idx.msk [tilespmem:v16+s3+$0x0], $0xffff;
	v16 =	vmul.f32 $5.656854150e+00, v24  }
0x1a1: {  	v10 =	vor.u32 s29, v6;
	v15 =	vld.idx.msk [tilespmem:v22+s3+$0x0], $0xffff;
	v22 =	vmul.f32 $5.656854150e+00, v21;
	[tilespmem:s26+$0xFFFFFF60] =	vst v20  }
0x1a2: {  	s10 =	simm.s32 $0x30;
	s9 =	simm.s32 $0x8;
	v8 =	vor.u32 s8, v3;
	v21 =	vor.u32 s15, v3;
	v20 =	vmul.f32 $5.656854150e+00, v25;
	[tilespmem:s28+$0x40] =	vst v16;
	v16 =	vld.idx.msk [tilespmem:v23+s3+$0x0], $0xffff  }
.LBB2_4:
0x1a3: {  	v23 =	vor.u32 s10, v0;
	s12 =	sadd.s32 $0x4, s10;
	s6 =	sadd.s32 $0xC, s10;
	s9 =	sadd.s32 $0x4, s9;
	v24 =	vor.u32 s1, v5;
	[tilespmem:s28+$0xFFFFFFD0] =	vst v22;
	v12 =	vmul.f32 $5.656854150e+00, v12;
	v14 =	vld.idx.msk [tilespmem:v14+s3+$0x0], $0xffff  }
0x1a4: {  	s14 =	sadd.s32 $0x8, s10;
	v17 =	vmul.f32 $5.656854150e+00, v17;
	v22 =	vor.u32 s12, v0;
	v25 =	vor.u32 s6, v0;
	p0 =	slt.u32 s9, $0x1C;
	v13 =	vld.idx.msk [tilespmem:v13+s3+$0x0], $0xffff;
	[tilespmem:s26+$0x60] =	vst v20  }
0x1a5: {  	v18 =	vmul.f32 $5.656854150e+00, v18;
	v20 =	vor.u32 s12, v3;
	v26 =	vor.u32 s14, v0;
	[tilespmem:s28+$0xD0] =	vst v12;
	v11 =	vld.idx.msk [tilespmem:v11+s3+$0x0], $0xffff  }
0x1a6: {  	v12 =	vmul.f32 $5.656854150e+00, v19;
	[tilespmem:s17+$0xA0] =	vst v17;
	v10 =	vld.idx.msk [tilespmem:v10+s3+$0x0], $0xffff  }
0x1a7: {  	v15 =	vmul.f32 $5.656854150e+00, v15;
	[tilespmem:s17+$0xFFFFFFA0] =	vst v18;
	v17 =	vld.idx.msk [tilespmem:v21+s3+$0x0], $0xffff  }
0x1a8: {  	v18 =	vld.idx.msk [tilespmem:v8+s3+$0x0], $0xffff;
	[tilespmem:s17+$0x20] =	vst v12;
	v12 =	vmul.f32 $5.656854150e+00, v16;
	v8 =	vmov v20  }
0x1a9: {  	v19 =	vor.u32 s16, v3;
	v14 =	vmul.f32 $5.656854150e+00, v14;
	v16 =	vld.idx.msk [tilespmem:v23+s3+$0x0], $0xffff;
	[tilespmem:s28+$0xFFFFFF40] =	vst v15  }
0x1aa: {  	v20 =	vor.u32 s31, v7;
	s31 =	smov.u32 s8;
	s8 =	smov.u32 s12;
	v13 =	vmul.f32 $5.656854150e+00, v13;
	v15 =	vld.idx.msk [tilespmem:v24+s3+$0x0], $0xffff;
	[tilespmem:s26+$0xFFFFFF70] =	vst v12  }
0x1ab: {  	v21 =	vor.u32 s15, v4;
	v11 =	vmul.f32 $5.656854150e+00, v11;
	v12 =	vld.idx.msk [tilespmem:v25+s3+$0x0], $0xffff;
	[tilespmem:s26+$0xF0] =	vst v14  }
0x1ac: {  	v23 =	vor.u32 s31, v4;
	v14 =	vor.u32 s10, v1;
	v10 =	vmul.f32 $5.656854150e+00, v10;
	v22 =	vld.idx.msk [tilespmem:v22+s3+$0x0], $0xffff;
	[tilespmem:s28+$0xFFFFFFE0] =	vst v13  }
0x1ad: {  	v17 =	vmul.f32 $5.656854150e+00, v17;
	v13 =	vld.idx.msk [tilespmem:v26+s3+$0x0], $0xffff;
	[tilespmem:s26+$0x70] =	vst v11;
	s26 =	smov.u32 s28;
	s28 =	smov.u32 s17  }
0x1ae: {  	v24 =	vor.u32 s30, v5;
	v11 =	vor.u32 s8, v1;
	v18 =	vmul.f32 $5.656854150e+00, v18;
	v19 =	vld.idx.msk [tilespmem:v19+s3+$0x0], $0xffff;
	[tilespmem:s26+$0xE0] =	vst v10  }
0x1af: {  	s17 =	sadd.s32 $0x200, s17;
	v10 =	vmul.f32 $5.656854150e+00, v16;
	v16 =	vor.u32 s6, v1;
	[tilespmem:s28+$0xB0] =	vst v17;
	v17 =	vld.idx.msk [tilespmem:v20+s3+$0x0], $0xffff  }
0x1b0: {  	v9 =	vmul.f32 $5.656854150e+00, v9;
	[tilespmem:s28+$0xFFFFFFB0] =	vst v18;
	v18 =	vld.idx.msk [tilespmem:v21+s3+$0x0], $0xffff  }
0x1b1: {  	v12 =	vmul.f32 $5.656854150e+00, v12;
	[tilespmem:s17+$0xFFFFFF00] =	vst v10;
	v10 =	vor.u32 s14, v1;
	v20 =	vld.idx.msk [tilespmem:v23+s3+$0x0], $0xffff  }
0x1b2: {  	v21 =	vmul.f32 $5.656854150e+00, v22;
	v14 =	vld.idx.msk [tilespmem:v14+s3+$0x0], $0xffff;
	[tilespmem:s28+$0xFFFFFF20] =	vst v9;
	v9 =	vor.u32 s2, v3  }
0x1b3: {  	v13 =	vmul.f32 $5.656854150e+00, v13;
	[tilespmem:s17+$0x80] =	vst v12;
	v12 =	vor.u32 s1, v6;
	v22 =	vld.idx.msk [tilespmem:v24+s3+$0x0], $0xffff  }
0x1b4: {  	v15 =	vmul.f32 $5.656854150e+00, v15;
	[tilespmem:s17+$0xFFFFFF80] =	vst v21;
	v16 =	vld.idx.msk [tilespmem:v16+s3+$0x0], $0xffff;
	v21 =	vor.u32 s16, v4  }
0x1b5: {  	v19 =	vmul.f32 $5.656854150e+00, v19;
	v11 =	vld.idx.msk [tilespmem:v11+s3+$0x0], $0xffff;
	[tilespmem:s17+$0x0] =	vst v13;
	v13 =	vor.u32 s31, v5  }
0x1b6: {  	v23 =	vor.u32 s10, v2;
	v10 =	vld.idx.msk [tilespmem:v10+s3+$0x0], $0xffff;
	[tilespmem:s26+$0xFFFFFF50] =	vst v15;
	v15 =	vmul.f32 $5.656854150e+00, v17  }
0x1b7: {  	v17 =	vld.idx.msk [tilespmem:v9+s3+$0x0], $0xffff;
	v9 =	vmul.f32 $5.656854150e+00, v20;
	[tilespmem:s28+$0x30] =	vst v19;
	v19 =	vor.u32 s30, v6  }
0x1b8: {  	v14 =	vmul.f32 $5.656854150e+00, v14;
	v20 =	vor.u32 s15, v5;
	v24 =	vld.idx.msk [tilespmem:v12+s3+$0x0], $0xffff;
	[tilespmem:s26+$0xFFFFFFF0] =	vst v15  }
0x1b9: {  	v15 =	vor.u32 s6, v2;
	v12 =	vmul.f32 $5.656854150e+00, v22;
	[tilespmem:s28+$0xFFFFFFC0] =	vst v9;
	v21 =	vld.idx.msk [tilespmem:v21+s3+$0x0], $0xffff  }
0x1ba: {  	v22 =	vor.u32 s8, v2;
	[tilespmem:s17+$0xFFFFFF10] =	vst v14;
	v14 =	vmul.f32 $5.656854150e+00, v16;
	v16 =	vld.idx.msk [tilespmem:v13+s3+$0x0], $0xffff;
	v13 =	vmul.f32 $5.656854150e+00, v18  }
0x1bb: {  	v11 =	vmul.f32 $5.656854150e+00, v11;
	v9 =	vld.idx.msk [tilespmem:v23+s3+$0x0], $0xffff;
	v23 =	vor.u32 s14, v2;
	[tilespmem:s26+$0x50] =	vst v12  }
0x1bc: {  	v25 =	vor.u32 s2, v4;
	v10 =	vmul.f32 $5.656854150e+00, v10;
	[tilespmem:s28+$0xC0] =	vst v13;
	v26 =	vld.idx.msk [tilespmem:v19+s3+$0x0], $0xffff  }
0x1bd: {  	v27 =	vmul.f32 $5.656854150e+00, v17;
	[tilespmem:s17+$0x90] =	vst v14;
	v12 =	vld.idx.msk [tilespmem:v20+s3+$0x0], $0xffff;
	v20 =	vor.u32 s1, v7;
	s1 =	smov.u32 s2;
	s2 =	smov.u32 s10  }
.Ltmp7:
0x1be: {  	v14 =	vor.u32 s29, v7;
	s29 =	smov.u32 s15;
	s15 =	smov.u32 s6;
	[tilespmem:s17+$0xFFFFFF90] =	vst v11;
	v17 =	vld.idx.msk [tilespmem:v15+s3+$0x0], $0xffff;
	(pc) =	sbr.rel @p0 .LBB2_4-.Ltmp7, $4  }
0x1bf: {  	v13 =	vor.u32 s31, v6;
	v24 =	vmul.f32 $5.656854150e+00, v24;
	v18 =	vld.idx.msk [tilespmem:v22+s3+$0x0], $0xffff;
	[tilespmem:s17+$0x10] =	vst v10  }
0x1c0: {  	v11 =	vor.u32 s30, v7;
	s30 =	smov.u32 s16;
	s16 =	smov.u32 s14;
	v19 =	vld.idx.msk [tilespmem:v23+s3+$0x0], $0xffff;
	[tilespmem:s28+$0xFFFFFF30] =	vst v27;
	v23 =	vmul.f32 $5.656854150e+00, v21  }
0x1c1: {  	v22 =	vmul.f32 $5.656854150e+00, v16;
	v10 =	vor.u32 s29, v6;
	v15 =	vld.idx.msk [tilespmem:v25+s3+$0x0], $0xffff;
	[tilespmem:s26+$0xFFFFFF60] =	vst v24  }
0x1c2: {  	s10 =	sadd.s32 $0x10, s10;
	v21 =	vor.u32 s15, v3;
	[tilespmem:s28+$0x40] =	vst v23;
	v16 =	vld.idx.msk [tilespmem:v20+s3+$0x0], $0xffff;
	v20 =	vmul.f32 $5.656854150e+00, v26  }
.Ltmp8:
0x1c3: {  	_ = 	snop;
	(pc) =	sbr.rel .LBB2_5-.Ltmp8, $1  }
0x1c4: {  	_ =	sdelay $0x3  }
.LBB2_11:
0x1c5: {  	_ =	sfence.sel $0x180000  }
0x1c6: {  	[bflag:$0x0] =	sbarrier.arrive $0xFFFF  }
0x1c7: {  	_ =	strace $0x90000047  }
0x1c8: {  	s0 =	stileid.u32;
	[bflag:$0x2] =	sbarrier.arrive $0xFFFF  }
0x1c9: {  	p0 =	sne.s32 s0, $0x0;
	s0 =	rddreg [dreg:$0x2]  }
0x1ca: {  	s0 =	sadd.s32 @!p0 $0x100000, s0  }
0x1cb: {  	[sflag:s0] =	ssyncadd.tile.s32 @!p0 $0x1;
	_ =	shalt  }
.Lfunc_end2:
_tile_overlayer_lowered:
.L_overlay_start_2:
0x1cc: {  	(tag) =	ssettag $0x2  }
0x1cd: {  	s0 =	rddreg [dreg:$0x0];
	s2 =	stileid.u32  }
0x1ce: {  	s1 =	rddreg [dreg:$0x1];
	p0 =	sne.s32 s2, $0x0  }
0x1cf: {  	s3 =	rddreg [dreg:$0x2];
	[bflag:$0x3] =	sbarrier.arrive $0xFFFF;
	s2 =	simm.s32 @!p0 $0x1C05  }
0x1d0: {  	[timem:s3], [sflag:s2] =	dma.local @!p0 [hbm:s0], s1  }
0x1d1: {  	s0 =	simm.s32 @!p0 $0x5  }
0x1d2: {  	_ =	swait.ge @!p0 [sflag:s0], s1  }
0x1d3: {  	s1 =	ssub.s32 @!p0 $0x0, s1;
	[sflag:s0] =	ssyncset.done @!p0 $0x0  }
0x1d4: {  	[sflag:s0] =	ssyncadd.s32 @!p0 s1  }
0x1d5: {  	[bflag:$0x3] =	sbarrier.arrive $0xFFFF  }
0x1d6: {  	_ =	shalt  }

// kernel: kernel.8.cloned.1.call-start
scs
__scs_entry_jumppad:
0x0: {  	(pc) =	sbr.rel $0x88, $3  }
0x1: {  	(tag) =	ssettag $0x0;
	lr =	simm.s32 $0x1  }
0x2: {  	[smem:$0x3F9F] =	sst lr;
	_ =	strace $0xD0000000  }
0x3: {  	_ = 	snop  }
0x4: {  	_ = 	snop  }
0x5: {  	_ = 	snop  }
0x6: {  	_ = 	snop  }
0x7: {  	_ = 	snop  }
__scs_overlays_trampoline_lowered:
0x8: {  	[smem:$0x3FAE] =	sst s0  }
0x9: {  	[smem:$0x3FAF] =	sst s1  }
0xa: {  	[smem:$0x3FB0] =	sst s2  }
0xb: {  	[smem:$0x3FB1] =	sst s3  }
0xc: {  	[smem:$0x3FB2] =	sst s4  }
0xd: {  	[smem:$0x3FB3] =	sst s5  }
0xe: {  	[smem:$0x3FB4] =	sst s6  }
0xf: {  	[smem:$0x3FB5] =	sst s7  }
0x10: {  	[smem:$0x3FB6] =	sst s8  }
0x11: {  	[smem:$0x3FB7] =	sst s9;
	s0 =	simm.s32 @!p0 $0x0  }
0x12: {  	s1 =	sld [smem:$0x3F9D];
	s0 =	simm.s32 @p0 $0x1  }
0x13: {  	[smem:$0x3FB8] =	sst s0;
	s0 =	simm.s32 @!p1 $0x0  }
0x14: {  	s2 =	sld [smem:$0x3F9C];
	s0 =	simm.s32 @p1 $0x1  }
0x15: {  	[smem:$0x3FB9] =	sst s0;
	s0 =	simm.s32 @!p2 $0x0  }
0x16: {  	s3 =	sld [smem:$0x3FDB];
	s0 =	simm.s32 @p2 $0x1  }
0x17: {  	s4 =	simm.s32 $0x1BF5;
	[smem:$0x3FBB] =	sst s0  }
0x18: {  	s0 =	sld [smem:$0x3F9E];
	_ =	swait.ge [sflag:s4], $0x0  }
0x19: {  	s7 =	sld [smem:$0x3F9F]  }
0x1a: {  	s8 =	sadd.s32 $0xFFFFE003, lr  }
0x1b: {  	s9 =	sadd.s32 $0xFFFFFEF7, lr;
	s5 =	simm.s32 $0xFFFFFFFF;
	p2 =	slt.u32 s8, $0xFFFFF086  }
0x1c: {  	p1 =	slt.u32 s9, $0xF7A;
	s5 =	simm.s32 @!p2 $0x0  }
0x1d: {  	s5 =	simm.s32 @p1 $0x1;
	p0 =	seq.s32 s7, s2  }
0x1e: {  	s7 =	smul.u32 @!p0 $0xF7A, s2;
	p2 =	seq.s32 @!p0 s5, $0x0  }
0x1f: {  	s9 =	smul.u32 $0xF7A, s1;
	s8 =	simm.s32 @!p0 $0x1BF5;
	p2 =	por !p2, p0  }
0x20: {  	[sflag:s8] =	ssyncset.s32 @!p0 $0xFFFFF086;
	s6 =	sadd.s32 @!p0 s3, s7;
	s7 =	simm.s32 @!p0 $0x108  }
0x21: {  	s3 =	sadd.s32 s3, s9;
	s6 =	sadd.s32 @!p0 $0x88, s6;
	s7 =	simm.s32 @p2 $0x1082  }
0x22: {  	[simem:s7], [sflag:s8] =	dma.local @!p0 [hbm:s6], $0xF7A  }
0x23: {  	s9 =	sor.u32 $0xD0000000, s2;
	s6 =	simm.s32 $0x108;
	_ =	swait.ge @!p0 [sflag:s8], $0x0  }
0x24: {  	s3 =	sadd.s32 $0x88, s3;
	s6 =	simm.s32 @!p1 $0x1082;
	[sflag:s4] =	ssyncset.s32 $0xFFFFF086  }
0x25: {  	[simem:s6], [sflag:s4] =	dma.local [hbm:s3], $0xF7A  }
0x26: {  	[smem:$0x3F9F] =	sst s1;
	(tag) =	ssettag s2;
	_ =	strace s9  }
0x27: {  	s1 =	sld [smem:$0x3FAF]  }
0x28: {  	s2 =	sld [smem:$0x3FB0]  }
0x29: {  	s4 =	sld [smem:$0x3FB2]  }
0x2a: {  	p0 =	seq.s32 s5, $0x0;
	s5 =	sld [smem:$0x3FB3]  }
0x2b: {  	s6 =	sld [smem:$0x3FB4]  }
0x2c: {  	s7 =	sld [smem:$0x3FB5]  }
0x2d: {  	s3 =	simm.s32 $0x108;
	s8 =	sld [smem:$0x3FB6]  }
0x2e: {  	s3 =	simm.s32 @!p0 $0x1082;
	s9 =	sld [smem:$0x3FB7]  }
0x2f: {  	lr =	sadd.s32 s0, s3;
	s0 =	sld [smem:$0x3FAE]  }
0x30: {  	s3 =	sld [smem:$0x3FB1]  }
0x31: {  	[smem:$0x3FBA] =	sst s10  }
0x32: {  	s10 =	sld [smem:$0x3FB8];
	_ =	sdelay $0x3  }
0x33: {  	p0 =	seq.s32 s10, $0x1;
	s10 =	sld [smem:$0x3FBA];
	_ =	sdelay $0x3  }
0x34: {  	[smem:$0x3FBA] =	sst s10  }
0x35: {  	s10 =	sld [smem:$0x3FB9];
	_ =	sdelay $0x3  }
0x36: {  	p1 =	seq.s32 s10, $0x1;
	s10 =	sld [smem:$0x3FBA];
	_ =	sdelay $0x3  }
0x37: {  	[smem:$0x3FBA] =	sst s10  }
0x38: {  	s10 =	sld [smem:$0x3FBB]  }
0x39: {  	_ = 	snop;
	(pc) =	sbr.ind lr, $3  }
0x3a: {  	_ = 	snop  }
0x3b: {  	_ = 	snop  }
0x3c: {  	p2 =	seq.s32 s10, $0x1;
	s10 =	sld [smem:$0x3FBA]  }
0x3d: {  	_ =	shalt  }
0x3e: {  	_ =	shalt  }
0x3f: {  	_ =	shalt  }
0x40: {  	_ =	shalt  }
0x41: {  	_ =	shalt  }
0x42: {  	_ =	shalt  }
0x43: {  	_ =	shalt  }
0x44: {  	_ =	shalt  }
0x45: {  	_ =	shalt  }
0x46: {  	_ =	shalt  }
0x47: {  	_ =	shalt  }
0x48: {  	_ =	shalt  }
0x49: {  	_ =	shalt  }
0x4a: {  	_ =	shalt  }
0x4b: {  	_ =	shalt  }
0x4c: {  	_ =	shalt  }
0x4d: {  	_ =	shalt  }
0x4e: {  	_ =	shalt  }
0x4f: {  	_ =	shalt  }
0x50: {  	_ =	shalt  }
0x51: {  	_ =	shalt  }
0x52: {  	_ =	shalt  }
0x53: {  	_ =	shalt  }
0x54: {  	_ =	shalt  }
0x55: {  	_ =	shalt  }
0x56: {  	_ =	shalt  }
0x57: {  	_ =	shalt  }
0x58: {  	_ =	shalt  }
0x59: {  	_ =	shalt  }
0x5a: {  	_ =	shalt  }
0x5b: {  	_ =	shalt  }
0x5c: {  	_ =	shalt  }
0x5d: {  	_ =	shalt  }
0x5e: {  	_ =	shalt  }
0x5f: {  	_ =	shalt  }
0x60: {  	_ =	shalt  }
0x61: {  	_ =	shalt  }
0x62: {  	_ =	shalt  }
0x63: {  	_ =	shalt  }
0x64: {  	_ =	shalt  }
0x65: {  	_ =	shalt  }
0x66: {  	_ =	shalt  }
0x67: {  	_ =	shalt  }
0x68: {  	_ =	shalt  }
0x69: {  	_ =	shalt  }
0x6a: {  	_ =	shalt  }
0x6b: {  	_ =	shalt  }
0x6c: {  	_ =	shalt  }
0x6d: {  	_ =	shalt  }
0x6e: {  	_ =	shalt  }
0x6f: {  	_ =	shalt  }
0x70: {  	_ =	shalt  }
0x71: {  	_ =	shalt  }
0x72: {  	_ =	shalt  }
0x73: {  	_ =	shalt  }
0x74: {  	_ =	shalt  }
0x75: {  	_ =	shalt  }
0x76: {  	_ =	shalt  }
0x77: {  	_ =	shalt  }
0x78: {  	_ =	shalt  }
0x79: {  	_ =	shalt  }
0x7a: {  	_ =	shalt  }
0x7b: {  	_ =	shalt  }
0x7c: {  	_ =	shalt  }
0x7d: {  	_ =	shalt  }
0x7e: {  	_ =	shalt  }
0x7f: {  	_ =	shalt  }
0x80: {  	_ =	shalt  }
0x81: {  	_ =	shalt  }
0x82: {  	_ =	shalt  }
0x83: {  	_ =	shalt  }
0x84: {  	_ =	shalt  }
0x85: {  	_ =	shalt  }
0x86: {  	_ =	shalt  }
0x87: {  	_ =	shalt  }
.Lfunc_end0:
.L_simem_size_0:
called_computation.1_lowered:
.L_overlay_start_0:
0x88: {  	s2 =	sld [smem:$0x3FD9]  }
0x89: {  	s3 =	sld [smem:$0x3FFE];
	_ =	sdelay $0x1  }
0x8a: {  	s1 =	srdreg.scid  }
0x8b: {  	s0 =	sand.u32 $0x1, s1  }
0x8c: {  	s17 =	sshll.u32 s0, $0xA;
	s2 =	sadd.s32 s3, s2  }
0x8d: {  	s2 =	sadd.s32 s2, s17  }
0x8e: {  	[smem:$0x3FC6] =	sst s2  }
0x8f: {  	_ = 	snop  }
0x90: {  	s2 =	sld [smem:$0x3FD0];
	(tm) =	ssettm $0x1  }
0x91: {  	s18 =	sld [smem:$0x3FFB];
	_ =	sdelay $0x3  }
0x92: {  	_ =	strace s18  }
0x93: {  	s3 =	sld [smem:$0x3FFC];
	_ =	sdelay $0x3  }
0x94: {  	_ =	strace s3  }
0x95: {  	s3 =	sld [smem:$0x3FFD];
	_ =	sdelay $0x3  }
0x96: {  	_ =	strace s3  }
0x97: {  	_ =	strace $0x8FFFFFFF  }
0x98: {  	s19 =	sld [smem:$0x3FDB];
	_ =	sdelay $0x1  }
0x99: {  	s4 =	simm.s32 $_scs_section_size  }
0x9a: {  	s5 =	simm.s32 $_size__tile_overlayer_lowered;
	s6 =	simm.s32 $_tile_overlayer_lowered  }
0x9b: {  	s22 =	simm.s32 $0x1BFF;
	s21 =	sshll.u32 s6, $0x1;
	s3 =	sadd.s32 s4, s19  }
0x9c: {  	s7 =	simm.s32 $0x0;
	s20 =	sshll.u32 s5, $0x1;
	s5 =	sadd.s32 s21, s3  }
0x9d: {  	[timem:s7], [sflag:s22] =	dma.local [hbm:s5], s20  }
0x9e: {  	_ =	swait.ge [sflag:s22], s20  }
0x9f: {  	s4 =	ssub.s32 $0x0, s20;
	[sflag:s22] =	ssyncset.done $0x0  }
0xa0: {  	[sflag:s22] =	ssyncadd.s32 s4;
	_ =	sdelay $0x1  }
0xa1: {  	s23 =	simm.s32 $0x1B8B  }
0xa2: {  	_ =	swait.ge [sflag:s23], $0x1  }
0xa3: {  	[sflag:s23] =	ssyncset.done $0x0  }
0xa4: {  	s25 =	simm.s32 $0x1B8E;
	s24 =	sld [smem:$0x3FFE];
	[sflag:s23] =	ssyncadd.s32 $0xFFFFFFFF  }
0xa5: {  	s26 =	simm.s32 $execute0_lowered;
	[smem:$0x3FD2] =	sst s25  }
0xa6: {  	s5 =	sshll.u32 s26, $0x1;
	_ =	strace $0x80000049;
	[dreg:$0x1] =	wrdreg $0xFFFFFFFF  }
0xa7: {  	s28 =	simm.s32 $_size_execute0_lowered;
	s3 =	sadd.s32 s3, s5;
	[dreg:$0x0] =	wrdreg $0x0  }
0xa8: {  	s5 =	sshll.u32 s28, $0x1;
	[dreg:$0x2] =	wrdreg s3  }
0xa9: {  	[dreg:$0x3] =	wrdreg s5  }
0xaa: {  	[dreg:$0x4] =	wrdreg $0xC0  }
0xab: {  	_ =	task [dreg:s7], $0x5FFFF  }
0xac: {  	[dreg:$0x1] =	wrdreg $0xFFFFFFFF  }
0xad: {  	[dreg:$0x0] =	wrdreg $0x60  }
0xae: {  	[dreg:$0x2] =	wrdreg s2  }
0xaf: {  	[dreg:$0x3] =	wrdreg s24  }
0xb0: {  	[dreg:$0x4] =	wrdreg $0x9  }
0xb1: {  	_ =	task.clear_ibuf [dreg:s7], $0x5FFFF;
	_ =	strace $0x90000049  }
0xb2: {  	s29 =	simm.s32 $0x9;
	_ =	strace $0x8000004B  }
0xb3: {  	_ =	swait.ge [sflag:s29], $0x1  }
0xb4: {  	[sflag:s29] =	ssyncadd.s32 $0xFFFFFFFF  }
0xb5: {  	_ =	strace $0x9000004B  }
0xb6: {  	_ =	sfence  }
0xb7: {  	s30 =	sld [smem:$0x0];
	_ =	sdelay $0x2  }
0xb8: {  	s31 =	sshll.u32 s1, $0xD;
	s1 =	sshrl.u32 s1, $0x2  }
0xb9: {  	s3 =	sand.u32 $0x4000, s31;
	s1 =	sadd.s32 s1, s30  }
0xba: {  	s0 =	sor.u32 s3, s0;
	s1 =	sshll.u32 s1, $0x11  }
0xbb: {  	s0 =	sor.u32 s1, s0  }
0xbc: {  	s0 =	sadd.s32 $0x8F2B, s0  }
0xbd: {  	[sflag:s0] =	ssyncadd.remote.s32 $0x1  }
0xbe: {  	_ =	sfence.sel $0xFFFF  }
0xbf: {  	[dreg:$0x0] =	wrdreg $0xFFFFFFFF;
	(pc) =	sbr.abs _section_cstart, $3  }
0xc0: {  	[dreg:$0x1] =	wrdreg $0xFFFFFFFF  }
0xc1: {  	_ =	task.clear_ibuf [dreg:s7], $0x2FFFF;
	_ =	strace $0x9FFFFFFF  }
0xc2: {  	(tm) =	ssettm $0x7FFFFFFF  }
0xc3: {  	_ =	shalt  }
tec
execute0_lowered:
.L_overlay_start_1:
0x0: {  	(tag) =	ssettag $0x1  }
0x1: {  	s0 =	rddreg [dreg:$0x0]  }
0x2: {  	s1 =	rddreg [dreg:$0x1]  }
0x3: {  	s2 =	simm.s32 $0x0;
	s3 =	srdreg.scid;
	s5 =	stileid.u32  }
0x4: {  	s23 =	simm.s32 $0x80;
	s9 =	simm.s32 $0xD400;
	s24 =	simm.s32 $0x6400  }
0x5: {  	s25 =	simm.s32 $0x7400;
	s26 =	simm.s32 $0x8400;
	s28 =	simm.s32 $0x9400  }
0x6: {  	s13 =	simm.s32 $0x4;
	s29 =	simm.s32 $0xA400;
	[smem:$0x7FF] =	sst s2  }
0x7: {  	s14 =	simm.s32 $0x5;
	_ =	strace $0x8000004A;
	[dreg:$0x4] =	wrdreg s23  }
0x8: {  	s30 =	simm.s32 $0xB400;
	s15 =	simm.s32 $0x6;
	[dreg:$0x5] =	wrdreg s24  }
0x9: {  	s31 =	simm.s32 $0xC400;
	s4 =	sand.u32 $0x1, s3;
	[dreg:$0x6] =	wrdreg s25  }
0xa: {  	s17 =	sshll.u32 s5, $0x1;
	s6 =	smul.u32 $0x190000, s5;
	[dreg:$0x7] =	wrdreg s26  }
0xb: {  	s3 =	sadd.s32 $0xA00, s1;
	s18 =	sor.u32 s4, s17;
	[dreg:$0x8] =	wrdreg s28  }
0xc: {  	s7 =	smul.u32 $0xC8000, s4;
	s8 =	ssub.s32 $0x2, s4;
	[dreg:$0x9] =	wrdreg s29  }
0xd: {  	[dreg:$0xa] =	wrdreg s30;
	s4 =	smul.u32 $0x6400, s18;
	s19 =	sshrl.u32 s8, $0x1  }
0xe: {  	s5 =	sadd.s32 $0x3D1400, s1;
	[dreg:$0xb] =	wrdreg s31;
	s1 =	ssub.s32 s8, s19  }
0xf: {  	s6 =	sadd.s32 s7, s6;
	s20 =	sshrl.u32 s4, $0x3;
	s21 =	smax.u32 s1, $0x1  }
0x10: {  	s6 =	sshrl.u32 s6, $0x3;
	s0 =	sadd.s32 s0, s20;
	[dreg:$0xd] =	wrdreg s21  }
0x11: {  	s16 =	simm.s32 $0x7;
	s22 =	sadd.s32 s6, s5;
	[dreg:$0xc] =	wrdreg s0  }
0x12: {  	s17 =	simm.s32 $0x8;
	s6 =	simm.s32 $0x0;
	[dreg:$0x3] =	wrdreg s22  }
.LBB2_1:
0x13: {  	[dreg:$0xe] =	wrdreg s6  }
0x14: {  	s0 =	rddreg [dreg:$0xc];
	s8 =	simm.s32 $0x11  }
0x15: {  	[tilespmem:s2], [sflag:$0x11] =	stream.linear.gather [hbm4b:s0+s2], $0x6400, $0x38;
	[tilespmem:$0xE400] =	vst v63  }
0x16: {  	p0 =	por $0x0, $0x0;
	_ =	swait.ge [sflag:s8], $0x6400  }
0x17: {  	p1 =	por p0, p0;
	[sflag:s8] =	ssyncset.done $0x0  }
0x18: {  	s0 =	simm.s32 @p1 $0x9;
	[sflag:s8] =	ssyncadd.s32 $0xFFFF9C00  }
0x19: {  	_ =	swait.ge @p1 [sflag:s0], $0x1000  }
0x1a: {  	s1 =	simm.s32 @p1 $0x6400;
	s6 =	simm.s32 @p1 $0xA;
	[sflag:s0] =	ssyncset.done @p1 $0x0  }
0x1b: {  	s7 =	simm.s32 @p1 $0x80;
	[sflag:s0] =	ssyncadd.s32 @p1 $0xFFFFF000;
	s0 =	simm.s32 @p1 $0x0  }
0x1c: {  	[tilespmem:s1], [sflag:$0x1] =	stream.indirect.gather @p1 [hbm4b:s3+s7], $0x20, s0, s7, $0xb8;
	[tilespmem:$0xE400] =	vst v63  }
0x1d: {  	_ =	swait.ge @p1 [sflag:s6], $0x1000  }
0x1e: {  	s0 =	simm.s32 @p1 $0x80;
	[sflag:s6] =	ssyncset.done @p1 $0x0  }
0x1f: {  	s1 =	simm.s32 @p1 $0x7400;
	[sflag:s6] =	ssyncadd.s32 @p1 $0xFFFFF000;
	s6 =	simm.s32 @p1 $0xB  }
0x20: {  	[tilespmem:s1], [sflag:$0x2] =	stream.indirect.gather @p1 [hbm4b:s3+s7], $0x20, s0, s7, $0xb8;
	[tilespmem:$0xE400] =	vst v63  }
0x21: {  	_ =	swait.ge @p1 [sflag:s6], $0x1000  }
0x22: {  	s0 =	simm.s32 @p1 $0x100;
	[sflag:s6] =	ssyncset.done @p1 $0x0  }
0x23: {  	s1 =	simm.s32 @p1 $0x8400;
	[sflag:s6] =	ssyncadd.s32 @p1 $0xFFFFF000;
	s6 =	simm.s32 @p1 $0xC  }
0x24: {  	[tilespmem:s1], [sflag:$0x3] =	stream.indirect.gather @p1 [hbm4b:s3+s7], $0x20, s0, s7, $0xb8;
	[tilespmem:$0xE400] =	vst v63  }
0x25: {  	_ =	swait.ge @p1 [sflag:s6], $0x1000  }
0x26: {  	s0 =	simm.s32 @p1 $0x180;
	[sflag:s6] =	ssyncset.done @p1 $0x0  }
0x27: {  	s1 =	simm.s32 @p1 $0x9400;
	[sflag:s6] =	ssyncadd.s32 @p1 $0xFFFFF000;
	s6 =	simm.s32 @p1 $0xD  }
0x28: {  	[tilespmem:s1], [sflag:$0x4] =	stream.indirect.gather @p1 [hbm4b:s3+s7], $0x20, s0, s7, $0xb8;
	[tilespmem:$0xE400] =	vst v63  }
0x29: {  	_ =	swait.ge @p1 [sflag:s6], $0x1000  }
0x2a: {  	s0 =	simm.s32 @p1 $0x200;
	[sflag:s6] =	ssyncset.done @p1 $0x0  }
0x2b: {  	s1 =	simm.s32 @p1 $0xA400;
	[sflag:s6] =	ssyncadd.s32 @p1 $0xFFFFF000;
	s6 =	simm.s32 @p1 $0xE  }
0x2c: {  	[tilespmem:s1], [sflag:$0x5] =	stream.indirect.gather @p1 [hbm4b:s3+s7], $0x20, s0, s7, $0xb8;
	[tilespmem:$0xE400] =	vst v63  }
0x2d: {  	_ =	swait.ge @p1 [sflag:s6], $0x1000  }
0x2e: {  	s0 =	simm.s32 @p1 $0x280;
	[sflag:s6] =	ssyncset.done @p1 $0x0  }
0x2f: {  	s1 =	simm.s32 @p1 $0xB400;
	[sflag:s6] =	ssyncadd.s32 @p1 $0xFFFFF000;
	s6 =	simm.s32 @p1 $0xF  }
0x30: {  	[tilespmem:s1], [sflag:$0x6] =	stream.indirect.gather @p1 [hbm4b:s3+s7], $0x20, s0, s7, $0xb8;
	[tilespmem:$0xE400] =	vst v63  }
0x31: {  	_ =	swait.ge @p1 [sflag:s6], $0x1000  }
0x32: {  	s0 =	simm.s32 @p1 $0x300;
	[sflag:s6] =	ssyncset.done @p1 $0x0  }
0x33: {  	s1 =	simm.s32 @p1 $0xC400;
	[sflag:s6] =	ssyncadd.s32 @p1 $0xFFFFF000;
	s6 =	simm.s32 @p1 $0x10  }
0x34: {  	[tilespmem:s1], [sflag:$0x7] =	stream.indirect.gather @p1 [hbm4b:s3+s7], $0x20, s0, s7, $0xb8;
	[tilespmem:$0xE400] =	vst v63  }
0x35: {  	s10 =	simm.s32 $0x1;
	s28 =	simm.s32 $0x1000;
	_ =	swait.ge @p1 [sflag:s6], $0x1000  }
0x36: {  	s19 =	simm.s32 $0x2;
	s0 =	simm.s32 @!p1 $0x6400;
	[sflag:s6] =	ssyncset.done @p1 $0x0  }
0x37: {  	s1 =	simm.s32 @!p1 $0x80;
	[sflag:s6] =	ssyncadd.s32 @p1 $0xFFFFF000;
	s6 =	simm.s32 @!p1 $0x0  }
0x38: {  	[tilespmem:s0], [sflag:$0x1] =	stream.indirect.gather @!p1 [hbm4b:s3+s1], $0x20, s6, s1, $0xb8;
	[tilespmem:$0xE400] =	vst v63  }
0x39: {  	s22 =	simm.s32 $0x3;
	s29 =	simm.s32 $0x780;
	s0 =	simm.s32 @!p1 $0x7400  }
0x3a: {  	[tilespmem:s0], [sflag:$0x2] =	stream.indirect.gather @!p1 [hbm4b:s3+s1], $0x20, s1, s1, $0xb8;
	[tilespmem:$0xE400] =	vst v63  }
0x3b: {  	s18 =	simm.s32 @p0 $0x180;
	s6 =	simm.s32 @!p1 $0x8400;
	s0 =	simm.s32 @!p1 $0x100  }
0x3c: {  	[tilespmem:s6], [sflag:$0x3] =	stream.indirect.gather @!p1 [hbm4b:s3+s1], $0x20, s0, s1, $0xb8;
	[tilespmem:$0xE400] =	vst v63  }
0x3d: {  	s18 =	simm.s32 @!p0 $0x180;
	s0 =	simm.s32 @!p1 $0x180;
	s6 =	simm.s32 @!p1 $0x9400  }
0x3e: {  	[tilespmem:s6], [sflag:$0x4] =	stream.indirect.gather @!p1 [hbm4b:s3+s1], $0x20, s0, s1, $0xb8;
	[tilespmem:$0xE400] =	vst v63  }
0x3f: {  	s18 =	sadd.s32 s4, s18;
	s0 =	simm.s32 @!p1 $0x200;
	s6 =	simm.s32 @!p1 $0xA400  }
0x40: {  	[tilespmem:s6], [sflag:$0x5] =	stream.indirect.gather @!p1 [hbm4b:s3+s1], $0x20, s0, s1, $0xb8;
	[tilespmem:$0xE400] =	vst v63  }
0x41: {  	s18 =	sshll.u32 s18, $0x2;
	s7 =	simm.s32 @!p1 $0xB400;
	s0 =	simm.s32 @!p1 $0x280  }
0x42: {  	[tilespmem:s7], [sflag:$0x6] =	stream.indirect.gather @!p1 [hbm4b:s3+s1], $0x20, s0, s1, $0xb8;
	[tilespmem:$0xE400] =	vst v63  }
0x43: {  	s8 =	rddreg [dreg:$0x4];
	s0 =	simm.s32 @!p1 $0x300;
	s7 =	simm.s32 @!p1 $0xC400  }
0x44: {  	[tilespmem:s7], [sflag:$0x7] =	stream.indirect.gather @!p1 [hbm4b:s3+s1], $0x20, s0, s1, $0xb8;
	[tilespmem:$0xE400] =	vst v63  }
0x45: {  	s6 =	simm.s32 $0x380;
	s0 =	simm.s32 @p0 $0x100;
	s1 =	simm.s32 @p0 $0x80  }
0x46: {  	s6 =	simm.s32 @!p1 $0x380;
	s0 =	simm.s32 @!p0 $0x100;
	s1 =	simm.s32 @!p0 $0x80  }
0x47: {  	[tilespmem:s9], [sflag:$0x8] =	stream.indirect.gather [hbm4b:s3+s8], $0x20, s6, s8, $0xb8;
	[tilespmem:$0xE400] =	vst v63  }
0x48: {  	s21 =	sand.u32 $0x1FFFF600, s18;
	s1 =	sadd.s32 s4, s1;
	s0 =	sadd.s32 s4, s0  }
0x49: {  	s8 =	simm.s32 @p0 $0x280;
	_ =	swait.ge [sflag:s10], $0x1000;
	s1 =	sshll.u32 s1, $0x2  }
0x4a: {  	s0 =	sshll.u32 s0, $0x2;
	s8 =	simm.s32 @!p0 $0x280;
	s11 =	rddreg [dreg:$0x3]  }
0x4b: {  	s12 =	rddreg [dreg:$0x5];
	[sflag:s10] =	ssyncset.done $0x0;
	s1 =	sand.u32 $0x1FFFF200, s1  }
0x4c: {  	s0 =	sand.u32 $0x1FFFF400, s0;
	[sflag:s10] =	ssyncadd.s32 $0xFFFFF000;
	s7 =	sadd.s32 $0x0, s11  }
0x4d: {  	[hbm4b:s7+s2] =	stream.linear.scatter [tilespmem:s12], [sflag:$0x9], $0x1000, $0x38;
	[tilespmem:$0xE400] =	vst v63  }
0x4e: {  	s24 =	sadd.s32 s4, s8;
	s1 =	sadd.s32 s5, s1;
	s7 =	simm.s32 @p0 $0x200  }
0x4f: {  	s0 =	sadd.s32 s5, s0;
	_ =	swait.ge [sflag:s19], $0x1000;
	s7 =	simm.s32 @!p0 $0x200  }
0x50: {  	s20 =	rddreg [dreg:$0x6];
	[sflag:s19] =	ssyncset.done $0x0;
	s7 =	sadd.s32 s4, s7  }
0x51: {  	[sflag:s19] =	ssyncadd.s32 $0xFFFFF000;
	s7 =	sshll.u32 s7, $0x2;
	s19 =	simm.s32 @p0 $0x300  }
0x52: {  	[hbm4b:s1+s2] =	stream.linear.scatter [tilespmem:s20], [sflag:$0xA], $0x1000, $0x38;
	[tilespmem:$0xE400] =	vst v63  }
0x53: {  	s7 =	sand.u32 $0x1FFFF800, s7;
	s19 =	simm.s32 @!p0 $0x300;
	s1 =	sadd.s32 s5, s21  }
0x54: {  	p0 =	por $0x1, $0x1;
	_ =	swait.ge [sflag:s22], $0x1000;
	s25 =	sadd.s32 s4, s19  }
0x55: {  	s20 =	simm.s32 @p0 $0x480;
	s7 =	sadd.s32 s5, s7;
	s18 =	simm.s32 @p0 $0x680  }
0x56: {  	s23 =	rddreg [dreg:$0x7];
	[sflag:s22] =	ssyncset.done $0x0;
	s8 =	sshll.u32 s25, $0x2  }
0x57: {  	s20 =	simm.s32 @!p0 $0x80;
	s18 =	simm.s32 @!p0 $0x280;
	s25 =	sadd.s32 s4, s6  }
0x58: {  	[sflag:s22] =	ssyncadd.s32 $0xFFFFF000;
	s9 =	sand.u32 $0x1FFFFC00, s8;
	s8 =	simm.s32 $0x2000  }
0x59: {  	s11 =	sadd.s32 s4, s20;
	s20 =	simm.s32 @p0 $0x580;
	s18 =	sadd.s32 s4, s18  }
0x5a: {  	[hbm4b:s0+s2] =	stream.linear.scatter [tilespmem:s23], [sflag:$0xB], $0x1000, $0x38;
	[tilespmem:$0xE400] =	vst v63  }
0x5b: {  	s0 =	sshll.u32 s24, $0x2;
	s20 =	simm.s32 @!p0 $0x180;
	_ =	swait.ge [sflag:s13], $0x1000  }
0x5c: {  	s19 =	sadd.s32 s5, s9;
	s23 =	sshll.u32 s18, $0x2;
	[sflag:s13] =	ssyncset.done $0x0  }
0x5d: {  	s0 =	sand.u32 $0x1FFFFA00, s0;
	s26 =	rddreg [dreg:$0x8];
	[sflag:s13] =	ssyncadd.s32 $0xFFFFF000  }
0x5e: {  	[hbm4b:s1+s2] =	stream.linear.scatter [tilespmem:s26], [sflag:$0xC], $0x1000, $0x38;
	[tilespmem:$0xE400] =	vst v63  }
0x5f: {  	s21 =	sadd.s32 s4, s20;
	s1 =	simm.s32 @p0 $0x500;
	_ =	swait.ge [sflag:s14], $0x1000  }
0x60: {  	s0 =	sadd.s32 s5, s0;
	s1 =	simm.s32 @!p0 $0x100;
	[sflag:s14] =	ssyncset.done $0x0  }
0x61: {  	s10 =	rddreg [dreg:$0x9];
	s1 =	sadd.s32 s4, s1;
	[sflag:s14] =	ssyncadd.s32 $0xFFFFF000  }
0x62: {  	[hbm4b:s7+s2] =	stream.linear.scatter [tilespmem:s10], [sflag:$0xD], $0x1000, $0x38;
	[tilespmem:$0xE400] =	vst v63  }
0x63: {  	s26 =	sshll.u32 s25, $0x2;
	s1 =	sshll.u32 s1, $0x2;
	_ =	swait.ge [sflag:s15], $0x1000  }
0x64: {  	s31 =	sand.u32 $0x1FFFF400, s1;
	s1 =	simm.s32 @p0 $0x600;
	[sflag:s15] =	ssyncset.done $0x0  }
0x65: {  	s1 =	simm.s32 @!p0 $0x200;
	s12 =	rddreg [dreg:$0xa];
	[sflag:s15] =	ssyncadd.s32 $0xFFFFF000  }
0x66: {  	[hbm4b:s0+s2] =	stream.linear.scatter [tilespmem:s12], [sflag:$0xE], $0x1000, $0x38;
	[tilespmem:$0xE400] =	vst v63  }
0x67: {  	s7 =	sshll.u32 s11, $0x2;
	s1 =	sadd.s32 s4, s1;
	_ =	swait.ge [sflag:s16], $0x1000  }
0x68: {  	s30 =	sand.u32 $0x1FFFF200, s7;
	s1 =	sshll.u32 s1, $0x2;
	[sflag:s16] =	ssyncset.done $0x0  }
0x69: {  	s7 =	sand.u32 $0x1FFFF800, s1;
	s22 =	rddreg [dreg:$0xb];
	[sflag:s16] =	ssyncadd.s32 $0xFFFFF000  }
0x6a: {  	[hbm4b:s19+s2] =	stream.linear.scatter [tilespmem:s22], [sflag:$0xF], $0x1000, $0x38;
	[tilespmem:$0xE400] =	vst v63  }
0x6b: {  	s0 =	sshll.u32 s21, $0x2;
	s1 =	sand.u32 $0x1FFFFA00, s23;
	s19 =	simm.s32 @p0 $0x700  }
0x6c: {  	s0 =	sand.u32 $0x1FFFF600, s0;
	s19 =	simm.s32 @!p0 $0x300;
	_ =	swait.ge [sflag:s17], $0x1000  }
0x6d: {  	p0 =	por p0, p0;
	s24 =	sadd.s32 s4, s19;
	[sflag:s17] =	ssyncset.done $0x0  }
0x6e: {  	s19 =	sand.u32 $0x1FFFFE00, s26;
	s18 =	sshll.u32 s24, $0x2;
	[sflag:s17] =	ssyncadd.s32 $0xFFFFF000  }
0x6f: {  	s19 =	sadd.s32 s5, s19;
	s6 =	sand.u32 $0x1FFFFC00, s18;
	s18 =	simm.s32 $0xB80  }
.LBB2_2:
0x70: {  	s12 =	simm.s32 $0xD400  }
0x71: {  	s20 =	simm.s32 @p0 $0x9;
	s24 =	simm.s32 @p0 $0x6400;
	s25 =	simm.s32 @p0 $0xA  }
0x72: {  	[hbm4b:s19+s2] =	stream.linear.scatter [tilespmem:s12], [sflag:$0x10], $0x1000, $0x38;
	[tilespmem:$0xE400] =	vst v63  }
0x73: {  	s23 =	simm.s32 @p0 $0x80;
	s19 =	smov.u32 s8;
	_ =	swait.ge @p0 [sflag:s20], $0x1000  }
0x74: {  	s11 =	simm.s32 @p0 $0xB;
	p1 =	sne.s32 s19, $0x0;
	[sflag:s20] =	ssyncset.done @p0 $0x0  }
0x75: {  	s22 =	sadd.s32 @p1 $0xFFFFFD80, s18;
	[sflag:s20] =	ssyncadd.s32 @p0 $0xFFFFF000;
	s20 =	sshra.s32 @p0 s28, $0x2  }
0x76: {  	[tilespmem:s24], [sflag:$0x1] =	stream.indirect.gather @p0 [hbm4b:s3+s23], $0x20, s20, s23, $0xb8;
	[tilespmem:$0xE400] =	vst v63  }
0x77: {  	s21 =	sadd.s32 @p1 $0xFFFFFD00, s18;
	s22 =	simm.s32 @!p1 $0x100;
	_ =	swait.ge @p0 [sflag:s25], $0x1000  }
0x78: {  	s21 =	simm.s32 @!p1 $0x80;
	s24 =	sadd.s32 @p0 $0x80, s20;
	[sflag:s25] =	ssyncset.done @p0 $0x0  }
0x79: {  	s26 =	sadd.s32 @p0 $0x180, s20;
	[sflag:s25] =	ssyncadd.s32 @p0 $0xFFFFF000;
	s25 =	simm.s32 @p0 $0x7400  }
0x7a: {  	[tilespmem:s25], [sflag:$0x2] =	stream.indirect.gather @p0 [hbm4b:s3+s23], $0x20, s24, s23, $0xb8;
	[tilespmem:$0xE400] =	vst v63  }
0x7b: {  	s9 =	sadd.s32 @p0 $0x100, s20;
	s10 =	sadd.s32 @p0 $0x280, s20;
	_ =	swait.ge @p0 [sflag:s11], $0x1000  }
0x7c: {  	s25 =	sadd.s32 @p0 $0x200, s20;
	s24 =	sadd.s32 @p0 $0x300, s20;
	[sflag:s11] =	ssyncset.done @p0 $0x0  }
0x7d: {  	s20 =	simm.s32 @p0 $0xC;
	[sflag:s11] =	ssyncadd.s32 @p0 $0xFFFFF000;
	s11 =	simm.s32 @p0 $0x8400  }
0x7e: {  	[tilespmem:s11], [sflag:$0x3] =	stream.indirect.gather @p0 [hbm4b:s3+s23], $0x20, s9, s23, $0xb8;
	[tilespmem:$0xE400] =	vst v63  }
0x7f: {  	s21 =	sadd.s32 s4, s21;
	s22 =	sadd.s32 s4, s22;
	_ =	swait.ge @p0 [sflag:s20], $0x1000  }
0x80: {  	s9 =	sshll.u32 s21, $0x2;
	s11 =	sshll.u32 s22, $0x2;
	[sflag:s20] =	ssyncset.done @p0 $0x0  }
0x81: {  	s22 =	simm.s32 @p0 $0xD;
	[sflag:s20] =	ssyncadd.s32 @p0 $0xFFFFF000;
	s20 =	simm.s32 @p0 $0x9400  }
0x82: {  	[tilespmem:s20], [sflag:$0x4] =	stream.indirect.gather @p0 [hbm4b:s3+s23], $0x20, s26, s23, $0xb8;
	[tilespmem:$0xE400] =	vst v63  }
0x83: {  	s21 =	sand.u32 $0x1FFFF200, s9;
	s9 =	simm.s32 @p0 $0xA400;
	_ =	swait.ge @p0 [sflag:s22], $0x1000  }
0x84: {  	s26 =	sadd.s32 @p1 $0xFFFFFE00, s18;
	s20 =	sand.u32 $0x1FFFF400, s11;
	[sflag:s22] =	ssyncset.done @p0 $0x0  }
0x85: {  	s11 =	simm.s32 @p0 $0xE;
	s26 =	simm.s32 @!p1 $0x180;
	[sflag:s22] =	ssyncadd.s32 @p0 $0xFFFFF000  }
0x86: {  	[tilespmem:s9], [sflag:$0x5] =	stream.indirect.gather @p0 [hbm4b:s3+s23], $0x20, s25, s23, $0xb8;
	[tilespmem:$0xE400] =	vst v63  }
0x87: {  	s9 =	sadd.s32 @p1 $0xFFFFFE80, s18;
	s25 =	sadd.s32 s4, s26;
	_ =	swait.ge @p0 [sflag:s11], $0x1000  }
0x88: {  	s9 =	simm.s32 @!p1 $0x200;
	s22 =	sshll.u32 s25, $0x2;
	[sflag:s11] =	ssyncset.done @p0 $0x0  }
0x89: {  	s25 =	simm.s32 @p0 $0xF;
	[sflag:s11] =	ssyncadd.s32 @p0 $0xFFFFF000;
	s11 =	simm.s32 @p0 $0xB400  }
0x8a: {  	[tilespmem:s11], [sflag:$0x6] =	stream.indirect.gather @p0 [hbm4b:s3+s23], $0x20, s10, s23, $0xb8;
	[tilespmem:$0xE400] =	vst v63  }
0x8b: {  	s9 =	sadd.s32 s4, s9;
	_ =	swait.ge @p0 [sflag:s25], $0x1000  }
0x8c: {  	s10 =	sadd.s32 @p1 $0xFFFFFF00, s18;
	s11 =	simm.s32 @p0 $0xC400;
	[sflag:s25] =	ssyncset.done @p0 $0x0  }
0x8d: {  	s10 =	simm.s32 @!p1 $0x280;
	[sflag:s25] =	ssyncadd.s32 @p0 $0xFFFFF000;
	s25 =	simm.s32 @p0 $0x10  }
0x8e: {  	[tilespmem:s11], [sflag:$0x7] =	stream.indirect.gather @p0 [hbm4b:s3+s23], $0x20, s24, s23, $0xb8;
	[tilespmem:$0xE400] =	vst v63  }
0x8f: {  	s9 =	sshll.u32 s9, $0x2;
	s26 =	sadd.s32 s4, s10;
	_ =	swait.ge @p0 [sflag:s25], $0x1000  }
0x90: {  	s10 =	simm.s32 @!p0 $0x6400;
	s23 =	sand.u32 $0x1FFFF800, s9;
	[sflag:s25] =	ssyncset.done @p0 $0x0  }
0x91: {  	s11 =	simm.s32 @!p0 $0x80;
	s24 =	simm.s32 @!p0 $0x0;
	[sflag:s25] =	ssyncadd.s32 @p0 $0xFFFFF000  }
0x92: {  	[tilespmem:s10], [sflag:$0x1] =	stream.indirect.gather @!p0 [hbm4b:s3+s11], $0x20, s24, s11, $0xb8;
	[tilespmem:$0xE400] =	vst v63  }
0x93: {  	s9 =	sshll.u32 s26, $0x2;
	s25 =	simm.s32 @!p0 $0x8400;
	s24 =	simm.s32 @!p0 $0x7400  }
0x94: {  	[tilespmem:s24], [sflag:$0x2] =	stream.indirect.gather @!p0 [hbm4b:s3+s11], $0x20, s11, s11, $0xb8;
	[tilespmem:$0xE400] =	vst v63  }
0x95: {  	s10 =	sadd.s32 @p1 $0xFFFFFF80, s18;
	s24 =	sand.u32 $0x1FFFFA00, s9;
	s9 =	simm.s32 @!p0 $0x100  }
0x96: {  	[tilespmem:s25], [sflag:$0x3] =	stream.indirect.gather @!p0 [hbm4b:s3+s11], $0x20, s9, s11, $0xb8;
	[tilespmem:$0xE400] =	vst v63  }
0x97: {  	s10 =	simm.s32 @!p1 $0x300;
	s9 =	simm.s32 @!p0 $0x180;
	s25 =	simm.s32 @!p0 $0x9400  }
0x98: {  	[tilespmem:s25], [sflag:$0x4] =	stream.indirect.gather @!p0 [hbm4b:s3+s11], $0x20, s9, s11, $0xb8;
	[tilespmem:$0xE400] =	vst v63  }
0x99: {  	s26 =	sadd.s32 s4, s10;
	s10 =	simm.s32 @!p0 $0x200;
	s25 =	simm.s32 @!p0 $0xA400  }
0x9a: {  	[tilespmem:s25], [sflag:$0x5] =	stream.indirect.gather @!p0 [hbm4b:s3+s11], $0x20, s10, s11, $0xb8;
	[tilespmem:$0xE400] =	vst v63  }
0x9b: {  	s10 =	simm.s32 @!p0 $0x280;
	s25 =	simm.s32 @!p0 $0xB400  }
0x9c: {  	[tilespmem:s25], [sflag:$0x6] =	stream.indirect.gather @!p0 [hbm4b:s3+s11], $0x20, s10, s11, $0xb8;
	[tilespmem:$0xE400] =	vst v63  }
0x9d: {  	s29 =	simm.s32 @!p0 $0x380;
	s10 =	simm.s32 @!p0 $0x300;
	s25 =	simm.s32 @!p0 $0xC400  }
0x9e: {  	[tilespmem:s25], [sflag:$0x7] =	stream.indirect.gather @!p0 [hbm4b:s3+s11], $0x20, s10, s11, $0xb8;
	[tilespmem:$0xE400] =	vst v63  }
0x9f: {  	s9 =	sshll.u32 s26, $0x2;
	s26 =	rddreg [dreg:$0x4];
	s11 =	sadd.s32 s4, s29  }
0xa0: {  	[tilespmem:s12], [sflag:$0x8] =	stream.indirect.gather [hbm4b:s3+s26], $0x20, s29, s26, $0xb8;
	[tilespmem:$0xE400] =	vst v63  }
0xa1: {  	s25 =	sand.u32 $0x1FFFFC00, s9;
	s9 =	sshll.u32 s11, $0x2;
	s12 =	simm.s32 $0x1  }
0xa2: {  	s26 =	sand.u32 $0x1FFFFE00, s9;
	_ =	swait.ge [sflag:s12], $0x1000  }
0xa3: {  	s9 =	simm.s32 $0x2;
	s10 =	rddreg [dreg:$0x3];
	[sflag:s12] =	ssyncset.done $0x0  }
0xa4: {  	s11 =	rddreg [dreg:$0x5];
	[sflag:s12] =	ssyncadd.s32 $0xFFFFF000;
	s12 =	sadd.s32 s28, s10  }
0xa5: {  	[hbm4b:s12+s2] =	stream.linear.scatter [tilespmem:s11], [sflag:$0x9], $0x1000, $0x38;
	[tilespmem:$0xE400] =	vst v63  }
0xa6: {  	_ =	swait.ge [sflag:s9], $0x1000  }
0xa7: {  	s28 =	smov.u32 s19;
	s19 =	simm.s32 $0x3;
	[sflag:s9] =	ssyncset.done $0x0  }
0xa8: {  	s12 =	sadd.s32 s5, s30;
	s11 =	rddreg [dreg:$0x6];
	[sflag:s9] =	ssyncadd.s32 $0xFFFFF000  }
0xa9: {  	[hbm4b:s12+s2] =	stream.linear.scatter [tilespmem:s11], [sflag:$0xA], $0x1000, $0x38;
	[tilespmem:$0xE400] =	vst v63  }
0xaa: {  	_ =	swait.ge [sflag:s19], $0x1000  }
0xab: {  	s30 =	smov.u32 s21;
	[sflag:s19] =	ssyncset.done $0x0  }
0xac: {  	s11 =	sadd.s32 s5, s31;
	s21 =	rddreg [dreg:$0x7];
	[sflag:s19] =	ssyncadd.s32 $0xFFFFF000  }
0xad: {  	[hbm4b:s11+s2] =	stream.linear.scatter [tilespmem:s21], [sflag:$0xB], $0x1000, $0x38;
	[tilespmem:$0xE400] =	vst v63  }
0xae: {  	_ =	swait.ge [sflag:s13], $0x1000  }
0xaf: {  	[sflag:s13] =	ssyncset.done $0x0  }
0xb0: {  	s19 =	sadd.s32 s5, s0;
	s12 =	rddreg [dreg:$0x8];
	[sflag:s13] =	ssyncadd.s32 $0xFFFFF000  }
0xb1: {  	[hbm4b:s19+s2] =	stream.linear.scatter [tilespmem:s12], [sflag:$0xC], $0x1000, $0x38;
	[tilespmem:$0xE400] =	vst v63  }
0xb2: {  	_ =	swait.ge [sflag:s14], $0x1000  }
0xb3: {  	s31 =	smov.u32 s20;
	[sflag:s14] =	ssyncset.done $0x0  }
0xb4: {  	s21 =	sadd.s32 s5, s7;
	s20 =	rddreg [dreg:$0x9];
	[sflag:s14] =	ssyncadd.s32 $0xFFFFF000  }
0xb5: {  	[hbm4b:s21+s2] =	stream.linear.scatter [tilespmem:s20], [sflag:$0xD], $0x1000, $0x38;
	[tilespmem:$0xE400] =	vst v63  }
0xb6: {  	s22 =	sand.u32 $0x1FFFF600, s22;
	_ =	swait.ge [sflag:s15], $0x1000  }
0xb7: {  	s0 =	smov.u32 s22;
	s7 =	smov.u32 s23;
	[sflag:s15] =	ssyncset.done $0x0  }
0xb8: {  	s23 =	sadd.s32 s5, s1;
	s22 =	rddreg [dreg:$0xa];
	[sflag:s15] =	ssyncadd.s32 $0xFFFFF000  }
0xb9: {  	[hbm4b:s23+s2] =	stream.linear.scatter [tilespmem:s22], [sflag:$0xE], $0x1000, $0x38;
	[tilespmem:$0xE400] =	vst v63  }
0xba: {  	s6 =	sadd.s32 s5, s6;
	s8 =	sadd.s32 $0x1000, s8;
	_ =	swait.ge [sflag:s16], $0x1000  }
0xbb: {  	p2 =	sne.s32 s8, $0x19000;
	s1 =	smov.u32 s24;
	[sflag:s16] =	ssyncset.done $0x0  }
.Ltmp0:
0xbc: {  	s24 =	rddreg [dreg:$0xb];
	[sflag:s16] =	ssyncadd.s32 $0xFFFFF000;
	(pc) =	sbr.rel @p2 .LBB2_2-.Ltmp0, $4  }
0xbd: {  	[hbm4b:s6+s2] =	stream.linear.scatter [tilespmem:s24], [sflag:$0xF], $0x1000, $0x38;
	[tilespmem:$0xE400] =	vst v63  }
0xbe: {  	p0 =	por p1, p1;
	_ =	swait.ge [sflag:s17], $0x1000  }
0xbf: {  	s29 =	smov.u32 s18;
	s18 =	sadd.s32 $0x400, s18;
	[sflag:s17] =	ssyncset.done $0x0  }
0xc0: {  	s19 =	sadd.s32 s5, s26;
	s6 =	smov.u32 s25;
	[sflag:s17] =	ssyncadd.s32 $0xFFFFF000  }
0xc1: {  	s12 =	simm.s32 $0xD400;
	s8 =	simm.s32 @p0 $0x9  }
0xc2: {  	[hbm4b:s19+s2] =	stream.linear.scatter [tilespmem:s12], [sflag:$0x10], $0x1000, $0x38;
	[tilespmem:$0xE400] =	vst v63  }
0xc3: {  	_ =	swait.ge @p0 [sflag:s8], $0x1000  }
0xc4: {  	s9 =	simm.s32 @p0 $0x6400;
	s10 =	simm.s32 @p0 $0xA;
	[sflag:s8] =	ssyncset.done @p0 $0x0  }
0xc5: {  	s11 =	simm.s32 @p0 $0x80;
	[sflag:s8] =	ssyncadd.s32 @p0 $0xFFFFF000;
	s8 =	sshra.s32 @p0 s28, $0x2  }
0xc6: {  	[tilespmem:s9], [sflag:$0x1] =	stream.indirect.gather @p0 [hbm4b:s3+s11], $0x20, s8, s11, $0xb8;
	[tilespmem:$0xE400] =	vst v63  }
0xc7: {  	_ =	swait.ge @p0 [sflag:s10], $0x1000  }
0xc8: {  	[sflag:s10] =	ssyncset.done @p0 $0x0  }
0xc9: {  	s9 =	sadd.s32 @p0 $0x80, s8;
	[sflag:s10] =	ssyncadd.s32 @p0 $0xFFFFF000;
	s10 =	simm.s32 @p0 $0x7400  }
0xca: {  	[tilespmem:s10], [sflag:$0x2] =	stream.indirect.gather @p0 [hbm4b:s3+s11], $0x20, s9, s11, $0xb8;
	[tilespmem:$0xE400] =	vst v63  }
0xcb: {  	s9 =	simm.s32 @p0 $0xB  }
0xcc: {  	_ =	swait.ge @p0 [sflag:s9], $0x1000  }
0xcd: {  	[sflag:s9] =	ssyncset.done @p0 $0x0  }
0xce: {  	s10 =	sadd.s32 @p0 $0x100, s8;
	[sflag:s9] =	ssyncadd.s32 @p0 $0xFFFFF000;
	s9 =	simm.s32 @p0 $0x8400  }
0xcf: {  	[tilespmem:s9], [sflag:$0x3] =	stream.indirect.gather @p0 [hbm4b:s3+s11], $0x20, s10, s11, $0xb8;
	[tilespmem:$0xE400] =	vst v63  }
0xd0: {  	s9 =	simm.s32 @p0 $0xC  }
0xd1: {  	_ =	swait.ge @p0 [sflag:s9], $0x1000  }
0xd2: {  	[sflag:s9] =	ssyncset.done @p0 $0x0  }
0xd3: {  	s10 =	sadd.s32 @p0 $0x180, s8;
	[sflag:s9] =	ssyncadd.s32 @p0 $0xFFFFF000;
	s9 =	simm.s32 @p0 $0x9400  }
0xd4: {  	[tilespmem:s9], [sflag:$0x4] =	stream.indirect.gather @p0 [hbm4b:s3+s11], $0x20, s10, s11, $0xb8;
	[tilespmem:$0xE400] =	vst v63  }
0xd5: {  	s9 =	simm.s32 @p0 $0xD  }
0xd6: {  	_ =	swait.ge @p0 [sflag:s9], $0x1000  }
0xd7: {  	[sflag:s9] =	ssyncset.done @p0 $0x0  }
0xd8: {  	s10 =	sadd.s32 @p0 $0x200, s8;
	[sflag:s9] =	ssyncadd.s32 @p0 $0xFFFFF000;
	s9 =	simm.s32 @p0 $0xA400  }
0xd9: {  	[tilespmem:s9], [sflag:$0x5] =	stream.indirect.gather @p0 [hbm4b:s3+s11], $0x20, s10, s11, $0xb8;
	[tilespmem:$0xE400] =	vst v63  }
0xda: {  	s9 =	simm.s32 @p0 $0xE  }
0xdb: {  	_ =	swait.ge @p0 [sflag:s9], $0x1000  }
0xdc: {  	[sflag:s9] =	ssyncset.done @p0 $0x0  }
0xdd: {  	s10 =	sadd.s32 @p0 $0x280, s8;
	[sflag:s9] =	ssyncadd.s32 @p0 $0xFFFFF000;
	s9 =	simm.s32 @p0 $0xB400  }
0xde: {  	[tilespmem:s9], [sflag:$0x6] =	stream.indirect.gather @p0 [hbm4b:s3+s11], $0x20, s10, s11, $0xb8;
	[tilespmem:$0xE400] =	vst v63  }
0xdf: {  	s9 =	simm.s32 @p0 $0xF  }
0xe0: {  	_ =	swait.ge @p0 [sflag:s9], $0x1000  }
0xe1: {  	s8 =	sadd.s32 @p0 $0x300, s8;
	[sflag:s9] =	ssyncset.done @p0 $0x0  }
0xe2: {  	s10 =	simm.s32 @p0 $0x10;
	[sflag:s9] =	ssyncadd.s32 @p0 $0xFFFFF000;
	s9 =	simm.s32 @p0 $0xC400  }
0xe3: {  	[tilespmem:s9], [sflag:$0x7] =	stream.indirect.gather @p0 [hbm4b:s3+s11], $0x20, s8, s11, $0xb8;
	[tilespmem:$0xE400] =	vst v63  }
0xe4: {  	_ =	swait.ge @p0 [sflag:s10], $0x1000  }
0xe5: {  	s8 =	simm.s32 @!p0 $0x6400;
	[sflag:s10] =	ssyncset.done @p0 $0x0  }
0xe6: {  	s9 =	simm.s32 @!p0 $0x80;
	[sflag:s10] =	ssyncadd.s32 @p0 $0xFFFFF000;
	s10 =	simm.s32 @!p0 $0x0  }
0xe7: {  	[tilespmem:s8], [sflag:$0x1] =	stream.indirect.gather @!p0 [hbm4b:s3+s9], $0x20, s10, s9, $0xb8;
	[tilespmem:$0xE400] =	vst v63  }
0xe8: {  	s8 =	simm.s32 @!p0 $0x7400  }
0xe9: {  	[tilespmem:s8], [sflag:$0x2] =	stream.indirect.gather @!p0 [hbm4b:s3+s9], $0x20, s9, s9, $0xb8;
	[tilespmem:$0xE400] =	vst v63  }
0xea: {  	s10 =	simm.s32 @!p0 $0x8400;
	s8 =	simm.s32 @!p0 $0x100  }
0xeb: {  	[tilespmem:s10], [sflag:$0x3] =	stream.indirect.gather @!p0 [hbm4b:s3+s9], $0x20, s8, s9, $0xb8;
	[tilespmem:$0xE400] =	vst v63  }
0xec: {  	s8 =	simm.s32 @!p0 $0x180;
	s10 =	simm.s32 @!p0 $0x9400  }
0xed: {  	[tilespmem:s10], [sflag:$0x4] =	stream.indirect.gather @!p0 [hbm4b:s3+s9], $0x20, s8, s9, $0xb8;
	[tilespmem:$0xE400] =	vst v63  }
0xee: {  	s8 =	simm.s32 @!p0 $0x200;
	s10 =	simm.s32 @!p0 $0xA400  }
0xef: {  	[tilespmem:s10], [sflag:$0x5] =	stream.indirect.gather @!p0 [hbm4b:s3+s9], $0x20, s8, s9, $0xb8;
	[tilespmem:$0xE400] =	vst v63  }
0xf0: {  	s8 =	simm.s32 @!p0 $0x280;
	s10 =	simm.s32 @!p0 $0xB400  }
0xf1: {  	[tilespmem:s10], [sflag:$0x6] =	stream.indirect.gather @!p0 [hbm4b:s3+s9], $0x20, s8, s9, $0xb8;
	[tilespmem:$0xE400] =	vst v63  }
0xf2: {  	s8 =	simm.s32 @!p0 $0x300;
	s10 =	simm.s32 @!p0 $0xC400  }
0xf3: {  	[tilespmem:s10], [sflag:$0x7] =	stream.indirect.gather @!p0 [hbm4b:s3+s9], $0x20, s8, s9, $0xb8;
	[tilespmem:$0xE400] =	vst v63  }
0xf4: {  	s29 =	simm.s32 @!p0 $0x380;
	s21 =	simm.s32 $0x1;
	s20 =	rddreg [dreg:$0x4]  }
0xf5: {  	[tilespmem:s12], [sflag:$0x8] =	stream.indirect.gather [hbm4b:s3+s20], $0x20, s29, s20, $0xb8;
	[tilespmem:$0xE400] =	vst v63  }
0xf6: {  	_ =	swait.ge [sflag:s21], $0x1000  }
0xf7: {  	s24 =	simm.s32 $0x2;
	s22 =	rddreg [dreg:$0x3];
	[sflag:s21] =	ssyncset.done $0x0  }
0xf8: {  	s23 =	rddreg [dreg:$0x5];
	s8 =	sadd.s32 s28, s22;
	[sflag:s21] =	ssyncadd.s32 $0xFFFFF000  }
0xf9: {  	[hbm4b:s8+s2] =	stream.linear.scatter [tilespmem:s23], [sflag:$0x9], $0x1000, $0x38;
	[tilespmem:$0xE400] =	vst v63  }
0xfa: {  	_ =	swait.ge [sflag:s24], $0x1000  }
0xfb: {  	s26 =	sadd.s32 s5, s30;
	[sflag:s24] =	ssyncset.done $0x0  }
0xfc: {  	s28 =	simm.s32 $0x3;
	s25 =	rddreg [dreg:$0x6];
	[sflag:s24] =	ssyncadd.s32 $0xFFFFF000  }
0xfd: {  	[hbm4b:s26+s2] =	stream.linear.scatter [tilespmem:s25], [sflag:$0xA], $0x1000, $0x38;
	[tilespmem:$0xE400] =	vst v63  }
0xfe: {  	_ =	swait.ge [sflag:s28], $0x1000  }
0xff: {  	[sflag:s28] =	ssyncset.done $0x0  }
0x100: {  	s31 =	sadd.s32 s5, s31;
	s30 =	rddreg [dreg:$0x7];
	[sflag:s28] =	ssyncadd.s32 $0xFFFFF000  }
0x101: {  	[hbm4b:s31+s2] =	stream.linear.scatter [tilespmem:s30], [sflag:$0xB], $0x1000, $0x38;
	[tilespmem:$0xE400] =	vst v63  }
0x102: {  	_ =	swait.ge [sflag:s13], $0x1000  }
0x103: {  	[sflag:s13] =	ssyncset.done $0x0  }
0x104: {  	s0 =	sadd.s32 s5, s0;
	s9 =	rddreg [dreg:$0x8];
	[sflag:s13] =	ssyncadd.s32 $0xFFFFF000  }
0x105: {  	[hbm4b:s0+s2] =	stream.linear.scatter [tilespmem:s9], [sflag:$0xC], $0x1000, $0x38;
	[tilespmem:$0xE400] =	vst v63  }
0x106: {  	_ =	swait.ge [sflag:s14], $0x1000  }
0x107: {  	[sflag:s14] =	ssyncset.done $0x0  }
0x108: {  	s7 =	sadd.s32 s5, s7;
	s10 =	rddreg [dreg:$0x9];
	[sflag:s14] =	ssyncadd.s32 $0xFFFFF000  }
0x109: {  	[hbm4b:s7+s2] =	stream.linear.scatter [tilespmem:s10], [sflag:$0xD], $0x1000, $0x38;
	[tilespmem:$0xE400] =	vst v63  }
0x10a: {  	_ =	swait.ge [sflag:s15], $0x1000  }
0x10b: {  	[sflag:s15] =	ssyncset.done $0x0  }
0x10c: {  	s1 =	sadd.s32 s5, s1;
	s11 =	rddreg [dreg:$0xa];
	[sflag:s15] =	ssyncadd.s32 $0xFFFFF000  }
0x10d: {  	[hbm4b:s1+s2] =	stream.linear.scatter [tilespmem:s11], [sflag:$0xE], $0x1000, $0x38;
	[tilespmem:$0xE400] =	vst v63  }
0x10e: {  	_ =	swait.ge [sflag:s16], $0x1000  }
0x10f: {  	s19 =	sadd.s32 s5, s6;
	[sflag:s16] =	ssyncset.done $0x0  }
0x110: {  	s20 =	sadd.s32 s4, s29;
	s18 =	rddreg [dreg:$0xb];
	[sflag:s16] =	ssyncadd.s32 $0xFFFFF000  }
0x111: {  	[hbm4b:s19+s2] =	stream.linear.scatter [tilespmem:s18], [sflag:$0xF], $0x1000, $0x38;
	[tilespmem:$0xE400] =	vst v63  }
0x112: {  	s0 =	sshll.u32 s20, $0x2;
	_ =	swait.ge [sflag:s17], $0x1000  }
0x113: {  	s0 =	sand.u32 $0x1FFFFE00, s0;
	[sflag:s17] =	ssyncset.done $0x0  }
0x114: {  	s21 =	simm.s32 $0x9;
	s0 =	sadd.s32 s5, s0;
	[sflag:s17] =	ssyncadd.s32 $0xFFFFF000  }
0x115: {  	[hbm4b:s0+s2] =	stream.linear.scatter [tilespmem:s12], [sflag:$0x10], $0x1000, $0x38;
	[tilespmem:$0xE400] =	vst v63  }
0x116: {  	_ =	swait.ge [sflag:s21], $0x1000  }
0x117: {  	[sflag:s21] =	ssyncset.done $0x0  }
0x118: {  	s22 =	simm.s32 $0xA;
	[sflag:s21] =	ssyncadd.s32 $0xFFFFF000  }
0x119: {  	_ =	swait.ge [sflag:s22], $0x1000  }
0x11a: {  	[sflag:s22] =	ssyncset.done $0x0  }
0x11b: {  	s23 =	simm.s32 $0xB;
	[sflag:s22] =	ssyncadd.s32 $0xFFFFF000  }
0x11c: {  	_ =	swait.ge [sflag:s23], $0x1000  }
0x11d: {  	[sflag:s23] =	ssyncset.done $0x0  }
0x11e: {  	s24 =	simm.s32 $0xC;
	[sflag:s23] =	ssyncadd.s32 $0xFFFFF000  }
0x11f: {  	_ =	swait.ge [sflag:s24], $0x1000  }
0x120: {  	[sflag:s24] =	ssyncset.done $0x0  }
0x121: {  	s25 =	simm.s32 $0xD;
	[sflag:s24] =	ssyncadd.s32 $0xFFFFF000  }
0x122: {  	_ =	swait.ge [sflag:s25], $0x1000  }
0x123: {  	[sflag:s25] =	ssyncset.done $0x0  }
0x124: {  	s26 =	simm.s32 $0xE;
	[sflag:s25] =	ssyncadd.s32 $0xFFFFF000  }
0x125: {  	_ =	swait.ge [sflag:s26], $0x1000  }
0x126: {  	[sflag:s26] =	ssyncset.done $0x0  }
0x127: {  	s28 =	simm.s32 $0xF;
	[sflag:s26] =	ssyncadd.s32 $0xFFFFF000  }
0x128: {  	_ =	swait.ge [sflag:s28], $0x1000  }
0x129: {  	[sflag:s28] =	ssyncset.done $0x0  }
0x12a: {  	s29 =	simm.s32 $0x10;
	[sflag:s28] =	ssyncadd.s32 $0xFFFFF000  }
0x12b: {  	_ =	swait.ge [sflag:s29], $0x1000  }
0x12c: {  	s30 =	rddreg [dreg:$0xe]  }
0x12d: {  	s31 =	rddreg [dreg:$0xd];
	s6 =	sadd.s32 $0x1, s30  }
0x12e: {  	p0 =	sne.s32 s6, s31  }
.Ltmp1:
0x12f: {  	_ = 	snop;
	(pc) =	sbr.rel @p0 .LBB2_1-.Ltmp1, $3  }
0x130: {  	_ =	sdelay $0x1  }
0x131: {  	[sflag:s29] =	ssyncset.done $0x0  }
0x132: {  	s9 =	simm.s32 $0xD400;
	[sflag:s29] =	ssyncadd.s32 $0xFFFFF000  }
0x133: {  	_ =	sfence.sel $0x180000  }
0x134: {  	[bflag:$0x0] =	sbarrier.arrive $0xFFFF  }
0x135: {  	_ =	strace $0x9000004A  }
0x136: {  	s0 =	stileid.u32;
	[bflag:$0x2] =	sbarrier.arrive $0xFFFF  }
0x137: {  	p0 =	sne.s32 s0, $0x0;
	s0 =	rddreg [dreg:$0x2]  }
0x138: {  	s0 =	sadd.s32 @!p0 $0x100000, s0  }
0x139: {  	[sflag:s0] =	ssyncadd.tile.s32 @!p0 $0x1;
	_ =	shalt  }
.Lfunc_end2:
_tile_overlayer_lowered:
.L_overlay_start_2:
0x13a: {  	(tag) =	ssettag $0x2  }
0x13b: {  	s0 =	rddreg [dreg:$0x0];
	s2 =	stileid.u32  }
0x13c: {  	s1 =	rddreg [dreg:$0x1];
	p0 =	sne.s32 s2, $0x0  }
0x13d: {  	s3 =	rddreg [dreg:$0x2];
	[bflag:$0x3] =	sbarrier.arrive $0xFFFF;
	s2 =	simm.s32 @!p0 $0x1C11  }
0x13e: {  	[timem:s3], [sflag:s2] =	dma.local @!p0 [hbm:s0], s1  }
0x13f: {  	s0 =	simm.s32 @!p0 $0x11  }
0x140: {  	_ =	swait.ge @!p0 [sflag:s0], s1  }
0x141: {  	s1 =	ssub.s32 @!p0 $0x0, s1;
	[sflag:s0] =	ssyncset.done @!p0 $0x0  }
0x142: {  	[sflag:s0] =	ssyncadd.s32 @!p0 s1  }
0x143: {  	[bflag:$0x3] =	sbarrier.arrive $0xFFFF  }
0x144: {  	_ =	shalt  }

</sc_bundles>
